<compile_context>
chip_gen: v7x
topology: tpu7x:2x2x1
jax: 0.10.2.dev20260603
libtpu: 0.0.44.dev20260713+nightly
codegen_flags: <defaults>
</compile_context>

<pallas_src>
import functools

import jax
import jax.numpy as jnp
import numpy as np
from jax import lax
from jax.experimental import pallas as pl
from jax.experimental.pallas import tpu as pltpu
from jax.experimental.pallas import tpu_sc as plsc

B = 16384
D = 32
NUM_F = 5
_SIZES = (11, 12, 31, 24, 6)
_CUM = tuple(int(v) for v in np.concatenate([[0], np.cumsum(_SIZES)[:-1]]))
V_ALL = sum(_SIZES)

NC, NS, L = 2, 16, 16
NW = NC * NS
PW = B * NUM_F // NW
CHUNK = 128
NCHUNK = PW // CHUNK
NSEM = 4

_OFF_PHASES = np.array(
    [[_CUM[(phase + l) % NUM_F] for l in range(L)] for phase in range(NUM_F)],
    dtype=np.int32,
)


def _body(x_hbm, off_hbm, tall_hbm, out_hbm, xv, offv, tallv, idxv, outv, *sems):
    gsem = sems[:NSEM]
    osem = sems[NSEM]
    wid = lax.axis_index("s") * NC + lax.axis_index("c")
    pltpu.sync_copy(x_hbm.at[wid], xv)
    pltpu.sync_copy(off_hbm, offv)
    sid = lax.axis_index("s")

    @pl.when(sid == 0)
    def _():
        pltpu.sync_copy(tall_hbm, tallv)

    gathers = [
        pltpu.make_async_copy(
            tallv.at[idxv.at[i]],
            outv.at[pl.ds(i * CHUNK, CHUNK)],
            gsem[i % NSEM],
        )
        for i in range(NCHUNK)
    ]
    stores = [
        pltpu.make_async_copy(
            outv.at[pl.ds(i * CHUNK, CHUNK)],
            out_hbm.at[pl.ds(wid * PW + i * CHUNK, CHUNK)],
            osem,
        )
        for i in range(NCHUNK)
    ]
    vregs_per_row = CHUNK // L
    for i in range(NCHUNK):
        for j in range(vregs_per_row):
            v = i * vregs_per_row + j
            off = offv[v % NUM_F, :]
            sl = pl.ds(j * L, L)
            idxv[i, sl] = xv[i, sl] + off
        if i == 0:
            plsc.subcore_barrier()
        if i >= NSEM:
            gathers[i - NSEM].wait()
            stores[i - NSEM].start()
        gathers[i].start()
    for i in range(NCHUNK - NSEM, NCHUNK):
        gathers[i].wait()
        stores[i].start()
    for s in stores:
        s.wait()


@jax.jit
def _embed(x3, off, tall):
    mesh = plsc.VectorSubcoreMesh(core_axis_name="c", subcore_axis_name="s")
    run = functools.partial(
        pl.kernel,
        mesh=mesh,
        out_type=jax.ShapeDtypeStruct((B * NUM_F, D), jnp.float32),
        scratch_types=[
            pltpu.VMEM((NCHUNK, CHUNK), jnp.int32),
            pltpu.VMEM((NUM_F, L), jnp.int32),
            pltpu.VMEM_SHARED((V_ALL, D), jnp.float32),
            pltpu.VMEM((NCHUNK, CHUNK), jnp.int32),
            pltpu.VMEM((PW, D), jnp.float32),
            pltpu.SemaphoreType.DMA,
            pltpu.SemaphoreType.DMA,
            pltpu.SemaphoreType.DMA,
            pltpu.SemaphoreType.DMA,
            pltpu.SemaphoreType.DMA,
        ],
        compiler_params=pltpu.CompilerParams(use_tc_tiling_on_sc=False),
    )(_body)
    return run(x3, off, tall)


def kernel(x, table_year, table_month, table_day, table_hour, table_weekday):
    tall = jnp.concatenate(
        [table_year, table_month, table_day, table_hour, table_weekday], axis=0
    )
    x3 = x.astype(jnp.int32).reshape(NW, NCHUNK, CHUNK)
    out = _embed(x3, jnp.asarray(_OFF_PHASES), tall)
    return out.reshape(B, NUM_F * D)

# --- scband reference (transcript-rebuilt; emitter-appended) ---
"""Pipeline reference for scband-embedding-24395414241817 (READ-ONLY COPY).

The authoritative reference and input builder live on the scoring server;
editing this copy changes nothing except your own understanding.
"""

import jax, jax.numpy as jnp
import numpy as np

B = 16384
D = 32

def setup_inputs(seed: int = 0) -> dict:
    key = jax.random.key(seed)
    k_x, k_y, k_m, k_d, k_h, k_w = jax.random.split(key, 6)
    x = jax.random.randint(k_x, (B, 5), 0, 6, dtype=jnp.int64) if jax.config.jax_enable_x64 else jax.random.randint(k_x, (B, 5), 0, 6, dtype=jnp.int32)
    table_year = jax.random.normal(k_y, (11, D), dtype=jnp.float32)
    table_month = jax.random.normal(k_m, (12, D), dtype=jnp.float32)
    table_day = jax.random.normal(k_d, (31, D), dtype=jnp.float32)
    table_hour = jax.random.normal(k_h, (24, D), dtype=jnp.float32)
    table_weekday = jax.random.normal(k_w, (6, D), dtype=jnp.float32)
    return {
        "x": x,
        "table_year": table_year,
        "table_month": table_month,
        "table_day": table_day,
        "table_hour": table_hour,
        "table_weekday": table_weekday,
    }

def reference(x, table_year, table_month, table_day, table_hour, table_weekday):
    # Embedding lookups (gathers) for each time field, then concat on feature dim.
    e_year = jnp.take(table_year, x[:, 0], axis=0)
    e_month = jnp.take(table_month, x[:, 1], axis=0)
    e_day = jnp.take(table_day, x[:, 2], axis=0)
    e_hour = jnp.take(table_hour, x[:, 3], axis=0)
    e_weekday = jnp.take(table_weekday, x[:, 4], axis=0)
    out = jnp.concatenate([e_year, e_month, e_day, e_hour, e_weekday], axis=1)
    # dropout p=0.0 -> identity
    return out

if __name__ == "__main__":
    import jax
    _d = setup_inputs()
    print(jax.jit(kernel)(*tuple(_d.values())))

</pallas_src>

<mosaic_0001>
#map = affine_map<(d0, d1) -> (0, 0, 0)>
#map1 = affine_map<(d0, d1) -> (0, 0)>
module attributes {stable_mosaic.version = 14 : i64} {
  func.func @_body(%arg0: i32, %arg1: i32, %arg2: memref<32x20x128xi32, #tpu.memory_space<hbm>>, %arg3: memref<5x16xi32, #tpu.memory_space<hbm>>, %arg4: memref<84x32xf32, #tpu.memory_space<hbm>>, %arg5: memref<81920x32xf32, #tpu.memory_space<hbm>>, %arg6: memref<20x128xi32, #tpu.memory_space<vmem>>, %arg7: memref<5x16xi32, #tpu.memory_space<vmem>>, %arg8: memref<84x32xf32, #tpu.memory_space<vmem_shared>>, %arg9: memref<20x128xi32, #tpu.memory_space<vmem>>, %arg10: memref<2560x32xf32, #tpu.memory_space<vmem>>, %arg11: memref<!tpu.dma_semaphore, #tpu.memory_space<semaphore_mem>>, %arg12: memref<!tpu.dma_semaphore, #tpu.memory_space<semaphore_mem>>, %arg13: memref<!tpu.dma_semaphore, #tpu.memory_space<semaphore_mem>>, %arg14: memref<!tpu.dma_semaphore, #tpu.memory_space<semaphore_mem>>, %arg15: memref<!tpu.dma_semaphore, #tpu.memory_space<semaphore_mem>>) attributes {dimension_semantics = [#tpu.dimension_semantics<core_parallel>, #tpu.dimension_semantics<subcore_parallel>], iteration_bounds = array<i64: 2, 16>, scalar_prefetch = 0 : i64, scratch_operands = 10 : i64, tpu.core_type = #tpu.core_type<sc_vector_subcore>, window_params = [{transform_indices = #map}, {transform_indices = #map1}, {transform_indices = #map1}, {transform_indices = #map1}]} {
    %mul3A = arith.constant 2 : i32
    %mul3A_0 = arith.muli %arg1, %mul3A : i32
    %add3A = arith.addi %mul3A_0, %arg0 : i32
    "tpu.region"() ({
      %run_scoped3A = tpu.sem_alloc : memref<!tpu.dma_semaphore, #tpu.memory_space<semaphore_mem>>
      %dma_start3A_3599 = arith.constant 0 : i32
      %dma_start3A_3600 = arith.constant 0 : i32
      %dma_start3A_3601 = tpu.memref_slice %arg2[%add3A, %dma_start3A_3599, %dma_start3A_3600] : memref<32x20x128xi32, #tpu.memory_space<hbm>> -> memref<1x20x128xi32, #tpu.memory_space<hbm>>
      %dma_start3A_3602 = tpu.memref_squeeze %dma_start3A_3601 : memref<1x20x128xi32, #tpu.memory_space<hbm>> -> memref<20x128xi32, #tpu.memory_space<hbm>>
      %dma_start3A_3603 = arith.constant 0 : i32
      %dma_start3A_3604 = arith.constant 0 : i32
      %dma_start3A_3605 = tpu.memref_slice %arg2[%add3A, %dma_start3A_3603, %dma_start3A_3604] : memref<32x20x128xi32, #tpu.memory_space<hbm>> -> memref<1x20x128xi32, #tpu.memory_space<hbm>>
      %dma_start3A_3606 = tpu.memref_squeeze %dma_start3A_3605 : memref<1x20x128xi32, #tpu.memory_space<hbm>> -> memref<20x128xi32, #tpu.memory_space<hbm>>
      tpu.enqueue_dma source(%dma_start3A_3606 : memref<20x128xi32, #tpu.memory_space<hbm>>) target(%arg6 : memref<20x128xi32, #tpu.memory_space<vmem>>) target_semaphore(%run_scoped3A : memref<!tpu.dma_semaphore, #tpu.memory_space<semaphore_mem>>)
      %dma_wait3A_3607 = arith.constant 0 : i32
      %dma_wait3A_3608 = arith.constant 0 : i32
      %dma_wait3A_3609 = tpu.memref_slice %arg2[%add3A, %dma_wait3A_3607, %dma_wait3A_3608] : memref<32x20x128xi32, #tpu.memory_space<hbm>> -> memref<1x20x128xi32, #tpu.memory_space<hbm>>
      %dma_wait3A_3610 = tpu.memref_squeeze %dma_wait3A_3609 : memref<1x20x128xi32, #tpu.memory_space<hbm>> -> memref<20x128xi32, #tpu.memory_space<hbm>>
      %dma_wait3A_3611 = arith.constant 0 : i32
      %dma_wait3A_3612 = arith.constant 0 : i32
      %dma_wait3A_3613 = tpu.memref_slice %arg2[%add3A, %dma_wait3A_3611, %dma_wait3A_3612] : memref<32x20x128xi32, #tpu.memory_space<hbm>> -> memref<1x20x128xi32, #tpu.memory_space<hbm>>
      %dma_wait3A_3614 = tpu.memref_squeeze %dma_wait3A_3613 : memref<1x20x128xi32, #tpu.memory_space<hbm>> -> memref<20x128xi32, #tpu.memory_space<hbm>>
      tpu.wait_dma2 semaphore(%run_scoped3A : memref<!tpu.dma_semaphore, #tpu.memory_space<semaphore_mem>>) src(%dma_wait3A_3614 : memref<20x128xi32, #tpu.memory_space<hbm>>) dst(%arg6 : memref<20x128xi32, #tpu.memory_space<vmem>>)
      tpu.yield
    }) : () -> ()
    "tpu.region"() ({
      %run_scoped3A = tpu.sem_alloc : memref<!tpu.dma_semaphore, #tpu.memory_space<semaphore_mem>>
      tpu.enqueue_dma source(%arg3 : memref<5x16xi32, #tpu.memory_space<hbm>>) target(%arg7 : memref<5x16xi32, #tpu.memory_space<vmem>>) target_semaphore(%run_scoped3A : memref<!tpu.dma_semaphore, #tpu.memory_space<semaphore_mem>>)
      tpu.wait_dma2 semaphore(%run_scoped3A : memref<!tpu.dma_semaphore, #tpu.memory_space<semaphore_mem>>) src(%arg3 : memref<5x16xi32, #tpu.memory_space<hbm>>) dst(%arg7 : memref<5x16xi32, #tpu.memory_space<vmem>>)
      tpu.yield
    }) : () -> ()
    %eq3A = arith.constant 0 : i32
    %eq3A_1 = arith.cmpi eq, %arg1, %eq3A : i32
    %convert_element_type3A = arith.extui %eq3A_1 : i1 to i32
    %cond3A = arith.constant 0 : i32
    %cond3A_2 = arith.cmpi ne, %convert_element_type3A, %cond3A : i32
    scf.if %cond3A_2 {
      "tpu.region"() ({
        %run_scoped3A = tpu.sem_alloc : memref<!tpu.dma_semaphore, #tpu.memory_space<semaphore_mem>>
        tpu.enqueue_dma source(%arg4 : memref<84x32xf32, #tpu.memory_space<hbm>>) target(%arg8 : memref<84x32xf32, #tpu.memory_space<vmem_shared>>) target_semaphore(%run_scoped3A : memref<!tpu.dma_semaphore, #tpu.memory_space<semaphore_mem>>)
        tpu.wait_dma2 semaphore(%run_scoped3A : memref<!tpu.dma_semaphore, #tpu.memory_space<semaphore_mem>>) src(%arg4 : memref<84x32xf32, #tpu.memory_space<hbm>>) dst(%arg8 : memref<84x32xf32, #tpu.memory_space<vmem_shared>>)
        tpu.yield
      }) : () -> ()
    } else {
    }
    %mul3A_3 = arith.constant 2560 : i32
    %mul3A_4 = arith.muli %add3A, %mul3A_3 : i32
    %add3A_5 = arith.constant 0 : i32
    %add3A_6 = arith.addi %mul3A_4, %add3A_5 : i32
    %mul3A_7 = arith.constant 2560 : i32
    %mul3A_8 = arith.muli %add3A, %mul3A_7 : i32
    %add3A_9 = arith.constant 128 : i32
    %add3A_10 = arith.addi %mul3A_8, %add3A_9 : i32
    %mul3A_11 = arith.constant 2560 : i32
    %mul3A_12 = arith.muli %add3A, %mul3A_11 : i32
    %add3A_13 = arith.constant 256 : i32
    %add3A_14 = arith.addi %mul3A_12, %add3A_13 : i32
    %mul3A_15 = arith.constant 2560 : i32
    %mul3A_16 = arith.muli %add3A, %mul3A_15 : i32
    %add3A_17 = arith.constant 384 : i32
    %add3A_18 = arith.addi %mul3A_16, %add3A_17 : i32
    %mul3A_19 = arith.constant 2560 : i32
    %mul3A_20 = arith.muli %add3A, %mul3A_19 : i32
    %add3A_21 = arith.constant 512 : i32
    %add3A_22 = arith.addi %mul3A_20, %add3A_21 : i32
    %mul3A_23 = arith.constant 2560 : i32
    %mul3A_24 = arith.muli %add3A, %mul3A_23 : i32
    %add3A_25 = arith.constant 640 : i32
    %add3A_26 = arith.addi %mul3A_24, %add3A_25 : i32
    %mul3A_27 = arith.constant 2560 : i32
    %mul3A_28 = arith.muli %add3A, %mul3A_27 : i32
    %add3A_29 = arith.constant 768 : i32
    %add3A_30 = arith.addi %mul3A_28, %add3A_29 : i32
    %mul3A_31 = arith.constant 2560 : i32
    %mul3A_32 = arith.muli %add3A, %mul3A_31 : i32
    %add3A_33 = arith.constant 896 : i32
    %add3A_34 = arith.addi %mul3A_32, %add3A_33 : i32
    %mul3A_35 = arith.constant 2560 : i32
    %mul3A_36 = arith.muli %add3A, %mul3A_35 : i32
    %add3A_37 = arith.constant 1024 : i32
    %add3A_38 = arith.addi %mul3A_36, %add3A_37 : i32
    %mul3A_39 = arith.constant 2560 : i32
    %mul3A_40 = arith.muli %add3A, %mul3A_39 : i32
    %add3A_41 = arith.constant 1152 : i32
    %add3A_42 = arith.addi %mul3A_40, %add3A_41 : i32
    %mul3A_43 = arith.constant 2560 : i32
    %mul3A_44 = arith.muli %add3A, %mul3A_43 : i32
    %add3A_45 = arith.constant 1280 : i32
    %add3A_46 = arith.addi %mul3A_44, %add3A_45 : i32
    %mul3A_47 = arith.constant 2560 : i32
    %mul3A_48 = arith.muli %add3A, %mul3A_47 : i32
    %add3A_49 = arith.constant 1408 : i32
    %add3A_50 = arith.addi %mul3A_48, %add3A_49 : i32
    %mul3A_51 = arith.constant 2560 : i32
    %mul3A_52 = arith.muli %add3A, %mul3A_51 : i32
    %add3A_53 = arith.constant 1536 : i32
    %add3A_54 = arith.addi %mul3A_52, %add3A_53 : i32
    %mul3A_55 = arith.constant 2560 : i32
    %mul3A_56 = arith.muli %add3A, %mul3A_55 : i32
    %add3A_57 = arith.constant 1664 : i32
    %add3A_58 = arith.addi %mul3A_56, %add3A_57 : i32
    %mul3A_59 = arith.constant 2560 : i32
    %mul3A_60 = arith.muli %add3A, %mul3A_59 : i32
    %add3A_61 = arith.constant 1792 : i32
    %add3A_62 = arith.addi %mul3A_60, %add3A_61 : i32
    %mul3A_63 = arith.constant 2560 : i32
    %mul3A_64 = arith.muli %add3A, %mul3A_63 : i32
    %add3A_65 = arith.constant 1920 : i32
    %add3A_66 = arith.addi %mul3A_64, %add3A_65 : i32
    %mul3A_67 = arith.constant 2560 : i32
    %mul3A_68 = arith.muli %add3A, %mul3A_67 : i32
    %add3A_69 = arith.constant 2048 : i32
    %add3A_70 = arith.addi %mul3A_68, %add3A_69 : i32
    %mul3A_71 = arith.constant 2560 : i32
    %mul3A_72 = arith.muli %add3A, %mul3A_71 : i32
    %add3A_73 = arith.constant 2176 : i32
    %add3A_74 = arith.addi %mul3A_72, %add3A_73 : i32
    %mul3A_75 = arith.constant 2560 : i32
    %mul3A_76 = arith.muli %add3A, %mul3A_75 : i32
    %add3A_77 = arith.constant 2304 : i32
    %add3A_78 = arith.addi %mul3A_76, %add3A_77 : i32
    %mul3A_79 = arith.constant 2560 : i32
    %mul3A_80 = arith.muli %add3A, %mul3A_79 : i32
    %add3A_81 = arith.constant 2432 : i32
    %add3A_82 = arith.addi %mul3A_80, %add3A_81 : i32
    %get3A = arith.constant 0 : i32
    %get3A_83 = arith.index_cast %get3A : i32 to index
    %get3A_84 = arith.constant 0 : index
    %get3A_85 = tpu.vector_load %arg7[%get3A_83, %get3A_84] {strides = array<i32>} : memref<5x16xi32, #tpu.memory_space<vmem>>, vector<1x16xi32>,
    %get3A_86 = vector.shape_cast %get3A_85 : vector<1x16xi32> to vector<16xi32>
    %get3A_87 = arith.constant 0 : i32
    %get3A_88 = arith.index_cast %get3A_87 : i32 to index
    %get3A_89 = arith.constant 0 : index
    %get3A_90 = tpu.vector_load %arg6[%get3A_88, %get3A_89] {strides = array<i32>} : memref<20x128xi32, #tpu.memory_space<vmem>>, vector<1x16xi32>,
    %get3A_91 = vector.shape_cast %get3A_90 : vector<1x16xi32> to vector<16xi32>
    %add3A_92 = arith.addi %get3A_91, %get3A_86 : vector<16xi32>
    %swap3A = arith.constant 0 : i32
    %swap3A_93 = arith.index_cast %swap3A : i32 to index
    %swap3A_94 = arith.constant 0 : index
    %swap3A_95 = tpu.vector_load %arg9[%swap3A_93, %swap3A_94] {strides = array<i32>} : memref<20x128xi32, #tpu.memory_space<vmem>>, vector<1x16xi32>,
    %swap3A_96 = vector.shape_cast %swap3A_95 : vector<1x16xi32> to vector<16xi32>
    %swap3A_97 = vector.shape_cast %add3A_92 : vector<16xi32> to vector<1x16xi32>
    tpu.vector_store %arg9[%swap3A_93, %swap3A_94], %swap3A_97 {strides = array<i32>} : memref<20x128xi32, #tpu.memory_space<vmem>>, vector<1x16xi32>,
    %get3A_98 = arith.constant 1 : i32
    %get3A_99 = arith.index_cast %get3A_98 : i32 to index
    %get3A_100 = arith.constant 0 : index
    %get3A_101 = tpu.vector_load %arg7[%get3A_99, %get3A_100] {strides = array<i32>} : memref<5x16xi32, #tpu.memory_space<vmem>>, vector<1x16xi32>,
    %get3A_102 = vector.shape_cast %get3A_101 : vector<1x16xi32> to vector<16xi32>
    %get3A_103 = arith.constant 0 : i32
    %get3A_104 = arith.index_cast %get3A_103 : i32 to index
    %get3A_105 = arith.constant 16 : index
    %get3A_106 = tpu.vector_load %arg6[%get3A_104, %get3A_105] {strides = array<i32>} : memref<20x128xi32, #tpu.memory_space<vmem>>, vector<1x16xi32>,
    %get3A_107 = vector.shape_cast %get3A_106 : vector<1x16xi32> to vector<16xi32>
    %add3A_108 = arith.addi %get3A_107, %get3A_102 : vector<16xi32>
    %swap3A_109 = arith.constant 0 : i32
    %swap3A_110 = arith.index_cast %swap3A_109 : i32 to index
    %swap3A_111 = arith.constant 16 : index
    %swap3A_112 = tpu.vector_load %arg9[%swap3A_110, %swap3A_111] {strides = array<i32>} : memref<20x128xi32, #tpu.memory_space<vmem>>, vector<1x16xi32>,
    %swap3A_113 = vector.shape_cast %swap3A_112 : vector<1x16xi32> to vector<16xi32>
    %swap3A_114 = vector.shape_cast %add3A_108 : vector<16xi32> to vector<1x16xi32>
    tpu.vector_store %arg9[%swap3A_110, %swap3A_111], %swap3A_114 {strides = array<i32>} : memref<20x128xi32, #tpu.memory_space<vmem>>, vector<1x16xi32>,
    %get3A_115 = arith.constant 2 : i32
    %get3A_116 = arith.index_cast %get3A_115 : i32 to index
    %get3A_117 = arith.constant 0 : index
    %get3A_118 = tpu.vector_load %arg7[%get3A_116, %get3A_117] {strides = array<i32>} : memref<5x16xi32, #tpu.memory_space<vmem>>, vector<1x16xi32>,
    %get3A_119 = vector.shape_cast %get3A_118 : vector<1x16xi32> to vector<16xi32>
    %get3A_120 = arith.constant 0 : i32
    %get3A_121 = arith.index_cast %get3A_120 : i32 to index
    %get3A_122 = arith.constant 32 : index
    %get3A_123 = tpu.vector_load %arg6[%get3A_121, %get3A_122] {strides = array<i32>} : memref<20x128xi32, #tpu.memory_space<vmem>>, vector<1x16xi32>,
    %get3A_124 = vector.shape_cast %get3A_123 : vector<1x16xi32> to vector<16xi32>
    %add3A_125 = arith.addi %get3A_124, %get3A_119 : vector<16xi32>
    %swap3A_126 = arith.constant 0 : i32
    %swap3A_127 = arith.index_cast %swap3A_126 : i32 to index
    %swap3A_128 = arith.constant 32 : index
    %swap3A_129 = tpu.vector_load %arg9[%swap3A_127, %swap3A_128] {strides = array<i32>} : memref<20x128xi32, #tpu.memory_space<vmem>>, vector<1x16xi32>,
    %swap3A_130 = vector.shape_cast %swap3A_129 : vector<1x16xi32> to vector<16xi32>
    %swap3A_131 = vector.shape_cast %add3A_125 : vector<16xi32> to vector<1x16xi32>
    tpu.vector_store %arg9[%swap3A_127, %swap3A_128], %swap3A_131 {strides = array<i32>} : memref<20x128xi32, #tpu.memory_space<vmem>>, vector<1x16xi32>,
    %get3A_132 = arith.constant 3 : i32
    %get3A_133 = arith.index_cast %get3A_132 : i32 to index
    %get3A_134 = arith.constant 0 : index
    %get3A_135 = tpu.vector_load %arg7[%get3A_133, %get3A_134] {strides = array<i32>} : memref<5x16xi32, #tpu.memory_space<vmem>>, vector<1x16xi32>,
    %get3A_136 = vector.shape_cast %get3A_135 : vector<1x16xi32> to vector<16xi32>
    %get3A_137 = arith.constant 0 : i32
    %get3A_138 = arith.index_cast %get3A_137 : i32 to index
    %get3A_139 = arith.constant 48 : index
    %get3A_140 = tpu.vector_load %arg6[%get3A_138, %get3A_139] {strides = array<i32>} : memref<20x128xi32, #tpu.memory_space<vmem>>, vector<1x16xi32>,
    %get3A_141 = vector.shape_cast %get3A_140 : vector<1x16xi32> to vector<16xi32>
    %add3A_142 = arith.addi %get3A_141, %get3A_136 : vector<16xi32>
    %swap3A_143 = arith.constant 0 : i32
    %swap3A_144 = arith.index_cast %swap3A_143 : i32 to index
    %swap3A_145 = arith.constant 48 : index
    %swap3A_146 = tpu.vector_load %arg9[%swap3A_144, %swap3A_145] {strides = array<i32>} : memref<20x128xi32, #tpu.memory_space<vmem>>, vector<1x16xi32>,
    %swap3A_147 = vector.shape_cast %swap3A_146 : vector<1x16xi32> to vector<16xi32>
    %swap3A_148 = vector.shape_cast %add3A_142 : vector<16xi32> to vector<1x16xi32>
    tpu.vector_store %arg9[%swap3A_144, %swap3A_145], %swap3A_148 {strides = array<i32>} : memref<20x128xi32, #tpu.memory_space<vmem>>, vector<1x16xi32>,
    %get3A_149 = arith.constant 4 : i32
    %get3A_150 = arith.index_cast %get3A_149 : i32 to index
    %get3A_151 = arith.constant 0 : index
    %get3A_152 = tpu.vector_load %arg7[%get3A_150, %get3A_151] {strides = array<i32>} : memref<5x16xi32, #tpu.memory_space<vmem>>, vector<1x16xi32>,
    %get3A_153 = vector.shape_cast %get3A_152 : vector<1x16xi32> to vector<16xi32>
    %get3A_154 = arith.constant 0 : i32
    %get3A_155 = arith.index_cast %get3A_154 : i32 to index
    %get3A_156 = arith.constant 64 : index
    %get3A_157 = tpu.vector_load %arg6[%get3A_155, %get3A_156] {strides = array<i32>} : memref<20x128xi32, #tpu.memory_space<vmem>>, vector<1x16xi32>,
    %get3A_158 = vector.shape_cast %get3A_157 : vector<1x16xi32> to vector<16xi32>
    %add3A_159 = arith.addi %get3A_158, %get3A_153 : vector<16xi32>
    %swap3A_160 = arith.constant 0 : i32
    %swap3A_161 = arith.index_cast %swap3A_160 : i32 to index
    %swap3A_162 = arith.constant 64 : index
    %swap3A_163 = tpu.vector_load %arg9[%swap3A_161, %swap3A_162] {strides = array<i32>} : memref<20x128xi32, #tpu.memory_space<vmem>>, vector<1x16xi32>,
    %swap3A_164 = vector.shape_cast %swap3A_163 : vector<1x16xi32> to vector<16xi32>
    %swap3A_165 = vector.shape_cast %add3A_159 : vector<16xi32> to vector<1x16xi32>
    tpu.vector_store %arg9[%swap3A_161, %swap3A_162], %swap3A_165 {strides = array<i32>} : memref<20x128xi32, #tpu.memory_space<vmem>>, vector<1x16xi32>,
    %get3A_166 = arith.constant 0 : i32
    %get3A_167 = arith.index_cast %get3A_166 : i32 to index
    %get3A_168 = arith.constant 0 : index
    %get3A_169 = tpu.vector_load %arg7[%get3A_167, %get3A_168] {strides = array<i32>} : memref<5x16xi32, #tpu.memory_space<vmem>>, vector<1x16xi32>,
    %get3A_170 = vector.shape_cast %get3A_169 : vector<1x16xi32> to vector<16xi32>
    %get3A_171 = arith.constant 0 : i32
    %get3A_172 = arith.index_cast %get3A_171 : i32 to index
    %get3A_173 = arith.constant 80 : index
    %get3A_174 = tpu.vector_load %arg6[%get3A_172, %get3A_173] {strides = array<i32>} : memref<20x128xi32, #tpu.memory_space<vmem>>, vector<1x16xi32>,
    %get3A_175 = vector.shape_cast %get3A_174 : vector<1x16xi32> to vector<16xi32>
    %add3A_176 = arith.addi %get3A_175, %get3A_170 : vector<16xi32>
    %swap3A_177 = arith.constant 0 : i32
    %swap3A_178 = arith.index_cast %swap3A_177 : i32 to index
    %swap3A_179 = arith.constant 80 : index
    %swap3A_180 = tpu.vector_load %arg9[%swap3A_178, %swap3A_179] {strides = array<i32>} : memref<20x128xi32, #tpu.memory_space<vmem>>, vector<1x16xi32>,
    %swap3A_181 = vector.shape_cast %swap3A_180 : vector<1x16xi32> to vector<16xi32>
    %swap3A_182 = vector.shape_cast %add3A_176 : vector<16xi32> to vector<1x16xi32>
    tpu.vector_store %arg9[%swap3A_178, %swap3A_179], %swap3A_182 {strides = array<i32>} : memref<20x128xi32, #tpu.memory_space<vmem>>, vector<1x16xi32>,
    %get3A_183 = arith.constant 1 : i32
    %get3A_184 = arith.index_cast %get3A_183 : i32 to index
    %get3A_185 = arith.constant 0 : index
    %get3A_186 = tpu.vector_load %arg7[%get3A_184, %get3A_185] {strides = array<i32>} : memref<5x16xi32, #tpu.memory_space<vmem>>, vector<1x16xi32>,
    %get3A_187 = vector.shape_cast %get3A_186 : vector<1x16xi32> to vector<16xi32>
    %get3A_188 = arith.constant 0 : i32
    %get3A_189 = arith.index_cast %get3A_188 : i32 to index
    %get3A_190 = arith.constant 96 : index
    %get3A_191 = tpu.vector_load %arg6[%get3A_189, %get3A_190] {strides = array<i32>} : memref<20x128xi32, #tpu.memory_space<vmem>>, vector<1x16xi32>,
    %get3A_192 = vector.shape_cast %get3A_191 : vector<1x16xi32> to vector<16xi32>
    %add3A_193 = arith.addi %get3A_192, %get3A_187 : vector<16xi32>
    %swap3A_194 = arith.constant 0 : i32
    %swap3A_195 = arith.index_cast %swap3A_194 : i32 to index
    %swap3A_196 = arith.constant 96 : index
    %swap3A_197 = tpu.vector_load %arg9[%swap3A_195, %swap3A_196] {strides = array<i32>} : memref<20x128xi32, #tpu.memory_space<vmem>>, vector<1x16xi32>,
    %swap3A_198 = vector.shape_cast %swap3A_197 : vector<1x16xi32> to vector<16xi32>
    %swap3A_199 = vector.shape_cast %add3A_193 : vector<16xi32> to vector<1x16xi32>
    tpu.vector_store %arg9[%swap3A_195, %swap3A_196], %swap3A_199 {strides = array<i32>} : memref<20x128xi32, #tpu.memory_space<vmem>>, vector<1x16xi32>,
    %get3A_200 = arith.constant 2 : i32
    %get3A_201 = arith.index_cast %get3A_200 : i32 to index
    %get3A_202 = arith.constant 0 : index
    %get3A_203 = tpu.vector_load %arg7[%get3A_201, %get3A_202] {strides = array<i32>} : memref<5x16xi32, #tpu.memory_space<vmem>>, vector<1x16xi32>,
    %get3A_204 = vector.shape_cast %get3A_203 : vector<1x16xi32> to vector<16xi32>
    %get3A_205 = arith.constant 0 : i32
    %get3A_206 = arith.index_cast %get3A_205 : i32 to index
    %get3A_207 = arith.constant 112 : index
    %get3A_208 = tpu.vector_load %arg6[%get3A_206, %get3A_207] {strides = array<i32>} : memref<20x128xi32, #tpu.memory_space<vmem>>, vector<1x16xi32>,
    %get3A_209 = vector.shape_cast %get3A_208 : vector<1x16xi32> to vector<16xi32>
    %add3A_210 = arith.addi %get3A_209, %get3A_204 : vector<16xi32>
    %swap3A_211 = arith.constant 0 : i32
    %swap3A_212 = arith.index_cast %swap3A_211 : i32 to index
    %swap3A_213 = arith.constant 112 : index
    %swap3A_214 = tpu.vector_load %arg9[%swap3A_212, %swap3A_213] {strides = array<i32>} : memref<20x128xi32, #tpu.memory_space<vmem>>, vector<1x16xi32>,
    %swap3A_215 = vector.shape_cast %swap3A_214 : vector<1x16xi32> to vector<16xi32>
    %swap3A_216 = vector.shape_cast %add3A_210 : vector<16xi32> to vector<1x16xi32>
    tpu.vector_store %arg9[%swap3A_212, %swap3A_213], %swap3A_216 {strides = array<i32>} : memref<20x128xi32, #tpu.memory_space<vmem>>, vector<1x16xi32>,
    %barrier3A = arith.constant 0 : index
    tpu.barrier barrier_id(%barrier3A)
    %dma_start3A = arith.constant 0 : i32
    %dma_start3A_217 = arith.constant 0 : i32
    %dma_start3A_218 = arith.constant 0 : i32
    %dma_start3A_219 = tpu.memref_slice %arg10[%dma_start3A_217, %dma_start3A_218] : memref<2560x32xf32, #tpu.memory_space<vmem>> -> memref<128x32xf32, #tpu.memory_space<vmem>>
    %dma_start3A_220 = arith.constant 0 : i32
    %dma_start3A_221 = tpu.memref_slice %arg9[%dma_start3A, %dma_start3A_220] : memref<20x128xi32, #tpu.memory_space<vmem>> -> memref<1x128xi32, #tpu.memory_space<vmem>>
    %dma_start3A_222 = tpu.memref_squeeze %dma_start3A_221 : memref<1x128xi32, #tpu.memory_space<vmem>> -> memref<128xi32, #tpu.memory_space<vmem>>
    %dma_start3A_223 = arith.constant 0 : i32
    %dma_start3A_224 = arith.constant 0 : i32
    %dma_start3A_225 = tpu.memref_slice %arg8[%dma_start3A_223, %dma_start3A_224] : memref<84x32xf32, #tpu.memory_space<vmem_shared>> -> memref<84x32xf32, #tpu.memory_space<vmem_shared>>
    tpu.enqueue_indirect_dma source(%dma_start3A_225 : memref<84x32xf32, #tpu.memory_space<vmem_shared>>) target(%dma_start3A_219 : memref<128x32xf32, #tpu.memory_space<vmem>>) offsets(%dma_start3A_222 : memref<128xi32, #tpu.memory_space<vmem>>) semaphore(%arg11 : memref<!tpu.dma_semaphore, #tpu.memory_space<semaphore_mem>>)
    %get3A_226 = arith.constant 3 : i32
    %get3A_227 = arith.index_cast %get3A_226 : i32 to index
    %get3A_228 = arith.constant 0 : index
    %get3A_229 = tpu.vector_load %arg7[%get3A_227, %get3A_228] {strides = array<i32>} : memref<5x16xi32, #tpu.memory_space<vmem>>, vector<1x16xi32>,
    %get3A_230 = vector.shape_cast %get3A_229 : vector<1x16xi32> to vector<16xi32>
    %get3A_231 = arith.constant 1 : i32
    %get3A_232 = arith.index_cast %get3A_231 : i32 to index
    %get3A_233 = arith.constant 0 : index
    %get3A_234 = tpu.vector_load %arg6[%get3A_232, %get3A_233] {strides = array<i32>} : memref<20x128xi32, #tpu.memory_space<vmem>>, vector<1x16xi32>,
    %get3A_235 = vector.shape_cast %get3A_234 : vector<1x16xi32> to vector<16xi32>
    %add3A_236 = arith.addi %get3A_235, %get3A_230 : vector<16xi32>
    %swap3A_237 = arith.constant 1 : i32
    %swap3A_238 = arith.index_cast %swap3A_237 : i32 to index
    %swap3A_239 = arith.constant 0 : index
    %swap3A_240 = tpu.vector_load %arg9[%swap3A_238, %swap3A_239] {strides = array<i32>} : memref<20x128xi32, #tpu.memory_space<vmem>>, vector<1x16xi32>,
    %swap3A_241 = vector.shape_cast %swap3A_240 : vector<1x16xi32> to vector<16xi32>
    %swap3A_242 = vector.shape_cast %add3A_236 : vector<16xi32> to vector<1x16xi32>
    tpu.vector_store %arg9[%swap3A_238, %swap3A_239], %swap3A_242 {strides = array<i32>} : memref<20x128xi32, #tpu.memory_space<vmem>>, vector<1x16xi32>,
    %get3A_243 = arith.constant 4 : i32
    %get3A_244 = arith.index_cast %get3A_243 : i32 to index
    %get3A_245 = arith.constant 0 : index
    %get3A_246 = tpu.vector_load %arg7[%get3A_244, %get3A_245] {strides = array<i32>} : memref<5x16xi32, #tpu.memory_space<vmem>>, vector<1x16xi32>,
    %get3A_247 = vector.shape_cast %get3A_246 : vector<1x16xi32> to vector<16xi32>
    %get3A_248 = arith.constant 1 : i32
    %get3A_249 = arith.index_cast %get3A_248 : i32 to index
    %get3A_250 = arith.constant 16 : index
    %get3A_251 = tpu.vector_load %arg6[%get3A_249, %get3A_250] {strides = array<i32>} : memref<20x128xi32, #tpu.memory_space<vmem>>, vector<1x16xi32>,
    %get3A_252 = vector.shape_cast %get3A_251 : vector<1x16xi32> to vector<16xi32>
    %add3A_253 = arith.addi %get3A_252, %get3A_247 : vector<16xi32>
    %swap3A_254 = arith.constant 1 : i32
    %swap3A_255 = arith.index_cast %swap3A_254 : i32 to index
    %swap3A_256 = arith.constant 16 : index
    %swap3A_257 = tpu.vector_load %arg9[%swap3A_255, %swap3A_256] {strides = array<i32>} : memref<20x128xi32, #tpu.memory_space<vmem>>, vector<1x16xi32>,
    %swap3A_258 = vector.shape_cast %swap3A_257 : vector<1x16xi32> to vector<16xi32>
    %swap3A_259 = vector.shape_cast %add3A_253 : vector<16xi32> to vector<1x16xi32>
    tpu.vector_store %arg9[%swap3A_255, %swap3A_256], %swap3A_259 {strides = array<i32>} : memref<20x128xi32, #tpu.memory_space<vmem>>, vector<1x16xi32>,
    %get3A_260 = arith.constant 0 : i32
    %get3A_261 = arith.index_cast %get3A_260 : i32 to index
    %get3A_262 = arith.constant 0 : index
    %get3A_263 = tpu.vector_load %arg7[%get3A_261, %get3A_262] {strides = array<i32>} : memref<5x16xi32, #tpu.memory_space<vmem>>, vector<1x16xi32>,
    %get3A_264 = vector.shape_cast %get3A_263 : vector<1x16xi32> to vector<16xi32>
    %get3A_265 = arith.constant 1 : i32
    %get3A_266 = arith.index_cast %get3A_265 : i32 to index
    %get3A_267 = arith.constant 32 : index
    %get3A_268 = tpu.vector_load %arg6[%get3A_266, %get3A_267] {strides = array<i32>} : memref<20x128xi32, #tpu.memory_space<vmem>>, vector<1x16xi32>,
    %get3A_269 = vector.shape_cast %get3A_268 : vector<1x16xi32> to vector<16xi32>
    %add3A_270 = arith.addi %get3A_269, %get3A_264 : vector<16xi32>
    %swap3A_271 = arith.constant 1 : i32
    %swap3A_272 = arith.index_cast %swap3A_271 : i32 to index
    %swap3A_273 = arith.constant 32 : index
    %swap3A_274 = tpu.vector_load %arg9[%swap3A_272, %swap3A_273] {strides = array<i32>} : memref<20x128xi32, #tpu.memory_space<vmem>>, vector<1x16xi32>,
    %swap3A_275 = vector.shape_cast %swap3A_274 : vector<1x16xi32> to vector<16xi32>
    %swap3A_276 = vector.shape_cast %add3A_270 : vector<16xi32> to vector<1x16xi32>
    tpu.vector_store %arg9[%swap3A_272, %swap3A_273], %swap3A_276 {strides = array<i32>} : memref<20x128xi32, #tpu.memory_space<vmem>>, vector<1x16xi32>,
    %get3A_277 = arith.constant 1 : i32
    %get3A_278 = arith.index_cast %get3A_277 : i32 to index
    %get3A_279 = arith.constant 0 : index
    %get3A_280 = tpu.vector_load %arg7[%get3A_278, %get3A_279] {strides = array<i32>} : memref<5x16xi32, #tpu.memory_space<vmem>>, vector<1x16xi32>,
    %get3A_281 = vector.shape_cast %get3A_280 : vector<1x16xi32> to vector<16xi32>
    %get3A_282 = arith.constant 1 : i32
    %get3A_283 = arith.index_cast %get3A_282 : i32 to index
    %get3A_284 = arith.constant 48 : index
    %get3A_285 = tpu.vector_load %arg6[%get3A_283, %get3A_284] {strides = array<i32>} : memref<20x128xi32, #tpu.memory_space<vmem>>, vector<1x16xi32>,
    %get3A_286 = vector.shape_cast %get3A_285 : vector<1x16xi32> to vector<16xi32>
    %add3A_287 = arith.addi %get3A_286, %get3A_281 : vector<16xi32>
    %swap3A_288 = arith.constant 1 : i32
    %swap3A_289 = arith.index_cast %swap3A_288 : i32 to index
    %swap3A_290 = arith.constant 48 : index
    %swap3A_291 = tpu.vector_load %arg9[%swap3A_289, %swap3A_290] {strides = array<i32>} : memref<20x128xi32, #tpu.memory_space<vmem>>, vector<1x16xi32>,
    %swap3A_292 = vector.shape_cast %swap3A_291 : vector<1x16xi32> to vector<16xi32>
    %swap3A_293 = vector.shape_cast %add3A_287 : vector<16xi32> to vector<1x16xi32>
    tpu.vector_store %arg9[%swap3A_289, %swap3A_290], %swap3A_293 {strides = array<i32>} : memref<20x128xi32, #tpu.memory_space<vmem>>, vector<1x16xi32>,
    %get3A_294 = arith.constant 2 : i32
    %get3A_295 = arith.index_cast %get3A_294 : i32 to index
    %get3A_296 = arith.constant 0 : index
    %get3A_297 = tpu.vector_load %arg7[%get3A_295, %get3A_296] {strides = array<i32>} : memref<5x16xi32, #tpu.memory_space<vmem>>, vector<1x16xi32>,
    %get3A_298 = vector.shape_cast %get3A_297 : vector<1x16xi32> to vector<16xi32>
    %get3A_299 = arith.constant 1 : i32
    %get3A_300 = arith.index_cast %get3A_299 : i32 to index
    %get3A_301 = arith.constant 64 : index
    %get3A_302 = tpu.vector_load %arg6[%get3A_300, %get3A_301] {strides = array<i32>} : memref<20x128xi32, #tpu.memory_space<vmem>>, vector<1x16xi32>,
    %get3A_303 = vector.shape_cast %get3A_302 : vector<1x16xi32> to vector<16xi32>
    %add3A_304 = arith.addi %get3A_303, %get3A_298 : vector<16xi32>
    %swap3A_305 = arith.constant 1 : i32
    %swap3A_306 = arith.index_cast %swap3A_305 : i32 to index
    %swap3A_307 = arith.constant 64 : index
    %swap3A_308 = tpu.vector_load %arg9[%swap3A_306, %swap3A_307] {strides = array<i32>} : memref<20x128xi32, #tpu.memory_space<vmem>>, vector<1x16xi32>,
    %swap3A_309 = vector.shape_cast %swap3A_308 : vector<1x16xi32> to vector<16xi32>
    %swap3A_310 = vector.shape_cast %add3A_304 : vector<16xi32> to vector<1x16xi32>
    tpu.vector_store %arg9[%swap3A_306, %swap3A_307], %swap3A_310 {strides = array<i32>} : memref<20x128xi32, #tpu.memory_space<vmem>>, vector<1x16xi32>,
    %get3A_311 = arith.constant 3 : i32
    %get3A_312 = arith.index_cast %get3A_311 : i32 to index
    %get3A_313 = arith.constant 0 : index
    %get3A_314 = tpu.vector_load %arg7[%get3A_312, %get3A_313] {strides = array<i32>} : memref<5x16xi32, #tpu.memory_space<vmem>>, vector<1x16xi32>,
    %get3A_315 = vector.shape_cast %get3A_314 : vector<1x16xi32> to vector<16xi32>
    %get3A_316 = arith.constant 1 : i32
    %get3A_317 = arith.index_cast %get3A_316 : i32 to index
    %get3A_318 = arith.constant 80 : index
    %get3A_319 = tpu.vector_load %arg6[%get3A_317, %get3A_318] {strides = array<i32>} : memref<20x128xi32, #tpu.memory_space<vmem>>, vector<1x16xi32>,
    %get3A_320 = vector.shape_cast %get3A_319 : vector<1x16xi32> to vector<16xi32>
    %add3A_321 = arith.addi %get3A_320, %get3A_315 : vector<16xi32>
    %swap3A_322 = arith.constant 1 : i32
    %swap3A_323 = arith.index_cast %swap3A_322 : i32 to index
    %swap3A_324 = arith.constant 80 : index
    %swap3A_325 = tpu.vector_load %arg9[%swap3A_323, %swap3A_324] {strides = array<i32>} : memref<20x128xi32, #tpu.memory_space<vmem>>, vector<1x16xi32>,
    %swap3A_326 = vector.shape_cast %swap3A_325 : vector<1x16xi32> to vector<16xi32>
    %swap3A_327 = vector.shape_cast %add3A_321 : vector<16xi32> to vector<1x16xi32>
    tpu.vector_store %arg9[%swap3A_323, %swap3A_324], %swap3A_327 {strides = array<i32>} : memref<20x128xi32, #tpu.memory_space<vmem>>, vector<1x16xi32>,
    %get3A_328 = arith.constant 4 : i32
    %get3A_329 = arith.index_cast %get3A_328 : i32 to index
    %get3A_330 = arith.constant 0 : index
    %get3A_331 = tpu.vector_load %arg7[%get3A_329, %get3A_330] {strides = array<i32>} : memref<5x16xi32, #tpu.memory_space<vmem>>, vector<1x16xi32>,
    %get3A_332 = vector.shape_cast %get3A_331 : vector<1x16xi32> to vector<16xi32>
    %get3A_333 = arith.constant 1 : i32
    %get3A_334 = arith.index_cast %get3A_333 : i32 to index
    %get3A_335 = arith.constant 96 : index
    %get3A_336 = tpu.vector_load %arg6[%get3A_334, %get3A_335] {strides = array<i32>} : memref<20x128xi32, #tpu.memory_space<vmem>>, vector<1x16xi32>,
    %get3A_337 = vector.shape_cast %get3A_336 : vector<1x16xi32> to vector<16xi32>
    %add3A_338 = arith.addi %get3A_337, %get3A_332 : vector<16xi32>
    %swap3A_339 = arith.constant 1 : i32
    %swap3A_340 = arith.index_cast %swap3A_339 : i32 to index
    %swap3A_341 = arith.constant 96 : index
    %swap3A_342 = tpu.vector_load %arg9[%swap3A_340, %swap3A_341] {strides = array<i32>} : memref<20x128xi32, #tpu.memory_space<vmem>>, vector<1x16xi32>,
    %swap3A_343 = vector.shape_cast %swap3A_342 : vector<1x16xi32> to vector<16xi32>
    %swap3A_344 = vector.shape_cast %add3A_338 : vector<16xi32> to vector<1x16xi32>
    tpu.vector_store %arg9[%swap3A_340, %swap3A_341], %swap3A_344 {strides = array<i32>} : memref<20x128xi32, #tpu.memory_space<vmem>>, vector<1x16xi32>,
    %get3A_345 = arith.constant 0 : i32
    %get3A_346 = arith.index_cast %get3A_345 : i32 to index
    %get3A_347 = arith.constant 0 : index
    %get3A_348 = tpu.vector_load %arg7[%get3A_346, %get3A_347] {strides = array<i32>} : memref<5x16xi32, #tpu.memory_space<vmem>>, vector<1x16xi32>,
    %get3A_349 = vector.shape_cast %get3A_348 : vector<1x16xi32> to vector<16xi32>
    %get3A_350 = arith.constant 1 : i32
    %get3A_351 = arith.index_cast %get3A_350 : i32 to index
    %get3A_352 = arith.constant 112 : index
    %get3A_353 = tpu.vector_load %arg6[%get3A_351, %get3A_352] {strides = array<i32>} : memref<20x128xi32, #tpu.memory_space<vmem>>, vector<1x16xi32>,
    %get3A_354 = vector.shape_cast %get3A_353 : vector<1x16xi32> to vector<16xi32>
    %add3A_355 = arith.addi %get3A_354, %get3A_349 : vector<16xi32>
    %swap3A_356 = arith.constant 1 : i32
    %swap3A_357 = arith.index_cast %swap3A_356 : i32 to index
    %swap3A_358 = arith.constant 112 : index
    %swap3A_359 = tpu.vector_load %arg9[%swap3A_357, %swap3A_358] {strides = array<i32>} : memref<20x128xi32, #tpu.memory_space<vmem>>, vector<1x16xi32>,
    %swap3A_360 = vector.shape_cast %swap3A_359 : vector<1x16xi32> to vector<16xi32>
    %swap3A_361 = vector.shape_cast %add3A_355 : vector<16xi32> to vector<1x16xi32>
    tpu.vector_store %arg9[%swap3A_357, %swap3A_358], %swap3A_361 {strides = array<i32>} : memref<20x128xi32, #tpu.memory_space<vmem>>, vector<1x16xi32>,
    %dma_start3A_362 = arith.constant 1 : i32
    %dma_start3A_363 = arith.constant 128 : i32
    %dma_start3A_364 = arith.constant 0 : i32
    %dma_start3A_365 = tpu.memref_slice %arg10[%dma_start3A_363, %dma_start3A_364] : memref<2560x32xf32, #tpu.memory_space<vmem>> -> memref<128x32xf32, #tpu.memory_space<vmem>>
    %dma_start3A_366 = arith.constant 0 : i32
    %dma_start3A_367 = tpu.memref_slice %arg9[%dma_start3A_362, %dma_start3A_366] : memref<20x128xi32, #tpu.memory_space<vmem>> -> memref<1x128xi32, #tpu.memory_space<vmem>>
    %dma_start3A_368 = tpu.memref_squeeze %dma_start3A_367 : memref<1x128xi32, #tpu.memory_space<vmem>> -> memref<128xi32, #tpu.memory_space<vmem>>
    %dma_start3A_369 = arith.constant 0 : i32
    %dma_start3A_370 = arith.constant 0 : i32
    %dma_start3A_371 = tpu.memref_slice %arg8[%dma_start3A_369, %dma_start3A_370] : memref<84x32xf32, #tpu.memory_space<vmem_shared>> -> memref<84x32xf32, #tpu.memory_space<vmem_shared>>
    tpu.enqueue_indirect_dma source(%dma_start3A_371 : memref<84x32xf32, #tpu.memory_space<vmem_shared>>) target(%dma_start3A_365 : memref<128x32xf32, #tpu.memory_space<vmem>>) offsets(%dma_start3A_368 : memref<128xi32, #tpu.memory_space<vmem>>) semaphore(%arg12 : memref<!tpu.dma_semaphore, #tpu.memory_space<semaphore_mem>>)
    %get3A_372 = arith.constant 1 : i32
    %get3A_373 = arith.index_cast %get3A_372 : i32 to index
    %get3A_374 = arith.constant 0 : index
    %get3A_375 = tpu.vector_load %arg7[%get3A_373, %get3A_374] {strides = array<i32>} : memref<5x16xi32, #tpu.memory_space<vmem>>, vector<1x16xi32>,
    %get3A_376 = vector.shape_cast %get3A_375 : vector<1x16xi32> to vector<16xi32>
    %get3A_377 = arith.constant 2 : i32
    %get3A_378 = arith.index_cast %get3A_377 : i32 to index
    %get3A_379 = arith.constant 0 : index
    %get3A_380 = tpu.vector_load %arg6[%get3A_378, %get3A_379] {strides = array<i32>} : memref<20x128xi32, #tpu.memory_space<vmem>>, vector<1x16xi32>,
    %get3A_381 = vector.shape_cast %get3A_380 : vector<1x16xi32> to vector<16xi32>
    %add3A_382 = arith.addi %get3A_381, %get3A_376 : vector<16xi32>
    %swap3A_383 = arith.constant 2 : i32
    %swap3A_384 = arith.index_cast %swap3A_383 : i32 to index
    %swap3A_385 = arith.constant 0 : index
    %swap3A_386 = tpu.vector_load %arg9[%swap3A_384, %swap3A_385] {strides = array<i32>} : memref<20x128xi32, #tpu.memory_space<vmem>>, vector<1x16xi32>,
    %swap3A_387 = vector.shape_cast %swap3A_386 : vector<1x16xi32> to vector<16xi32>
    %swap3A_388 = vector.shape_cast %add3A_382 : vector<16xi32> to vector<1x16xi32>
    tpu.vector_store %arg9[%swap3A_384, %swap3A_385], %swap3A_388 {strides = array<i32>} : memref<20x128xi32, #tpu.memory_space<vmem>>, vector<1x16xi32>,
    %get3A_389 = arith.constant 2 : i32
    %get3A_390 = arith.index_cast %get3A_389 : i32 to index
    %get3A_391 = arith.constant 0 : index
    %get3A_392 = tpu.vector_load %arg7[%get3A_390, %get3A_391] {strides = array<i32>} : memref<5x16xi32, #tpu.memory_space<vmem>>, vector<1x16xi32>,
    %get3A_393 = vector.shape_cast %get3A_392 : vector<1x16xi32> to vector<16xi32>
    %get3A_394 = arith.constant 2 : i32
    %get3A_395 = arith.index_cast %get3A_394 : i32 to index
    %get3A_396 = arith.constant 16 : index
    %get3A_397 = tpu.vector_load %arg6[%get3A_395, %get3A_396] {strides = array<i32>} : memref<20x128xi32, #tpu.memory_space<vmem>>, vector<1x16xi32>,
    %get3A_398 = vector.shape_cast %get3A_397 : vector<1x16xi32> to vector<16xi32>
    %add3A_399 = arith.addi %get3A_398, %get3A_393 : vector<16xi32>
    %swap3A_400 = arith.constant 2 : i32
    %swap3A_401 = arith.index_cast %swap3A_400 : i32 to index
    %swap3A_402 = arith.constant 16 : index
    %swap3A_403 = tpu.vector_load %arg9[%swap3A_401, %swap3A_402] {strides = array<i32>} : memref<20x128xi32, #tpu.memory_space<vmem>>, vector<1x16xi32>,
    %swap3A_404 = vector.shape_cast %swap3A_403 : vector<1x16xi32> to vector<16xi32>
    %swap3A_405 = vector.shape_cast %add3A_399 : vector<16xi32> to vector<1x16xi32>
    tpu.vector_store %arg9[%swap3A_401, %swap3A_402], %swap3A_405 {strides = array<i32>} : memref<20x128xi32, #tpu.memory_space<vmem>>, vector<1x16xi32>,
    %get3A_406 = arith.constant 3 : i32
    %get3A_407 = arith.index_cast %get3A_406 : i32 to index
    %get3A_408 = arith.constant 0 : index
    %get3A_409 = tpu.vector_load %arg7[%get3A_407, %get3A_408] {strides = array<i32>} : memref<5x16xi32, #tpu.memory_space<vmem>>, vector<1x16xi32>,
    %get3A_410 = vector.shape_cast %get3A_409 : vector<1x16xi32> to vector<16xi32>
    %get3A_411 = arith.constant 2 : i32
    %get3A_412 = arith.index_cast %get3A_411 : i32 to index
    %get3A_413 = arith.constant 32 : index
    %get3A_414 = tpu.vector_load %arg6[%get3A_412, %get3A_413] {strides = array<i32>} : memref<20x128xi32, #tpu.memory_space<vmem>>, vector<1x16xi32>,
    %get3A_415 = vector.shape_cast %get3A_414 : vector<1x16xi32> to vector<16xi32>
    %add3A_416 = arith.addi %get3A_415, %get3A_410 : vector<16xi32>
    %swap3A_417 = arith.constant 2 : i32
    %swap3A_418 = arith.index_cast %swap3A_417 : i32 to index
    %swap3A_419 = arith.constant 32 : index
    %swap3A_420 = tpu.vector_load %arg9[%swap3A_418, %swap3A_419] {strides = array<i32>} : memref<20x128xi32, #tpu.memory_space<vmem>>, vector<1x16xi32>,
    %swap3A_421 = vector.shape_cast %swap3A_420 : vector<1x16xi32> to vector<16xi32>
    %swap3A_422 = vector.shape_cast %add3A_416 : vector<16xi32> to vector<1x16xi32>
    tpu.vector_store %arg9[%swap3A_418, %swap3A_419], %swap3A_422 {strides = array<i32>} : memref<20x128xi32, #tpu.memory_space<vmem>>, vector<1x16xi32>,
    %get3A_423 = arith.constant 4 : i32
    %get3A_424 = arith.index_cast %get3A_423 : i32 to index
    %get3A_425 = arith.constant 0 : index
    %get3A_426 = tpu.vector_load %arg7[%get3A_424, %get3A_425] {strides = array<i32>} : memref<5x16xi32, #tpu.memory_space<vmem>>, vector<1x16xi32>,
    %get3A_427 = vector.shape_cast %get3A_426 : vector<1x16xi32> to vector<16xi32>
    %get3A_428 = arith.constant 2 : i32
    %get3A_429 = arith.index_cast %get3A_428 : i32 to index
    %get3A_430 = arith.constant 48 : index
    %get3A_431 = tpu.vector_load %arg6[%get3A_429, %get3A_430] {strides = array<i32>} : memref<20x128xi32, #tpu.memory_space<vmem>>, vector<1x16xi32>,
    %get3A_432 = vector.shape_cast %get3A_431 : vector<1x16xi32> to vector<16xi32>
    %add3A_433 = arith.addi %get3A_432, %get3A_427 : vector<16xi32>
    %swap3A_434 = arith.constant 2 : i32
    %swap3A_435 = arith.index_cast %swap3A_434 : i32 to index
    %swap3A_436 = arith.constant 48 : index
    %swap3A_437 = tpu.vector_load %arg9[%swap3A_435, %swap3A_436] {strides = array<i32>} : memref<20x128xi32, #tpu.memory_space<vmem>>, vector<1x16xi32>,
    %swap3A_438 = vector.shape_cast %swap3A_437 : vector<1x16xi32> to vector<16xi32>
    %swap3A_439 = vector.shape_cast %add3A_433 : vector<16xi32> to vector<1x16xi32>
    tpu.vector_store %arg9[%swap3A_435, %swap3A_436], %swap3A_439 {strides = array<i32>} : memref<20x128xi32, #tpu.memory_space<vmem>>, vector<1x16xi32>,
    %get3A_440 = arith.constant 0 : i32
    %get3A_441 = arith.index_cast %get3A_440 : i32 to index
    %get3A_442 = arith.constant 0 : index
    %get3A_443 = tpu.vector_load %arg7[%get3A_441, %get3A_442] {strides = array<i32>} : memref<5x16xi32, #tpu.memory_space<vmem>>, vector<1x16xi32>,
    %get3A_444 = vector.shape_cast %get3A_443 : vector<1x16xi32> to vector<16xi32>
    %get3A_445 = arith.constant 2 : i32
    %get3A_446 = arith.index_cast %get3A_445 : i32 to index
    %get3A_447 = arith.constant 64 : index
    %get3A_448 = tpu.vector_load %arg6[%get3A_446, %get3A_447] {strides = array<i32>} : memref<20x128xi32, #tpu.memory_space<vmem>>, vector<1x16xi32>,
    %get3A_449 = vector.shape_cast %get3A_448 : vector<1x16xi32> to vector<16xi32>
    %add3A_450 = arith.addi %get3A_449, %get3A_444 : vector<16xi32>
    %swap3A_451 = arith.constant 2 : i32
    %swap3A_452 = arith.index_cast %swap3A_451 : i32 to index
    %swap3A_453 = arith.constant 64 : index
    %swap3A_454 = tpu.vector_load %arg9[%swap3A_452, %swap3A_453] {strides = array<i32>} : memref<20x128xi32, #tpu.memory_space<vmem>>, vector<1x16xi32>,
    %swap3A_455 = vector.shape_cast %swap3A_454 : vector<1x16xi32> to vector<16xi32>
    %swap3A_456 = vector.shape_cast %add3A_450 : vector<16xi32> to vector<1x16xi32>
    tpu.vector_store %arg9[%swap3A_452, %swap3A_453], %swap3A_456 {strides = array<i32>} : memref<20x128xi32, #tpu.memory_space<vmem>>, vector<1x16xi32>,
    %get3A_457 = arith.constant 1 : i32
    %get3A_458 = arith.index_cast %get3A_457 : i32 to index
    %get3A_459 = arith.constant 0 : index
    %get3A_460 = tpu.vector_load %arg7[%get3A_458, %get3A_459] {strides = array<i32>} : memref<5x16xi32, #tpu.memory_space<vmem>>, vector<1x16xi32>,
    %get3A_461 = vector.shape_cast %get3A_460 : vector<1x16xi32> to vector<16xi32>
    %get3A_462 = arith.constant 2 : i32
    %get3A_463 = arith.index_cast %get3A_462 : i32 to index
    %get3A_464 = arith.constant 80 : index
    %get3A_465 = tpu.vector_load %arg6[%get3A_463, %get3A_464] {strides = array<i32>} : memref<20x128xi32, #tpu.memory_space<vmem>>, vector<1x16xi32>,
    %get3A_466 = vector.shape_cast %get3A_465 : vector<1x16xi32> to vector<16xi32>
    %add3A_467 = arith.addi %get3A_466, %get3A_461 : vector<16xi32>
    %swap3A_468 = arith.constant 2 : i32
    %swap3A_469 = arith.index_cast %swap3A_468 : i32 to index
    %swap3A_470 = arith.constant 80 : index
    %swap3A_471 = tpu.vector_load %arg9[%swap3A_469, %swap3A_470] {strides = array<i32>} : memref<20x128xi32, #tpu.memory_space<vmem>>, vector<1x16xi32>,
    %swap3A_472 = vector.shape_cast %swap3A_471 : vector<1x16xi32> to vector<16xi32>
    %swap3A_473 = vector.shape_cast %add3A_467 : vector<16xi32> to vector<1x16xi32>
    tpu.vector_store %arg9[%swap3A_469, %swap3A_470], %swap3A_473 {strides = array<i32>} : memref<20x128xi32, #tpu.memory_space<vmem>>, vector<1x16xi32>,
    %get3A_474 = arith.constant 2 : i32
    %get3A_475 = arith.index_cast %get3A_474 : i32 to index
    %get3A_476 = arith.constant 0 : index
    %get3A_477 = tpu.vector_load %arg7[%get3A_475, %get3A_476] {strides = array<i32>} : memref<5x16xi32, #tpu.memory_space<vmem>>, vector<1x16xi32>,
    %get3A_478 = vector.shape_cast %get3A_477 : vector<1x16xi32> to vector<16xi32>
    %get3A_479 = arith.constant 2 : i32
    %get3A_480 = arith.index_cast %get3A_479 : i32 to index
    %get3A_481 = arith.constant 96 : index
    %get3A_482 = tpu.vector_load %arg6[%get3A_480, %get3A_481] {strides = array<i32>} : memref<20x128xi32, #tpu.memory_space<vmem>>, vector<1x16xi32>,
    %get3A_483 = vector.shape_cast %get3A_482 : vector<1x16xi32> to vector<16xi32>
    %add3A_484 = arith.addi %get3A_483, %get3A_478 : vector<16xi32>
    %swap3A_485 = arith.constant 2 : i32
    %swap3A_486 = arith.index_cast %swap3A_485 : i32 to index
    %swap3A_487 = arith.constant 96 : index
    %swap3A_488 = tpu.vector_load %arg9[%swap3A_486, %swap3A_487] {strides = array<i32>} : memref<20x128xi32, #tpu.memory_space<vmem>>, vector<1x16xi32>,
    %swap3A_489 = vector.shape_cast %swap3A_488 : vector<1x16xi32> to vector<16xi32>
    %swap3A_490 = vector.shape_cast %add3A_484 : vector<16xi32> to vector<1x16xi32>
    tpu.vector_store %arg9[%swap3A_486, %swap3A_487], %swap3A_490 {strides = array<i32>} : memref<20x128xi32, #tpu.memory_space<vmem>>, vector<1x16xi32>,
    %get3A_491 = arith.constant 3 : i32
    %get3A_492 = arith.index_cast %get3A_491 : i32 to index
    %get3A_493 = arith.constant 0 : index
    %get3A_494 = tpu.vector_load %arg7[%get3A_492, %get3A_493] {strides = array<i32>} : memref<5x16xi32, #tpu.memory_space<vmem>>, vector<1x16xi32>,
    %get3A_495 = vector.shape_cast %get3A_494 : vector<1x16xi32> to vector<16xi32>
    %get3A_496 = arith.constant 2 : i32
    %get3A_497 = arith.index_cast %get3A_496 : i32 to index
    %get3A_498 = arith.constant 112 : index
    %get3A_499 = tpu.vector_load %arg6[%get3A_497, %get3A_498] {strides = array<i32>} : memref<20x128xi32, #tpu.memory_space<vmem>>, vector<1x16xi32>,
    %get3A_500 = vector.shape_cast %get3A_499 : vector<1x16xi32> to vector<16xi32>
    %add3A_501 = arith.addi %get3A_500, %get3A_495 : vector<16xi32>
    %swap3A_502 = arith.constant 2 : i32
    %swap3A_503 = arith.index_cast %swap3A_502 : i32 to index
    %swap3A_504 = arith.constant 112 : index
    %swap3A_505 = tpu.vector_load %arg9[%swap3A_503, %swap3A_504] {strides = array<i32>} : memref<20x128xi32, #tpu.memory_space<vmem>>, vector<1x16xi32>,
    %swap3A_506 = vector.shape_cast %swap3A_505 : vector<1x16xi32> to vector<16xi32>
    %swap3A_507 = vector.shape_cast %add3A_501 : vector<16xi32> to vector<1x16xi32>
    tpu.vector_store %arg9[%swap3A_503, %swap3A_504], %swap3A_507 {strides = array<i32>} : memref<20x128xi32, #tpu.memory_space<vmem>>, vector<1x16xi32>,
    %dma_start3A_508 = arith.constant 2 : i32
    %dma_start3A_509 = arith.constant 256 : i32
    %dma_start3A_510 = arith.constant 0 : i32
    %dma_start3A_511 = tpu.memref_slice %arg10[%dma_start3A_509, %dma_start3A_510] : memref<2560x32xf32, #tpu.memory_space<vmem>> -> memref<128x32xf32, #tpu.memory_space<vmem>>
    %dma_start3A_512 = arith.constant 0 : i32
    %dma_start3A_513 = tpu.memref_slice %arg9[%dma_start3A_508, %dma_start3A_512] : memref<20x128xi32, #tpu.memory_space<vmem>> -> memref<1x128xi32, #tpu.memory_space<vmem>>
    %dma_start3A_514 = tpu.memref_squeeze %dma_start3A_513 : memref<1x128xi32, #tpu.memory_space<vmem>> -> memref<128xi32, #tpu.memory_space<vmem>>
    %dma_start3A_515 = arith.constant 0 : i32
    %dma_start3A_516 = arith.constant 0 : i32
    %dma_start3A_517 = tpu.memref_slice %arg8[%dma_start3A_515, %dma_start3A_516] : memref<84x32xf32, #tpu.memory_space<vmem_shared>> -> memref<84x32xf32, #tpu.memory_space<vmem_shared>>
    tpu.enqueue_indirect_dma source(%dma_start3A_517 : memref<84x32xf32, #tpu.memory_space<vmem_shared>>) target(%dma_start3A_511 : memref<128x32xf32, #tpu.memory_space<vmem>>) offsets(%dma_start3A_514 : memref<128xi32, #tpu.memory_space<vmem>>) semaphore(%arg13 : memref<!tpu.dma_semaphore, #tpu.memory_space<semaphore_mem>>)
    %get3A_518 = arith.constant 4 : i32
    %get3A_519 = arith.index_cast %get3A_518 : i32 to index
    %get3A_520 = arith.constant 0 : index
    %get3A_521 = tpu.vector_load %arg7[%get3A_519, %get3A_520] {strides = array<i32>} : memref<5x16xi32, #tpu.memory_space<vmem>>, vector<1x16xi32>,
    %get3A_522 = vector.shape_cast %get3A_521 : vector<1x16xi32> to vector<16xi32>
    %get3A_523 = arith.constant 3 : i32
    %get3A_524 = arith.index_cast %get3A_523 : i32 to index
    %get3A_525 = arith.constant 0 : index
    %get3A_526 = tpu.vector_load %arg6[%get3A_524, %get3A_525] {strides = array<i32>} : memref<20x128xi32, #tpu.memory_space<vmem>>, vector<1x16xi32>,
    %get3A_527 = vector.shape_cast %get3A_526 : vector<1x16xi32> to vector<16xi32>
    %add3A_528 = arith.addi %get3A_527, %get3A_522 : vector<16xi32>
    %swap3A_529 = arith.constant 3 : i32
    %swap3A_530 = arith.index_cast %swap3A_529 : i32 to index
    %swap3A_531 = arith.constant 0 : index
    %swap3A_532 = tpu.vector_load %arg9[%swap3A_530, %swap3A_531] {strides = array<i32>} : memref<20x128xi32, #tpu.memory_space<vmem>>, vector<1x16xi32>,
    %swap3A_533 = vector.shape_cast %swap3A_532 : vector<1x16xi32> to vector<16xi32>
    %swap3A_534 = vector.shape_cast %add3A_528 : vector<16xi32> to vector<1x16xi32>
    tpu.vector_store %arg9[%swap3A_530, %swap3A_531], %swap3A_534 {strides = array<i32>} : memref<20x128xi32, #tpu.memory_space<vmem>>, vector<1x16xi32>,
    %get3A_535 = arith.constant 0 : i32
    %get3A_536 = arith.index_cast %get3A_535 : i32 to index
    %get3A_537 = arith.constant 0 : index
    %get3A_538 = tpu.vector_load %arg7[%get3A_536, %get3A_537] {strides = array<i32>} : memref<5x16xi32, #tpu.memory_space<vmem>>, vector<1x16xi32>,
    %get3A_539 = vector.shape_cast %get3A_538 : vector<1x16xi32> to vector<16xi32>
    %get3A_540 = arith.constant 3 : i32
    %get3A_541 = arith.index_cast %get3A_540 : i32 to index
    %get3A_542 = arith.constant 16 : index
    %get3A_543 = tpu.vector_load %arg6[%get3A_541, %get3A_542] {strides = array<i32>} : memref<20x128xi32, #tpu.memory_space<vmem>>, vector<1x16xi32>,
    %get3A_544 = vector.shape_cast %get3A_543 : vector<1x16xi32> to vector<16xi32>
    %add3A_545 = arith.addi %get3A_544, %get3A_539 : vector<16xi32>
    %swap3A_546 = arith.constant 3 : i32
    %swap3A_547 = arith.index_cast %swap3A_546 : i32 to index
    %swap3A_548 = arith.constant 16 : index
    %swap3A_549 = tpu.vector_load %arg9[%swap3A_547, %swap3A_548] {strides = array<i32>} : memref<20x128xi32, #tpu.memory_space<vmem>>, vector<1x16xi32>,
    %swap3A_550 = vector.shape_cast %swap3A_549 : vector<1x16xi32> to vector<16xi32>
    %swap3A_551 = vector.shape_cast %add3A_545 : vector<16xi32> to vector<1x16xi32>
    tpu.vector_store %arg9[%swap3A_547, %swap3A_548], %swap3A_551 {strides = array<i32>} : memref<20x128xi32, #tpu.memory_space<vmem>>, vector<1x16xi32>,
    %get3A_552 = arith.constant 1 : i32
    %get3A_553 = arith.index_cast %get3A_552 : i32 to index
    %get3A_554 = arith.constant 0 : index
    %get3A_555 = tpu.vector_load %arg7[%get3A_553, %get3A_554] {strides = array<i32>} : memref<5x16xi32, #tpu.memory_space<vmem>>, vector<1x16xi32>,
    %get3A_556 = vector.shape_cast %get3A_555 : vector<1x16xi32> to vector<16xi32>
    %get3A_557 = arith.constant 3 : i32
    %get3A_558 = arith.index_cast %get3A_557 : i32 to index
    %get3A_559 = arith.constant 32 : index
    %get3A_560 = tpu.vector_load %arg6[%get3A_558, %get3A_559] {strides = array<i32>} : memref<20x128xi32, #tpu.memory_space<vmem>>, vector<1x16xi32>,
    %get3A_561 = vector.shape_cast %get3A_560 : vector<1x16xi32> to vector<16xi32>
    %add3A_562 = arith.addi %get3A_561, %get3A_556 : vector<16xi32>
    %swap3A_563 = arith.constant 3 : i32
    %swap3A_564 = arith.index_cast %swap3A_563 : i32 to index
    %swap3A_565 = arith.constant 32 : index
    %swap3A_566 = tpu.vector_load %arg9[%swap3A_564, %swap3A_565] {strides = array<i32>} : memref<20x128xi32, #tpu.memory_space<vmem>>, vector<1x16xi32>,
    %swap3A_567 = vector.shape_cast %swap3A_566 : vector<1x16xi32> to vector<16xi32>
    %swap3A_568 = vector.shape_cast %add3A_562 : vector<16xi32> to vector<1x16xi32>
    tpu.vector_store %arg9[%swap3A_564, %swap3A_565], %swap3A_568 {strides = array<i32>} : memref<20x128xi32, #tpu.memory_space<vmem>>, vector<1x16xi32>,
    %get3A_569 = arith.constant 2 : i32
    %get3A_570 = arith.index_cast %get3A_569 : i32 to index
    %get3A_571 = arith.constant 0 : index
    %get3A_572 = tpu.vector_load %arg7[%get3A_570, %get3A_571] {strides = array<i32>} : memref<5x16xi32, #tpu.memory_space<vmem>>, vector<1x16xi32>,
    %get3A_573 = vector.shape_cast %get3A_572 : vector<1x16xi32> to vector<16xi32>
    %get3A_574 = arith.constant 3 : i32
    %get3A_575 = arith.index_cast %get3A_574 : i32 to index
    %get3A_576 = arith.constant 48 : index
    %get3A_577 = tpu.vector_load %arg6[%get3A_575, %get3A_576] {strides = array<i32>} : memref<20x128xi32, #tpu.memory_space<vmem>>, vector<1x16xi32>,
    %get3A_578 = vector.shape_cast %get3A_577 : vector<1x16xi32> to vector<16xi32>
    %add3A_579 = arith.addi %get3A_578, %get3A_573 : vector<16xi32>
    %swap3A_580 = arith.constant 3 : i32
    %swap3A_581 = arith.index_cast %swap3A_580 : i32 to index
    %swap3A_582 = arith.constant 48 : index
    %swap3A_583 = tpu.vector_load %arg9[%swap3A_581, %swap3A_582] {strides = array<i32>} : memref<20x128xi32, #tpu.memory_space<vmem>>, vector<1x16xi32>,
    %swap3A_584 = vector.shape_cast %swap3A_583 : vector<1x16xi32> to vector<16xi32>
    %swap3A_585 = vector.shape_cast %add3A_579 : vector<16xi32> to vector<1x16xi32>
    tpu.vector_store %arg9[%swap3A_581, %swap3A_582], %swap3A_585 {strides = array<i32>} : memref<20x128xi32, #tpu.memory_space<vmem>>, vector<1x16xi32>,
    %get3A_586 = arith.constant 3 : i32
    %get3A_587 = arith.index_cast %get3A_586 : i32 to index
    %get3A_588 = arith.constant 0 : index
    %get3A_589 = tpu.vector_load %arg7[%get3A_587, %get3A_588] {strides = array<i32>} : memref<5x16xi32, #tpu.memory_space<vmem>>, vector<1x16xi32>,
    %get3A_590 = vector.shape_cast %get3A_589 : vector<1x16xi32> to vector<16xi32>
    %get3A_591 = arith.constant 3 : i32
    %get3A_592 = arith.index_cast %get3A_591 : i32 to index
    %get3A_593 = arith.constant 64 : index
    %get3A_594 = tpu.vector_load %arg6[%get3A_592, %get3A_593] {strides = array<i32>} : memref<20x128xi32, #tpu.memory_space<vmem>>, vector<1x16xi32>,
    %get3A_595 = vector.shape_cast %get3A_594 : vector<1x16xi32> to vector<16xi32>
    %add3A_596 = arith.addi %get3A_595, %get3A_590 : vector<16xi32>
    %swap3A_597 = arith.constant 3 : i32
    %swap3A_598 = arith.index_cast %swap3A_597 : i32 to index
    %swap3A_599 = arith.constant 64 : index
    %swap3A_600 = tpu.vector_load %arg9[%swap3A_598, %swap3A_599] {strides = array<i32>} : memref<20x128xi32, #tpu.memory_space<vmem>>, vector<1x16xi32>,
    %swap3A_601 = vector.shape_cast %swap3A_600 : vector<1x16xi32> to vector<16xi32>
    %swap3A_602 = vector.shape_cast %add3A_596 : vector<16xi32> to vector<1x16xi32>
    tpu.vector_store %arg9[%swap3A_598, %swap3A_599], %swap3A_602 {strides = array<i32>} : memref<20x128xi32, #tpu.memory_space<vmem>>, vector<1x16xi32>,
    %get3A_603 = arith.constant 4 : i32
    %get3A_604 = arith.index_cast %get3A_603 : i32 to index
    %get3A_605 = arith.constant 0 : index
    %get3A_606 = tpu.vector_load %arg7[%get3A_604, %get3A_605] {strides = array<i32>} : memref<5x16xi32, #tpu.memory_space<vmem>>, vector<1x16xi32>,
    %get3A_607 = vector.shape_cast %get3A_606 : vector<1x16xi32> to vector<16xi32>
    %get3A_608 = arith.constant 3 : i32
    %get3A_609 = arith.index_cast %get3A_608 : i32 to index
    %get3A_610 = arith.constant 80 : index
    %get3A_611 = tpu.vector_load %arg6[%get3A_609, %get3A_610] {strides = array<i32>} : memref<20x128xi32, #tpu.memory_space<vmem>>, vector<1x16xi32>,
    %get3A_612 = vector.shape_cast %get3A_611 : vector<1x16xi32> to vector<16xi32>
    %add3A_613 = arith.addi %get3A_612, %get3A_607 : vector<16xi32>
    %swap3A_614 = arith.constant 3 : i32
    %swap3A_615 = arith.index_cast %swap3A_614 : i32 to index
    %swap3A_616 = arith.constant 80 : index
    %swap3A_617 = tpu.vector_load %arg9[%swap3A_615, %swap3A_616] {strides = array<i32>} : memref<20x128xi32, #tpu.memory_space<vmem>>, vector<1x16xi32>,
    %swap3A_618 = vector.shape_cast %swap3A_617 : vector<1x16xi32> to vector<16xi32>
    %swap3A_619 = vector.shape_cast %add3A_613 : vector<16xi32> to vector<1x16xi32>
    tpu.vector_store %arg9[%swap3A_615, %swap3A_616], %swap3A_619 {strides = array<i32>} : memref<20x128xi32, #tpu.memory_space<vmem>>, vector<1x16xi32>,
    %get3A_620 = arith.constant 0 : i32
    %get3A_621 = arith.index_cast %get3A_620 : i32 to index
    %get3A_622 = arith.constant 0 : index
    %get3A_623 = tpu.vector_load %arg7[%get3A_621, %get3A_622] {strides = array<i32>} : memref<5x16xi32, #tpu.memory_space<vmem>>, vector<1x16xi32>,
    %get3A_624 = vector.shape_cast %get3A_623 : vector<1x16xi32> to vector<16xi32>
    %get3A_625 = arith.constant 3 : i32
    %get3A_626 = arith.index_cast %get3A_625 : i32 to index
    %get3A_627 = arith.constant 96 : index
    %get3A_628 = tpu.vector_load %arg6[%get3A_626, %get3A_627] {strides = array<i32>} : memref<20x128xi32, #tpu.memory_space<vmem>>, vector<1x16xi32>,
    %get3A_629 = vector.shape_cast %get3A_628 : vector<1x16xi32> to vector<16xi32>
    %add3A_630 = arith.addi %get3A_629, %get3A_624 : vector<16xi32>
    %swap3A_631 = arith.constant 3 : i32
    %swap3A_632 = arith.index_cast %swap3A_631 : i32 to index
    %swap3A_633 = arith.constant 96 : index
    %swap3A_634 = tpu.vector_load %arg9[%swap3A_632, %swap3A_633] {strides = array<i32>} : memref<20x128xi32, #tpu.memory_space<vmem>>, vector<1x16xi32>,
    %swap3A_635 = vector.shape_cast %swap3A_634 : vector<1x16xi32> to vector<16xi32>
    %swap3A_636 = vector.shape_cast %add3A_630 : vector<16xi32> to vector<1x16xi32>
    tpu.vector_store %arg9[%swap3A_632, %swap3A_633], %swap3A_636 {strides = array<i32>} : memref<20x128xi32, #tpu.memory_space<vmem>>, vector<1x16xi32>,
    %get3A_637 = arith.constant 1 : i32
    %get3A_638 = arith.index_cast %get3A_637 : i32 to index
    %get3A_639 = arith.constant 0 : index
    %get3A_640 = tpu.vector_load %arg7[%get3A_638, %get3A_639] {strides = array<i32>} : memref<5x16xi32, #tpu.memory_space<vmem>>, vector<1x16xi32>,
    %get3A_641 = vector.shape_cast %get3A_640 : vector<1x16xi32> to vector<16xi32>
    %get3A_642 = arith.constant 3 : i32
    %get3A_643 = arith.index_cast %get3A_642 : i32 to index
    %get3A_644 = arith.constant 112 : index
    %get3A_645 = tpu.vector_load %arg6[%get3A_643, %get3A_644] {strides = array<i32>} : memref<20x128xi32, #tpu.memory_space<vmem>>, vector<1x16xi32>,
    %get3A_646 = vector.shape_cast %get3A_645 : vector<1x16xi32> to vector<16xi32>
    %add3A_647 = arith.addi %get3A_646, %get3A_641 : vector<16xi32>
    %swap3A_648 = arith.constant 3 : i32
    %swap3A_649 = arith.index_cast %swap3A_648 : i32 to index
    %swap3A_650 = arith.constant 112 : index
    %swap3A_651 = tpu.vector_load %arg9[%swap3A_649, %swap3A_650] {strides = array<i32>} : memref<20x128xi32, #tpu.memory_space<vmem>>, vector<1x16xi32>,
    %swap3A_652 = vector.shape_cast %swap3A_651 : vector<1x16xi32> to vector<16xi32>
    %swap3A_653 = vector.shape_cast %add3A_647 : vector<16xi32> to vector<1x16xi32>
    tpu.vector_store %arg9[%swap3A_649, %swap3A_650], %swap3A_653 {strides = array<i32>} : memref<20x128xi32, #tpu.memory_space<vmem>>, vector<1x16xi32>,
    %dma_start3A_654 = arith.constant 3 : i32
    %dma_start3A_655 = arith.constant 384 : i32
    %dma_start3A_656 = arith.constant 0 : i32
    %dma_start3A_657 = tpu.memref_slice %arg10[%dma_start3A_655, %dma_start3A_656] : memref<2560x32xf32, #tpu.memory_space<vmem>> -> memref<128x32xf32, #tpu.memory_space<vmem>>
    %dma_start3A_658 = arith.constant 0 : i32
    %dma_start3A_659 = tpu.memref_slice %arg9[%dma_start3A_654, %dma_start3A_658] : memref<20x128xi32, #tpu.memory_space<vmem>> -> memref<1x128xi32, #tpu.memory_space<vmem>>
    %dma_start3A_660 = tpu.memref_squeeze %dma_start3A_659 : memref<1x128xi32, #tpu.memory_space<vmem>> -> memref<128xi32, #tpu.memory_space<vmem>>
    %dma_start3A_661 = arith.constant 0 : i32
    %dma_start3A_662 = arith.constant 0 : i32
    %dma_start3A_663 = tpu.memref_slice %arg8[%dma_start3A_661, %dma_start3A_662] : memref<84x32xf32, #tpu.memory_space<vmem_shared>> -> memref<84x32xf32, #tpu.memory_space<vmem_shared>>
    tpu.enqueue_indirect_dma source(%dma_start3A_663 : memref<84x32xf32, #tpu.memory_space<vmem_shared>>) target(%dma_start3A_657 : memref<128x32xf32, #tpu.memory_space<vmem>>) offsets(%dma_start3A_660 : memref<128xi32, #tpu.memory_space<vmem>>) semaphore(%arg14 : memref<!tpu.dma_semaphore, #tpu.memory_space<semaphore_mem>>)
    %get3A_664 = arith.constant 2 : i32
    %get3A_665 = arith.index_cast %get3A_664 : i32 to index
    %get3A_666 = arith.constant 0 : index
    %get3A_667 = tpu.vector_load %arg7[%get3A_665, %get3A_666] {strides = array<i32>} : memref<5x16xi32, #tpu.memory_space<vmem>>, vector<1x16xi32>,
    %get3A_668 = vector.shape_cast %get3A_667 : vector<1x16xi32> to vector<16xi32>
    %get3A_669 = arith.constant 4 : i32
    %get3A_670 = arith.index_cast %get3A_669 : i32 to index
    %get3A_671 = arith.constant 0 : index
    %get3A_672 = tpu.vector_load %arg6[%get3A_670, %get3A_671] {strides = array<i32>} : memref<20x128xi32, #tpu.memory_space<vmem>>, vector<1x16xi32>,
    %get3A_673 = vector.shape_cast %get3A_672 : vector<1x16xi32> to vector<16xi32>
    %add3A_674 = arith.addi %get3A_673, %get3A_668 : vector<16xi32>
    %swap3A_675 = arith.constant 4 : i32
    %swap3A_676 = arith.index_cast %swap3A_675 : i32 to index
    %swap3A_677 = arith.constant 0 : index
    %swap3A_678 = tpu.vector_load %arg9[%swap3A_676, %swap3A_677] {strides = array<i32>} : memref<20x128xi32, #tpu.memory_space<vmem>>, vector<1x16xi32>,
    %swap3A_679 = vector.shape_cast %swap3A_678 : vector<1x16xi32> to vector<16xi32>
    %swap3A_680 = vector.shape_cast %add3A_674 : vector<16xi32> to vector<1x16xi32>
    tpu.vector_store %arg9[%swap3A_676, %swap3A_677], %swap3A_680 {strides = array<i32>} : memref<20x128xi32, #tpu.memory_space<vmem>>, vector<1x16xi32>,
    %get3A_681 = arith.constant 3 : i32
    %get3A_682 = arith.index_cast %get3A_681 : i32 to index
    %get3A_683 = arith.constant 0 : index
    %get3A_684 = tpu.vector_load %arg7[%get3A_682, %get3A_683] {strides = array<i32>} : memref<5x16xi32, #tpu.memory_space<vmem>>, vector<1x16xi32>,
    %get3A_685 = vector.shape_cast %get3A_684 : vector<1x16xi32> to vector<16xi32>
    %get3A_686 = arith.constant 4 : i32
    %get3A_687 = arith.index_cast %get3A_686 : i32 to index
    %get3A_688 = arith.constant 16 : index
    %get3A_689 = tpu.vector_load %arg6[%get3A_687, %get3A_688] {strides = array<i32>} : memref<20x128xi32, #tpu.memory_space<vmem>>, vector<1x16xi32>,
    %get3A_690 = vector.shape_cast %get3A_689 : vector<1x16xi32> to vector<16xi32>
    %add3A_691 = arith.addi %get3A_690, %get3A_685 : vector<16xi32>
    %swap3A_692 = arith.constant 4 : i32
    %swap3A_693 = arith.index_cast %swap3A_692 : i32 to index
    %swap3A_694 = arith.constant 16 : index
    %swap3A_695 = tpu.vector_load %arg9[%swap3A_693, %swap3A_694] {strides = array<i32>} : memref<20x128xi32, #tpu.memory_space<vmem>>, vector<1x16xi32>,
    %swap3A_696 = vector.shape_cast %swap3A_695 : vector<1x16xi32> to vector<16xi32>
    %swap3A_697 = vector.shape_cast %add3A_691 : vector<16xi32> to vector<1x16xi32>
    tpu.vector_store %arg9[%swap3A_693, %swap3A_694], %swap3A_697 {strides = array<i32>} : memref<20x128xi32, #tpu.memory_space<vmem>>, vector<1x16xi32>,
    %get3A_698 = arith.constant 4 : i32
    %get3A_699 = arith.index_cast %get3A_698 : i32 to index
    %get3A_700 = arith.constant 0 : index
    %get3A_701 = tpu.vector_load %arg7[%get3A_699, %get3A_700] {strides = array<i32>} : memref<5x16xi32, #tpu.memory_space<vmem>>, vector<1x16xi32>,
    %get3A_702 = vector.shape_cast %get3A_701 : vector<1x16xi32> to vector<16xi32>
    %get3A_703 = arith.constant 4 : i32
    %get3A_704 = arith.index_cast %get3A_703 : i32 to index
    %get3A_705 = arith.constant 32 : index
    %get3A_706 = tpu.vector_load %arg6[%get3A_704, %get3A_705] {strides = array<i32>} : memref<20x128xi32, #tpu.memory_space<vmem>>, vector<1x16xi32>,
    %get3A_707 = vector.shape_cast %get3A_706 : vector<1x16xi32> to vector<16xi32>
    %add3A_708 = arith.addi %get3A_707, %get3A_702 : vector<16xi32>
    %swap3A_709 = arith.constant 4 : i32
    %swap3A_710 = arith.index_cast %swap3A_709 : i32 to index
    %swap3A_711 = arith.constant 32 : index
    %swap3A_712 = tpu.vector_load %arg9[%swap3A_710, %swap3A_711] {strides = array<i32>} : memref<20x128xi32, #tpu.memory_space<vmem>>, vector<1x16xi32>,
    %swap3A_713 = vector.shape_cast %swap3A_712 : vector<1x16xi32> to vector<16xi32>
    %swap3A_714 = vector.shape_cast %add3A_708 : vector<16xi32> to vector<1x16xi32>
    tpu.vector_store %arg9[%swap3A_710, %swap3A_711], %swap3A_714 {strides = array<i32>} : memref<20x128xi32, #tpu.memory_space<vmem>>, vector<1x16xi32>,
    %get3A_715 = arith.constant 0 : i32
    %get3A_716 = arith.index_cast %get3A_715 : i32 to index
    %get3A_717 = arith.constant 0 : index
    %get3A_718 = tpu.vector_load %arg7[%get3A_716, %get3A_717] {strides = array<i32>} : memref<5x16xi32, #tpu.memory_space<vmem>>, vector<1x16xi32>,
    %get3A_719 = vector.shape_cast %get3A_718 : vector<1x16xi32> to vector<16xi32>
    %get3A_720 = arith.constant 4 : i32
    %get3A_721 = arith.index_cast %get3A_720 : i32 to index
    %get3A_722 = arith.constant 48 : index
    %get3A_723 = tpu.vector_load %arg6[%get3A_721, %get3A_722] {strides = array<i32>} : memref<20x128xi32, #tpu.memory_space<vmem>>, vector<1x16xi32>,
    %get3A_724 = vector.shape_cast %get3A_723 : vector<1x16xi32> to vector<16xi32>
    %add3A_725 = arith.addi %get3A_724, %get3A_719 : vector<16xi32>
    %swap3A_726 = arith.constant 4 : i32
    %swap3A_727 = arith.index_cast %swap3A_726 : i32 to index
    %swap3A_728 = arith.constant 48 : index
    %swap3A_729 = tpu.vector_load %arg9[%swap3A_727, %swap3A_728] {strides = array<i32>} : memref<20x128xi32, #tpu.memory_space<vmem>>, vector<1x16xi32>,
    %swap3A_730 = vector.shape_cast %swap3A_729 : vector<1x16xi32> to vector<16xi32>
    %swap3A_731 = vector.shape_cast %add3A_725 : vector<16xi32> to vector<1x16xi32>
    tpu.vector_store %arg9[%swap3A_727, %swap3A_728], %swap3A_731 {strides = array<i32>} : memref<20x128xi32, #tpu.memory_space<vmem>>, vector<1x16xi32>,
    %get3A_732 = arith.constant 1 : i32
    %get3A_733 = arith.index_cast %get3A_732 : i32 to index
    %get3A_734 = arith.constant 0 : index
    %get3A_735 = tpu.vector_load %arg7[%get3A_733, %get3A_734] {strides = array<i32>} : memref<5x16xi32, #tpu.memory_space<vmem>>, vector<1x16xi32>,
    %get3A_736 = vector.shape_cast %get3A_735 : vector<1x16xi32> to vector<16xi32>
    %get3A_737 = arith.constant 4 : i32
    %get3A_738 = arith.index_cast %get3A_737 : i32 to index
    %get3A_739 = arith.constant 64 : index
    %get3A_740 = tpu.vector_load %arg6[%get3A_738, %get3A_739] {strides = array<i32>} : memref<20x128xi32, #tpu.memory_space<vmem>>, vector<1x16xi32>,
    %get3A_741 = vector.shape_cast %get3A_740 : vector<1x16xi32> to vector<16xi32>
    %add3A_742 = arith.addi %get3A_741, %get3A_736 : vector<16xi32>
    %swap3A_743 = arith.constant 4 : i32
    %swap3A_744 = arith.index_cast %swap3A_743 : i32 to index
    %swap3A_745 = arith.constant 64 : index
    %swap3A_746 = tpu.vector_load %arg9[%swap3A_744, %swap3A_745] {strides = array<i32>} : memref<20x128xi32, #tpu.memory_space<vmem>>, vector<1x16xi32>,
    %swap3A_747 = vector.shape_cast %swap3A_746 : vector<1x16xi32> to vector<16xi32>
    %swap3A_748 = vector.shape_cast %add3A_742 : vector<16xi32> to vector<1x16xi32>
    tpu.vector_store %arg9[%swap3A_744, %swap3A_745], %swap3A_748 {strides = array<i32>} : memref<20x128xi32, #tpu.memory_space<vmem>>, vector<1x16xi32>,
    %get3A_749 = arith.constant 2 : i32
    %get3A_750 = arith.index_cast %get3A_749 : i32 to index
    %get3A_751 = arith.constant 0 : index
    %get3A_752 = tpu.vector_load %arg7[%get3A_750, %get3A_751] {strides = array<i32>} : memref<5x16xi32, #tpu.memory_space<vmem>>, vector<1x16xi32>,
    %get3A_753 = vector.shape_cast %get3A_752 : vector<1x16xi32> to vector<16xi32>
    %get3A_754 = arith.constant 4 : i32
    %get3A_755 = arith.index_cast %get3A_754 : i32 to index
    %get3A_756 = arith.constant 80 : index
    %get3A_757 = tpu.vector_load %arg6[%get3A_755, %get3A_756] {strides = array<i32>} : memref<20x128xi32, #tpu.memory_space<vmem>>, vector<1x16xi32>,
    %get3A_758 = vector.shape_cast %get3A_757 : vector<1x16xi32> to vector<16xi32>
    %add3A_759 = arith.addi %get3A_758, %get3A_753 : vector<16xi32>
    %swap3A_760 = arith.constant 4 : i32
    %swap3A_761 = arith.index_cast %swap3A_760 : i32 to index
    %swap3A_762 = arith.constant 80 : index
    %swap3A_763 = tpu.vector_load %arg9[%swap3A_761, %swap3A_762] {strides = array<i32>} : memref<20x128xi32, #tpu.memory_space<vmem>>, vector<1x16xi32>,
    %swap3A_764 = vector.shape_cast %swap3A_763 : vector<1x16xi32> to vector<16xi32>
    %swap3A_765 = vector.shape_cast %add3A_759 : vector<16xi32> to vector<1x16xi32>
    tpu.vector_store %arg9[%swap3A_761, %swap3A_762], %swap3A_765 {strides = array<i32>} : memref<20x128xi32, #tpu.memory_space<vmem>>, vector<1x16xi32>,
    %get3A_766 = arith.constant 3 : i32
    %get3A_767 = arith.index_cast %get3A_766 : i32 to index
    %get3A_768 = arith.constant 0 : index
    %get3A_769 = tpu.vector_load %arg7[%get3A_767, %get3A_768] {strides = array<i32>} : memref<5x16xi32, #tpu.memory_space<vmem>>, vector<1x16xi32>,
    %get3A_770 = vector.shape_cast %get3A_769 : vector<1x16xi32> to vector<16xi32>
    %get3A_771 = arith.constant 4 : i32
    %get3A_772 = arith.index_cast %get3A_771 : i32 to index
    %get3A_773 = arith.constant 96 : index
    %get3A_774 = tpu.vector_load %arg6[%get3A_772, %get3A_773] {strides = array<i32>} : memref<20x128xi32, #tpu.memory_space<vmem>>, vector<1x16xi32>,
    %get3A_775 = vector.shape_cast %get3A_774 : vector<1x16xi32> to vector<16xi32>
    %add3A_776 = arith.addi %get3A_775, %get3A_770 : vector<16xi32>
    %swap3A_777 = arith.constant 4 : i32
    %swap3A_778 = arith.index_cast %swap3A_777 : i32 to index
    %swap3A_779 = arith.constant 96 : index
    %swap3A_780 = tpu.vector_load %arg9[%swap3A_778, %swap3A_779] {strides = array<i32>} : memref<20x128xi32, #tpu.memory_space<vmem>>, vector<1x16xi32>,
    %swap3A_781 = vector.shape_cast %swap3A_780 : vector<1x16xi32> to vector<16xi32>
    %swap3A_782 = vector.shape_cast %add3A_776 : vector<16xi32> to vector<1x16xi32>
    tpu.vector_store %arg9[%swap3A_778, %swap3A_779], %swap3A_782 {strides = array<i32>} : memref<20x128xi32, #tpu.memory_space<vmem>>, vector<1x16xi32>,
    %get3A_783 = arith.constant 4 : i32
    %get3A_784 = arith.index_cast %get3A_783 : i32 to index
    %get3A_785 = arith.constant 0 : index
    %get3A_786 = tpu.vector_load %arg7[%get3A_784, %get3A_785] {strides = array<i32>} : memref<5x16xi32, #tpu.memory_space<vmem>>, vector<1x16xi32>,
    %get3A_787 = vector.shape_cast %get3A_786 : vector<1x16xi32> to vector<16xi32>
    %get3A_788 = arith.constant 4 : i32
    %get3A_789 = arith.index_cast %get3A_788 : i32 to index
    %get3A_790 = arith.constant 112 : index
    %get3A_791 = tpu.vector_load %arg6[%get3A_789, %get3A_790] {strides = array<i32>} : memref<20x128xi32, #tpu.memory_space<vmem>>, vector<1x16xi32>,
    %get3A_792 = vector.shape_cast %get3A_791 : vector<1x16xi32> to vector<16xi32>
    %add3A_793 = arith.addi %get3A_792, %get3A_787 : vector<16xi32>
    %swap3A_794 = arith.constant 4 : i32
    %swap3A_795 = arith.index_cast %swap3A_794 : i32 to index
    %swap3A_796 = arith.constant 112 : index
    %swap3A_797 = tpu.vector_load %arg9[%swap3A_795, %swap3A_796] {strides = array<i32>} : memref<20x128xi32, #tpu.memory_space<vmem>>, vector<1x16xi32>,
    %swap3A_798 = vector.shape_cast %swap3A_797 : vector<1x16xi32> to vector<16xi32>
    %swap3A_799 = vector.shape_cast %add3A_793 : vector<16xi32> to vector<1x16xi32>
    tpu.vector_store %arg9[%swap3A_795, %swap3A_796], %swap3A_799 {strides = array<i32>} : memref<20x128xi32, #tpu.memory_space<vmem>>, vector<1x16xi32>,
    %dma_wait3A = arith.constant 0 : i32
    %dma_wait3A_800 = arith.constant 0 : i32
    %dma_wait3A_801 = arith.constant 0 : i32
    %dma_wait3A_802 = tpu.memref_slice %arg10[%dma_wait3A_800, %dma_wait3A_801] : memref<2560x32xf32, #tpu.memory_space<vmem>> -> memref<128x32xf32, #tpu.memory_space<vmem>>
    %dma_wait3A_803 = arith.constant 0 : i32
    %dma_wait3A_804 = tpu.memref_slice %arg9[%dma_wait3A, %dma_wait3A_803] : memref<20x128xi32, #tpu.memory_space<vmem>> -> memref<1x128xi32, #tpu.memory_space<vmem>>
    %dma_wait3A_805 = tpu.memref_squeeze %dma_wait3A_804 : memref<1x128xi32, #tpu.memory_space<vmem>> -> memref<128xi32, #tpu.memory_space<vmem>>
    %dma_wait3A_806 = arith.constant 0 : i32
    %dma_wait3A_807 = arith.constant 0 : i32
    %dma_wait3A_808 = tpu.memref_slice %arg8[%dma_wait3A_806, %dma_wait3A_807] : memref<84x32xf32, #tpu.memory_space<vmem_shared>> -> memref<84x32xf32, #tpu.memory_space<vmem_shared>>
    tpu.wait_indirect_dma semaphore(%arg11 : memref<!tpu.dma_semaphore, #tpu.memory_space<semaphore_mem>>) src(%dma_wait3A_808 : memref<84x32xf32, #tpu.memory_space<vmem_shared>>) dst(%dma_wait3A_802 : memref<128x32xf32, #tpu.memory_space<vmem>>)
    %dma_start3A_809 = arith.constant 0 : i32
    %dma_start3A_810 = arith.constant 0 : i32
    %dma_start3A_811 = tpu.memref_slice %arg10[%dma_start3A_809, %dma_start3A_810] : memref<2560x32xf32, #tpu.memory_space<vmem>> -> memref<128x32xf32, #tpu.memory_space<vmem>>
    %dma_start3A_812 = arith.constant 0 : i32
    %dma_start3A_813 = tpu.memref_slice %arg5[%add3A_6, %dma_start3A_812] : memref<81920x32xf32, #tpu.memory_space<hbm>> -> memref<128x32xf32, #tpu.memory_space<hbm>>
    %dma_start3A_814 = arith.constant 0 : i32
    %dma_start3A_815 = tpu.memref_slice %arg5[%add3A_6, %dma_start3A_814] : memref<81920x32xf32, #tpu.memory_space<hbm>> -> memref<128x32xf32, #tpu.memory_space<hbm>>
    %dma_start3A_816 = arith.constant 0 : i32
    %dma_start3A_817 = arith.constant 0 : i32
    %dma_start3A_818 = tpu.memref_slice %arg10[%dma_start3A_816, %dma_start3A_817] : memref<2560x32xf32, #tpu.memory_space<vmem>> -> memref<128x32xf32, #tpu.memory_space<vmem>>
    tpu.enqueue_dma source(%dma_start3A_818 : memref<128x32xf32, #tpu.memory_space<vmem>>) target(%dma_start3A_815 : memref<128x32xf32, #tpu.memory_space<hbm>>) target_semaphore(%arg15 : memref<!tpu.dma_semaphore, #tpu.memory_space<semaphore_mem>>)
    %dma_start3A_819 = arith.constant 4 : i32
    %dma_start3A_820 = arith.constant 512 : i32
    %dma_start3A_821 = arith.constant 0 : i32
    %dma_start3A_822 = tpu.memref_slice %arg10[%dma_start3A_820, %dma_start3A_821] : memref<2560x32xf32, #tpu.memory_space<vmem>> -> memref<128x32xf32, #tpu.memory_space<vmem>>
    %dma_start3A_823 = arith.constant 0 : i32
    %dma_start3A_824 = tpu.memref_slice %arg9[%dma_start3A_819, %dma_start3A_823] : memref<20x128xi32, #tpu.memory_space<vmem>> -> memref<1x128xi32, #tpu.memory_space<vmem>>
    %dma_start3A_825 = tpu.memref_squeeze %dma_start3A_824 : memref<1x128xi32, #tpu.memory_space<vmem>> -> memref<128xi32, #tpu.memory_space<vmem>>
    %dma_start3A_826 = arith.constant 0 : i32
    %dma_start3A_827 = arith.constant 0 : i32
    %dma_start3A_828 = tpu.memref_slice %arg8[%dma_start3A_826, %dma_start3A_827] : memref<84x32xf32, #tpu.memory_space<vmem_shared>> -> memref<84x32xf32, #tpu.memory_space<vmem_shared>>
    tpu.enqueue_indirect_dma source(%dma_start3A_828 : memref<84x32xf32, #tpu.memory_space<vmem_shared>>) target(%dma_start3A_822 : memref<128x32xf32, #tpu.memory_space<vmem>>) offsets(%dma_start3A_825 : memref<128xi32, #tpu.memory_space<vmem>>) semaphore(%arg11 : memref<!tpu.dma_semaphore, #tpu.memory_space<semaphore_mem>>)
    %get3A_829 = arith.constant 0 : i32
    %get3A_830 = arith.index_cast %get3A_829 : i32 to index
    %get3A_831 = arith.constant 0 : index
    %get3A_832 = tpu.vector_load %arg7[%get3A_830, %get3A_831] {strides = array<i32>} : memref<5x16xi32, #tpu.memory_space<vmem>>, vector<1x16xi32>,
    %get3A_833 = vector.shape_cast %get3A_832 : vector<1x16xi32> to vector<16xi32>
    %get3A_834 = arith.constant 5 : i32
    %get3A_835 = arith.index_cast %get3A_834 : i32 to index
    %get3A_836 = arith.constant 0 : index
    %get3A_837 = tpu.vector_load %arg6[%get3A_835, %get3A_836] {strides = array<i32>} : memref<20x128xi32, #tpu.memory_space<vmem>>, vector<1x16xi32>,
    %get3A_838 = vector.shape_cast %get3A_837 : vector<1x16xi32> to vector<16xi32>
    %add3A_839 = arith.addi %get3A_838, %get3A_833 : vector<16xi32>
    %swap3A_840 = arith.constant 5 : i32
    %swap3A_841 = arith.index_cast %swap3A_840 : i32 to index
    %swap3A_842 = arith.constant 0 : index
    %swap3A_843 = tpu.vector_load %arg9[%swap3A_841, %swap3A_842] {strides = array<i32>} : memref<20x128xi32, #tpu.memory_space<vmem>>, vector<1x16xi32>,
    %swap3A_844 = vector.shape_cast %swap3A_843 : vector<1x16xi32> to vector<16xi32>
    %swap3A_845 = vector.shape_cast %add3A_839 : vector<16xi32> to vector<1x16xi32>
    tpu.vector_store %arg9[%swap3A_841, %swap3A_842], %swap3A_845 {strides = array<i32>} : memref<20x128xi32, #tpu.memory_space<vmem>>, vector<1x16xi32>,
    %get3A_846 = arith.constant 1 : i32
    %get3A_847 = arith.index_cast %get3A_846 : i32 to index
    %get3A_848 = arith.constant 0 : index
    %get3A_849 = tpu.vector_load %arg7[%get3A_847, %get3A_848] {strides = array<i32>} : memref<5x16xi32, #tpu.memory_space<vmem>>, vector<1x16xi32>,
    %get3A_850 = vector.shape_cast %get3A_849 : vector<1x16xi32> to vector<16xi32>
    %get3A_851 = arith.constant 5 : i32
    %get3A_852 = arith.index_cast %get3A_851 : i32 to index
    %get3A_853 = arith.constant 16 : index
    %get3A_854 = tpu.vector_load %arg6[%get3A_852, %get3A_853] {strides = array<i32>} : memref<20x128xi32, #tpu.memory_space<vmem>>, vector<1x16xi32>,
    %get3A_855 = vector.shape_cast %get3A_854 : vector<1x16xi32> to vector<16xi32>
    %add3A_856 = arith.addi %get3A_855, %get3A_850 : vector<16xi32>
    %swap3A_857 = arith.constant 5 : i32
    %swap3A_858 = arith.index_cast %swap3A_857 : i32 to index
    %swap3A_859 = arith.constant 16 : index
    %swap3A_860 = tpu.vector_load %arg9[%swap3A_858, %swap3A_859] {strides = array<i32>} : memref<20x128xi32, #tpu.memory_space<vmem>>, vector<1x16xi32>,
    %swap3A_861 = vector.shape_cast %swap3A_860 : vector<1x16xi32> to vector<16xi32>
    %swap3A_862 = vector.shape_cast %add3A_856 : vector<16xi32> to vector<1x16xi32>
    tpu.vector_store %arg9[%swap3A_858, %swap3A_859], %swap3A_862 {strides = array<i32>} : memref<20x128xi32, #tpu.memory_space<vmem>>, vector<1x16xi32>,
    %get3A_863 = arith.constant 2 : i32
    %get3A_864 = arith.index_cast %get3A_863 : i32 to index
    %get3A_865 = arith.constant 0 : index
    %get3A_866 = tpu.vector_load %arg7[%get3A_864, %get3A_865] {strides = array<i32>} : memref<5x16xi32, #tpu.memory_space<vmem>>, vector<1x16xi32>,
    %get3A_867 = vector.shape_cast %get3A_866 : vector<1x16xi32> to vector<16xi32>
    %get3A_868 = arith.constant 5 : i32
    %get3A_869 = arith.index_cast %get3A_868 : i32 to index
    %get3A_870 = arith.constant 32 : index
    %get3A_871 = tpu.vector_load %arg6[%get3A_869, %get3A_870] {strides = array<i32>} : memref<20x128xi32, #tpu.memory_space<vmem>>, vector<1x16xi32>,
    %get3A_872 = vector.shape_cast %get3A_871 : vector<1x16xi32> to vector<16xi32>
    %add3A_873 = arith.addi %get3A_872, %get3A_867 : vector<16xi32>
    %swap3A_874 = arith.constant 5 : i32
    %swap3A_875 = arith.index_cast %swap3A_874 : i32 to index
    %swap3A_876 = arith.constant 32 : index
    %swap3A_877 = tpu.vector_load %arg9[%swap3A_875, %swap3A_876] {strides = array<i32>} : memref<20x128xi32, #tpu.memory_space<vmem>>, vector<1x16xi32>,
    %swap3A_878 = vector.shape_cast %swap3A_877 : vector<1x16xi32> to vector<16xi32>
    %swap3A_879 = vector.shape_cast %add3A_873 : vector<16xi32> to vector<1x16xi32>
    tpu.vector_store %arg9[%swap3A_875, %swap3A_876], %swap3A_879 {strides = array<i32>} : memref<20x128xi32, #tpu.memory_space<vmem>>, vector<1x16xi32>,
    %get3A_880 = arith.constant 3 : i32
    %get3A_881 = arith.index_cast %get3A_880 : i32 to index
    %get3A_882 = arith.constant 0 : index
    %get3A_883 = tpu.vector_load %arg7[%get3A_881, %get3A_882] {strides = array<i32>} : memref<5x16xi32, #tpu.memory_space<vmem>>, vector<1x16xi32>,
    %get3A_884 = vector.shape_cast %get3A_883 : vector<1x16xi32> to vector<16xi32>
    %get3A_885 = arith.constant 5 : i32
    %get3A_886 = arith.index_cast %get3A_885 : i32 to index
    %get3A_887 = arith.constant 48 : index
    %get3A_888 = tpu.vector_load %arg6[%get3A_886, %get3A_887] {strides = array<i32>} : memref<20x128xi32, #tpu.memory_space<vmem>>, vector<1x16xi32>,
    %get3A_889 = vector.shape_cast %get3A_888 : vector<1x16xi32> to vector<16xi32>
    %add3A_890 = arith.addi %get3A_889, %get3A_884 : vector<16xi32>
    %swap3A_891 = arith.constant 5 : i32
    %swap3A_892 = arith.index_cast %swap3A_891 : i32 to index
    %swap3A_893 = arith.constant 48 : index
    %swap3A_894 = tpu.vector_load %arg9[%swap3A_892, %swap3A_893] {strides = array<i32>} : memref<20x128xi32, #tpu.memory_space<vmem>>, vector<1x16xi32>,
    %swap3A_895 = vector.shape_cast %swap3A_894 : vector<1x16xi32> to vector<16xi32>
    %swap3A_896 = vector.shape_cast %add3A_890 : vector<16xi32> to vector<1x16xi32>
    tpu.vector_store %arg9[%swap3A_892, %swap3A_893], %swap3A_896 {strides = array<i32>} : memref<20x128xi32, #tpu.memory_space<vmem>>, vector<1x16xi32>,
    %get3A_897 = arith.constant 4 : i32
    %get3A_898 = arith.index_cast %get3A_897 : i32 to index
    %get3A_899 = arith.constant 0 : index
    %get3A_900 = tpu.vector_load %arg7[%get3A_898, %get3A_899] {strides = array<i32>} : memref<5x16xi32, #tpu.memory_space<vmem>>, vector<1x16xi32>,
    %get3A_901 = vector.shape_cast %get3A_900 : vector<1x16xi32> to vector<16xi32>
    %get3A_902 = arith.constant 5 : i32
    %get3A_903 = arith.index_cast %get3A_902 : i32 to index
    %get3A_904 = arith.constant 64 : index
    %get3A_905 = tpu.vector_load %arg6[%get3A_903, %get3A_904] {strides = array<i32>} : memref<20x128xi32, #tpu.memory_space<vmem>>, vector<1x16xi32>,
    %get3A_906 = vector.shape_cast %get3A_905 : vector<1x16xi32> to vector<16xi32>
    %add3A_907 = arith.addi %get3A_906, %get3A_901 : vector<16xi32>
    %swap3A_908 = arith.constant 5 : i32
    %swap3A_909 = arith.index_cast %swap3A_908 : i32 to index
    %swap3A_910 = arith.constant 64 : index
    %swap3A_911 = tpu.vector_load %arg9[%swap3A_909, %swap3A_910] {strides = array<i32>} : memref<20x128xi32, #tpu.memory_space<vmem>>, vector<1x16xi32>,
    %swap3A_912 = vector.shape_cast %swap3A_911 : vector<1x16xi32> to vector<16xi32>
    %swap3A_913 = vector.shape_cast %add3A_907 : vector<16xi32> to vector<1x16xi32>
    tpu.vector_store %arg9[%swap3A_909, %swap3A_910], %swap3A_913 {strides = array<i32>} : memref<20x128xi32, #tpu.memory_space<vmem>>, vector<1x16xi32>,
    %get3A_914 = arith.constant 0 : i32
    %get3A_915 = arith.index_cast %get3A_914 : i32 to index
    %get3A_916 = arith.constant 0 : index
    %get3A_917 = tpu.vector_load %arg7[%get3A_915, %get3A_916] {strides = array<i32>} : memref<5x16xi32, #tpu.memory_space<vmem>>, vector<1x16xi32>,
    %get3A_918 = vector.shape_cast %get3A_917 : vector<1x16xi32> to vector<16xi32>
    %get3A_919 = arith.constant 5 : i32
    %get3A_920 = arith.index_cast %get3A_919 : i32 to index
    %get3A_921 = arith.constant 80 : index
    %get3A_922 = tpu.vector_load %arg6[%get3A_920, %get3A_921] {strides = array<i32>} : memref<20x128xi32, #tpu.memory_space<vmem>>, vector<1x16xi32>,
    %get3A_923 = vector.shape_cast %get3A_922 : vector<1x16xi32> to vector<16xi32>
    %add3A_924 = arith.addi %get3A_923, %get3A_918 : vector<16xi32>
    %swap3A_925 = arith.constant 5 : i32
    %swap3A_926 = arith.index_cast %swap3A_925 : i32 to index
    %swap3A_927 = arith.constant 80 : index
    %swap3A_928 = tpu.vector_load %arg9[%swap3A_926, %swap3A_927] {strides = array<i32>} : memref<20x128xi32, #tpu.memory_space<vmem>>, vector<1x16xi32>,
    %swap3A_929 = vector.shape_cast %swap3A_928 : vector<1x16xi32> to vector<16xi32>
    %swap3A_930 = vector.shape_cast %add3A_924 : vector<16xi32> to vector<1x16xi32>
    tpu.vector_store %arg9[%swap3A_926, %swap3A_927], %swap3A_930 {strides = array<i32>} : memref<20x128xi32, #tpu.memory_space<vmem>>, vector<1x16xi32>,
    %get3A_931 = arith.constant 1 : i32
    %get3A_932 = arith.index_cast %get3A_931 : i32 to index
    %get3A_933 = arith.constant 0 : index
    %get3A_934 = tpu.vector_load %arg7[%get3A_932, %get3A_933] {strides = array<i32>} : memref<5x16xi32, #tpu.memory_space<vmem>>, vector<1x16xi32>,
    %get3A_935 = vector.shape_cast %get3A_934 : vector<1x16xi32> to vector<16xi32>
    %get3A_936 = arith.constant 5 : i32
    %get3A_937 = arith.index_cast %get3A_936 : i32 to index
    %get3A_938 = arith.constant 96 : index
    %get3A_939 = tpu.vector_load %arg6[%get3A_937, %get3A_938] {strides = array<i32>} : memref<20x128xi32, #tpu.memory_space<vmem>>, vector<1x16xi32>,
    %get3A_940 = vector.shape_cast %get3A_939 : vector<1x16xi32> to vector<16xi32>
    %add3A_941 = arith.addi %get3A_940, %get3A_935 : vector<16xi32>
    %swap3A_942 = arith.constant 5 : i32
    %swap3A_943 = arith.index_cast %swap3A_942 : i32 to index
    %swap3A_944 = arith.constant 96 : index
    %swap3A_945 = tpu.vector_load %arg9[%swap3A_943, %swap3A_944] {strides = array<i32>} : memref<20x128xi32, #tpu.memory_space<vmem>>, vector<1x16xi32>,
    %swap3A_946 = vector.shape_cast %swap3A_945 : vector<1x16xi32> to vector<16xi32>
    %swap3A_947 = vector.shape_cast %add3A_941 : vector<16xi32> to vector<1x16xi32>
    tpu.vector_store %arg9[%swap3A_943, %swap3A_944], %swap3A_947 {strides = array<i32>} : memref<20x128xi32, #tpu.memory_space<vmem>>, vector<1x16xi32>,
    %get3A_948 = arith.constant 2 : i32
    %get3A_949 = arith.index_cast %get3A_948 : i32 to index
    %get3A_950 = arith.constant 0 : index
    %get3A_951 = tpu.vector_load %arg7[%get3A_949, %get3A_950] {strides = array<i32>} : memref<5x16xi32, #tpu.memory_space<vmem>>, vector<1x16xi32>,
    %get3A_952 = vector.shape_cast %get3A_951 : vector<1x16xi32> to vector<16xi32>
    %get3A_953 = arith.constant 5 : i32
    %get3A_954 = arith.index_cast %get3A_953 : i32 to index
    %get3A_955 = arith.constant 112 : index
    %get3A_956 = tpu.vector_load %arg6[%get3A_954, %get3A_955] {strides = array<i32>} : memref<20x128xi32, #tpu.memory_space<vmem>>, vector<1x16xi32>,
    %get3A_957 = vector.shape_cast %get3A_956 : vector<1x16xi32> to vector<16xi32>
    %add3A_958 = arith.addi %get3A_957, %get3A_952 : vector<16xi32>
    %swap3A_959 = arith.constant 5 : i32
    %swap3A_960 = arith.index_cast %swap3A_959 : i32 to index
    %swap3A_961 = arith.constant 112 : index
    %swap3A_962 = tpu.vector_load %arg9[%swap3A_960, %swap3A_961] {strides = array<i32>} : memref<20x128xi32, #tpu.memory_space<vmem>>, vector<1x16xi32>,
    %swap3A_963 = vector.shape_cast %swap3A_962 : vector<1x16xi32> to vector<16xi32>
    %swap3A_964 = vector.shape_cast %add3A_958 : vector<16xi32> to vector<1x16xi32>
    tpu.vector_store %arg9[%swap3A_960, %swap3A_961], %swap3A_964 {strides = array<i32>} : memref<20x128xi32, #tpu.memory_space<vmem>>, vector<1x16xi32>,
    %dma_wait3A_965 = arith.constant 1 : i32
    %dma_wait3A_966 = arith.constant 128 : i32
    %dma_wait3A_967 = arith.constant 0 : i32
    %dma_wait3A_968 = tpu.memref_slice %arg10[%dma_wait3A_966, %dma_wait3A_967] : memref<2560x32xf32, #tpu.memory_space<vmem>> -> memref<128x32xf32, #tpu.memory_space<vmem>>
    %dma_wait3A_969 = arith.constant 0 : i32
    %dma_wait3A_970 = tpu.memref_slice %arg9[%dma_wait3A_965, %dma_wait3A_969] : memref<20x128xi32, #tpu.memory_space<vmem>> -> memref<1x128xi32, #tpu.memory_space<vmem>>
    %dma_wait3A_971 = tpu.memref_squeeze %dma_wait3A_970 : memref<1x128xi32, #tpu.memory_space<vmem>> -> memref<128xi32, #tpu.memory_space<vmem>>
    %dma_wait3A_972 = arith.constant 0 : i32
    %dma_wait3A_973 = arith.constant 0 : i32
    %dma_wait3A_974 = tpu.memref_slice %arg8[%dma_wait3A_972, %dma_wait3A_973] : memref<84x32xf32, #tpu.memory_space<vmem_shared>> -> memref<84x32xf32, #tpu.memory_space<vmem_shared>>
    tpu.wait_indirect_dma semaphore(%arg12 : memref<!tpu.dma_semaphore, #tpu.memory_space<semaphore_mem>>) src(%dma_wait3A_974 : memref<84x32xf32, #tpu.memory_space<vmem_shared>>) dst(%dma_wait3A_968 : memref<128x32xf32, #tpu.memory_space<vmem>>)
    %dma_start3A_975 = arith.constant 128 : i32
    %dma_start3A_976 = arith.constant 0 : i32
    %dma_start3A_977 = tpu.memref_slice %arg10[%dma_start3A_975, %dma_start3A_976] : memref<2560x32xf32, #tpu.memory_space<vmem>> -> memref<128x32xf32, #tpu.memory_space<vmem>>
    %dma_start3A_978 = arith.constant 0 : i32
    %dma_start3A_979 = tpu.memref_slice %arg5[%add3A_10, %dma_start3A_978] : memref<81920x32xf32, #tpu.memory_space<hbm>> -> memref<128x32xf32, #tpu.memory_space<hbm>>
    %dma_start3A_980 = arith.constant 0 : i32
    %dma_start3A_981 = tpu.memref_slice %arg5[%add3A_10, %dma_start3A_980] : memref<81920x32xf32, #tpu.memory_space<hbm>> -> memref<128x32xf32, #tpu.memory_space<hbm>>
    %dma_start3A_982 = arith.constant 128 : i32
    %dma_start3A_983 = arith.constant 0 : i32
    %dma_start3A_984 = tpu.memref_slice %arg10[%dma_start3A_982, %dma_start3A_983] : memref<2560x32xf32, #tpu.memory_space<vmem>> -> memref<128x32xf32, #tpu.memory_space<vmem>>
    tpu.enqueue_dma source(%dma_start3A_984 : memref<128x32xf32, #tpu.memory_space<vmem>>) target(%dma_start3A_981 : memref<128x32xf32, #tpu.memory_space<hbm>>) target_semaphore(%arg15 : memref<!tpu.dma_semaphore, #tpu.memory_space<semaphore_mem>>)
    %dma_start3A_985 = arith.constant 5 : i32
    %dma_start3A_986 = arith.constant 640 : i32
    %dma_start3A_987 = arith.constant 0 : i32
    %dma_start3A_988 = tpu.memref_slice %arg10[%dma_start3A_986, %dma_start3A_987] : memref<2560x32xf32, #tpu.memory_space<vmem>> -> memref<128x32xf32, #tpu.memory_space<vmem>>
    %dma_start3A_989 = arith.constant 0 : i32
    %dma_start3A_990 = tpu.memref_slice %arg9[%dma_start3A_985, %dma_start3A_989] : memref<20x128xi32, #tpu.memory_space<vmem>> -> memref<1x128xi32, #tpu.memory_space<vmem>>
    %dma_start3A_991 = tpu.memref_squeeze %dma_start3A_990 : memref<1x128xi32, #tpu.memory_space<vmem>> -> memref<128xi32, #tpu.memory_space<vmem>>
    %dma_start3A_992 = arith.constant 0 : i32
    %dma_start3A_993 = arith.constant 0 : i32
    %dma_start3A_994 = tpu.memref_slice %arg8[%dma_start3A_992, %dma_start3A_993] : memref<84x32xf32, #tpu.memory_space<vmem_shared>> -> memref<84x32xf32, #tpu.memory_space<vmem_shared>>
    tpu.enqueue_indirect_dma source(%dma_start3A_994 : memref<84x32xf32, #tpu.memory_space<vmem_shared>>) target(%dma_start3A_988 : memref<128x32xf32, #tpu.memory_space<vmem>>) offsets(%dma_start3A_991 : memref<128xi32, #tpu.memory_space<vmem>>) semaphore(%arg12 : memref<!tpu.dma_semaphore, #tpu.memory_space<semaphore_mem>>)
    %get3A_995 = arith.constant 3 : i32
    %get3A_996 = arith.index_cast %get3A_995 : i32 to index
    %get3A_997 = arith.constant 0 : index
    %get3A_998 = tpu.vector_load %arg7[%get3A_996, %get3A_997] {strides = array<i32>} : memref<5x16xi32, #tpu.memory_space<vmem>>, vector<1x16xi32>,
    %get3A_999 = vector.shape_cast %get3A_998 : vector<1x16xi32> to vector<16xi32>
    %get3A_1000 = arith.constant 6 : i32
    %get3A_1001 = arith.index_cast %get3A_1000 : i32 to index
    %get3A_1002 = arith.constant 0 : index
    %get3A_1003 = tpu.vector_load %arg6[%get3A_1001, %get3A_1002] {strides = array<i32>} : memref<20x128xi32, #tpu.memory_space<vmem>>, vector<1x16xi32>,
    %get3A_1004 = vector.shape_cast %get3A_1003 : vector<1x16xi32> to vector<16xi32>
    %add3A_1005 = arith.addi %get3A_1004, %get3A_999 : vector<16xi32>
    %swap3A_1006 = arith.constant 6 : i32
    %swap3A_1007 = arith.index_cast %swap3A_1006 : i32 to index
    %swap3A_1008 = arith.constant 0 : index
    %swap3A_1009 = tpu.vector_load %arg9[%swap3A_1007, %swap3A_1008] {strides = array<i32>} : memref<20x128xi32, #tpu.memory_space<vmem>>, vector<1x16xi32>,
    %swap3A_1010 = vector.shape_cast %swap3A_1009 : vector<1x16xi32> to vector<16xi32>
    %swap3A_1011 = vector.shape_cast %add3A_1005 : vector<16xi32> to vector<1x16xi32>
    tpu.vector_store %arg9[%swap3A_1007, %swap3A_1008], %swap3A_1011 {strides = array<i32>} : memref<20x128xi32, #tpu.memory_space<vmem>>, vector<1x16xi32>,
    %get3A_1012 = arith.constant 4 : i32
    %get3A_1013 = arith.index_cast %get3A_1012 : i32 to index
    %get3A_1014 = arith.constant 0 : index
    %get3A_1015 = tpu.vector_load %arg7[%get3A_1013, %get3A_1014] {strides = array<i32>} : memref<5x16xi32, #tpu.memory_space<vmem>>, vector<1x16xi32>,
    %get3A_1016 = vector.shape_cast %get3A_1015 : vector<1x16xi32> to vector<16xi32>
    %get3A_1017 = arith.constant 6 : i32
    %get3A_1018 = arith.index_cast %get3A_1017 : i32 to index
    %get3A_1019 = arith.constant 16 : index
    %get3A_1020 = tpu.vector_load %arg6[%get3A_1018, %get3A_1019] {strides = array<i32>} : memref<20x128xi32, #tpu.memory_space<vmem>>, vector<1x16xi32>,
    %get3A_1021 = vector.shape_cast %get3A_1020 : vector<1x16xi32> to vector<16xi32>
    %add3A_1022 = arith.addi %get3A_1021, %get3A_1016 : vector<16xi32>
    %swap3A_1023 = arith.constant 6 : i32
    %swap3A_1024 = arith.index_cast %swap3A_1023 : i32 to index
    %swap3A_1025 = arith.constant 16 : index
    %swap3A_1026 = tpu.vector_load %arg9[%swap3A_1024, %swap3A_1025] {strides = array<i32>} : memref<20x128xi32, #tpu.memory_space<vmem>>, vector<1x16xi32>,
    %swap3A_1027 = vector.shape_cast %swap3A_1026 : vector<1x16xi32> to vector<16xi32>
    %swap3A_1028 = vector.shape_cast %add3A_1022 : vector<16xi32> to vector<1x16xi32>
    tpu.vector_store %arg9[%swap3A_1024, %swap3A_1025], %swap3A_1028 {strides = array<i32>} : memref<20x128xi32, #tpu.memory_space<vmem>>, vector<1x16xi32>,
    %get3A_1029 = arith.constant 0 : i32
    %get3A_1030 = arith.index_cast %get3A_1029 : i32 to index
    %get3A_1031 = arith.constant 0 : index
    %get3A_1032 = tpu.vector_load %arg7[%get3A_1030, %get3A_1031] {strides = array<i32>} : memref<5x16xi32, #tpu.memory_space<vmem>>, vector<1x16xi32>,
    %get3A_1033 = vector.shape_cast %get3A_1032 : vector<1x16xi32> to vector<16xi32>
    %get3A_1034 = arith.constant 6 : i32
    %get3A_1035 = arith.index_cast %get3A_1034 : i32 to index
    %get3A_1036 = arith.constant 32 : index
    %get3A_1037 = tpu.vector_load %arg6[%get3A_1035, %get3A_1036] {strides = array<i32>} : memref<20x128xi32, #tpu.memory_space<vmem>>, vector<1x16xi32>,
    %get3A_1038 = vector.shape_cast %get3A_1037 : vector<1x16xi32> to vector<16xi32>
    %add3A_1039 = arith.addi %get3A_1038, %get3A_1033 : vector<16xi32>
    %swap3A_1040 = arith.constant 6 : i32
    %swap3A_1041 = arith.index_cast %swap3A_1040 : i32 to index
    %swap3A_1042 = arith.constant 32 : index
    %swap3A_1043 = tpu.vector_load %arg9[%swap3A_1041, %swap3A_1042] {strides = array<i32>} : memref<20x128xi32, #tpu.memory_space<vmem>>, vector<1x16xi32>,
    %swap3A_1044 = vector.shape_cast %swap3A_1043 : vector<1x16xi32> to vector<16xi32>
    %swap3A_1045 = vector.shape_cast %add3A_1039 : vector<16xi32> to vector<1x16xi32>
    tpu.vector_store %arg9[%swap3A_1041, %swap3A_1042], %swap3A_1045 {strides = array<i32>} : memref<20x128xi32, #tpu.memory_space<vmem>>, vector<1x16xi32>,
    %get3A_1046 = arith.constant 1 : i32
    %get3A_1047 = arith.index_cast %get3A_1046 : i32 to index
    %get3A_1048 = arith.constant 0 : index
    %get3A_1049 = tpu.vector_load %arg7[%get3A_1047, %get3A_1048] {strides = array<i32>} : memref<5x16xi32, #tpu.memory_space<vmem>>, vector<1x16xi32>,
    %get3A_1050 = vector.shape_cast %get3A_1049 : vector<1x16xi32> to vector<16xi32>
    %get3A_1051 = arith.constant 6 : i32
    %get3A_1052 = arith.index_cast %get3A_1051 : i32 to index
    %get3A_1053 = arith.constant 48 : index
    %get3A_1054 = tpu.vector_load %arg6[%get3A_1052, %get3A_1053] {strides = array<i32>} : memref<20x128xi32, #tpu.memory_space<vmem>>, vector<1x16xi32>,
    %get3A_1055 = vector.shape_cast %get3A_1054 : vector<1x16xi32> to vector<16xi32>
    %add3A_1056 = arith.addi %get3A_1055, %get3A_1050 : vector<16xi32>
    %swap3A_1057 = arith.constant 6 : i32
    %swap3A_1058 = arith.index_cast %swap3A_1057 : i32 to index
    %swap3A_1059 = arith.constant 48 : index
    %swap3A_1060 = tpu.vector_load %arg9[%swap3A_1058, %swap3A_1059] {strides = array<i32>} : memref<20x128xi32, #tpu.memory_space<vmem>>, vector<1x16xi32>,
    %swap3A_1061 = vector.shape_cast %swap3A_1060 : vector<1x16xi32> to vector<16xi32>
    %swap3A_1062 = vector.shape_cast %add3A_1056 : vector<16xi32> to vector<1x16xi32>
    tpu.vector_store %arg9[%swap3A_1058, %swap3A_1059], %swap3A_1062 {strides = array<i32>} : memref<20x128xi32, #tpu.memory_space<vmem>>, vector<1x16xi32>,
    %get3A_1063 = arith.constant 2 : i32
    %get3A_1064 = arith.index_cast %get3A_1063 : i32 to index
    %get3A_1065 = arith.constant 0 : index
    %get3A_1066 = tpu.vector_load %arg7[%get3A_1064, %get3A_1065] {strides = array<i32>} : memref<5x16xi32, #tpu.memory_space<vmem>>, vector<1x16xi32>,
    %get3A_1067 = vector.shape_cast %get3A_1066 : vector<1x16xi32> to vector<16xi32>
    %get3A_1068 = arith.constant 6 : i32
    %get3A_1069 = arith.index_cast %get3A_1068 : i32 to index
    %get3A_1070 = arith.constant 64 : index
    %get3A_1071 = tpu.vector_load %arg6[%get3A_1069, %get3A_1070] {strides = array<i32>} : memref<20x128xi32, #tpu.memory_space<vmem>>, vector<1x16xi32>,
    %get3A_1072 = vector.shape_cast %get3A_1071 : vector<1x16xi32> to vector<16xi32>
    %add3A_1073 = arith.addi %get3A_1072, %get3A_1067 : vector<16xi32>
    %swap3A_1074 = arith.constant 6 : i32
    %swap3A_1075 = arith.index_cast %swap3A_1074 : i32 to index
    %swap3A_1076 = arith.constant 64 : index
    %swap3A_1077 = tpu.vector_load %arg9[%swap3A_1075, %swap3A_1076] {strides = array<i32>} : memref<20x128xi32, #tpu.memory_space<vmem>>, vector<1x16xi32>,
    %swap3A_1078 = vector.shape_cast %swap3A_1077 : vector<1x16xi32> to vector<16xi32>
    %swap3A_1079 = vector.shape_cast %add3A_1073 : vector<16xi32> to vector<1x16xi32>
    tpu.vector_store %arg9[%swap3A_1075, %swap3A_1076], %swap3A_1079 {strides = array<i32>} : memref<20x128xi32, #tpu.memory_space<vmem>>, vector<1x16xi32>,
    %get3A_1080 = arith.constant 3 : i32
    %get3A_1081 = arith.index_cast %get3A_1080 : i32 to index
    %get3A_1082 = arith.constant 0 : index
    %get3A_1083 = tpu.vector_load %arg7[%get3A_1081, %get3A_1082] {strides = array<i32>} : memref<5x16xi32, #tpu.memory_space<vmem>>, vector<1x16xi32>,
    %get3A_1084 = vector.shape_cast %get3A_1083 : vector<1x16xi32> to vector<16xi32>
    %get3A_1085 = arith.constant 6 : i32
    %get3A_1086 = arith.index_cast %get3A_1085 : i32 to index
    %get3A_1087 = arith.constant 80 : index
    %get3A_1088 = tpu.vector_load %arg6[%get3A_1086, %get3A_1087] {strides = array<i32>} : memref<20x128xi32, #tpu.memory_space<vmem>>, vector<1x16xi32>,
    %get3A_1089 = vector.shape_cast %get3A_1088 : vector<1x16xi32> to vector<16xi32>
    %add3A_1090 = arith.addi %get3A_1089, %get3A_1084 : vector<16xi32>
    %swap3A_1091 = arith.constant 6 : i32
    %swap3A_1092 = arith.index_cast %swap3A_1091 : i32 to index
    %swap3A_1093 = arith.constant 80 : index
    %swap3A_1094 = tpu.vector_load %arg9[%swap3A_1092, %swap3A_1093] {strides = array<i32>} : memref<20x128xi32, #tpu.memory_space<vmem>>, vector<1x16xi32>,
    %swap3A_1095 = vector.shape_cast %swap3A_1094 : vector<1x16xi32> to vector<16xi32>
    %swap3A_1096 = vector.shape_cast %add3A_1090 : vector<16xi32> to vector<1x16xi32>
    tpu.vector_store %arg9[%swap3A_1092, %swap3A_1093], %swap3A_1096 {strides = array<i32>} : memref<20x128xi32, #tpu.memory_space<vmem>>, vector<1x16xi32>,
    %get3A_1097 = arith.constant 4 : i32
    %get3A_1098 = arith.index_cast %get3A_1097 : i32 to index
    %get3A_1099 = arith.constant 0 : index
    %get3A_1100 = tpu.vector_load %arg7[%get3A_1098, %get3A_1099] {strides = array<i32>} : memref<5x16xi32, #tpu.memory_space<vmem>>, vector<1x16xi32>,
    %get3A_1101 = vector.shape_cast %get3A_1100 : vector<1x16xi32> to vector<16xi32>
    %get3A_1102 = arith.constant 6 : i32
    %get3A_1103 = arith.index_cast %get3A_1102 : i32 to index
    %get3A_1104 = arith.constant 96 : index
    %get3A_1105 = tpu.vector_load %arg6[%get3A_1103, %get3A_1104] {strides = array<i32>} : memref<20x128xi32, #tpu.memory_space<vmem>>, vector<1x16xi32>,
    %get3A_1106 = vector.shape_cast %get3A_1105 : vector<1x16xi32> to vector<16xi32>
    %add3A_1107 = arith.addi %get3A_1106, %get3A_1101 : vector<16xi32>
    %swap3A_1108 = arith.constant 6 : i32
    %swap3A_1109 = arith.index_cast %swap3A_1108 : i32 to index
    %swap3A_1110 = arith.constant 96 : index
    %swap3A_1111 = tpu.vector_load %arg9[%swap3A_1109, %swap3A_1110] {strides = array<i32>} : memref<20x128xi32, #tpu.memory_space<vmem>>, vector<1x16xi32>,
    %swap3A_1112 = vector.shape_cast %swap3A_1111 : vector<1x16xi32> to vector<16xi32>
    %swap3A_1113 = vector.shape_cast %add3A_1107 : vector<16xi32> to vector<1x16xi32>
    tpu.vector_store %arg9[%swap3A_1109, %swap3A_1110], %swap3A_1113 {strides = array<i32>} : memref<20x128xi32, #tpu.memory_space<vmem>>, vector<1x16xi32>,
    %get3A_1114 = arith.constant 0 : i32
    %get3A_1115 = arith.index_cast %get3A_1114 : i32 to index
    %get3A_1116 = arith.constant 0 : index
    %get3A_1117 = tpu.vector_load %arg7[%get3A_1115, %get3A_1116] {strides = array<i32>} : memref<5x16xi32, #tpu.memory_space<vmem>>, vector<1x16xi32>,
    %get3A_1118 = vector.shape_cast %get3A_1117 : vector<1x16xi32> to vector<16xi32>
    %get3A_1119 = arith.constant 6 : i32
    %get3A_1120 = arith.index_cast %get3A_1119 : i32 to index
    %get3A_1121 = arith.constant 112 : index
    %get3A_1122 = tpu.vector_load %arg6[%get3A_1120, %get3A_1121] {strides = array<i32>} : memref<20x128xi32, #tpu.memory_space<vmem>>, vector<1x16xi32>,
    %get3A_1123 = vector.shape_cast %get3A_1122 : vector<1x16xi32> to vector<16xi32>
    %add3A_1124 = arith.addi %get3A_1123, %get3A_1118 : vector<16xi32>
    %swap3A_1125 = arith.constant 6 : i32
    %swap3A_1126 = arith.index_cast %swap3A_1125 : i32 to index
    %swap3A_1127 = arith.constant 112 : index
    %swap3A_1128 = tpu.vector_load %arg9[%swap3A_1126, %swap3A_1127] {strides = array<i32>} : memref<20x128xi32, #tpu.memory_space<vmem>>, vector<1x16xi32>,
    %swap3A_1129 = vector.shape_cast %swap3A_1128 : vector<1x16xi32> to vector<16xi32>
    %swap3A_1130 = vector.shape_cast %add3A_1124 : vector<16xi32> to vector<1x16xi32>
    tpu.vector_store %arg9[%swap3A_1126, %swap3A_1127], %swap3A_1130 {strides = array<i32>} : memref<20x128xi32, #tpu.memory_space<vmem>>, vector<1x16xi32>,
    %dma_wait3A_1131 = arith.constant 2 : i32
    %dma_wait3A_1132 = arith.constant 256 : i32
    %dma_wait3A_1133 = arith.constant 0 : i32
    %dma_wait3A_1134 = tpu.memref_slice %arg10[%dma_wait3A_1132, %dma_wait3A_1133] : memref<2560x32xf32, #tpu.memory_space<vmem>> -> memref<128x32xf32, #tpu.memory_space<vmem>>
    %dma_wait3A_1135 = arith.constant 0 : i32
    %dma_wait3A_1136 = tpu.memref_slice %arg9[%dma_wait3A_1131, %dma_wait3A_1135] : memref<20x128xi32, #tpu.memory_space<vmem>> -> memref<1x128xi32, #tpu.memory_space<vmem>>
    %dma_wait3A_1137 = tpu.memref_squeeze %dma_wait3A_1136 : memref<1x128xi32, #tpu.memory_space<vmem>> -> memref<128xi32, #tpu.memory_space<vmem>>
    %dma_wait3A_1138 = arith.constant 0 : i32
    %dma_wait3A_1139 = arith.constant 0 : i32
    %dma_wait3A_1140 = tpu.memref_slice %arg8[%dma_wait3A_1138, %dma_wait3A_1139] : memref<84x32xf32, #tpu.memory_space<vmem_shared>> -> memref<84x32xf32, #tpu.memory_space<vmem_shared>>
    tpu.wait_indirect_dma semaphore(%arg13 : memref<!tpu.dma_semaphore, #tpu.memory_space<semaphore_mem>>) src(%dma_wait3A_1140 : memref<84x32xf32, #tpu.memory_space<vmem_shared>>) dst(%dma_wait3A_1134 : memref<128x32xf32, #tpu.memory_space<vmem>>)
    %dma_start3A_1141 = arith.constant 256 : i32
    %dma_start3A_1142 = arith.constant 0 : i32
    %dma_start3A_1143 = tpu.memref_slice %arg10[%dma_start3A_1141, %dma_start3A_1142] : memref<2560x32xf32, #tpu.memory_space<vmem>> -> memref<128x32xf32, #tpu.memory_space<vmem>>
    %dma_start3A_1144 = arith.constant 0 : i32
    %dma_start3A_1145 = tpu.memref_slice %arg5[%add3A_14, %dma_start3A_1144] : memref<81920x32xf32, #tpu.memory_space<hbm>> -> memref<128x32xf32, #tpu.memory_space<hbm>>
    %dma_start3A_1146 = arith.constant 0 : i32
    %dma_start3A_1147 = tpu.memref_slice %arg5[%add3A_14, %dma_start3A_1146] : memref<81920x32xf32, #tpu.memory_space<hbm>> -> memref<128x32xf32, #tpu.memory_space<hbm>>
    %dma_start3A_1148 = arith.constant 256 : i32
    %dma_start3A_1149 = arith.constant 0 : i32
    %dma_start3A_1150 = tpu.memref_slice %arg10[%dma_start3A_1148, %dma_start3A_1149] : memref<2560x32xf32, #tpu.memory_space<vmem>> -> memref<128x32xf32, #tpu.memory_space<vmem>>
    tpu.enqueue_dma source(%dma_start3A_1150 : memref<128x32xf32, #tpu.memory_space<vmem>>) target(%dma_start3A_1147 : memref<128x32xf32, #tpu.memory_space<hbm>>) target_semaphore(%arg15 : memref<!tpu.dma_semaphore, #tpu.memory_space<semaphore_mem>>)
    %dma_start3A_1151 = arith.constant 6 : i32
    %dma_start3A_1152 = arith.constant 768 : i32
    %dma_start3A_1153 = arith.constant 0 : i32
    %dma_start3A_1154 = tpu.memref_slice %arg10[%dma_start3A_1152, %dma_start3A_1153] : memref<2560x32xf32, #tpu.memory_space<vmem>> -> memref<128x32xf32, #tpu.memory_space<vmem>>
    %dma_start3A_1155 = arith.constant 0 : i32
    %dma_start3A_1156 = tpu.memref_slice %arg9[%dma_start3A_1151, %dma_start3A_1155] : memref<20x128xi32, #tpu.memory_space<vmem>> -> memref<1x128xi32, #tpu.memory_space<vmem>>
    %dma_start3A_1157 = tpu.memref_squeeze %dma_start3A_1156 : memref<1x128xi32, #tpu.memory_space<vmem>> -> memref<128xi32, #tpu.memory_space<vmem>>
    %dma_start3A_1158 = arith.constant 0 : i32
    %dma_start3A_1159 = arith.constant 0 : i32
    %dma_start3A_1160 = tpu.memref_slice %arg8[%dma_start3A_1158, %dma_start3A_1159] : memref<84x32xf32, #tpu.memory_space<vmem_shared>> -> memref<84x32xf32, #tpu.memory_space<vmem_shared>>
    tpu.enqueue_indirect_dma source(%dma_start3A_1160 : memref<84x32xf32, #tpu.memory_space<vmem_shared>>) target(%dma_start3A_1154 : memref<128x32xf32, #tpu.memory_space<vmem>>) offsets(%dma_start3A_1157 : memref<128xi32, #tpu.memory_space<vmem>>) semaphore(%arg13 : memref<!tpu.dma_semaphore, #tpu.memory_space<semaphore_mem>>)
    %get3A_1161 = arith.constant 1 : i32
    %get3A_1162 = arith.index_cast %get3A_1161 : i32 to index
    %get3A_1163 = arith.constant 0 : index
    %get3A_1164 = tpu.vector_load %arg7[%get3A_1162, %get3A_1163] {strides = array<i32>} : memref<5x16xi32, #tpu.memory_space<vmem>>, vector<1x16xi32>,
    %get3A_1165 = vector.shape_cast %get3A_1164 : vector<1x16xi32> to vector<16xi32>
    %get3A_1166 = arith.constant 7 : i32
    %get3A_1167 = arith.index_cast %get3A_1166 : i32 to index
    %get3A_1168 = arith.constant 0 : index
    %get3A_1169 = tpu.vector_load %arg6[%get3A_1167, %get3A_1168] {strides = array<i32>} : memref<20x128xi32, #tpu.memory_space<vmem>>, vector<1x16xi32>,
    %get3A_1170 = vector.shape_cast %get3A_1169 : vector<1x16xi32> to vector<16xi32>
    %add3A_1171 = arith.addi %get3A_1170, %get3A_1165 : vector<16xi32>
    %swap3A_1172 = arith.constant 7 : i32
    %swap3A_1173 = arith.index_cast %swap3A_1172 : i32 to index
    %swap3A_1174 = arith.constant 0 : index
    %swap3A_1175 = tpu.vector_load %arg9[%swap3A_1173, %swap3A_1174] {strides = array<i32>} : memref<20x128xi32, #tpu.memory_space<vmem>>, vector<1x16xi32>,
    %swap3A_1176 = vector.shape_cast %swap3A_1175 : vector<1x16xi32> to vector<16xi32>
    %swap3A_1177 = vector.shape_cast %add3A_1171 : vector<16xi32> to vector<1x16xi32>
    tpu.vector_store %arg9[%swap3A_1173, %swap3A_1174], %swap3A_1177 {strides = array<i32>} : memref<20x128xi32, #tpu.memory_space<vmem>>, vector<1x16xi32>,
    %get3A_1178 = arith.constant 2 : i32
    %get3A_1179 = arith.index_cast %get3A_1178 : i32 to index
    %get3A_1180 = arith.constant 0 : index
    %get3A_1181 = tpu.vector_load %arg7[%get3A_1179, %get3A_1180] {strides = array<i32>} : memref<5x16xi32, #tpu.memory_space<vmem>>, vector<1x16xi32>,
    %get3A_1182 = vector.shape_cast %get3A_1181 : vector<1x16xi32> to vector<16xi32>
    %get3A_1183 = arith.constant 7 : i32
    %get3A_1184 = arith.index_cast %get3A_1183 : i32 to index
    %get3A_1185 = arith.constant 16 : index
    %get3A_1186 = tpu.vector_load %arg6[%get3A_1184, %get3A_1185] {strides = array<i32>} : memref<20x128xi32, #tpu.memory_space<vmem>>, vector<1x16xi32>,
    %get3A_1187 = vector.shape_cast %get3A_1186 : vector<1x16xi32> to vector<16xi32>
    %add3A_1188 = arith.addi %get3A_1187, %get3A_1182 : vector<16xi32>
    %swap3A_1189 = arith.constant 7 : i32
    %swap3A_1190 = arith.index_cast %swap3A_1189 : i32 to index
    %swap3A_1191 = arith.constant 16 : index
    %swap3A_1192 = tpu.vector_load %arg9[%swap3A_1190, %swap3A_1191] {strides = array<i32>} : memref<20x128xi32, #tpu.memory_space<vmem>>, vector<1x16xi32>,
    %swap3A_1193 = vector.shape_cast %swap3A_1192 : vector<1x16xi32> to vector<16xi32>
    %swap3A_1194 = vector.shape_cast %add3A_1188 : vector<16xi32> to vector<1x16xi32>
    tpu.vector_store %arg9[%swap3A_1190, %swap3A_1191], %swap3A_1194 {strides = array<i32>} : memref<20x128xi32, #tpu.memory_space<vmem>>, vector<1x16xi32>,
    %get3A_1195 = arith.constant 3 : i32
    %get3A_1196 = arith.index_cast %get3A_1195 : i32 to index
    %get3A_1197 = arith.constant 0 : index
    %get3A_1198 = tpu.vector_load %arg7[%get3A_1196, %get3A_1197] {strides = array<i32>} : memref<5x16xi32, #tpu.memory_space<vmem>>, vector<1x16xi32>,
    %get3A_1199 = vector.shape_cast %get3A_1198 : vector<1x16xi32> to vector<16xi32>
    %get3A_1200 = arith.constant 7 : i32
    %get3A_1201 = arith.index_cast %get3A_1200 : i32 to index
    %get3A_1202 = arith.constant 32 : index
    %get3A_1203 = tpu.vector_load %arg6[%get3A_1201, %get3A_1202] {strides = array<i32>} : memref<20x128xi32, #tpu.memory_space<vmem>>, vector<1x16xi32>,
    %get3A_1204 = vector.shape_cast %get3A_1203 : vector<1x16xi32> to vector<16xi32>
    %add3A_1205 = arith.addi %get3A_1204, %get3A_1199 : vector<16xi32>
    %swap3A_1206 = arith.constant 7 : i32
    %swap3A_1207 = arith.index_cast %swap3A_1206 : i32 to index
    %swap3A_1208 = arith.constant 32 : index
    %swap3A_1209 = tpu.vector_load %arg9[%swap3A_1207, %swap3A_1208] {strides = array<i32>} : memref<20x128xi32, #tpu.memory_space<vmem>>, vector<1x16xi32>,
    %swap3A_1210 = vector.shape_cast %swap3A_1209 : vector<1x16xi32> to vector<16xi32>
    %swap3A_1211 = vector.shape_cast %add3A_1205 : vector<16xi32> to vector<1x16xi32>
    tpu.vector_store %arg9[%swap3A_1207, %swap3A_1208], %swap3A_1211 {strides = array<i32>} : memref<20x128xi32, #tpu.memory_space<vmem>>, vector<1x16xi32>,
    %get3A_1212 = arith.constant 4 : i32
    %get3A_1213 = arith.index_cast %get3A_1212 : i32 to index
    %get3A_1214 = arith.constant 0 : index
    %get3A_1215 = tpu.vector_load %arg7[%get3A_1213, %get3A_1214] {strides = array<i32>} : memref<5x16xi32, #tpu.memory_space<vmem>>, vector<1x16xi32>,
    %get3A_1216 = vector.shape_cast %get3A_1215 : vector<1x16xi32> to vector<16xi32>
    %get3A_1217 = arith.constant 7 : i32
    %get3A_1218 = arith.index_cast %get3A_1217 : i32 to index
    %get3A_1219 = arith.constant 48 : index
    %get3A_1220 = tpu.vector_load %arg6[%get3A_1218, %get3A_1219] {strides = array<i32>} : memref<20x128xi32, #tpu.memory_space<vmem>>, vector<1x16xi32>,
    %get3A_1221 = vector.shape_cast %get3A_1220 : vector<1x16xi32> to vector<16xi32>
    %add3A_1222 = arith.addi %get3A_1221, %get3A_1216 : vector<16xi32>
    %swap3A_1223 = arith.constant 7 : i32
    %swap3A_1224 = arith.index_cast %swap3A_1223 : i32 to index
    %swap3A_1225 = arith.constant 48 : index
    %swap3A_1226 = tpu.vector_load %arg9[%swap3A_1224, %swap3A_1225] {strides = array<i32>} : memref<20x128xi32, #tpu.memory_space<vmem>>, vector<1x16xi32>,
    %swap3A_1227 = vector.shape_cast %swap3A_1226 : vector<1x16xi32> to vector<16xi32>
    %swap3A_1228 = vector.shape_cast %add3A_1222 : vector<16xi32> to vector<1x16xi32>
    tpu.vector_store %arg9[%swap3A_1224, %swap3A_1225], %swap3A_1228 {strides = array<i32>} : memref<20x128xi32, #tpu.memory_space<vmem>>, vector<1x16xi32>,
    %get3A_1229 = arith.constant 0 : i32
    %get3A_1230 = arith.index_cast %get3A_1229 : i32 to index
    %get3A_1231 = arith.constant 0 : index
    %get3A_1232 = tpu.vector_load %arg7[%get3A_1230, %get3A_1231] {strides = array<i32>} : memref<5x16xi32, #tpu.memory_space<vmem>>, vector<1x16xi32>,
    %get3A_1233 = vector.shape_cast %get3A_1232 : vector<1x16xi32> to vector<16xi32>
    %get3A_1234 = arith.constant 7 : i32
    %get3A_1235 = arith.index_cast %get3A_1234 : i32 to index
    %get3A_1236 = arith.constant 64 : index
    %get3A_1237 = tpu.vector_load %arg6[%get3A_1235, %get3A_1236] {strides = array<i32>} : memref<20x128xi32, #tpu.memory_space<vmem>>, vector<1x16xi32>,
    %get3A_1238 = vector.shape_cast %get3A_1237 : vector<1x16xi32> to vector<16xi32>
    %add3A_1239 = arith.addi %get3A_1238, %get3A_1233 : vector<16xi32>
    %swap3A_1240 = arith.constant 7 : i32
    %swap3A_1241 = arith.index_cast %swap3A_1240 : i32 to index
    %swap3A_1242 = arith.constant 64 : index
    %swap3A_1243 = tpu.vector_load %arg9[%swap3A_1241, %swap3A_1242] {strides = array<i32>} : memref<20x128xi32, #tpu.memory_space<vmem>>, vector<1x16xi32>,
    %swap3A_1244 = vector.shape_cast %swap3A_1243 : vector<1x16xi32> to vector<16xi32>
    %swap3A_1245 = vector.shape_cast %add3A_1239 : vector<16xi32> to vector<1x16xi32>
    tpu.vector_store %arg9[%swap3A_1241, %swap3A_1242], %swap3A_1245 {strides = array<i32>} : memref<20x128xi32, #tpu.memory_space<vmem>>, vector<1x16xi32>,
    %get3A_1246 = arith.constant 1 : i32
    %get3A_1247 = arith.index_cast %get3A_1246 : i32 to index
    %get3A_1248 = arith.constant 0 : index
    %get3A_1249 = tpu.vector_load %arg7[%get3A_1247, %get3A_1248] {strides = array<i32>} : memref<5x16xi32, #tpu.memory_space<vmem>>, vector<1x16xi32>,
    %get3A_1250 = vector.shape_cast %get3A_1249 : vector<1x16xi32> to vector<16xi32>
    %get3A_1251 = arith.constant 7 : i32
    %get3A_1252 = arith.index_cast %get3A_1251 : i32 to index
    %get3A_1253 = arith.constant 80 : index
    %get3A_1254 = tpu.vector_load %arg6[%get3A_1252, %get3A_1253] {strides = array<i32>} : memref<20x128xi32, #tpu.memory_space<vmem>>, vector<1x16xi32>,
    %get3A_1255 = vector.shape_cast %get3A_1254 : vector<1x16xi32> to vector<16xi32>
    %add3A_1256 = arith.addi %get3A_1255, %get3A_1250 : vector<16xi32>
    %swap3A_1257 = arith.constant 7 : i32
    %swap3A_1258 = arith.index_cast %swap3A_1257 : i32 to index
    %swap3A_1259 = arith.constant 80 : index
    %swap3A_1260 = tpu.vector_load %arg9[%swap3A_1258, %swap3A_1259] {strides = array<i32>} : memref<20x128xi32, #tpu.memory_space<vmem>>, vector<1x16xi32>,
    %swap3A_1261 = vector.shape_cast %swap3A_1260 : vector<1x16xi32> to vector<16xi32>
    %swap3A_1262 = vector.shape_cast %add3A_1256 : vector<16xi32> to vector<1x16xi32>
    tpu.vector_store %arg9[%swap3A_1258, %swap3A_1259], %swap3A_1262 {strides = array<i32>} : memref<20x128xi32, #tpu.memory_space<vmem>>, vector<1x16xi32>,
    %get3A_1263 = arith.constant 2 : i32
    %get3A_1264 = arith.index_cast %get3A_1263 : i32 to index
    %get3A_1265 = arith.constant 0 : index
    %get3A_1266 = tpu.vector_load %arg7[%get3A_1264, %get3A_1265] {strides = array<i32>} : memref<5x16xi32, #tpu.memory_space<vmem>>, vector<1x16xi32>,
    %get3A_1267 = vector.shape_cast %get3A_1266 : vector<1x16xi32> to vector<16xi32>
    %get3A_1268 = arith.constant 7 : i32
    %get3A_1269 = arith.index_cast %get3A_1268 : i32 to index
    %get3A_1270 = arith.constant 96 : index
    %get3A_1271 = tpu.vector_load %arg6[%get3A_1269, %get3A_1270] {strides = array<i32>} : memref<20x128xi32, #tpu.memory_space<vmem>>, vector<1x16xi32>,
    %get3A_1272 = vector.shape_cast %get3A_1271 : vector<1x16xi32> to vector<16xi32>
    %add3A_1273 = arith.addi %get3A_1272, %get3A_1267 : vector<16xi32>
    %swap3A_1274 = arith.constant 7 : i32
    %swap3A_1275 = arith.index_cast %swap3A_1274 : i32 to index
    %swap3A_1276 = arith.constant 96 : index
    %swap3A_1277 = tpu.vector_load %arg9[%swap3A_1275, %swap3A_1276] {strides = array<i32>} : memref<20x128xi32, #tpu.memory_space<vmem>>, vector<1x16xi32>,
    %swap3A_1278 = vector.shape_cast %swap3A_1277 : vector<1x16xi32> to vector<16xi32>
    %swap3A_1279 = vector.shape_cast %add3A_1273 : vector<16xi32> to vector<1x16xi32>
    tpu.vector_store %arg9[%swap3A_1275, %swap3A_1276], %swap3A_1279 {strides = array<i32>} : memref<20x128xi32, #tpu.memory_space<vmem>>, vector<1x16xi32>,
    %get3A_1280 = arith.constant 3 : i32
    %get3A_1281 = arith.index_cast %get3A_1280 : i32 to index
    %get3A_1282 = arith.constant 0 : index
    %get3A_1283 = tpu.vector_load %arg7[%get3A_1281, %get3A_1282] {strides = array<i32>} : memref<5x16xi32, #tpu.memory_space<vmem>>, vector<1x16xi32>,
    %get3A_1284 = vector.shape_cast %get3A_1283 : vector<1x16xi32> to vector<16xi32>
    %get3A_1285 = arith.constant 7 : i32
    %get3A_1286 = arith.index_cast %get3A_1285 : i32 to index
    %get3A_1287 = arith.constant 112 : index
    %get3A_1288 = tpu.vector_load %arg6[%get3A_1286, %get3A_1287] {strides = array<i32>} : memref<20x128xi32, #tpu.memory_space<vmem>>, vector<1x16xi32>,
    %get3A_1289 = vector.shape_cast %get3A_1288 : vector<1x16xi32> to vector<16xi32>
    %add3A_1290 = arith.addi %get3A_1289, %get3A_1284 : vector<16xi32>
    %swap3A_1291 = arith.constant 7 : i32
    %swap3A_1292 = arith.index_cast %swap3A_1291 : i32 to index
    %swap3A_1293 = arith.constant 112 : index
    %swap3A_1294 = tpu.vector_load %arg9[%swap3A_1292, %swap3A_1293] {strides = array<i32>} : memref<20x128xi32, #tpu.memory_space<vmem>>, vector<1x16xi32>,
    %swap3A_1295 = vector.shape_cast %swap3A_1294 : vector<1x16xi32> to vector<16xi32>
    %swap3A_1296 = vector.shape_cast %add3A_1290 : vector<16xi32> to vector<1x16xi32>
    tpu.vector_store %arg9[%swap3A_1292, %swap3A_1293], %swap3A_1296 {strides = array<i32>} : memref<20x128xi32, #tpu.memory_space<vmem>>, vector<1x16xi32>,
    %dma_wait3A_1297 = arith.constant 3 : i32
    %dma_wait3A_1298 = arith.constant 384 : i32
    %dma_wait3A_1299 = arith.constant 0 : i32
    %dma_wait3A_1300 = tpu.memref_slice %arg10[%dma_wait3A_1298, %dma_wait3A_1299] : memref<2560x32xf32, #tpu.memory_space<vmem>> -> memref<128x32xf32, #tpu.memory_space<vmem>>
    %dma_wait3A_1301 = arith.constant 0 : i32
    %dma_wait3A_1302 = tpu.memref_slice %arg9[%dma_wait3A_1297, %dma_wait3A_1301] : memref<20x128xi32, #tpu.memory_space<vmem>> -> memref<1x128xi32, #tpu.memory_space<vmem>>
    %dma_wait3A_1303 = tpu.memref_squeeze %dma_wait3A_1302 : memref<1x128xi32, #tpu.memory_space<vmem>> -> memref<128xi32, #tpu.memory_space<vmem>>
    %dma_wait3A_1304 = arith.constant 0 : i32
    %dma_wait3A_1305 = arith.constant 0 : i32
    %dma_wait3A_1306 = tpu.memref_slice %arg8[%dma_wait3A_1304, %dma_wait3A_1305] : memref<84x32xf32, #tpu.memory_space<vmem_shared>> -> memref<84x32xf32, #tpu.memory_space<vmem_shared>>
    tpu.wait_indirect_dma semaphore(%arg14 : memref<!tpu.dma_semaphore, #tpu.memory_space<semaphore_mem>>) src(%dma_wait3A_1306 : memref<84x32xf32, #tpu.memory_space<vmem_shared>>) dst(%dma_wait3A_1300 : memref<128x32xf32, #tpu.memory_space<vmem>>)
    %dma_start3A_1307 = arith.constant 384 : i32
    %dma_start3A_1308 = arith.constant 0 : i32
    %dma_start3A_1309 = tpu.memref_slice %arg10[%dma_start3A_1307, %dma_start3A_1308] : memref<2560x32xf32, #tpu.memory_space<vmem>> -> memref<128x32xf32, #tpu.memory_space<vmem>>
    %dma_start3A_1310 = arith.constant 0 : i32
    %dma_start3A_1311 = tpu.memref_slice %arg5[%add3A_18, %dma_start3A_1310] : memref<81920x32xf32, #tpu.memory_space<hbm>> -> memref<128x32xf32, #tpu.memory_space<hbm>>
    %dma_start3A_1312 = arith.constant 0 : i32
    %dma_start3A_1313 = tpu.memref_slice %arg5[%add3A_18, %dma_start3A_1312] : memref<81920x32xf32, #tpu.memory_space<hbm>> -> memref<128x32xf32, #tpu.memory_space<hbm>>
    %dma_start3A_1314 = arith.constant 384 : i32
    %dma_start3A_1315 = arith.constant 0 : i32
    %dma_start3A_1316 = tpu.memref_slice %arg10[%dma_start3A_1314, %dma_start3A_1315] : memref<2560x32xf32, #tpu.memory_space<vmem>> -> memref<128x32xf32, #tpu.memory_space<vmem>>
    tpu.enqueue_dma source(%dma_start3A_1316 : memref<128x32xf32, #tpu.memory_space<vmem>>) target(%dma_start3A_1313 : memref<128x32xf32, #tpu.memory_space<hbm>>) target_semaphore(%arg15 : memref<!tpu.dma_semaphore, #tpu.memory_space<semaphore_mem>>)
    %dma_start3A_1317 = arith.constant 7 : i32
    %dma_start3A_1318 = arith.constant 896 : i32
    %dma_start3A_1319 = arith.constant 0 : i32
    %dma_start3A_1320 = tpu.memref_slice %arg10[%dma_start3A_1318, %dma_start3A_1319] : memref<2560x32xf32, #tpu.memory_space<vmem>> -> memref<128x32xf32, #tpu.memory_space<vmem>>
    %dma_start3A_1321 = arith.constant 0 : i32
    %dma_start3A_1322 = tpu.memref_slice %arg9[%dma_start3A_1317, %dma_start3A_1321] : memref<20x128xi32, #tpu.memory_space<vmem>> -> memref<1x128xi32, #tpu.memory_space<vmem>>
    %dma_start3A_1323 = tpu.memref_squeeze %dma_start3A_1322 : memref<1x128xi32, #tpu.memory_space<vmem>> -> memref<128xi32, #tpu.memory_space<vmem>>
    %dma_start3A_1324 = arith.constant 0 : i32
    %dma_start3A_1325 = arith.constant 0 : i32
    %dma_start3A_1326 = tpu.memref_slice %arg8[%dma_start3A_1324, %dma_start3A_1325] : memref<84x32xf32, #tpu.memory_space<vmem_shared>> -> memref<84x32xf32, #tpu.memory_space<vmem_shared>>
    tpu.enqueue_indirect_dma source(%dma_start3A_1326 : memref<84x32xf32, #tpu.memory_space<vmem_shared>>) target(%dma_start3A_1320 : memref<128x32xf32, #tpu.memory_space<vmem>>) offsets(%dma_start3A_1323 : memref<128xi32, #tpu.memory_space<vmem>>) semaphore(%arg14 : memref<!tpu.dma_semaphore, #tpu.memory_space<semaphore_mem>>)
    %get3A_1327 = arith.constant 4 : i32
    %get3A_1328 = arith.index_cast %get3A_1327 : i32 to index
    %get3A_1329 = arith.constant 0 : index
    %get3A_1330 = tpu.vector_load %arg7[%get3A_1328, %get3A_1329] {strides = array<i32>} : memref<5x16xi32, #tpu.memory_space<vmem>>, vector<1x16xi32>,
    %get3A_1331 = vector.shape_cast %get3A_1330 : vector<1x16xi32> to vector<16xi32>
    %get3A_1332 = arith.constant 8 : i32
    %get3A_1333 = arith.index_cast %get3A_1332 : i32 to index
    %get3A_1334 = arith.constant 0 : index
    %get3A_1335 = tpu.vector_load %arg6[%get3A_1333, %get3A_1334] {strides = array<i32>} : memref<20x128xi32, #tpu.memory_space<vmem>>, vector<1x16xi32>,
    %get3A_1336 = vector.shape_cast %get3A_1335 : vector<1x16xi32> to vector<16xi32>
    %add3A_1337 = arith.addi %get3A_1336, %get3A_1331 : vector<16xi32>
    %swap3A_1338 = arith.constant 8 : i32
    %swap3A_1339 = arith.index_cast %swap3A_1338 : i32 to index
    %swap3A_1340 = arith.constant 0 : index
    %swap3A_1341 = tpu.vector_load %arg9[%swap3A_1339, %swap3A_1340] {strides = array<i32>} : memref<20x128xi32, #tpu.memory_space<vmem>>, vector<1x16xi32>,
    %swap3A_1342 = vector.shape_cast %swap3A_1341 : vector<1x16xi32> to vector<16xi32>
    %swap3A_1343 = vector.shape_cast %add3A_1337 : vector<16xi32> to vector<1x16xi32>
    tpu.vector_store %arg9[%swap3A_1339, %swap3A_1340], %swap3A_1343 {strides = array<i32>} : memref<20x128xi32, #tpu.memory_space<vmem>>, vector<1x16xi32>,
    %get3A_1344 = arith.constant 0 : i32
    %get3A_1345 = arith.index_cast %get3A_1344 : i32 to index
    %get3A_1346 = arith.constant 0 : index
    %get3A_1347 = tpu.vector_load %arg7[%get3A_1345, %get3A_1346] {strides = array<i32>} : memref<5x16xi32, #tpu.memory_space<vmem>>, vector<1x16xi32>,
    %get3A_1348 = vector.shape_cast %get3A_1347 : vector<1x16xi32> to vector<16xi32>
    %get3A_1349 = arith.constant 8 : i32
    %get3A_1350 = arith.index_cast %get3A_1349 : i32 to index
    %get3A_1351 = arith.constant 16 : index
    %get3A_1352 = tpu.vector_load %arg6[%get3A_1350, %get3A_1351] {strides = array<i32>} : memref<20x128xi32, #tpu.memory_space<vmem>>, vector<1x16xi32>,
    %get3A_1353 = vector.shape_cast %get3A_1352 : vector<1x16xi32> to vector<16xi32>
    %add3A_1354 = arith.addi %get3A_1353, %get3A_1348 : vector<16xi32>
    %swap3A_1355 = arith.constant 8 : i32
    %swap3A_1356 = arith.index_cast %swap3A_1355 : i32 to index
    %swap3A_1357 = arith.constant 16 : index
    %swap3A_1358 = tpu.vector_load %arg9[%swap3A_1356, %swap3A_1357] {strides = array<i32>} : memref<20x128xi32, #tpu.memory_space<vmem>>, vector<1x16xi32>,
    %swap3A_1359 = vector.shape_cast %swap3A_1358 : vector<1x16xi32> to vector<16xi32>
    %swap3A_1360 = vector.shape_cast %add3A_1354 : vector<16xi32> to vector<1x16xi32>
    tpu.vector_store %arg9[%swap3A_1356, %swap3A_1357], %swap3A_1360 {strides = array<i32>} : memref<20x128xi32, #tpu.memory_space<vmem>>, vector<1x16xi32>,
    %get3A_1361 = arith.constant 1 : i32
    %get3A_1362 = arith.index_cast %get3A_1361 : i32 to index
    %get3A_1363 = arith.constant 0 : index
    %get3A_1364 = tpu.vector_load %arg7[%get3A_1362, %get3A_1363] {strides = array<i32>} : memref<5x16xi32, #tpu.memory_space<vmem>>, vector<1x16xi32>,
    %get3A_1365 = vector.shape_cast %get3A_1364 : vector<1x16xi32> to vector<16xi32>
    %get3A_1366 = arith.constant 8 : i32
    %get3A_1367 = arith.index_cast %get3A_1366 : i32 to index
    %get3A_1368 = arith.constant 32 : index
    %get3A_1369 = tpu.vector_load %arg6[%get3A_1367, %get3A_1368] {strides = array<i32>} : memref<20x128xi32, #tpu.memory_space<vmem>>, vector<1x16xi32>,
    %get3A_1370 = vector.shape_cast %get3A_1369 : vector<1x16xi32> to vector<16xi32>
    %add3A_1371 = arith.addi %get3A_1370, %get3A_1365 : vector<16xi32>
    %swap3A_1372 = arith.constant 8 : i32
    %swap3A_1373 = arith.index_cast %swap3A_1372 : i32 to index
    %swap3A_1374 = arith.constant 32 : index
    %swap3A_1375 = tpu.vector_load %arg9[%swap3A_1373, %swap3A_1374] {strides = array<i32>} : memref<20x128xi32, #tpu.memory_space<vmem>>, vector<1x16xi32>,
    %swap3A_1376 = vector.shape_cast %swap3A_1375 : vector<1x16xi32> to vector<16xi32>
    %swap3A_1377 = vector.shape_cast %add3A_1371 : vector<16xi32> to vector<1x16xi32>
    tpu.vector_store %arg9[%swap3A_1373, %swap3A_1374], %swap3A_1377 {strides = array<i32>} : memref<20x128xi32, #tpu.memory_space<vmem>>, vector<1x16xi32>,
    %get3A_1378 = arith.constant 2 : i32
    %get3A_1379 = arith.index_cast %get3A_1378 : i32 to index
    %get3A_1380 = arith.constant 0 : index
    %get3A_1381 = tpu.vector_load %arg7[%get3A_1379, %get3A_1380] {strides = array<i32>} : memref<5x16xi32, #tpu.memory_space<vmem>>, vector<1x16xi32>,
    %get3A_1382 = vector.shape_cast %get3A_1381 : vector<1x16xi32> to vector<16xi32>
    %get3A_1383 = arith.constant 8 : i32
    %get3A_1384 = arith.index_cast %get3A_1383 : i32 to index
    %get3A_1385 = arith.constant 48 : index
    %get3A_1386 = tpu.vector_load %arg6[%get3A_1384, %get3A_1385] {strides = array<i32>} : memref<20x128xi32, #tpu.memory_space<vmem>>, vector<1x16xi32>,
    %get3A_1387 = vector.shape_cast %get3A_1386 : vector<1x16xi32> to vector<16xi32>
    %add3A_1388 = arith.addi %get3A_1387, %get3A_1382 : vector<16xi32>
    %swap3A_1389 = arith.constant 8 : i32
    %swap3A_1390 = arith.index_cast %swap3A_1389 : i32 to index
    %swap3A_1391 = arith.constant 48 : index
    %swap3A_1392 = tpu.vector_load %arg9[%swap3A_1390, %swap3A_1391] {strides = array<i32>} : memref<20x128xi32, #tpu.memory_space<vmem>>, vector<1x16xi32>,
    %swap3A_1393 = vector.shape_cast %swap3A_1392 : vector<1x16xi32> to vector<16xi32>
    %swap3A_1394 = vector.shape_cast %add3A_1388 : vector<16xi32> to vector<1x16xi32>
    tpu.vector_store %arg9[%swap3A_1390, %swap3A_1391], %swap3A_1394 {strides = array<i32>} : memref<20x128xi32, #tpu.memory_space<vmem>>, vector<1x16xi32>,
    %get3A_1395 = arith.constant 3 : i32
    %get3A_1396 = arith.index_cast %get3A_1395 : i32 to index
    %get3A_1397 = arith.constant 0 : index
    %get3A_1398 = tpu.vector_load %arg7[%get3A_1396, %get3A_1397] {strides = array<i32>} : memref<5x16xi32, #tpu.memory_space<vmem>>, vector<1x16xi32>,
    %get3A_1399 = vector.shape_cast %get3A_1398 : vector<1x16xi32> to vector<16xi32>
    %get3A_1400 = arith.constant 8 : i32
    %get3A_1401 = arith.index_cast %get3A_1400 : i32 to index
    %get3A_1402 = arith.constant 64 : index
    %get3A_1403 = tpu.vector_load %arg6[%get3A_1401, %get3A_1402] {strides = array<i32>} : memref<20x128xi32, #tpu.memory_space<vmem>>, vector<1x16xi32>,
    %get3A_1404 = vector.shape_cast %get3A_1403 : vector<1x16xi32> to vector<16xi32>
    %add3A_1405 = arith.addi %get3A_1404, %get3A_1399 : vector<16xi32>
    %swap3A_1406 = arith.constant 8 : i32
    %swap3A_1407 = arith.index_cast %swap3A_1406 : i32 to index
    %swap3A_1408 = arith.constant 64 : index
    %swap3A_1409 = tpu.vector_load %arg9[%swap3A_1407, %swap3A_1408] {strides = array<i32>} : memref<20x128xi32, #tpu.memory_space<vmem>>, vector<1x16xi32>,
    %swap3A_1410 = vector.shape_cast %swap3A_1409 : vector<1x16xi32> to vector<16xi32>
    %swap3A_1411 = vector.shape_cast %add3A_1405 : vector<16xi32> to vector<1x16xi32>
    tpu.vector_store %arg9[%swap3A_1407, %swap3A_1408], %swap3A_1411 {strides = array<i32>} : memref<20x128xi32, #tpu.memory_space<vmem>>, vector<1x16xi32>,
    %get3A_1412 = arith.constant 4 : i32
    %get3A_1413 = arith.index_cast %get3A_1412 : i32 to index
    %get3A_1414 = arith.constant 0 : index
    %get3A_1415 = tpu.vector_load %arg7[%get3A_1413, %get3A_1414] {strides = array<i32>} : memref<5x16xi32, #tpu.memory_space<vmem>>, vector<1x16xi32>,
    %get3A_1416 = vector.shape_cast %get3A_1415 : vector<1x16xi32> to vector<16xi32>
    %get3A_1417 = arith.constant 8 : i32
    %get3A_1418 = arith.index_cast %get3A_1417 : i32 to index
    %get3A_1419 = arith.constant 80 : index
    %get3A_1420 = tpu.vector_load %arg6[%get3A_1418, %get3A_1419] {strides = array<i32>} : memref<20x128xi32, #tpu.memory_space<vmem>>, vector<1x16xi32>,
    %get3A_1421 = vector.shape_cast %get3A_1420 : vector<1x16xi32> to vector<16xi32>
    %add3A_1422 = arith.addi %get3A_1421, %get3A_1416 : vector<16xi32>
    %swap3A_1423 = arith.constant 8 : i32
    %swap3A_1424 = arith.index_cast %swap3A_1423 : i32 to index
    %swap3A_1425 = arith.constant 80 : index
    %swap3A_1426 = tpu.vector_load %arg9[%swap3A_1424, %swap3A_1425] {strides = array<i32>} : memref<20x128xi32, #tpu.memory_space<vmem>>, vector<1x16xi32>,
    %swap3A_1427 = vector.shape_cast %swap3A_1426 : vector<1x16xi32> to vector<16xi32>
    %swap3A_1428 = vector.shape_cast %add3A_1422 : vector<16xi32> to vector<1x16xi32>
    tpu.vector_store %arg9[%swap3A_1424, %swap3A_1425], %swap3A_1428 {strides = array<i32>} : memref<20x128xi32, #tpu.memory_space<vmem>>, vector<1x16xi32>,
    %get3A_1429 = arith.constant 0 : i32
    %get3A_1430 = arith.index_cast %get3A_1429 : i32 to index
    %get3A_1431 = arith.constant 0 : index
    %get3A_1432 = tpu.vector_load %arg7[%get3A_1430, %get3A_1431] {strides = array<i32>} : memref<5x16xi32, #tpu.memory_space<vmem>>, vector<1x16xi32>,
    %get3A_1433 = vector.shape_cast %get3A_1432 : vector<1x16xi32> to vector<16xi32>
    %get3A_1434 = arith.constant 8 : i32
    %get3A_1435 = arith.index_cast %get3A_1434 : i32 to index
    %get3A_1436 = arith.constant 96 : index
    %get3A_1437 = tpu.vector_load %arg6[%get3A_1435, %get3A_1436] {strides = array<i32>} : memref<20x128xi32, #tpu.memory_space<vmem>>, vector<1x16xi32>,
    %get3A_1438 = vector.shape_cast %get3A_1437 : vector<1x16xi32> to vector<16xi32>
    %add3A_1439 = arith.addi %get3A_1438, %get3A_1433 : vector<16xi32>
    %swap3A_1440 = arith.constant 8 : i32
    %swap3A_1441 = arith.index_cast %swap3A_1440 : i32 to index
    %swap3A_1442 = arith.constant 96 : index
    %swap3A_1443 = tpu.vector_load %arg9[%swap3A_1441, %swap3A_1442] {strides = array<i32>} : memref<20x128xi32, #tpu.memory_space<vmem>>, vector<1x16xi32>,
    %swap3A_1444 = vector.shape_cast %swap3A_1443 : vector<1x16xi32> to vector<16xi32>
    %swap3A_1445 = vector.shape_cast %add3A_1439 : vector<16xi32> to vector<1x16xi32>
    tpu.vector_store %arg9[%swap3A_1441, %swap3A_1442], %swap3A_1445 {strides = array<i32>} : memref<20x128xi32, #tpu.memory_space<vmem>>, vector<1x16xi32>,
    %get3A_1446 = arith.constant 1 : i32
    %get3A_1447 = arith.index_cast %get3A_1446 : i32 to index
    %get3A_1448 = arith.constant 0 : index
    %get3A_1449 = tpu.vector_load %arg7[%get3A_1447, %get3A_1448] {strides = array<i32>} : memref<5x16xi32, #tpu.memory_space<vmem>>, vector<1x16xi32>,
    %get3A_1450 = vector.shape_cast %get3A_1449 : vector<1x16xi32> to vector<16xi32>
    %get3A_1451 = arith.constant 8 : i32
    %get3A_1452 = arith.index_cast %get3A_1451 : i32 to index
    %get3A_1453 = arith.constant 112 : index
    %get3A_1454 = tpu.vector_load %arg6[%get3A_1452, %get3A_1453] {strides = array<i32>} : memref<20x128xi32, #tpu.memory_space<vmem>>, vector<1x16xi32>,
    %get3A_1455 = vector.shape_cast %get3A_1454 : vector<1x16xi32> to vector<16xi32>
    %add3A_1456 = arith.addi %get3A_1455, %get3A_1450 : vector<16xi32>
    %swap3A_1457 = arith.constant 8 : i32
    %swap3A_1458 = arith.index_cast %swap3A_1457 : i32 to index
    %swap3A_1459 = arith.constant 112 : index
    %swap3A_1460 = tpu.vector_load %arg9[%swap3A_1458, %swap3A_1459] {strides = array<i32>} : memref<20x128xi32, #tpu.memory_space<vmem>>, vector<1x16xi32>,
    %swap3A_1461 = vector.shape_cast %swap3A_1460 : vector<1x16xi32> to vector<16xi32>
    %swap3A_1462 = vector.shape_cast %add3A_1456 : vector<16xi32> to vector<1x16xi32>
    tpu.vector_store %arg9[%swap3A_1458, %swap3A_1459], %swap3A_1462 {strides = array<i32>} : memref<20x128xi32, #tpu.memory_space<vmem>>, vector<1x16xi32>,
    %dma_wait3A_1463 = arith.constant 4 : i32
    %dma_wait3A_1464 = arith.constant 512 : i32
    %dma_wait3A_1465 = arith.constant 0 : i32
    %dma_wait3A_1466 = tpu.memref_slice %arg10[%dma_wait3A_1464, %dma_wait3A_1465] : memref<2560x32xf32, #tpu.memory_space<vmem>> -> memref<128x32xf32, #tpu.memory_space<vmem>>
    %dma_wait3A_1467 = arith.constant 0 : i32
    %dma_wait3A_1468 = tpu.memref_slice %arg9[%dma_wait3A_1463, %dma_wait3A_1467] : memref<20x128xi32, #tpu.memory_space<vmem>> -> memref<1x128xi32, #tpu.memory_space<vmem>>
    %dma_wait3A_1469 = tpu.memref_squeeze %dma_wait3A_1468 : memref<1x128xi32, #tpu.memory_space<vmem>> -> memref<128xi32, #tpu.memory_space<vmem>>
    %dma_wait3A_1470 = arith.constant 0 : i32
    %dma_wait3A_1471 = arith.constant 0 : i32
    %dma_wait3A_1472 = tpu.memref_slice %arg8[%dma_wait3A_1470, %dma_wait3A_1471] : memref<84x32xf32, #tpu.memory_space<vmem_shared>> -> memref<84x32xf32, #tpu.memory_space<vmem_shared>>
    tpu.wait_indirect_dma semaphore(%arg11 : memref<!tpu.dma_semaphore, #tpu.memory_space<semaphore_mem>>) src(%dma_wait3A_1472 : memref<84x32xf32, #tpu.memory_space<vmem_shared>>) dst(%dma_wait3A_1466 : memref<128x32xf32, #tpu.memory_space<vmem>>)
    %dma_start3A_1473 = arith.constant 512 : i32
    %dma_start3A_1474 = arith.constant 0 : i32
    %dma_start3A_1475 = tpu.memref_slice %arg10[%dma_start3A_1473, %dma_start3A_1474] : memref<2560x32xf32, #tpu.memory_space<vmem>> -> memref<128x32xf32, #tpu.memory_space<vmem>>
    %dma_start3A_1476 = arith.constant 0 : i32
    %dma_start3A_1477 = tpu.memref_slice %arg5[%add3A_22, %dma_start3A_1476] : memref<81920x32xf32, #tpu.memory_space<hbm>> -> memref<128x32xf32, #tpu.memory_space<hbm>>
    %dma_start3A_1478 = arith.constant 0 : i32
    %dma_start3A_1479 = tpu.memref_slice %arg5[%add3A_22, %dma_start3A_1478] : memref<81920x32xf32, #tpu.memory_space<hbm>> -> memref<128x32xf32, #tpu.memory_space<hbm>>
    %dma_start3A_1480 = arith.constant 512 : i32
    %dma_start3A_1481 = arith.constant 0 : i32
    %dma_start3A_1482 = tpu.memref_slice %arg10[%dma_start3A_1480, %dma_start3A_1481] : memref<2560x32xf32, #tpu.memory_space<vmem>> -> memref<128x32xf32, #tpu.memory_space<vmem>>
    tpu.enqueue_dma source(%dma_start3A_1482 : memref<128x32xf32, #tpu.memory_space<vmem>>) target(%dma_start3A_1479 : memref<128x32xf32, #tpu.memory_space<hbm>>) target_semaphore(%arg15 : memref<!tpu.dma_semaphore, #tpu.memory_space<semaphore_mem>>)
    %dma_start3A_1483 = arith.constant 8 : i32
    %dma_start3A_1484 = arith.constant 1024 : i32
    %dma_start3A_1485 = arith.constant 0 : i32
    %dma_start3A_1486 = tpu.memref_slice %arg10[%dma_start3A_1484, %dma_start3A_1485] : memref<2560x32xf32, #tpu.memory_space<vmem>> -> memref<128x32xf32, #tpu.memory_space<vmem>>
    %dma_start3A_1487 = arith.constant 0 : i32
    %dma_start3A_1488 = tpu.memref_slice %arg9[%dma_start3A_1483, %dma_start3A_1487] : memref<20x128xi32, #tpu.memory_space<vmem>> -> memref<1x128xi32, #tpu.memory_space<vmem>>
    %dma_start3A_1489 = tpu.memref_squeeze %dma_start3A_1488 : memref<1x128xi32, #tpu.memory_space<vmem>> -> memref<128xi32, #tpu.memory_space<vmem>>
    %dma_start3A_1490 = arith.constant 0 : i32
    %dma_start3A_1491 = arith.constant 0 : i32
    %dma_start3A_1492 = tpu.memref_slice %arg8[%dma_start3A_1490, %dma_start3A_1491] : memref<84x32xf32, #tpu.memory_space<vmem_shared>> -> memref<84x32xf32, #tpu.memory_space<vmem_shared>>
    tpu.enqueue_indirect_dma source(%dma_start3A_1492 : memref<84x32xf32, #tpu.memory_space<vmem_shared>>) target(%dma_start3A_1486 : memref<128x32xf32, #tpu.memory_space<vmem>>) offsets(%dma_start3A_1489 : memref<128xi32, #tpu.memory_space<vmem>>) semaphore(%arg11 : memref<!tpu.dma_semaphore, #tpu.memory_space<semaphore_mem>>)
    %get3A_1493 = arith.constant 2 : i32
    %get3A_1494 = arith.index_cast %get3A_1493 : i32 to index
    %get3A_1495 = arith.constant 0 : index
    %get3A_1496 = tpu.vector_load %arg7[%get3A_1494, %get3A_1495] {strides = array<i32>} : memref<5x16xi32, #tpu.memory_space<vmem>>, vector<1x16xi32>,
    %get3A_1497 = vector.shape_cast %get3A_1496 : vector<1x16xi32> to vector<16xi32>
    %get3A_1498 = arith.constant 9 : i32
    %get3A_1499 = arith.index_cast %get3A_1498 : i32 to index
    %get3A_1500 = arith.constant 0 : index
    %get3A_1501 = tpu.vector_load %arg6[%get3A_1499, %get3A_1500] {strides = array<i32>} : memref<20x128xi32, #tpu.memory_space<vmem>>, vector<1x16xi32>,
    %get3A_1502 = vector.shape_cast %get3A_1501 : vector<1x16xi32> to vector<16xi32>
    %add3A_1503 = arith.addi %get3A_1502, %get3A_1497 : vector<16xi32>
    %swap3A_1504 = arith.constant 9 : i32
    %swap3A_1505 = arith.index_cast %swap3A_1504 : i32 to index
    %swap3A_1506 = arith.constant 0 : index
    %swap3A_1507 = tpu.vector_load %arg9[%swap3A_1505, %swap3A_1506] {strides = array<i32>} : memref<20x128xi32, #tpu.memory_space<vmem>>, vector<1x16xi32>,
    %swap3A_1508 = vector.shape_cast %swap3A_1507 : vector<1x16xi32> to vector<16xi32>
    %swap3A_1509 = vector.shape_cast %add3A_1503 : vector<16xi32> to vector<1x16xi32>
    tpu.vector_store %arg9[%swap3A_1505, %swap3A_1506], %swap3A_1509 {strides = array<i32>} : memref<20x128xi32, #tpu.memory_space<vmem>>, vector<1x16xi32>,
    %get3A_1510 = arith.constant 3 : i32
    %get3A_1511 = arith.index_cast %get3A_1510 : i32 to index
    %get3A_1512 = arith.constant 0 : index
    %get3A_1513 = tpu.vector_load %arg7[%get3A_1511, %get3A_1512] {strides = array<i32>} : memref<5x16xi32, #tpu.memory_space<vmem>>, vector<1x16xi32>,
    %get3A_1514 = vector.shape_cast %get3A_1513 : vector<1x16xi32> to vector<16xi32>
    %get3A_1515 = arith.constant 9 : i32
    %get3A_1516 = arith.index_cast %get3A_1515 : i32 to index
    %get3A_1517 = arith.constant 16 : index
    %get3A_1518 = tpu.vector_load %arg6[%get3A_1516, %get3A_1517] {strides = array<i32>} : memref<20x128xi32, #tpu.memory_space<vmem>>, vector<1x16xi32>,
    %get3A_1519 = vector.shape_cast %get3A_1518 : vector<1x16xi32> to vector<16xi32>
    %add3A_1520 = arith.addi %get3A_1519, %get3A_1514 : vector<16xi32>
    %swap3A_1521 = arith.constant 9 : i32
    %swap3A_1522 = arith.index_cast %swap3A_1521 : i32 to index
    %swap3A_1523 = arith.constant 16 : index
    %swap3A_1524 = tpu.vector_load %arg9[%swap3A_1522, %swap3A_1523] {strides = array<i32>} : memref<20x128xi32, #tpu.memory_space<vmem>>, vector<1x16xi32>,
    %swap3A_1525 = vector.shape_cast %swap3A_1524 : vector<1x16xi32> to vector<16xi32>
    %swap3A_1526 = vector.shape_cast %add3A_1520 : vector<16xi32> to vector<1x16xi32>
    tpu.vector_store %arg9[%swap3A_1522, %swap3A_1523], %swap3A_1526 {strides = array<i32>} : memref<20x128xi32, #tpu.memory_space<vmem>>, vector<1x16xi32>,
    %get3A_1527 = arith.constant 4 : i32
    %get3A_1528 = arith.index_cast %get3A_1527 : i32 to index
    %get3A_1529 = arith.constant 0 : index
    %get3A_1530 = tpu.vector_load %arg7[%get3A_1528, %get3A_1529] {strides = array<i32>} : memref<5x16xi32, #tpu.memory_space<vmem>>, vector<1x16xi32>,
    %get3A_1531 = vector.shape_cast %get3A_1530 : vector<1x16xi32> to vector<16xi32>
    %get3A_1532 = arith.constant 9 : i32
    %get3A_1533 = arith.index_cast %get3A_1532 : i32 to index
    %get3A_1534 = arith.constant 32 : index
    %get3A_1535 = tpu.vector_load %arg6[%get3A_1533, %get3A_1534] {strides = array<i32>} : memref<20x128xi32, #tpu.memory_space<vmem>>, vector<1x16xi32>,
    %get3A_1536 = vector.shape_cast %get3A_1535 : vector<1x16xi32> to vector<16xi32>
    %add3A_1537 = arith.addi %get3A_1536, %get3A_1531 : vector<16xi32>
    %swap3A_1538 = arith.constant 9 : i32
    %swap3A_1539 = arith.index_cast %swap3A_1538 : i32 to index
    %swap3A_1540 = arith.constant 32 : index
    %swap3A_1541 = tpu.vector_load %arg9[%swap3A_1539, %swap3A_1540] {strides = array<i32>} : memref<20x128xi32, #tpu.memory_space<vmem>>, vector<1x16xi32>,
    %swap3A_1542 = vector.shape_cast %swap3A_1541 : vector<1x16xi32> to vector<16xi32>
    %swap3A_1543 = vector.shape_cast %add3A_1537 : vector<16xi32> to vector<1x16xi32>
    tpu.vector_store %arg9[%swap3A_1539, %swap3A_1540], %swap3A_1543 {strides = array<i32>} : memref<20x128xi32, #tpu.memory_space<vmem>>, vector<1x16xi32>,
    %get3A_1544 = arith.constant 0 : i32
    %get3A_1545 = arith.index_cast %get3A_1544 : i32 to index
    %get3A_1546 = arith.constant 0 : index
    %get3A_1547 = tpu.vector_load %arg7[%get3A_1545, %get3A_1546] {strides = array<i32>} : memref<5x16xi32, #tpu.memory_space<vmem>>, vector<1x16xi32>,
    %get3A_1548 = vector.shape_cast %get3A_1547 : vector<1x16xi32> to vector<16xi32>
    %get3A_1549 = arith.constant 9 : i32
    %get3A_1550 = arith.index_cast %get3A_1549 : i32 to index
    %get3A_1551 = arith.constant 48 : index
    %get3A_1552 = tpu.vector_load %arg6[%get3A_1550, %get3A_1551] {strides = array<i32>} : memref<20x128xi32, #tpu.memory_space<vmem>>, vector<1x16xi32>,
    %get3A_1553 = vector.shape_cast %get3A_1552 : vector<1x16xi32> to vector<16xi32>
    %add3A_1554 = arith.addi %get3A_1553, %get3A_1548 : vector<16xi32>
    %swap3A_1555 = arith.constant 9 : i32
    %swap3A_1556 = arith.index_cast %swap3A_1555 : i32 to index
    %swap3A_1557 = arith.constant 48 : index
    %swap3A_1558 = tpu.vector_load %arg9[%swap3A_1556, %swap3A_1557] {strides = array<i32>} : memref<20x128xi32, #tpu.memory_space<vmem>>, vector<1x16xi32>,
    %swap3A_1559 = vector.shape_cast %swap3A_1558 : vector<1x16xi32> to vector<16xi32>
    %swap3A_1560 = vector.shape_cast %add3A_1554 : vector<16xi32> to vector<1x16xi32>
    tpu.vector_store %arg9[%swap3A_1556, %swap3A_1557], %swap3A_1560 {strides = array<i32>} : memref<20x128xi32, #tpu.memory_space<vmem>>, vector<1x16xi32>,
    %get3A_1561 = arith.constant 1 : i32
    %get3A_1562 = arith.index_cast %get3A_1561 : i32 to index
    %get3A_1563 = arith.constant 0 : index
    %get3A_1564 = tpu.vector_load %arg7[%get3A_1562, %get3A_1563] {strides = array<i32>} : memref<5x16xi32, #tpu.memory_space<vmem>>, vector<1x16xi32>,
    %get3A_1565 = vector.shape_cast %get3A_1564 : vector<1x16xi32> to vector<16xi32>
    %get3A_1566 = arith.constant 9 : i32
    %get3A_1567 = arith.index_cast %get3A_1566 : i32 to index
    %get3A_1568 = arith.constant 64 : index
    %get3A_1569 = tpu.vector_load %arg6[%get3A_1567, %get3A_1568] {strides = array<i32>} : memref<20x128xi32, #tpu.memory_space<vmem>>, vector<1x16xi32>,
    %get3A_1570 = vector.shape_cast %get3A_1569 : vector<1x16xi32> to vector<16xi32>
    %add3A_1571 = arith.addi %get3A_1570, %get3A_1565 : vector<16xi32>
    %swap3A_1572 = arith.constant 9 : i32
    %swap3A_1573 = arith.index_cast %swap3A_1572 : i32 to index
    %swap3A_1574 = arith.constant 64 : index
    %swap3A_1575 = tpu.vector_load %arg9[%swap3A_1573, %swap3A_1574] {strides = array<i32>} : memref<20x128xi32, #tpu.memory_space<vmem>>, vector<1x16xi32>,
    %swap3A_1576 = vector.shape_cast %swap3A_1575 : vector<1x16xi32> to vector<16xi32>
    %swap3A_1577 = vector.shape_cast %add3A_1571 : vector<16xi32> to vector<1x16xi32>
    tpu.vector_store %arg9[%swap3A_1573, %swap3A_1574], %swap3A_1577 {strides = array<i32>} : memref<20x128xi32, #tpu.memory_space<vmem>>, vector<1x16xi32>,
    %get3A_1578 = arith.constant 2 : i32
    %get3A_1579 = arith.index_cast %get3A_1578 : i32 to index
    %get3A_1580 = arith.constant 0 : index
    %get3A_1581 = tpu.vector_load %arg7[%get3A_1579, %get3A_1580] {strides = array<i32>} : memref<5x16xi32, #tpu.memory_space<vmem>>, vector<1x16xi32>,
    %get3A_1582 = vector.shape_cast %get3A_1581 : vector<1x16xi32> to vector<16xi32>
    %get3A_1583 = arith.constant 9 : i32
    %get3A_1584 = arith.index_cast %get3A_1583 : i32 to index
    %get3A_1585 = arith.constant 80 : index
    %get3A_1586 = tpu.vector_load %arg6[%get3A_1584, %get3A_1585] {strides = array<i32>} : memref<20x128xi32, #tpu.memory_space<vmem>>, vector<1x16xi32>,
    %get3A_1587 = vector.shape_cast %get3A_1586 : vector<1x16xi32> to vector<16xi32>
    %add3A_1588 = arith.addi %get3A_1587, %get3A_1582 : vector<16xi32>
    %swap3A_1589 = arith.constant 9 : i32
    %swap3A_1590 = arith.index_cast %swap3A_1589 : i32 to index
    %swap3A_1591 = arith.constant 80 : index
    %swap3A_1592 = tpu.vector_load %arg9[%swap3A_1590, %swap3A_1591] {strides = array<i32>} : memref<20x128xi32, #tpu.memory_space<vmem>>, vector<1x16xi32>,
    %swap3A_1593 = vector.shape_cast %swap3A_1592 : vector<1x16xi32> to vector<16xi32>
    %swap3A_1594 = vector.shape_cast %add3A_1588 : vector<16xi32> to vector<1x16xi32>
    tpu.vector_store %arg9[%swap3A_1590, %swap3A_1591], %swap3A_1594 {strides = array<i32>} : memref<20x128xi32, #tpu.memory_space<vmem>>, vector<1x16xi32>,
    %get3A_1595 = arith.constant 3 : i32
    %get3A_1596 = arith.index_cast %get3A_1595 : i32 to index
    %get3A_1597 = arith.constant 0 : index
    %get3A_1598 = tpu.vector_load %arg7[%get3A_1596, %get3A_1597] {strides = array<i32>} : memref<5x16xi32, #tpu.memory_space<vmem>>, vector<1x16xi32>,
    %get3A_1599 = vector.shape_cast %get3A_1598 : vector<1x16xi32> to vector<16xi32>
    %get3A_1600 = arith.constant 9 : i32
    %get3A_1601 = arith.index_cast %get3A_1600 : i32 to index
    %get3A_1602 = arith.constant 96 : index
    %get3A_1603 = tpu.vector_load %arg6[%get3A_1601, %get3A_1602] {strides = array<i32>} : memref<20x128xi32, #tpu.memory_space<vmem>>, vector<1x16xi32>,
    %get3A_1604 = vector.shape_cast %get3A_1603 : vector<1x16xi32> to vector<16xi32>
    %add3A_1605 = arith.addi %get3A_1604, %get3A_1599 : vector<16xi32>
    %swap3A_1606 = arith.constant 9 : i32
    %swap3A_1607 = arith.index_cast %swap3A_1606 : i32 to index
    %swap3A_1608 = arith.constant 96 : index
    %swap3A_1609 = tpu.vector_load %arg9[%swap3A_1607, %swap3A_1608] {strides = array<i32>} : memref<20x128xi32, #tpu.memory_space<vmem>>, vector<1x16xi32>,
    %swap3A_1610 = vector.shape_cast %swap3A_1609 : vector<1x16xi32> to vector<16xi32>
    %swap3A_1611 = vector.shape_cast %add3A_1605 : vector<16xi32> to vector<1x16xi32>
    tpu.vector_store %arg9[%swap3A_1607, %swap3A_1608], %swap3A_1611 {strides = array<i32>} : memref<20x128xi32, #tpu.memory_space<vmem>>, vector<1x16xi32>,
    %get3A_1612 = arith.constant 4 : i32
    %get3A_1613 = arith.index_cast %get3A_1612 : i32 to index
    %get3A_1614 = arith.constant 0 : index
    %get3A_1615 = tpu.vector_load %arg7[%get3A_1613, %get3A_1614] {strides = array<i32>} : memref<5x16xi32, #tpu.memory_space<vmem>>, vector<1x16xi32>,
    %get3A_1616 = vector.shape_cast %get3A_1615 : vector<1x16xi32> to vector<16xi32>
    %get3A_1617 = arith.constant 9 : i32
    %get3A_1618 = arith.index_cast %get3A_1617 : i32 to index
    %get3A_1619 = arith.constant 112 : index
    %get3A_1620 = tpu.vector_load %arg6[%get3A_1618, %get3A_1619] {strides = array<i32>} : memref<20x128xi32, #tpu.memory_space<vmem>>, vector<1x16xi32>,
    %get3A_1621 = vector.shape_cast %get3A_1620 : vector<1x16xi32> to vector<16xi32>
    %add3A_1622 = arith.addi %get3A_1621, %get3A_1616 : vector<16xi32>
    %swap3A_1623 = arith.constant 9 : i32
    %swap3A_1624 = arith.index_cast %swap3A_1623 : i32 to index
    %swap3A_1625 = arith.constant 112 : index
    %swap3A_1626 = tpu.vector_load %arg9[%swap3A_1624, %swap3A_1625] {strides = array<i32>} : memref<20x128xi32, #tpu.memory_space<vmem>>, vector<1x16xi32>,
    %swap3A_1627 = vector.shape_cast %swap3A_1626 : vector<1x16xi32> to vector<16xi32>
    %swap3A_1628 = vector.shape_cast %add3A_1622 : vector<16xi32> to vector<1x16xi32>
    tpu.vector_store %arg9[%swap3A_1624, %swap3A_1625], %swap3A_1628 {strides = array<i32>} : memref<20x128xi32, #tpu.memory_space<vmem>>, vector<1x16xi32>,
    %dma_wait3A_1629 = arith.constant 5 : i32
    %dma_wait3A_1630 = arith.constant 640 : i32
    %dma_wait3A_1631 = arith.constant 0 : i32
    %dma_wait3A_1632 = tpu.memref_slice %arg10[%dma_wait3A_1630, %dma_wait3A_1631] : memref<2560x32xf32, #tpu.memory_space<vmem>> -> memref<128x32xf32, #tpu.memory_space<vmem>>
    %dma_wait3A_1633 = arith.constant 0 : i32
    %dma_wait3A_1634 = tpu.memref_slice %arg9[%dma_wait3A_1629, %dma_wait3A_1633] : memref<20x128xi32, #tpu.memory_space<vmem>> -> memref<1x128xi32, #tpu.memory_space<vmem>>
    %dma_wait3A_1635 = tpu.memref_squeeze %dma_wait3A_1634 : memref<1x128xi32, #tpu.memory_space<vmem>> -> memref<128xi32, #tpu.memory_space<vmem>>
    %dma_wait3A_1636 = arith.constant 0 : i32
    %dma_wait3A_1637 = arith.constant 0 : i32
    %dma_wait3A_1638 = tpu.memref_slice %arg8[%dma_wait3A_1636, %dma_wait3A_1637] : memref<84x32xf32, #tpu.memory_space<vmem_shared>> -> memref<84x32xf32, #tpu.memory_space<vmem_shared>>
    tpu.wait_indirect_dma semaphore(%arg12 : memref<!tpu.dma_semaphore, #tpu.memory_space<semaphore_mem>>) src(%dma_wait3A_1638 : memref<84x32xf32, #tpu.memory_space<vmem_shared>>) dst(%dma_wait3A_1632 : memref<128x32xf32, #tpu.memory_space<vmem>>)
    %dma_start3A_1639 = arith.constant 640 : i32
    %dma_start3A_1640 = arith.constant 0 : i32
    %dma_start3A_1641 = tpu.memref_slice %arg10[%dma_start3A_1639, %dma_start3A_1640] : memref<2560x32xf32, #tpu.memory_space<vmem>> -> memref<128x32xf32, #tpu.memory_space<vmem>>
    %dma_start3A_1642 = arith.constant 0 : i32
    %dma_start3A_1643 = tpu.memref_slice %arg5[%add3A_26, %dma_start3A_1642] : memref<81920x32xf32, #tpu.memory_space<hbm>> -> memref<128x32xf32, #tpu.memory_space<hbm>>
    %dma_start3A_1644 = arith.constant 0 : i32
    %dma_start3A_1645 = tpu.memref_slice %arg5[%add3A_26, %dma_start3A_1644] : memref<81920x32xf32, #tpu.memory_space<hbm>> -> memref<128x32xf32, #tpu.memory_space<hbm>>
    %dma_start3A_1646 = arith.constant 640 : i32
    %dma_start3A_1647 = arith.constant 0 : i32
    %dma_start3A_1648 = tpu.memref_slice %arg10[%dma_start3A_1646, %dma_start3A_1647] : memref<2560x32xf32, #tpu.memory_space<vmem>> -> memref<128x32xf32, #tpu.memory_space<vmem>>
    tpu.enqueue_dma source(%dma_start3A_1648 : memref<128x32xf32, #tpu.memory_space<vmem>>) target(%dma_start3A_1645 : memref<128x32xf32, #tpu.memory_space<hbm>>) target_semaphore(%arg15 : memref<!tpu.dma_semaphore, #tpu.memory_space<semaphore_mem>>)
    %dma_start3A_1649 = arith.constant 9 : i32
    %dma_start3A_1650 = arith.constant 1152 : i32
    %dma_start3A_1651 = arith.constant 0 : i32
    %dma_start3A_1652 = tpu.memref_slice %arg10[%dma_start3A_1650, %dma_start3A_1651] : memref<2560x32xf32, #tpu.memory_space<vmem>> -> memref<128x32xf32, #tpu.memory_space<vmem>>
    %dma_start3A_1653 = arith.constant 0 : i32
    %dma_start3A_1654 = tpu.memref_slice %arg9[%dma_start3A_1649, %dma_start3A_1653] : memref<20x128xi32, #tpu.memory_space<vmem>> -> memref<1x128xi32, #tpu.memory_space<vmem>>
    %dma_start3A_1655 = tpu.memref_squeeze %dma_start3A_1654 : memref<1x128xi32, #tpu.memory_space<vmem>> -> memref<128xi32, #tpu.memory_space<vmem>>
    %dma_start3A_1656 = arith.constant 0 : i32
    %dma_start3A_1657 = arith.constant 0 : i32
    %dma_start3A_1658 = tpu.memref_slice %arg8[%dma_start3A_1656, %dma_start3A_1657] : memref<84x32xf32, #tpu.memory_space<vmem_shared>> -> memref<84x32xf32, #tpu.memory_space<vmem_shared>>
    tpu.enqueue_indirect_dma source(%dma_start3A_1658 : memref<84x32xf32, #tpu.memory_space<vmem_shared>>) target(%dma_start3A_1652 : memref<128x32xf32, #tpu.memory_space<vmem>>) offsets(%dma_start3A_1655 : memref<128xi32, #tpu.memory_space<vmem>>) semaphore(%arg12 : memref<!tpu.dma_semaphore, #tpu.memory_space<semaphore_mem>>)
    %get3A_1659 = arith.constant 0 : i32
    %get3A_1660 = arith.index_cast %get3A_1659 : i32 to index
    %get3A_1661 = arith.constant 0 : index
    %get3A_1662 = tpu.vector_load %arg7[%get3A_1660, %get3A_1661] {strides = array<i32>} : memref<5x16xi32, #tpu.memory_space<vmem>>, vector<1x16xi32>,
    %get3A_1663 = vector.shape_cast %get3A_1662 : vector<1x16xi32> to vector<16xi32>
    %get3A_1664 = arith.constant 10 : i32
    %get3A_1665 = arith.index_cast %get3A_1664 : i32 to index
    %get3A_1666 = arith.constant 0 : index
    %get3A_1667 = tpu.vector_load %arg6[%get3A_1665, %get3A_1666] {strides = array<i32>} : memref<20x128xi32, #tpu.memory_space<vmem>>, vector<1x16xi32>,
    %get3A_1668 = vector.shape_cast %get3A_1667 : vector<1x16xi32> to vector<16xi32>
    %add3A_1669 = arith.addi %get3A_1668, %get3A_1663 : vector<16xi32>
    %swap3A_1670 = arith.constant 10 : i32
    %swap3A_1671 = arith.index_cast %swap3A_1670 : i32 to index
    %swap3A_1672 = arith.constant 0 : index
    %swap3A_1673 = tpu.vector_load %arg9[%swap3A_1671, %swap3A_1672] {strides = array<i32>} : memref<20x128xi32, #tpu.memory_space<vmem>>, vector<1x16xi32>,
    %swap3A_1674 = vector.shape_cast %swap3A_1673 : vector<1x16xi32> to vector<16xi32>
    %swap3A_1675 = vector.shape_cast %add3A_1669 : vector<16xi32> to vector<1x16xi32>
    tpu.vector_store %arg9[%swap3A_1671, %swap3A_1672], %swap3A_1675 {strides = array<i32>} : memref<20x128xi32, #tpu.memory_space<vmem>>, vector<1x16xi32>,
    %get3A_1676 = arith.constant 1 : i32
    %get3A_1677 = arith.index_cast %get3A_1676 : i32 to index
    %get3A_1678 = arith.constant 0 : index
    %get3A_1679 = tpu.vector_load %arg7[%get3A_1677, %get3A_1678] {strides = array<i32>} : memref<5x16xi32, #tpu.memory_space<vmem>>, vector<1x16xi32>,
    %get3A_1680 = vector.shape_cast %get3A_1679 : vector<1x16xi32> to vector<16xi32>
    %get3A_1681 = arith.constant 10 : i32
    %get3A_1682 = arith.index_cast %get3A_1681 : i32 to index
    %get3A_1683 = arith.constant 16 : index
    %get3A_1684 = tpu.vector_load %arg6[%get3A_1682, %get3A_1683] {strides = array<i32>} : memref<20x128xi32, #tpu.memory_space<vmem>>, vector<1x16xi32>,
    %get3A_1685 = vector.shape_cast %get3A_1684 : vector<1x16xi32> to vector<16xi32>
    %add3A_1686 = arith.addi %get3A_1685, %get3A_1680 : vector<16xi32>
    %swap3A_1687 = arith.constant 10 : i32
    %swap3A_1688 = arith.index_cast %swap3A_1687 : i32 to index
    %swap3A_1689 = arith.constant 16 : index
    %swap3A_1690 = tpu.vector_load %arg9[%swap3A_1688, %swap3A_1689] {strides = array<i32>} : memref<20x128xi32, #tpu.memory_space<vmem>>, vector<1x16xi32>,
    %swap3A_1691 = vector.shape_cast %swap3A_1690 : vector<1x16xi32> to vector<16xi32>
    %swap3A_1692 = vector.shape_cast %add3A_1686 : vector<16xi32> to vector<1x16xi32>
    tpu.vector_store %arg9[%swap3A_1688, %swap3A_1689], %swap3A_1692 {strides = array<i32>} : memref<20x128xi32, #tpu.memory_space<vmem>>, vector<1x16xi32>,
    %get3A_1693 = arith.constant 2 : i32
    %get3A_1694 = arith.index_cast %get3A_1693 : i32 to index
    %get3A_1695 = arith.constant 0 : index
    %get3A_1696 = tpu.vector_load %arg7[%get3A_1694, %get3A_1695] {strides = array<i32>} : memref<5x16xi32, #tpu.memory_space<vmem>>, vector<1x16xi32>,
    %get3A_1697 = vector.shape_cast %get3A_1696 : vector<1x16xi32> to vector<16xi32>
    %get3A_1698 = arith.constant 10 : i32
    %get3A_1699 = arith.index_cast %get3A_1698 : i32 to index
    %get3A_1700 = arith.constant 32 : index
    %get3A_1701 = tpu.vector_load %arg6[%get3A_1699, %get3A_1700] {strides = array<i32>} : memref<20x128xi32, #tpu.memory_space<vmem>>, vector<1x16xi32>,
    %get3A_1702 = vector.shape_cast %get3A_1701 : vector<1x16xi32> to vector<16xi32>
    %add3A_1703 = arith.addi %get3A_1702, %get3A_1697 : vector<16xi32>
    %swap3A_1704 = arith.constant 10 : i32
    %swap3A_1705 = arith.index_cast %swap3A_1704 : i32 to index
    %swap3A_1706 = arith.constant 32 : index
    %swap3A_1707 = tpu.vector_load %arg9[%swap3A_1705, %swap3A_1706] {strides = array<i32>} : memref<20x128xi32, #tpu.memory_space<vmem>>, vector<1x16xi32>,
    %swap3A_1708 = vector.shape_cast %swap3A_1707 : vector<1x16xi32> to vector<16xi32>
    %swap3A_1709 = vector.shape_cast %add3A_1703 : vector<16xi32> to vector<1x16xi32>
    tpu.vector_store %arg9[%swap3A_1705, %swap3A_1706], %swap3A_1709 {strides = array<i32>} : memref<20x128xi32, #tpu.memory_space<vmem>>, vector<1x16xi32>,
    %get3A_1710 = arith.constant 3 : i32
    %get3A_1711 = arith.index_cast %get3A_1710 : i32 to index
    %get3A_1712 = arith.constant 0 : index
    %get3A_1713 = tpu.vector_load %arg7[%get3A_1711, %get3A_1712] {strides = array<i32>} : memref<5x16xi32, #tpu.memory_space<vmem>>, vector<1x16xi32>,
    %get3A_1714 = vector.shape_cast %get3A_1713 : vector<1x16xi32> to vector<16xi32>
    %get3A_1715 = arith.constant 10 : i32
    %get3A_1716 = arith.index_cast %get3A_1715 : i32 to index
    %get3A_1717 = arith.constant 48 : index
    %get3A_1718 = tpu.vector_load %arg6[%get3A_1716, %get3A_1717] {strides = array<i32>} : memref<20x128xi32, #tpu.memory_space<vmem>>, vector<1x16xi32>,
    %get3A_1719 = vector.shape_cast %get3A_1718 : vector<1x16xi32> to vector<16xi32>
    %add3A_1720 = arith.addi %get3A_1719, %get3A_1714 : vector<16xi32>
    %swap3A_1721 = arith.constant 10 : i32
    %swap3A_1722 = arith.index_cast %swap3A_1721 : i32 to index
    %swap3A_1723 = arith.constant 48 : index
    %swap3A_1724 = tpu.vector_load %arg9[%swap3A_1722, %swap3A_1723] {strides = array<i32>} : memref<20x128xi32, #tpu.memory_space<vmem>>, vector<1x16xi32>,
    %swap3A_1725 = vector.shape_cast %swap3A_1724 : vector<1x16xi32> to vector<16xi32>
    %swap3A_1726 = vector.shape_cast %add3A_1720 : vector<16xi32> to vector<1x16xi32>
    tpu.vector_store %arg9[%swap3A_1722, %swap3A_1723], %swap3A_1726 {strides = array<i32>} : memref<20x128xi32, #tpu.memory_space<vmem>>, vector<1x16xi32>,
    %get3A_1727 = arith.constant 4 : i32
    %get3A_1728 = arith.index_cast %get3A_1727 : i32 to index
    %get3A_1729 = arith.constant 0 : index
    %get3A_1730 = tpu.vector_load %arg7[%get3A_1728, %get3A_1729] {strides = array<i32>} : memref<5x16xi32, #tpu.memory_space<vmem>>, vector<1x16xi32>,
    %get3A_1731 = vector.shape_cast %get3A_1730 : vector<1x16xi32> to vector<16xi32>
    %get3A_1732 = arith.constant 10 : i32
    %get3A_1733 = arith.index_cast %get3A_1732 : i32 to index
    %get3A_1734 = arith.constant 64 : index
    %get3A_1735 = tpu.vector_load %arg6[%get3A_1733, %get3A_1734] {strides = array<i32>} : memref<20x128xi32, #tpu.memory_space<vmem>>, vector<1x16xi32>,
    %get3A_1736 = vector.shape_cast %get3A_1735 : vector<1x16xi32> to vector<16xi32>
    %add3A_1737 = arith.addi %get3A_1736, %get3A_1731 : vector<16xi32>
    %swap3A_1738 = arith.constant 10 : i32
    %swap3A_1739 = arith.index_cast %swap3A_1738 : i32 to index
    %swap3A_1740 = arith.constant 64 : index
    %swap3A_1741 = tpu.vector_load %arg9[%swap3A_1739, %swap3A_1740] {strides = array<i32>} : memref<20x128xi32, #tpu.memory_space<vmem>>, vector<1x16xi32>,
    %swap3A_1742 = vector.shape_cast %swap3A_1741 : vector<1x16xi32> to vector<16xi32>
    %swap3A_1743 = vector.shape_cast %add3A_1737 : vector<16xi32> to vector<1x16xi32>
    tpu.vector_store %arg9[%swap3A_1739, %swap3A_1740], %swap3A_1743 {strides = array<i32>} : memref<20x128xi32, #tpu.memory_space<vmem>>, vector<1x16xi32>,
    %get3A_1744 = arith.constant 0 : i32
    %get3A_1745 = arith.index_cast %get3A_1744 : i32 to index
    %get3A_1746 = arith.constant 0 : index
    %get3A_1747 = tpu.vector_load %arg7[%get3A_1745, %get3A_1746] {strides = array<i32>} : memref<5x16xi32, #tpu.memory_space<vmem>>, vector<1x16xi32>,
    %get3A_1748 = vector.shape_cast %get3A_1747 : vector<1x16xi32> to vector<16xi32>
    %get3A_1749 = arith.constant 10 : i32
    %get3A_1750 = arith.index_cast %get3A_1749 : i32 to index
    %get3A_1751 = arith.constant 80 : index
    %get3A_1752 = tpu.vector_load %arg6[%get3A_1750, %get3A_1751] {strides = array<i32>} : memref<20x128xi32, #tpu.memory_space<vmem>>, vector<1x16xi32>,
    %get3A_1753 = vector.shape_cast %get3A_1752 : vector<1x16xi32> to vector<16xi32>
    %add3A_1754 = arith.addi %get3A_1753, %get3A_1748 : vector<16xi32>
    %swap3A_1755 = arith.constant 10 : i32
    %swap3A_1756 = arith.index_cast %swap3A_1755 : i32 to index
    %swap3A_1757 = arith.constant 80 : index
    %swap3A_1758 = tpu.vector_load %arg9[%swap3A_1756, %swap3A_1757] {strides = array<i32>} : memref<20x128xi32, #tpu.memory_space<vmem>>, vector<1x16xi32>,
    %swap3A_1759 = vector.shape_cast %swap3A_1758 : vector<1x16xi32> to vector<16xi32>
    %swap3A_1760 = vector.shape_cast %add3A_1754 : vector<16xi32> to vector<1x16xi32>
    tpu.vector_store %arg9[%swap3A_1756, %swap3A_1757], %swap3A_1760 {strides = array<i32>} : memref<20x128xi32, #tpu.memory_space<vmem>>, vector<1x16xi32>,
    %get3A_1761 = arith.constant 1 : i32
    %get3A_1762 = arith.index_cast %get3A_1761 : i32 to index
    %get3A_1763 = arith.constant 0 : index
    %get3A_1764 = tpu.vector_load %arg7[%get3A_1762, %get3A_1763] {strides = array<i32>} : memref<5x16xi32, #tpu.memory_space<vmem>>, vector<1x16xi32>,
    %get3A_1765 = vector.shape_cast %get3A_1764 : vector<1x16xi32> to vector<16xi32>
    %get3A_1766 = arith.constant 10 : i32
    %get3A_1767 = arith.index_cast %get3A_1766 : i32 to index
    %get3A_1768 = arith.constant 96 : index
    %get3A_1769 = tpu.vector_load %arg6[%get3A_1767, %get3A_1768] {strides = array<i32>} : memref<20x128xi32, #tpu.memory_space<vmem>>, vector<1x16xi32>,
    %get3A_1770 = vector.shape_cast %get3A_1769 : vector<1x16xi32> to vector<16xi32>
    %add3A_1771 = arith.addi %get3A_1770, %get3A_1765 : vector<16xi32>
    %swap3A_1772 = arith.constant 10 : i32
    %swap3A_1773 = arith.index_cast %swap3A_1772 : i32 to index
    %swap3A_1774 = arith.constant 96 : index
    %swap3A_1775 = tpu.vector_load %arg9[%swap3A_1773, %swap3A_1774] {strides = array<i32>} : memref<20x128xi32, #tpu.memory_space<vmem>>, vector<1x16xi32>,
    %swap3A_1776 = vector.shape_cast %swap3A_1775 : vector<1x16xi32> to vector<16xi32>
    %swap3A_1777 = vector.shape_cast %add3A_1771 : vector<16xi32> to vector<1x16xi32>
    tpu.vector_store %arg9[%swap3A_1773, %swap3A_1774], %swap3A_1777 {strides = array<i32>} : memref<20x128xi32, #tpu.memory_space<vmem>>, vector<1x16xi32>,
    %get3A_1778 = arith.constant 2 : i32
    %get3A_1779 = arith.index_cast %get3A_1778 : i32 to index
    %get3A_1780 = arith.constant 0 : index
    %get3A_1781 = tpu.vector_load %arg7[%get3A_1779, %get3A_1780] {strides = array<i32>} : memref<5x16xi32, #tpu.memory_space<vmem>>, vector<1x16xi32>,
    %get3A_1782 = vector.shape_cast %get3A_1781 : vector<1x16xi32> to vector<16xi32>
    %get3A_1783 = arith.constant 10 : i32
    %get3A_1784 = arith.index_cast %get3A_1783 : i32 to index
    %get3A_1785 = arith.constant 112 : index
    %get3A_1786 = tpu.vector_load %arg6[%get3A_1784, %get3A_1785] {strides = array<i32>} : memref<20x128xi32, #tpu.memory_space<vmem>>, vector<1x16xi32>,
    %get3A_1787 = vector.shape_cast %get3A_1786 : vector<1x16xi32> to vector<16xi32>
    %add3A_1788 = arith.addi %get3A_1787, %get3A_1782 : vector<16xi32>
    %swap3A_1789 = arith.constant 10 : i32
    %swap3A_1790 = arith.index_cast %swap3A_1789 : i32 to index
    %swap3A_1791 = arith.constant 112 : index
    %swap3A_1792 = tpu.vector_load %arg9[%swap3A_1790, %swap3A_1791] {strides = array<i32>} : memref<20x128xi32, #tpu.memory_space<vmem>>, vector<1x16xi32>,
    %swap3A_1793 = vector.shape_cast %swap3A_1792 : vector<1x16xi32> to vector<16xi32>
    %swap3A_1794 = vector.shape_cast %add3A_1788 : vector<16xi32> to vector<1x16xi32>
    tpu.vector_store %arg9[%swap3A_1790, %swap3A_1791], %swap3A_1794 {strides = array<i32>} : memref<20x128xi32, #tpu.memory_space<vmem>>, vector<1x16xi32>,
    %dma_wait3A_1795 = arith.constant 6 : i32
    %dma_wait3A_1796 = arith.constant 768 : i32
    %dma_wait3A_1797 = arith.constant 0 : i32
    %dma_wait3A_1798 = tpu.memref_slice %arg10[%dma_wait3A_1796, %dma_wait3A_1797] : memref<2560x32xf32, #tpu.memory_space<vmem>> -> memref<128x32xf32, #tpu.memory_space<vmem>>
    %dma_wait3A_1799 = arith.constant 0 : i32
    %dma_wait3A_1800 = tpu.memref_slice %arg9[%dma_wait3A_1795, %dma_wait3A_1799] : memref<20x128xi32, #tpu.memory_space<vmem>> -> memref<1x128xi32, #tpu.memory_space<vmem>>
    %dma_wait3A_1801 = tpu.memref_squeeze %dma_wait3A_1800 : memref<1x128xi32, #tpu.memory_space<vmem>> -> memref<128xi32, #tpu.memory_space<vmem>>
    %dma_wait3A_1802 = arith.constant 0 : i32
    %dma_wait3A_1803 = arith.constant 0 : i32
    %dma_wait3A_1804 = tpu.memref_slice %arg8[%dma_wait3A_1802, %dma_wait3A_1803] : memref<84x32xf32, #tpu.memory_space<vmem_shared>> -> memref<84x32xf32, #tpu.memory_space<vmem_shared>>
    tpu.wait_indirect_dma semaphore(%arg13 : memref<!tpu.dma_semaphore, #tpu.memory_space<semaphore_mem>>) src(%dma_wait3A_1804 : memref<84x32xf32, #tpu.memory_space<vmem_shared>>) dst(%dma_wait3A_1798 : memref<128x32xf32, #tpu.memory_space<vmem>>)
    %dma_start3A_1805 = arith.constant 768 : i32
    %dma_start3A_1806 = arith.constant 0 : i32
    %dma_start3A_1807 = tpu.memref_slice %arg10[%dma_start3A_1805, %dma_start3A_1806] : memref<2560x32xf32, #tpu.memory_space<vmem>> -> memref<128x32xf32, #tpu.memory_space<vmem>>
    %dma_start3A_1808 = arith.constant 0 : i32
    %dma_start3A_1809 = tpu.memref_slice %arg5[%add3A_30, %dma_start3A_1808] : memref<81920x32xf32, #tpu.memory_space<hbm>> -> memref<128x32xf32, #tpu.memory_space<hbm>>
    %dma_start3A_1810 = arith.constant 0 : i32
    %dma_start3A_1811 = tpu.memref_slice %arg5[%add3A_30, %dma_start3A_1810] : memref<81920x32xf32, #tpu.memory_space<hbm>> -> memref<128x32xf32, #tpu.memory_space<hbm>>
    %dma_start3A_1812 = arith.constant 768 : i32
    %dma_start3A_1813 = arith.constant 0 : i32
    %dma_start3A_1814 = tpu.memref_slice %arg10[%dma_start3A_1812, %dma_start3A_1813] : memref<2560x32xf32, #tpu.memory_space<vmem>> -> memref<128x32xf32, #tpu.memory_space<vmem>>
    tpu.enqueue_dma source(%dma_start3A_1814 : memref<128x32xf32, #tpu.memory_space<vmem>>) target(%dma_start3A_1811 : memref<128x32xf32, #tpu.memory_space<hbm>>) target_semaphore(%arg15 : memref<!tpu.dma_semaphore, #tpu.memory_space<semaphore_mem>>)
    %dma_start3A_1815 = arith.constant 10 : i32
    %dma_start3A_1816 = arith.constant 1280 : i32
    %dma_start3A_1817 = arith.constant 0 : i32
    %dma_start3A_1818 = tpu.memref_slice %arg10[%dma_start3A_1816, %dma_start3A_1817] : memref<2560x32xf32, #tpu.memory_space<vmem>> -> memref<128x32xf32, #tpu.memory_space<vmem>>
    %dma_start3A_1819 = arith.constant 0 : i32
    %dma_start3A_1820 = tpu.memref_slice %arg9[%dma_start3A_1815, %dma_start3A_1819] : memref<20x128xi32, #tpu.memory_space<vmem>> -> memref<1x128xi32, #tpu.memory_space<vmem>>
    %dma_start3A_1821 = tpu.memref_squeeze %dma_start3A_1820 : memref<1x128xi32, #tpu.memory_space<vmem>> -> memref<128xi32, #tpu.memory_space<vmem>>
    %dma_start3A_1822 = arith.constant 0 : i32
    %dma_start3A_1823 = arith.constant 0 : i32
    %dma_start3A_1824 = tpu.memref_slice %arg8[%dma_start3A_1822, %dma_start3A_1823] : memref<84x32xf32, #tpu.memory_space<vmem_shared>> -> memref<84x32xf32, #tpu.memory_space<vmem_shared>>
    tpu.enqueue_indirect_dma source(%dma_start3A_1824 : memref<84x32xf32, #tpu.memory_space<vmem_shared>>) target(%dma_start3A_1818 : memref<128x32xf32, #tpu.memory_space<vmem>>) offsets(%dma_start3A_1821 : memref<128xi32, #tpu.memory_space<vmem>>) semaphore(%arg13 : memref<!tpu.dma_semaphore, #tpu.memory_space<semaphore_mem>>)
    %get3A_1825 = arith.constant 3 : i32
    %get3A_1826 = arith.index_cast %get3A_1825 : i32 to index
    %get3A_1827 = arith.constant 0 : index
    %get3A_1828 = tpu.vector_load %arg7[%get3A_1826, %get3A_1827] {strides = array<i32>} : memref<5x16xi32, #tpu.memory_space<vmem>>, vector<1x16xi32>,
    %get3A_1829 = vector.shape_cast %get3A_1828 : vector<1x16xi32> to vector<16xi32>
    %get3A_1830 = arith.constant 11 : i32
    %get3A_1831 = arith.index_cast %get3A_1830 : i32 to index
    %get3A_1832 = arith.constant 0 : index
    %get3A_1833 = tpu.vector_load %arg6[%get3A_1831, %get3A_1832] {strides = array<i32>} : memref<20x128xi32, #tpu.memory_space<vmem>>, vector<1x16xi32>,
    %get3A_1834 = vector.shape_cast %get3A_1833 : vector<1x16xi32> to vector<16xi32>
    %add3A_1835 = arith.addi %get3A_1834, %get3A_1829 : vector<16xi32>
    %swap3A_1836 = arith.constant 11 : i32
    %swap3A_1837 = arith.index_cast %swap3A_1836 : i32 to index
    %swap3A_1838 = arith.constant 0 : index
    %swap3A_1839 = tpu.vector_load %arg9[%swap3A_1837, %swap3A_1838] {strides = array<i32>} : memref<20x128xi32, #tpu.memory_space<vmem>>, vector<1x16xi32>,
    %swap3A_1840 = vector.shape_cast %swap3A_1839 : vector<1x16xi32> to vector<16xi32>
    %swap3A_1841 = vector.shape_cast %add3A_1835 : vector<16xi32> to vector<1x16xi32>
    tpu.vector_store %arg9[%swap3A_1837, %swap3A_1838], %swap3A_1841 {strides = array<i32>} : memref<20x128xi32, #tpu.memory_space<vmem>>, vector<1x16xi32>,
    %get3A_1842 = arith.constant 4 : i32
    %get3A_1843 = arith.index_cast %get3A_1842 : i32 to index
    %get3A_1844 = arith.constant 0 : index
    %get3A_1845 = tpu.vector_load %arg7[%get3A_1843, %get3A_1844] {strides = array<i32>} : memref<5x16xi32, #tpu.memory_space<vmem>>, vector<1x16xi32>,
    %get3A_1846 = vector.shape_cast %get3A_1845 : vector<1x16xi32> to vector<16xi32>
    %get3A_1847 = arith.constant 11 : i32
    %get3A_1848 = arith.index_cast %get3A_1847 : i32 to index
    %get3A_1849 = arith.constant 16 : index
    %get3A_1850 = tpu.vector_load %arg6[%get3A_1848, %get3A_1849] {strides = array<i32>} : memref<20x128xi32, #tpu.memory_space<vmem>>, vector<1x16xi32>,
    %get3A_1851 = vector.shape_cast %get3A_1850 : vector<1x16xi32> to vector<16xi32>
    %add3A_1852 = arith.addi %get3A_1851, %get3A_1846 : vector<16xi32>
    %swap3A_1853 = arith.constant 11 : i32
    %swap3A_1854 = arith.index_cast %swap3A_1853 : i32 to index
    %swap3A_1855 = arith.constant 16 : index
    %swap3A_1856 = tpu.vector_load %arg9[%swap3A_1854, %swap3A_1855] {strides = array<i32>} : memref<20x128xi32, #tpu.memory_space<vmem>>, vector<1x16xi32>,
    %swap3A_1857 = vector.shape_cast %swap3A_1856 : vector<1x16xi32> to vector<16xi32>
    %swap3A_1858 = vector.shape_cast %add3A_1852 : vector<16xi32> to vector<1x16xi32>
    tpu.vector_store %arg9[%swap3A_1854, %swap3A_1855], %swap3A_1858 {strides = array<i32>} : memref<20x128xi32, #tpu.memory_space<vmem>>, vector<1x16xi32>,
    %get3A_1859 = arith.constant 0 : i32
    %get3A_1860 = arith.index_cast %get3A_1859 : i32 to index
    %get3A_1861 = arith.constant 0 : index
    %get3A_1862 = tpu.vector_load %arg7[%get3A_1860, %get3A_1861] {strides = array<i32>} : memref<5x16xi32, #tpu.memory_space<vmem>>, vector<1x16xi32>,
    %get3A_1863 = vector.shape_cast %get3A_1862 : vector<1x16xi32> to vector<16xi32>
    %get3A_1864 = arith.constant 11 : i32
    %get3A_1865 = arith.index_cast %get3A_1864 : i32 to index
    %get3A_1866 = arith.constant 32 : index
    %get3A_1867 = tpu.vector_load %arg6[%get3A_1865, %get3A_1866] {strides = array<i32>} : memref<20x128xi32, #tpu.memory_space<vmem>>, vector<1x16xi32>,
    %get3A_1868 = vector.shape_cast %get3A_1867 : vector<1x16xi32> to vector<16xi32>
    %add3A_1869 = arith.addi %get3A_1868, %get3A_1863 : vector<16xi32>
    %swap3A_1870 = arith.constant 11 : i32
    %swap3A_1871 = arith.index_cast %swap3A_1870 : i32 to index
    %swap3A_1872 = arith.constant 32 : index
    %swap3A_1873 = tpu.vector_load %arg9[%swap3A_1871, %swap3A_1872] {strides = array<i32>} : memref<20x128xi32, #tpu.memory_space<vmem>>, vector<1x16xi32>,
    %swap3A_1874 = vector.shape_cast %swap3A_1873 : vector<1x16xi32> to vector<16xi32>
    %swap3A_1875 = vector.shape_cast %add3A_1869 : vector<16xi32> to vector<1x16xi32>
    tpu.vector_store %arg9[%swap3A_1871, %swap3A_1872], %swap3A_1875 {strides = array<i32>} : memref<20x128xi32, #tpu.memory_space<vmem>>, vector<1x16xi32>,
    %get3A_1876 = arith.constant 1 : i32
    %get3A_1877 = arith.index_cast %get3A_1876 : i32 to index
    %get3A_1878 = arith.constant 0 : index
    %get3A_1879 = tpu.vector_load %arg7[%get3A_1877, %get3A_1878] {strides = array<i32>} : memref<5x16xi32, #tpu.memory_space<vmem>>, vector<1x16xi32>,
    %get3A_1880 = vector.shape_cast %get3A_1879 : vector<1x16xi32> to vector<16xi32>
    %get3A_1881 = arith.constant 11 : i32
    %get3A_1882 = arith.index_cast %get3A_1881 : i32 to index
    %get3A_1883 = arith.constant 48 : index
    %get3A_1884 = tpu.vector_load %arg6[%get3A_1882, %get3A_1883] {strides = array<i32>} : memref<20x128xi32, #tpu.memory_space<vmem>>, vector<1x16xi32>,
    %get3A_1885 = vector.shape_cast %get3A_1884 : vector<1x16xi32> to vector<16xi32>
    %add3A_1886 = arith.addi %get3A_1885, %get3A_1880 : vector<16xi32>
    %swap3A_1887 = arith.constant 11 : i32
    %swap3A_1888 = arith.index_cast %swap3A_1887 : i32 to index
    %swap3A_1889 = arith.constant 48 : index
    %swap3A_1890 = tpu.vector_load %arg9[%swap3A_1888, %swap3A_1889] {strides = array<i32>} : memref<20x128xi32, #tpu.memory_space<vmem>>, vector<1x16xi32>,
    %swap3A_1891 = vector.shape_cast %swap3A_1890 : vector<1x16xi32> to vector<16xi32>
    %swap3A_1892 = vector.shape_cast %add3A_1886 : vector<16xi32> to vector<1x16xi32>
    tpu.vector_store %arg9[%swap3A_1888, %swap3A_1889], %swap3A_1892 {strides = array<i32>} : memref<20x128xi32, #tpu.memory_space<vmem>>, vector<1x16xi32>,
    %get3A_1893 = arith.constant 2 : i32
    %get3A_1894 = arith.index_cast %get3A_1893 : i32 to index
    %get3A_1895 = arith.constant 0 : index
    %get3A_1896 = tpu.vector_load %arg7[%get3A_1894, %get3A_1895] {strides = array<i32>} : memref<5x16xi32, #tpu.memory_space<vmem>>, vector<1x16xi32>,
    %get3A_1897 = vector.shape_cast %get3A_1896 : vector<1x16xi32> to vector<16xi32>
    %get3A_1898 = arith.constant 11 : i32
    %get3A_1899 = arith.index_cast %get3A_1898 : i32 to index
    %get3A_1900 = arith.constant 64 : index
    %get3A_1901 = tpu.vector_load %arg6[%get3A_1899, %get3A_1900] {strides = array<i32>} : memref<20x128xi32, #tpu.memory_space<vmem>>, vector<1x16xi32>,
    %get3A_1902 = vector.shape_cast %get3A_1901 : vector<1x16xi32> to vector<16xi32>
    %add3A_1903 = arith.addi %get3A_1902, %get3A_1897 : vector<16xi32>
    %swap3A_1904 = arith.constant 11 : i32
    %swap3A_1905 = arith.index_cast %swap3A_1904 : i32 to index
    %swap3A_1906 = arith.constant 64 : index
    %swap3A_1907 = tpu.vector_load %arg9[%swap3A_1905, %swap3A_1906] {strides = array<i32>} : memref<20x128xi32, #tpu.memory_space<vmem>>, vector<1x16xi32>,
    %swap3A_1908 = vector.shape_cast %swap3A_1907 : vector<1x16xi32> to vector<16xi32>
    %swap3A_1909 = vector.shape_cast %add3A_1903 : vector<16xi32> to vector<1x16xi32>
    tpu.vector_store %arg9[%swap3A_1905, %swap3A_1906], %swap3A_1909 {strides = array<i32>} : memref<20x128xi32, #tpu.memory_space<vmem>>, vector<1x16xi32>,
    %get3A_1910 = arith.constant 3 : i32
    %get3A_1911 = arith.index_cast %get3A_1910 : i32 to index
    %get3A_1912 = arith.constant 0 : index
    %get3A_1913 = tpu.vector_load %arg7[%get3A_1911, %get3A_1912] {strides = array<i32>} : memref<5x16xi32, #tpu.memory_space<vmem>>, vector<1x16xi32>,
    %get3A_1914 = vector.shape_cast %get3A_1913 : vector<1x16xi32> to vector<16xi32>
    %get3A_1915 = arith.constant 11 : i32
    %get3A_1916 = arith.index_cast %get3A_1915 : i32 to index
    %get3A_1917 = arith.constant 80 : index
    %get3A_1918 = tpu.vector_load %arg6[%get3A_1916, %get3A_1917] {strides = array<i32>} : memref<20x128xi32, #tpu.memory_space<vmem>>, vector<1x16xi32>,
    %get3A_1919 = vector.shape_cast %get3A_1918 : vector<1x16xi32> to vector<16xi32>
    %add3A_1920 = arith.addi %get3A_1919, %get3A_1914 : vector<16xi32>
    %swap3A_1921 = arith.constant 11 : i32
    %swap3A_1922 = arith.index_cast %swap3A_1921 : i32 to index
    %swap3A_1923 = arith.constant 80 : index
    %swap3A_1924 = tpu.vector_load %arg9[%swap3A_1922, %swap3A_1923] {strides = array<i32>} : memref<20x128xi32, #tpu.memory_space<vmem>>, vector<1x16xi32>,
    %swap3A_1925 = vector.shape_cast %swap3A_1924 : vector<1x16xi32> to vector<16xi32>
    %swap3A_1926 = vector.shape_cast %add3A_1920 : vector<16xi32> to vector<1x16xi32>
    tpu.vector_store %arg9[%swap3A_1922, %swap3A_1923], %swap3A_1926 {strides = array<i32>} : memref<20x128xi32, #tpu.memory_space<vmem>>, vector<1x16xi32>,
    %get3A_1927 = arith.constant 4 : i32
    %get3A_1928 = arith.index_cast %get3A_1927 : i32 to index
    %get3A_1929 = arith.constant 0 : index
    %get3A_1930 = tpu.vector_load %arg7[%get3A_1928, %get3A_1929] {strides = array<i32>} : memref<5x16xi32, #tpu.memory_space<vmem>>, vector<1x16xi32>,
    %get3A_1931 = vector.shape_cast %get3A_1930 : vector<1x16xi32> to vector<16xi32>
    %get3A_1932 = arith.constant 11 : i32
    %get3A_1933 = arith.index_cast %get3A_1932 : i32 to index
    %get3A_1934 = arith.constant 96 : index
    %get3A_1935 = tpu.vector_load %arg6[%get3A_1933, %get3A_1934] {strides = array<i32>} : memref<20x128xi32, #tpu.memory_space<vmem>>, vector<1x16xi32>,
    %get3A_1936 = vector.shape_cast %get3A_1935 : vector<1x16xi32> to vector<16xi32>
    %add3A_1937 = arith.addi %get3A_1936, %get3A_1931 : vector<16xi32>
    %swap3A_1938 = arith.constant 11 : i32
    %swap3A_1939 = arith.index_cast %swap3A_1938 : i32 to index
    %swap3A_1940 = arith.constant 96 : index
    %swap3A_1941 = tpu.vector_load %arg9[%swap3A_1939, %swap3A_1940] {strides = array<i32>} : memref<20x128xi32, #tpu.memory_space<vmem>>, vector<1x16xi32>,
    %swap3A_1942 = vector.shape_cast %swap3A_1941 : vector<1x16xi32> to vector<16xi32>
    %swap3A_1943 = vector.shape_cast %add3A_1937 : vector<16xi32> to vector<1x16xi32>
    tpu.vector_store %arg9[%swap3A_1939, %swap3A_1940], %swap3A_1943 {strides = array<i32>} : memref<20x128xi32, #tpu.memory_space<vmem>>, vector<1x16xi32>,
    %get3A_1944 = arith.constant 0 : i32
    %get3A_1945 = arith.index_cast %get3A_1944 : i32 to index
    %get3A_1946 = arith.constant 0 : index
    %get3A_1947 = tpu.vector_load %arg7[%get3A_1945, %get3A_1946] {strides = array<i32>} : memref<5x16xi32, #tpu.memory_space<vmem>>, vector<1x16xi32>,
    %get3A_1948 = vector.shape_cast %get3A_1947 : vector<1x16xi32> to vector<16xi32>
    %get3A_1949 = arith.constant 11 : i32
    %get3A_1950 = arith.index_cast %get3A_1949 : i32 to index
    %get3A_1951 = arith.constant 112 : index
    %get3A_1952 = tpu.vector_load %arg6[%get3A_1950, %get3A_1951] {strides = array<i32>} : memref<20x128xi32, #tpu.memory_space<vmem>>, vector<1x16xi32>,
    %get3A_1953 = vector.shape_cast %get3A_1952 : vector<1x16xi32> to vector<16xi32>
    %add3A_1954 = arith.addi %get3A_1953, %get3A_1948 : vector<16xi32>
    %swap3A_1955 = arith.constant 11 : i32
    %swap3A_1956 = arith.index_cast %swap3A_1955 : i32 to index
    %swap3A_1957 = arith.constant 112 : index
    %swap3A_1958 = tpu.vector_load %arg9[%swap3A_1956, %swap3A_1957] {strides = array<i32>} : memref<20x128xi32, #tpu.memory_space<vmem>>, vector<1x16xi32>,
    %swap3A_1959 = vector.shape_cast %swap3A_1958 : vector<1x16xi32> to vector<16xi32>
    %swap3A_1960 = vector.shape_cast %add3A_1954 : vector<16xi32> to vector<1x16xi32>
    tpu.vector_store %arg9[%swap3A_1956, %swap3A_1957], %swap3A_1960 {strides = array<i32>} : memref<20x128xi32, #tpu.memory_space<vmem>>, vector<1x16xi32>,
    %dma_wait3A_1961 = arith.constant 7 : i32
    %dma_wait3A_1962 = arith.constant 896 : i32
    %dma_wait3A_1963 = arith.constant 0 : i32
    %dma_wait3A_1964 = tpu.memref_slice %arg10[%dma_wait3A_1962, %dma_wait3A_1963] : memref<2560x32xf32, #tpu.memory_space<vmem>> -> memref<128x32xf32, #tpu.memory_space<vmem>>
    %dma_wait3A_1965 = arith.constant 0 : i32
    %dma_wait3A_1966 = tpu.memref_slice %arg9[%dma_wait3A_1961, %dma_wait3A_1965] : memref<20x128xi32, #tpu.memory_space<vmem>> -> memref<1x128xi32, #tpu.memory_space<vmem>>
    %dma_wait3A_1967 = tpu.memref_squeeze %dma_wait3A_1966 : memref<1x128xi32, #tpu.memory_space<vmem>> -> memref<128xi32, #tpu.memory_space<vmem>>
    %dma_wait3A_1968 = arith.constant 0 : i32
    %dma_wait3A_1969 = arith.constant 0 : i32
    %dma_wait3A_1970 = tpu.memref_slice %arg8[%dma_wait3A_1968, %dma_wait3A_1969] : memref<84x32xf32, #tpu.memory_space<vmem_shared>> -> memref<84x32xf32, #tpu.memory_space<vmem_shared>>
    tpu.wait_indirect_dma semaphore(%arg14 : memref<!tpu.dma_semaphore, #tpu.memory_space<semaphore_mem>>) src(%dma_wait3A_1970 : memref<84x32xf32, #tpu.memory_space<vmem_shared>>) dst(%dma_wait3A_1964 : memref<128x32xf32, #tpu.memory_space<vmem>>)
    %dma_start3A_1971 = arith.constant 896 : i32
    %dma_start3A_1972 = arith.constant 0 : i32
    %dma_start3A_1973 = tpu.memref_slice %arg10[%dma_start3A_1971, %dma_start3A_1972] : memref<2560x32xf32, #tpu.memory_space<vmem>> -> memref<128x32xf32, #tpu.memory_space<vmem>>
    %dma_start3A_1974 = arith.constant 0 : i32
    %dma_start3A_1975 = tpu.memref_slice %arg5[%add3A_34, %dma_start3A_1974] : memref<81920x32xf32, #tpu.memory_space<hbm>> -> memref<128x32xf32, #tpu.memory_space<hbm>>
    %dma_start3A_1976 = arith.constant 0 : i32
    %dma_start3A_1977 = tpu.memref_slice %arg5[%add3A_34, %dma_start3A_1976] : memref<81920x32xf32, #tpu.memory_space<hbm>> -> memref<128x32xf32, #tpu.memory_space<hbm>>
    %dma_start3A_1978 = arith.constant 896 : i32
    %dma_start3A_1979 = arith.constant 0 : i32
    %dma_start3A_1980 = tpu.memref_slice %arg10[%dma_start3A_1978, %dma_start3A_1979] : memref<2560x32xf32, #tpu.memory_space<vmem>> -> memref<128x32xf32, #tpu.memory_space<vmem>>
    tpu.enqueue_dma source(%dma_start3A_1980 : memref<128x32xf32, #tpu.memory_space<vmem>>) target(%dma_start3A_1977 : memref<128x32xf32, #tpu.memory_space<hbm>>) target_semaphore(%arg15 : memref<!tpu.dma_semaphore, #tpu.memory_space<semaphore_mem>>)
    %dma_start3A_1981 = arith.constant 11 : i32
    %dma_start3A_1982 = arith.constant 1408 : i32
    %dma_start3A_1983 = arith.constant 0 : i32
    %dma_start3A_1984 = tpu.memref_slice %arg10[%dma_start3A_1982, %dma_start3A_1983] : memref<2560x32xf32, #tpu.memory_space<vmem>> -> memref<128x32xf32, #tpu.memory_space<vmem>>
    %dma_start3A_1985 = arith.constant 0 : i32
    %dma_start3A_1986 = tpu.memref_slice %arg9[%dma_start3A_1981, %dma_start3A_1985] : memref<20x128xi32, #tpu.memory_space<vmem>> -> memref<1x128xi32, #tpu.memory_space<vmem>>
    %dma_start3A_1987 = tpu.memref_squeeze %dma_start3A_1986 : memref<1x128xi32, #tpu.memory_space<vmem>> -> memref<128xi32, #tpu.memory_space<vmem>>
    %dma_start3A_1988 = arith.constant 0 : i32
    %dma_start3A_1989 = arith.constant 0 : i32
    %dma_start3A_1990 = tpu.memref_slice %arg8[%dma_start3A_1988, %dma_start3A_1989] : memref<84x32xf32, #tpu.memory_space<vmem_shared>> -> memref<84x32xf32, #tpu.memory_space<vmem_shared>>
    tpu.enqueue_indirect_dma source(%dma_start3A_1990 : memref<84x32xf32, #tpu.memory_space<vmem_shared>>) target(%dma_start3A_1984 : memref<128x32xf32, #tpu.memory_space<vmem>>) offsets(%dma_start3A_1987 : memref<128xi32, #tpu.memory_space<vmem>>) semaphore(%arg14 : memref<!tpu.dma_semaphore, #tpu.memory_space<semaphore_mem>>)
    %get3A_1991 = arith.constant 1 : i32
    %get3A_1992 = arith.index_cast %get3A_1991 : i32 to index
    %get3A_1993 = arith.constant 0 : index
    %get3A_1994 = tpu.vector_load %arg7[%get3A_1992, %get3A_1993] {strides = array<i32>} : memref<5x16xi32, #tpu.memory_space<vmem>>, vector<1x16xi32>,
    %get3A_1995 = vector.shape_cast %get3A_1994 : vector<1x16xi32> to vector<16xi32>
    %get3A_1996 = arith.constant 12 : i32
    %get3A_1997 = arith.index_cast %get3A_1996 : i32 to index
    %get3A_1998 = arith.constant 0 : index
    %get3A_1999 = tpu.vector_load %arg6[%get3A_1997, %get3A_1998] {strides = array<i32>} : memref<20x128xi32, #tpu.memory_space<vmem>>, vector<1x16xi32>,
    %get3A_2000 = vector.shape_cast %get3A_1999 : vector<1x16xi32> to vector<16xi32>
    %add3A_2001 = arith.addi %get3A_2000, %get3A_1995 : vector<16xi32>
    %swap3A_2002 = arith.constant 12 : i32
    %swap3A_2003 = arith.index_cast %swap3A_2002 : i32 to index
    %swap3A_2004 = arith.constant 0 : index
    %swap3A_2005 = tpu.vector_load %arg9[%swap3A_2003, %swap3A_2004] {strides = array<i32>} : memref<20x128xi32, #tpu.memory_space<vmem>>, vector<1x16xi32>,
    %swap3A_2006 = vector.shape_cast %swap3A_2005 : vector<1x16xi32> to vector<16xi32>
    %swap3A_2007 = vector.shape_cast %add3A_2001 : vector<16xi32> to vector<1x16xi32>
    tpu.vector_store %arg9[%swap3A_2003, %swap3A_2004], %swap3A_2007 {strides = array<i32>} : memref<20x128xi32, #tpu.memory_space<vmem>>, vector<1x16xi32>,
    %get3A_2008 = arith.constant 2 : i32
    %get3A_2009 = arith.index_cast %get3A_2008 : i32 to index
    %get3A_2010 = arith.constant 0 : index
    %get3A_2011 = tpu.vector_load %arg7[%get3A_2009, %get3A_2010] {strides = array<i32>} : memref<5x16xi32, #tpu.memory_space<vmem>>, vector<1x16xi32>,
    %get3A_2012 = vector.shape_cast %get3A_2011 : vector<1x16xi32> to vector<16xi32>
    %get3A_2013 = arith.constant 12 : i32
    %get3A_2014 = arith.index_cast %get3A_2013 : i32 to index
    %get3A_2015 = arith.constant 16 : index
    %get3A_2016 = tpu.vector_load %arg6[%get3A_2014, %get3A_2015] {strides = array<i32>} : memref<20x128xi32, #tpu.memory_space<vmem>>, vector<1x16xi32>,
    %get3A_2017 = vector.shape_cast %get3A_2016 : vector<1x16xi32> to vector<16xi32>
    %add3A_2018 = arith.addi %get3A_2017, %get3A_2012 : vector<16xi32>
    %swap3A_2019 = arith.constant 12 : i32
    %swap3A_2020 = arith.index_cast %swap3A_2019 : i32 to index
    %swap3A_2021 = arith.constant 16 : index
    %swap3A_2022 = tpu.vector_load %arg9[%swap3A_2020, %swap3A_2021] {strides = array<i32>} : memref<20x128xi32, #tpu.memory_space<vmem>>, vector<1x16xi32>,
    %swap3A_2023 = vector.shape_cast %swap3A_2022 : vector<1x16xi32> to vector<16xi32>
    %swap3A_2024 = vector.shape_cast %add3A_2018 : vector<16xi32> to vector<1x16xi32>
    tpu.vector_store %arg9[%swap3A_2020, %swap3A_2021], %swap3A_2024 {strides = array<i32>} : memref<20x128xi32, #tpu.memory_space<vmem>>, vector<1x16xi32>,
    %get3A_2025 = arith.constant 3 : i32
    %get3A_2026 = arith.index_cast %get3A_2025 : i32 to index
    %get3A_2027 = arith.constant 0 : index
    %get3A_2028 = tpu.vector_load %arg7[%get3A_2026, %get3A_2027] {strides = array<i32>} : memref<5x16xi32, #tpu.memory_space<vmem>>, vector<1x16xi32>,
    %get3A_2029 = vector.shape_cast %get3A_2028 : vector<1x16xi32> to vector<16xi32>
    %get3A_2030 = arith.constant 12 : i32
    %get3A_2031 = arith.index_cast %get3A_2030 : i32 to index
    %get3A_2032 = arith.constant 32 : index
    %get3A_2033 = tpu.vector_load %arg6[%get3A_2031, %get3A_2032] {strides = array<i32>} : memref<20x128xi32, #tpu.memory_space<vmem>>, vector<1x16xi32>,
    %get3A_2034 = vector.shape_cast %get3A_2033 : vector<1x16xi32> to vector<16xi32>
    %add3A_2035 = arith.addi %get3A_2034, %get3A_2029 : vector<16xi32>
    %swap3A_2036 = arith.constant 12 : i32
    %swap3A_2037 = arith.index_cast %swap3A_2036 : i32 to index
    %swap3A_2038 = arith.constant 32 : index
    %swap3A_2039 = tpu.vector_load %arg9[%swap3A_2037, %swap3A_2038] {strides = array<i32>} : memref<20x128xi32, #tpu.memory_space<vmem>>, vector<1x16xi32>,
    %swap3A_2040 = vector.shape_cast %swap3A_2039 : vector<1x16xi32> to vector<16xi32>
    %swap3A_2041 = vector.shape_cast %add3A_2035 : vector<16xi32> to vector<1x16xi32>
    tpu.vector_store %arg9[%swap3A_2037, %swap3A_2038], %swap3A_2041 {strides = array<i32>} : memref<20x128xi32, #tpu.memory_space<vmem>>, vector<1x16xi32>,
    %get3A_2042 = arith.constant 4 : i32
    %get3A_2043 = arith.index_cast %get3A_2042 : i32 to index
    %get3A_2044 = arith.constant 0 : index
    %get3A_2045 = tpu.vector_load %arg7[%get3A_2043, %get3A_2044] {strides = array<i32>} : memref<5x16xi32, #tpu.memory_space<vmem>>, vector<1x16xi32>,
    %get3A_2046 = vector.shape_cast %get3A_2045 : vector<1x16xi32> to vector<16xi32>
    %get3A_2047 = arith.constant 12 : i32
    %get3A_2048 = arith.index_cast %get3A_2047 : i32 to index
    %get3A_2049 = arith.constant 48 : index
    %get3A_2050 = tpu.vector_load %arg6[%get3A_2048, %get3A_2049] {strides = array<i32>} : memref<20x128xi32, #tpu.memory_space<vmem>>, vector<1x16xi32>,
    %get3A_2051 = vector.shape_cast %get3A_2050 : vector<1x16xi32> to vector<16xi32>
    %add3A_2052 = arith.addi %get3A_2051, %get3A_2046 : vector<16xi32>
    %swap3A_2053 = arith.constant 12 : i32
    %swap3A_2054 = arith.index_cast %swap3A_2053 : i32 to index
    %swap3A_2055 = arith.constant 48 : index
    %swap3A_2056 = tpu.vector_load %arg9[%swap3A_2054, %swap3A_2055] {strides = array<i32>} : memref<20x128xi32, #tpu.memory_space<vmem>>, vector<1x16xi32>,
    %swap3A_2057 = vector.shape_cast %swap3A_2056 : vector<1x16xi32> to vector<16xi32>
    %swap3A_2058 = vector.shape_cast %add3A_2052 : vector<16xi32> to vector<1x16xi32>
    tpu.vector_store %arg9[%swap3A_2054, %swap3A_2055], %swap3A_2058 {strides = array<i32>} : memref<20x128xi32, #tpu.memory_space<vmem>>, vector<1x16xi32>,
    %get3A_2059 = arith.constant 0 : i32
    %get3A_2060 = arith.index_cast %get3A_2059 : i32 to index
    %get3A_2061 = arith.constant 0 : index
    %get3A_2062 = tpu.vector_load %arg7[%get3A_2060, %get3A_2061] {strides = array<i32>} : memref<5x16xi32, #tpu.memory_space<vmem>>, vector<1x16xi32>,
    %get3A_2063 = vector.shape_cast %get3A_2062 : vector<1x16xi32> to vector<16xi32>
    %get3A_2064 = arith.constant 12 : i32
    %get3A_2065 = arith.index_cast %get3A_2064 : i32 to index
    %get3A_2066 = arith.constant 64 : index
    %get3A_2067 = tpu.vector_load %arg6[%get3A_2065, %get3A_2066] {strides = array<i32>} : memref<20x128xi32, #tpu.memory_space<vmem>>, vector<1x16xi32>,
    %get3A_2068 = vector.shape_cast %get3A_2067 : vector<1x16xi32> to vector<16xi32>
    %add3A_2069 = arith.addi %get3A_2068, %get3A_2063 : vector<16xi32>
    %swap3A_2070 = arith.constant 12 : i32
    %swap3A_2071 = arith.index_cast %swap3A_2070 : i32 to index
    %swap3A_2072 = arith.constant 64 : index
    %swap3A_2073 = tpu.vector_load %arg9[%swap3A_2071, %swap3A_2072] {strides = array<i32>} : memref<20x128xi32, #tpu.memory_space<vmem>>, vector<1x16xi32>,
    %swap3A_2074 = vector.shape_cast %swap3A_2073 : vector<1x16xi32> to vector<16xi32>
    %swap3A_2075 = vector.shape_cast %add3A_2069 : vector<16xi32> to vector<1x16xi32>
    tpu.vector_store %arg9[%swap3A_2071, %swap3A_2072], %swap3A_2075 {strides = array<i32>} : memref<20x128xi32, #tpu.memory_space<vmem>>, vector<1x16xi32>,
    %get3A_2076 = arith.constant 1 : i32
    %get3A_2077 = arith.index_cast %get3A_2076 : i32 to index
    %get3A_2078 = arith.constant 0 : index
    %get3A_2079 = tpu.vector_load %arg7[%get3A_2077, %get3A_2078] {strides = array<i32>} : memref<5x16xi32, #tpu.memory_space<vmem>>, vector<1x16xi32>,
    %get3A_2080 = vector.shape_cast %get3A_2079 : vector<1x16xi32> to vector<16xi32>
    %get3A_2081 = arith.constant 12 : i32
    %get3A_2082 = arith.index_cast %get3A_2081 : i32 to index
    %get3A_2083 = arith.constant 80 : index
    %get3A_2084 = tpu.vector_load %arg6[%get3A_2082, %get3A_2083] {strides = array<i32>} : memref<20x128xi32, #tpu.memory_space<vmem>>, vector<1x16xi32>,
    %get3A_2085 = vector.shape_cast %get3A_2084 : vector<1x16xi32> to vector<16xi32>
    %add3A_2086 = arith.addi %get3A_2085, %get3A_2080 : vector<16xi32>
    %swap3A_2087 = arith.constant 12 : i32
    %swap3A_2088 = arith.index_cast %swap3A_2087 : i32 to index
    %swap3A_2089 = arith.constant 80 : index
    %swap3A_2090 = tpu.vector_load %arg9[%swap3A_2088, %swap3A_2089] {strides = array<i32>} : memref<20x128xi32, #tpu.memory_space<vmem>>, vector<1x16xi32>,
    %swap3A_2091 = vector.shape_cast %swap3A_2090 : vector<1x16xi32> to vector<16xi32>
    %swap3A_2092 = vector.shape_cast %add3A_2086 : vector<16xi32> to vector<1x16xi32>
    tpu.vector_store %arg9[%swap3A_2088, %swap3A_2089], %swap3A_2092 {strides = array<i32>} : memref<20x128xi32, #tpu.memory_space<vmem>>, vector<1x16xi32>,
    %get3A_2093 = arith.constant 2 : i32
    %get3A_2094 = arith.index_cast %get3A_2093 : i32 to index
    %get3A_2095 = arith.constant 0 : index
    %get3A_2096 = tpu.vector_load %arg7[%get3A_2094, %get3A_2095] {strides = array<i32>} : memref<5x16xi32, #tpu.memory_space<vmem>>, vector<1x16xi32>,
    %get3A_2097 = vector.shape_cast %get3A_2096 : vector<1x16xi32> to vector<16xi32>
    %get3A_2098 = arith.constant 12 : i32
    %get3A_2099 = arith.index_cast %get3A_2098 : i32 to index
    %get3A_2100 = arith.constant 96 : index
    %get3A_2101 = tpu.vector_load %arg6[%get3A_2099, %get3A_2100] {strides = array<i32>} : memref<20x128xi32, #tpu.memory_space<vmem>>, vector<1x16xi32>,
    %get3A_2102 = vector.shape_cast %get3A_2101 : vector<1x16xi32> to vector<16xi32>
    %add3A_2103 = arith.addi %get3A_2102, %get3A_2097 : vector<16xi32>
    %swap3A_2104 = arith.constant 12 : i32
    %swap3A_2105 = arith.index_cast %swap3A_2104 : i32 to index
    %swap3A_2106 = arith.constant 96 : index
    %swap3A_2107 = tpu.vector_load %arg9[%swap3A_2105, %swap3A_2106] {strides = array<i32>} : memref<20x128xi32, #tpu.memory_space<vmem>>, vector<1x16xi32>,
    %swap3A_2108 = vector.shape_cast %swap3A_2107 : vector<1x16xi32> to vector<16xi32>
    %swap3A_2109 = vector.shape_cast %add3A_2103 : vector<16xi32> to vector<1x16xi32>
    tpu.vector_store %arg9[%swap3A_2105, %swap3A_2106], %swap3A_2109 {strides = array<i32>} : memref<20x128xi32, #tpu.memory_space<vmem>>, vector<1x16xi32>,
    %get3A_2110 = arith.constant 3 : i32
    %get3A_2111 = arith.index_cast %get3A_2110 : i32 to index
    %get3A_2112 = arith.constant 0 : index
    %get3A_2113 = tpu.vector_load %arg7[%get3A_2111, %get3A_2112] {strides = array<i32>} : memref<5x16xi32, #tpu.memory_space<vmem>>, vector<1x16xi32>,
    %get3A_2114 = vector.shape_cast %get3A_2113 : vector<1x16xi32> to vector<16xi32>
    %get3A_2115 = arith.constant 12 : i32
    %get3A_2116 = arith.index_cast %get3A_2115 : i32 to index
    %get3A_2117 = arith.constant 112 : index
    %get3A_2118 = tpu.vector_load %arg6[%get3A_2116, %get3A_2117] {strides = array<i32>} : memref<20x128xi32, #tpu.memory_space<vmem>>, vector<1x16xi32>,
    %get3A_2119 = vector.shape_cast %get3A_2118 : vector<1x16xi32> to vector<16xi32>
    %add3A_2120 = arith.addi %get3A_2119, %get3A_2114 : vector<16xi32>
    %swap3A_2121 = arith.constant 12 : i32
    %swap3A_2122 = arith.index_cast %swap3A_2121 : i32 to index
    %swap3A_2123 = arith.constant 112 : index
    %swap3A_2124 = tpu.vector_load %arg9[%swap3A_2122, %swap3A_2123] {strides = array<i32>} : memref<20x128xi32, #tpu.memory_space<vmem>>, vector<1x16xi32>,
    %swap3A_2125 = vector.shape_cast %swap3A_2124 : vector<1x16xi32> to vector<16xi32>
    %swap3A_2126 = vector.shape_cast %add3A_2120 : vector<16xi32> to vector<1x16xi32>
    tpu.vector_store %arg9[%swap3A_2122, %swap3A_2123], %swap3A_2126 {strides = array<i32>} : memref<20x128xi32, #tpu.memory_space<vmem>>, vector<1x16xi32>,
    %dma_wait3A_2127 = arith.constant 8 : i32
    %dma_wait3A_2128 = arith.constant 1024 : i32
    %dma_wait3A_2129 = arith.constant 0 : i32
    %dma_wait3A_2130 = tpu.memref_slice %arg10[%dma_wait3A_2128, %dma_wait3A_2129] : memref<2560x32xf32, #tpu.memory_space<vmem>> -> memref<128x32xf32, #tpu.memory_space<vmem>>
    %dma_wait3A_2131 = arith.constant 0 : i32
    %dma_wait3A_2132 = tpu.memref_slice %arg9[%dma_wait3A_2127, %dma_wait3A_2131] : memref<20x128xi32, #tpu.memory_space<vmem>> -> memref<1x128xi32, #tpu.memory_space<vmem>>
    %dma_wait3A_2133 = tpu.memref_squeeze %dma_wait3A_2132 : memref<1x128xi32, #tpu.memory_space<vmem>> -> memref<128xi32, #tpu.memory_space<vmem>>
    %dma_wait3A_2134 = arith.constant 0 : i32
    %dma_wait3A_2135 = arith.constant 0 : i32
    %dma_wait3A_2136 = tpu.memref_slice %arg8[%dma_wait3A_2134, %dma_wait3A_2135] : memref<84x32xf32, #tpu.memory_space<vmem_shared>> -> memref<84x32xf32, #tpu.memory_space<vmem_shared>>
    tpu.wait_indirect_dma semaphore(%arg11 : memref<!tpu.dma_semaphore, #tpu.memory_space<semaphore_mem>>) src(%dma_wait3A_2136 : memref<84x32xf32, #tpu.memory_space<vmem_shared>>) dst(%dma_wait3A_2130 : memref<128x32xf32, #tpu.memory_space<vmem>>)
    %dma_start3A_2137 = arith.constant 1024 : i32
    %dma_start3A_2138 = arith.constant 0 : i32
    %dma_start3A_2139 = tpu.memref_slice %arg10[%dma_start3A_2137, %dma_start3A_2138] : memref<2560x32xf32, #tpu.memory_space<vmem>> -> memref<128x32xf32, #tpu.memory_space<vmem>>
    %dma_start3A_2140 = arith.constant 0 : i32
    %dma_start3A_2141 = tpu.memref_slice %arg5[%add3A_38, %dma_start3A_2140] : memref<81920x32xf32, #tpu.memory_space<hbm>> -> memref<128x32xf32, #tpu.memory_space<hbm>>
    %dma_start3A_2142 = arith.constant 0 : i32
    %dma_start3A_2143 = tpu.memref_slice %arg5[%add3A_38, %dma_start3A_2142] : memref<81920x32xf32, #tpu.memory_space<hbm>> -> memref<128x32xf32, #tpu.memory_space<hbm>>
    %dma_start3A_2144 = arith.constant 1024 : i32
    %dma_start3A_2145 = arith.constant 0 : i32
    %dma_start3A_2146 = tpu.memref_slice %arg10[%dma_start3A_2144, %dma_start3A_2145] : memref<2560x32xf32, #tpu.memory_space<vmem>> -> memref<128x32xf32, #tpu.memory_space<vmem>>
    tpu.enqueue_dma source(%dma_start3A_2146 : memref<128x32xf32, #tpu.memory_space<vmem>>) target(%dma_start3A_2143 : memref<128x32xf32, #tpu.memory_space<hbm>>) target_semaphore(%arg15 : memref<!tpu.dma_semaphore, #tpu.memory_space<semaphore_mem>>)
    %dma_start3A_2147 = arith.constant 12 : i32
    %dma_start3A_2148 = arith.constant 1536 : i32
    %dma_start3A_2149 = arith.constant 0 : i32
    %dma_start3A_2150 = tpu.memref_slice %arg10[%dma_start3A_2148, %dma_start3A_2149] : memref<2560x32xf32, #tpu.memory_space<vmem>> -> memref<128x32xf32, #tpu.memory_space<vmem>>
    %dma_start3A_2151 = arith.constant 0 : i32
    %dma_start3A_2152 = tpu.memref_slice %arg9[%dma_start3A_2147, %dma_start3A_2151] : memref<20x128xi32, #tpu.memory_space<vmem>> -> memref<1x128xi32, #tpu.memory_space<vmem>>
    %dma_start3A_2153 = tpu.memref_squeeze %dma_start3A_2152 : memref<1x128xi32, #tpu.memory_space<vmem>> -> memref<128xi32, #tpu.memory_space<vmem>>
    %dma_start3A_2154 = arith.constant 0 : i32
    %dma_start3A_2155 = arith.constant 0 : i32
    %dma_start3A_2156 = tpu.memref_slice %arg8[%dma_start3A_2154, %dma_start3A_2155] : memref<84x32xf32, #tpu.memory_space<vmem_shared>> -> memref<84x32xf32, #tpu.memory_space<vmem_shared>>
    tpu.enqueue_indirect_dma source(%dma_start3A_2156 : memref<84x32xf32, #tpu.memory_space<vmem_shared>>) target(%dma_start3A_2150 : memref<128x32xf32, #tpu.memory_space<vmem>>) offsets(%dma_start3A_2153 : memref<128xi32, #tpu.memory_space<vmem>>) semaphore(%arg11 : memref<!tpu.dma_semaphore, #tpu.memory_space<semaphore_mem>>)
    %get3A_2157 = arith.constant 4 : i32
    %get3A_2158 = arith.index_cast %get3A_2157 : i32 to index
    %get3A_2159 = arith.constant 0 : index
    %get3A_2160 = tpu.vector_load %arg7[%get3A_2158, %get3A_2159] {strides = array<i32>} : memref<5x16xi32, #tpu.memory_space<vmem>>, vector<1x16xi32>,
    %get3A_2161 = vector.shape_cast %get3A_2160 : vector<1x16xi32> to vector<16xi32>
    %get3A_2162 = arith.constant 13 : i32
    %get3A_2163 = arith.index_cast %get3A_2162 : i32 to index
    %get3A_2164 = arith.constant 0 : index
    %get3A_2165 = tpu.vector_load %arg6[%get3A_2163, %get3A_2164] {strides = array<i32>} : memref<20x128xi32, #tpu.memory_space<vmem>>, vector<1x16xi32>,
    %get3A_2166 = vector.shape_cast %get3A_2165 : vector<1x16xi32> to vector<16xi32>
    %add3A_2167 = arith.addi %get3A_2166, %get3A_2161 : vector<16xi32>
    %swap3A_2168 = arith.constant 13 : i32
    %swap3A_2169 = arith.index_cast %swap3A_2168 : i32 to index
    %swap3A_2170 = arith.constant 0 : index
    %swap3A_2171 = tpu.vector_load %arg9[%swap3A_2169, %swap3A_2170] {strides = array<i32>} : memref<20x128xi32, #tpu.memory_space<vmem>>, vector<1x16xi32>,
    %swap3A_2172 = vector.shape_cast %swap3A_2171 : vector<1x16xi32> to vector<16xi32>
    %swap3A_2173 = vector.shape_cast %add3A_2167 : vector<16xi32> to vector<1x16xi32>
    tpu.vector_store %arg9[%swap3A_2169, %swap3A_2170], %swap3A_2173 {strides = array<i32>} : memref<20x128xi32, #tpu.memory_space<vmem>>, vector<1x16xi32>,
    %get3A_2174 = arith.constant 0 : i32
    %get3A_2175 = arith.index_cast %get3A_2174 : i32 to index
    %get3A_2176 = arith.constant 0 : index
    %get3A_2177 = tpu.vector_load %arg7[%get3A_2175, %get3A_2176] {strides = array<i32>} : memref<5x16xi32, #tpu.memory_space<vmem>>, vector<1x16xi32>,
    %get3A_2178 = vector.shape_cast %get3A_2177 : vector<1x16xi32> to vector<16xi32>
    %get3A_2179 = arith.constant 13 : i32
    %get3A_2180 = arith.index_cast %get3A_2179 : i32 to index
    %get3A_2181 = arith.constant 16 : index
    %get3A_2182 = tpu.vector_load %arg6[%get3A_2180, %get3A_2181] {strides = array<i32>} : memref<20x128xi32, #tpu.memory_space<vmem>>, vector<1x16xi32>,
    %get3A_2183 = vector.shape_cast %get3A_2182 : vector<1x16xi32> to vector<16xi32>
    %add3A_2184 = arith.addi %get3A_2183, %get3A_2178 : vector<16xi32>
    %swap3A_2185 = arith.constant 13 : i32
    %swap3A_2186 = arith.index_cast %swap3A_2185 : i32 to index
    %swap3A_2187 = arith.constant 16 : index
    %swap3A_2188 = tpu.vector_load %arg9[%swap3A_2186, %swap3A_2187] {strides = array<i32>} : memref<20x128xi32, #tpu.memory_space<vmem>>, vector<1x16xi32>,
    %swap3A_2189 = vector.shape_cast %swap3A_2188 : vector<1x16xi32> to vector<16xi32>
    %swap3A_2190 = vector.shape_cast %add3A_2184 : vector<16xi32> to vector<1x16xi32>
    tpu.vector_store %arg9[%swap3A_2186, %swap3A_2187], %swap3A_2190 {strides = array<i32>} : memref<20x128xi32, #tpu.memory_space<vmem>>, vector<1x16xi32>,
    %get3A_2191 = arith.constant 1 : i32
    %get3A_2192 = arith.index_cast %get3A_2191 : i32 to index
    %get3A_2193 = arith.constant 0 : index
    %get3A_2194 = tpu.vector_load %arg7[%get3A_2192, %get3A_2193] {strides = array<i32>} : memref<5x16xi32, #tpu.memory_space<vmem>>, vector<1x16xi32>,
    %get3A_2195 = vector.shape_cast %get3A_2194 : vector<1x16xi32> to vector<16xi32>
    %get3A_2196 = arith.constant 13 : i32
    %get3A_2197 = arith.index_cast %get3A_2196 : i32 to index
    %get3A_2198 = arith.constant 32 : index
    %get3A_2199 = tpu.vector_load %arg6[%get3A_2197, %get3A_2198] {strides = array<i32>} : memref<20x128xi32, #tpu.memory_space<vmem>>, vector<1x16xi32>,
    %get3A_2200 = vector.shape_cast %get3A_2199 : vector<1x16xi32> to vector<16xi32>
    %add3A_2201 = arith.addi %get3A_2200, %get3A_2195 : vector<16xi32>
    %swap3A_2202 = arith.constant 13 : i32
    %swap3A_2203 = arith.index_cast %swap3A_2202 : i32 to index
    %swap3A_2204 = arith.constant 32 : index
    %swap3A_2205 = tpu.vector_load %arg9[%swap3A_2203, %swap3A_2204] {strides = array<i32>} : memref<20x128xi32, #tpu.memory_space<vmem>>, vector<1x16xi32>,
    %swap3A_2206 = vector.shape_cast %swap3A_2205 : vector<1x16xi32> to vector<16xi32>
    %swap3A_2207 = vector.shape_cast %add3A_2201 : vector<16xi32> to vector<1x16xi32>
    tpu.vector_store %arg9[%swap3A_2203, %swap3A_2204], %swap3A_2207 {strides = array<i32>} : memref<20x128xi32, #tpu.memory_space<vmem>>, vector<1x16xi32>,
    %get3A_2208 = arith.constant 2 : i32
    %get3A_2209 = arith.index_cast %get3A_2208 : i32 to index
    %get3A_2210 = arith.constant 0 : index
    %get3A_2211 = tpu.vector_load %arg7[%get3A_2209, %get3A_2210] {strides = array<i32>} : memref<5x16xi32, #tpu.memory_space<vmem>>, vector<1x16xi32>,
    %get3A_2212 = vector.shape_cast %get3A_2211 : vector<1x16xi32> to vector<16xi32>
    %get3A_2213 = arith.constant 13 : i32
    %get3A_2214 = arith.index_cast %get3A_2213 : i32 to index
    %get3A_2215 = arith.constant 48 : index
    %get3A_2216 = tpu.vector_load %arg6[%get3A_2214, %get3A_2215] {strides = array<i32>} : memref<20x128xi32, #tpu.memory_space<vmem>>, vector<1x16xi32>,
    %get3A_2217 = vector.shape_cast %get3A_2216 : vector<1x16xi32> to vector<16xi32>
    %add3A_2218 = arith.addi %get3A_2217, %get3A_2212 : vector<16xi32>
    %swap3A_2219 = arith.constant 13 : i32
    %swap3A_2220 = arith.index_cast %swap3A_2219 : i32 to index
    %swap3A_2221 = arith.constant 48 : index
    %swap3A_2222 = tpu.vector_load %arg9[%swap3A_2220, %swap3A_2221] {strides = array<i32>} : memref<20x128xi32, #tpu.memory_space<vmem>>, vector<1x16xi32>,
    %swap3A_2223 = vector.shape_cast %swap3A_2222 : vector<1x16xi32> to vector<16xi32>
    %swap3A_2224 = vector.shape_cast %add3A_2218 : vector<16xi32> to vector<1x16xi32>
    tpu.vector_store %arg9[%swap3A_2220, %swap3A_2221], %swap3A_2224 {strides = array<i32>} : memref<20x128xi32, #tpu.memory_space<vmem>>, vector<1x16xi32>,
    %get3A_2225 = arith.constant 3 : i32
    %get3A_2226 = arith.index_cast %get3A_2225 : i32 to index
    %get3A_2227 = arith.constant 0 : index
    %get3A_2228 = tpu.vector_load %arg7[%get3A_2226, %get3A_2227] {strides = array<i32>} : memref<5x16xi32, #tpu.memory_space<vmem>>, vector<1x16xi32>,
    %get3A_2229 = vector.shape_cast %get3A_2228 : vector<1x16xi32> to vector<16xi32>
    %get3A_2230 = arith.constant 13 : i32
    %get3A_2231 = arith.index_cast %get3A_2230 : i32 to index
    %get3A_2232 = arith.constant 64 : index
    %get3A_2233 = tpu.vector_load %arg6[%get3A_2231, %get3A_2232] {strides = array<i32>} : memref<20x128xi32, #tpu.memory_space<vmem>>, vector<1x16xi32>,
    %get3A_2234 = vector.shape_cast %get3A_2233 : vector<1x16xi32> to vector<16xi32>
    %add3A_2235 = arith.addi %get3A_2234, %get3A_2229 : vector<16xi32>
    %swap3A_2236 = arith.constant 13 : i32
    %swap3A_2237 = arith.index_cast %swap3A_2236 : i32 to index
    %swap3A_2238 = arith.constant 64 : index
    %swap3A_2239 = tpu.vector_load %arg9[%swap3A_2237, %swap3A_2238] {strides = array<i32>} : memref<20x128xi32, #tpu.memory_space<vmem>>, vector<1x16xi32>,
    %swap3A_2240 = vector.shape_cast %swap3A_2239 : vector<1x16xi32> to vector<16xi32>
    %swap3A_2241 = vector.shape_cast %add3A_2235 : vector<16xi32> to vector<1x16xi32>
    tpu.vector_store %arg9[%swap3A_2237, %swap3A_2238], %swap3A_2241 {strides = array<i32>} : memref<20x128xi32, #tpu.memory_space<vmem>>, vector<1x16xi32>,
    %get3A_2242 = arith.constant 4 : i32
    %get3A_2243 = arith.index_cast %get3A_2242 : i32 to index
    %get3A_2244 = arith.constant 0 : index
    %get3A_2245 = tpu.vector_load %arg7[%get3A_2243, %get3A_2244] {strides = array<i32>} : memref<5x16xi32, #tpu.memory_space<vmem>>, vector<1x16xi32>,
    %get3A_2246 = vector.shape_cast %get3A_2245 : vector<1x16xi32> to vector<16xi32>
    %get3A_2247 = arith.constant 13 : i32
    %get3A_2248 = arith.index_cast %get3A_2247 : i32 to index
    %get3A_2249 = arith.constant 80 : index
    %get3A_2250 = tpu.vector_load %arg6[%get3A_2248, %get3A_2249] {strides = array<i32>} : memref<20x128xi32, #tpu.memory_space<vmem>>, vector<1x16xi32>,
    %get3A_2251 = vector.shape_cast %get3A_2250 : vector<1x16xi32> to vector<16xi32>
    %add3A_2252 = arith.addi %get3A_2251, %get3A_2246 : vector<16xi32>
    %swap3A_2253 = arith.constant 13 : i32
    %swap3A_2254 = arith.index_cast %swap3A_2253 : i32 to index
    %swap3A_2255 = arith.constant 80 : index
    %swap3A_2256 = tpu.vector_load %arg9[%swap3A_2254, %swap3A_2255] {strides = array<i32>} : memref<20x128xi32, #tpu.memory_space<vmem>>, vector<1x16xi32>,
    %swap3A_2257 = vector.shape_cast %swap3A_2256 : vector<1x16xi32> to vector<16xi32>
    %swap3A_2258 = vector.shape_cast %add3A_2252 : vector<16xi32> to vector<1x16xi32>
    tpu.vector_store %arg9[%swap3A_2254, %swap3A_2255], %swap3A_2258 {strides = array<i32>} : memref<20x128xi32, #tpu.memory_space<vmem>>, vector<1x16xi32>,
    %get3A_2259 = arith.constant 0 : i32
    %get3A_2260 = arith.index_cast %get3A_2259 : i32 to index
    %get3A_2261 = arith.constant 0 : index
    %get3A_2262 = tpu.vector_load %arg7[%get3A_2260, %get3A_2261] {strides = array<i32>} : memref<5x16xi32, #tpu.memory_space<vmem>>, vector<1x16xi32>,
    %get3A_2263 = vector.shape_cast %get3A_2262 : vector<1x16xi32> to vector<16xi32>
    %get3A_2264 = arith.constant 13 : i32
    %get3A_2265 = arith.index_cast %get3A_2264 : i32 to index
    %get3A_2266 = arith.constant 96 : index
    %get3A_2267 = tpu.vector_load %arg6[%get3A_2265, %get3A_2266] {strides = array<i32>} : memref<20x128xi32, #tpu.memory_space<vmem>>, vector<1x16xi32>,
    %get3A_2268 = vector.shape_cast %get3A_2267 : vector<1x16xi32> to vector<16xi32>
    %add3A_2269 = arith.addi %get3A_2268, %get3A_2263 : vector<16xi32>
    %swap3A_2270 = arith.constant 13 : i32
    %swap3A_2271 = arith.index_cast %swap3A_2270 : i32 to index
    %swap3A_2272 = arith.constant 96 : index
    %swap3A_2273 = tpu.vector_load %arg9[%swap3A_2271, %swap3A_2272] {strides = array<i32>} : memref<20x128xi32, #tpu.memory_space<vmem>>, vector<1x16xi32>,
    %swap3A_2274 = vector.shape_cast %swap3A_2273 : vector<1x16xi32> to vector<16xi32>
    %swap3A_2275 = vector.shape_cast %add3A_2269 : vector<16xi32> to vector<1x16xi32>
    tpu.vector_store %arg9[%swap3A_2271, %swap3A_2272], %swap3A_2275 {strides = array<i32>} : memref<20x128xi32, #tpu.memory_space<vmem>>, vector<1x16xi32>,
    %get3A_2276 = arith.constant 1 : i32
    %get3A_2277 = arith.index_cast %get3A_2276 : i32 to index
    %get3A_2278 = arith.constant 0 : index
    %get3A_2279 = tpu.vector_load %arg7[%get3A_2277, %get3A_2278] {strides = array<i32>} : memref<5x16xi32, #tpu.memory_space<vmem>>, vector<1x16xi32>,
    %get3A_2280 = vector.shape_cast %get3A_2279 : vector<1x16xi32> to vector<16xi32>
    %get3A_2281 = arith.constant 13 : i32
    %get3A_2282 = arith.index_cast %get3A_2281 : i32 to index
    %get3A_2283 = arith.constant 112 : index
    %get3A_2284 = tpu.vector_load %arg6[%get3A_2282, %get3A_2283] {strides = array<i32>} : memref<20x128xi32, #tpu.memory_space<vmem>>, vector<1x16xi32>,
    %get3A_2285 = vector.shape_cast %get3A_2284 : vector<1x16xi32> to vector<16xi32>
    %add3A_2286 = arith.addi %get3A_2285, %get3A_2280 : vector<16xi32>
    %swap3A_2287 = arith.constant 13 : i32
    %swap3A_2288 = arith.index_cast %swap3A_2287 : i32 to index
    %swap3A_2289 = arith.constant 112 : index
    %swap3A_2290 = tpu.vector_load %arg9[%swap3A_2288, %swap3A_2289] {strides = array<i32>} : memref<20x128xi32, #tpu.memory_space<vmem>>, vector<1x16xi32>,
    %swap3A_2291 = vector.shape_cast %swap3A_2290 : vector<1x16xi32> to vector<16xi32>
    %swap3A_2292 = vector.shape_cast %add3A_2286 : vector<16xi32> to vector<1x16xi32>
    tpu.vector_store %arg9[%swap3A_2288, %swap3A_2289], %swap3A_2292 {strides = array<i32>} : memref<20x128xi32, #tpu.memory_space<vmem>>, vector<1x16xi32>,
    %dma_wait3A_2293 = arith.constant 9 : i32
    %dma_wait3A_2294 = arith.constant 1152 : i32
    %dma_wait3A_2295 = arith.constant 0 : i32
    %dma_wait3A_2296 = tpu.memref_slice %arg10[%dma_wait3A_2294, %dma_wait3A_2295] : memref<2560x32xf32, #tpu.memory_space<vmem>> -> memref<128x32xf32, #tpu.memory_space<vmem>>
    %dma_wait3A_2297 = arith.constant 0 : i32
    %dma_wait3A_2298 = tpu.memref_slice %arg9[%dma_wait3A_2293, %dma_wait3A_2297] : memref<20x128xi32, #tpu.memory_space<vmem>> -> memref<1x128xi32, #tpu.memory_space<vmem>>
    %dma_wait3A_2299 = tpu.memref_squeeze %dma_wait3A_2298 : memref<1x128xi32, #tpu.memory_space<vmem>> -> memref<128xi32, #tpu.memory_space<vmem>>
    %dma_wait3A_2300 = arith.constant 0 : i32
    %dma_wait3A_2301 = arith.constant 0 : i32
    %dma_wait3A_2302 = tpu.memref_slice %arg8[%dma_wait3A_2300, %dma_wait3A_2301] : memref<84x32xf32, #tpu.memory_space<vmem_shared>> -> memref<84x32xf32, #tpu.memory_space<vmem_shared>>
    tpu.wait_indirect_dma semaphore(%arg12 : memref<!tpu.dma_semaphore, #tpu.memory_space<semaphore_mem>>) src(%dma_wait3A_2302 : memref<84x32xf32, #tpu.memory_space<vmem_shared>>) dst(%dma_wait3A_2296 : memref<128x32xf32, #tpu.memory_space<vmem>>)
    %dma_start3A_2303 = arith.constant 1152 : i32
    %dma_start3A_2304 = arith.constant 0 : i32
    %dma_start3A_2305 = tpu.memref_slice %arg10[%dma_start3A_2303, %dma_start3A_2304] : memref<2560x32xf32, #tpu.memory_space<vmem>> -> memref<128x32xf32, #tpu.memory_space<vmem>>
    %dma_start3A_2306 = arith.constant 0 : i32
    %dma_start3A_2307 = tpu.memref_slice %arg5[%add3A_42, %dma_start3A_2306] : memref<81920x32xf32, #tpu.memory_space<hbm>> -> memref<128x32xf32, #tpu.memory_space<hbm>>
    %dma_start3A_2308 = arith.constant 0 : i32
    %dma_start3A_2309 = tpu.memref_slice %arg5[%add3A_42, %dma_start3A_2308] : memref<81920x32xf32, #tpu.memory_space<hbm>> -> memref<128x32xf32, #tpu.memory_space<hbm>>
    %dma_start3A_2310 = arith.constant 1152 : i32
    %dma_start3A_2311 = arith.constant 0 : i32
    %dma_start3A_2312 = tpu.memref_slice %arg10[%dma_start3A_2310, %dma_start3A_2311] : memref<2560x32xf32, #tpu.memory_space<vmem>> -> memref<128x32xf32, #tpu.memory_space<vmem>>
    tpu.enqueue_dma source(%dma_start3A_2312 : memref<128x32xf32, #tpu.memory_space<vmem>>) target(%dma_start3A_2309 : memref<128x32xf32, #tpu.memory_space<hbm>>) target_semaphore(%arg15 : memref<!tpu.dma_semaphore, #tpu.memory_space<semaphore_mem>>)
    %dma_start3A_2313 = arith.constant 13 : i32
    %dma_start3A_2314 = arith.constant 1664 : i32
    %dma_start3A_2315 = arith.constant 0 : i32
    %dma_start3A_2316 = tpu.memref_slice %arg10[%dma_start3A_2314, %dma_start3A_2315] : memref<2560x32xf32, #tpu.memory_space<vmem>> -> memref<128x32xf32, #tpu.memory_space<vmem>>
    %dma_start3A_2317 = arith.constant 0 : i32
    %dma_start3A_2318 = tpu.memref_slice %arg9[%dma_start3A_2313, %dma_start3A_2317] : memref<20x128xi32, #tpu.memory_space<vmem>> -> memref<1x128xi32, #tpu.memory_space<vmem>>
    %dma_start3A_2319 = tpu.memref_squeeze %dma_start3A_2318 : memref<1x128xi32, #tpu.memory_space<vmem>> -> memref<128xi32, #tpu.memory_space<vmem>>
    %dma_start3A_2320 = arith.constant 0 : i32
    %dma_start3A_2321 = arith.constant 0 : i32
    %dma_start3A_2322 = tpu.memref_slice %arg8[%dma_start3A_2320, %dma_start3A_2321] : memref<84x32xf32, #tpu.memory_space<vmem_shared>> -> memref<84x32xf32, #tpu.memory_space<vmem_shared>>
    tpu.enqueue_indirect_dma source(%dma_start3A_2322 : memref<84x32xf32, #tpu.memory_space<vmem_shared>>) target(%dma_start3A_2316 : memref<128x32xf32, #tpu.memory_space<vmem>>) offsets(%dma_start3A_2319 : memref<128xi32, #tpu.memory_space<vmem>>) semaphore(%arg12 : memref<!tpu.dma_semaphore, #tpu.memory_space<semaphore_mem>>)
    %get3A_2323 = arith.constant 2 : i32
    %get3A_2324 = arith.index_cast %get3A_2323 : i32 to index
    %get3A_2325 = arith.constant 0 : index
    %get3A_2326 = tpu.vector_load %arg7[%get3A_2324, %get3A_2325] {strides = array<i32>} : memref<5x16xi32, #tpu.memory_space<vmem>>, vector<1x16xi32>,
    %get3A_2327 = vector.shape_cast %get3A_2326 : vector<1x16xi32> to vector<16xi32>
    %get3A_2328 = arith.constant 14 : i32
    %get3A_2329 = arith.index_cast %get3A_2328 : i32 to index
    %get3A_2330 = arith.constant 0 : index
    %get3A_2331 = tpu.vector_load %arg6[%get3A_2329, %get3A_2330] {strides = array<i32>} : memref<20x128xi32, #tpu.memory_space<vmem>>, vector<1x16xi32>,
    %get3A_2332 = vector.shape_cast %get3A_2331 : vector<1x16xi32> to vector<16xi32>
    %add3A_2333 = arith.addi %get3A_2332, %get3A_2327 : vector<16xi32>
    %swap3A_2334 = arith.constant 14 : i32
    %swap3A_2335 = arith.index_cast %swap3A_2334 : i32 to index
    %swap3A_2336 = arith.constant 0 : index
    %swap3A_2337 = tpu.vector_load %arg9[%swap3A_2335, %swap3A_2336] {strides = array<i32>} : memref<20x128xi32, #tpu.memory_space<vmem>>, vector<1x16xi32>,
    %swap3A_2338 = vector.shape_cast %swap3A_2337 : vector<1x16xi32> to vector<16xi32>
    %swap3A_2339 = vector.shape_cast %add3A_2333 : vector<16xi32> to vector<1x16xi32>
    tpu.vector_store %arg9[%swap3A_2335, %swap3A_2336], %swap3A_2339 {strides = array<i32>} : memref<20x128xi32, #tpu.memory_space<vmem>>, vector<1x16xi32>,
    %get3A_2340 = arith.constant 3 : i32
    %get3A_2341 = arith.index_cast %get3A_2340 : i32 to index
    %get3A_2342 = arith.constant 0 : index
    %get3A_2343 = tpu.vector_load %arg7[%get3A_2341, %get3A_2342] {strides = array<i32>} : memref<5x16xi32, #tpu.memory_space<vmem>>, vector<1x16xi32>,
    %get3A_2344 = vector.shape_cast %get3A_2343 : vector<1x16xi32> to vector<16xi32>
    %get3A_2345 = arith.constant 14 : i32
    %get3A_2346 = arith.index_cast %get3A_2345 : i32 to index
    %get3A_2347 = arith.constant 16 : index
    %get3A_2348 = tpu.vector_load %arg6[%get3A_2346, %get3A_2347] {strides = array<i32>} : memref<20x128xi32, #tpu.memory_space<vmem>>, vector<1x16xi32>,
    %get3A_2349 = vector.shape_cast %get3A_2348 : vector<1x16xi32> to vector<16xi32>
    %add3A_2350 = arith.addi %get3A_2349, %get3A_2344 : vector<16xi32>
    %swap3A_2351 = arith.constant 14 : i32
    %swap3A_2352 = arith.index_cast %swap3A_2351 : i32 to index
    %swap3A_2353 = arith.constant 16 : index
    %swap3A_2354 = tpu.vector_load %arg9[%swap3A_2352, %swap3A_2353] {strides = array<i32>} : memref<20x128xi32, #tpu.memory_space<vmem>>, vector<1x16xi32>,
    %swap3A_2355 = vector.shape_cast %swap3A_2354 : vector<1x16xi32> to vector<16xi32>
    %swap3A_2356 = vector.shape_cast %add3A_2350 : vector<16xi32> to vector<1x16xi32>
    tpu.vector_store %arg9[%swap3A_2352, %swap3A_2353], %swap3A_2356 {strides = array<i32>} : memref<20x128xi32, #tpu.memory_space<vmem>>, vector<1x16xi32>,
    %get3A_2357 = arith.constant 4 : i32
    %get3A_2358 = arith.index_cast %get3A_2357 : i32 to index
    %get3A_2359 = arith.constant 0 : index
    %get3A_2360 = tpu.vector_load %arg7[%get3A_2358, %get3A_2359] {strides = array<i32>} : memref<5x16xi32, #tpu.memory_space<vmem>>, vector<1x16xi32>,
    %get3A_2361 = vector.shape_cast %get3A_2360 : vector<1x16xi32> to vector<16xi32>
    %get3A_2362 = arith.constant 14 : i32
    %get3A_2363 = arith.index_cast %get3A_2362 : i32 to index
    %get3A_2364 = arith.constant 32 : index
    %get3A_2365 = tpu.vector_load %arg6[%get3A_2363, %get3A_2364] {strides = array<i32>} : memref<20x128xi32, #tpu.memory_space<vmem>>, vector<1x16xi32>,
    %get3A_2366 = vector.shape_cast %get3A_2365 : vector<1x16xi32> to vector<16xi32>
    %add3A_2367 = arith.addi %get3A_2366, %get3A_2361 : vector<16xi32>
    %swap3A_2368 = arith.constant 14 : i32
    %swap3A_2369 = arith.index_cast %swap3A_2368 : i32 to index
    %swap3A_2370 = arith.constant 32 : index
    %swap3A_2371 = tpu.vector_load %arg9[%swap3A_2369, %swap3A_2370] {strides = array<i32>} : memref<20x128xi32, #tpu.memory_space<vmem>>, vector<1x16xi32>,
    %swap3A_2372 = vector.shape_cast %swap3A_2371 : vector<1x16xi32> to vector<16xi32>
    %swap3A_2373 = vector.shape_cast %add3A_2367 : vector<16xi32> to vector<1x16xi32>
    tpu.vector_store %arg9[%swap3A_2369, %swap3A_2370], %swap3A_2373 {strides = array<i32>} : memref<20x128xi32, #tpu.memory_space<vmem>>, vector<1x16xi32>,
    %get3A_2374 = arith.constant 0 : i32
    %get3A_2375 = arith.index_cast %get3A_2374 : i32 to index
    %get3A_2376 = arith.constant 0 : index
    %get3A_2377 = tpu.vector_load %arg7[%get3A_2375, %get3A_2376] {strides = array<i32>} : memref<5x16xi32, #tpu.memory_space<vmem>>, vector<1x16xi32>,
    %get3A_2378 = vector.shape_cast %get3A_2377 : vector<1x16xi32> to vector<16xi32>
    %get3A_2379 = arith.constant 14 : i32
    %get3A_2380 = arith.index_cast %get3A_2379 : i32 to index
    %get3A_2381 = arith.constant 48 : index
    %get3A_2382 = tpu.vector_load %arg6[%get3A_2380, %get3A_2381] {strides = array<i32>} : memref<20x128xi32, #tpu.memory_space<vmem>>, vector<1x16xi32>,
    %get3A_2383 = vector.shape_cast %get3A_2382 : vector<1x16xi32> to vector<16xi32>
    %add3A_2384 = arith.addi %get3A_2383, %get3A_2378 : vector<16xi32>
    %swap3A_2385 = arith.constant 14 : i32
    %swap3A_2386 = arith.index_cast %swap3A_2385 : i32 to index
    %swap3A_2387 = arith.constant 48 : index
    %swap3A_2388 = tpu.vector_load %arg9[%swap3A_2386, %swap3A_2387] {strides = array<i32>} : memref<20x128xi32, #tpu.memory_space<vmem>>, vector<1x16xi32>,
    %swap3A_2389 = vector.shape_cast %swap3A_2388 : vector<1x16xi32> to vector<16xi32>
    %swap3A_2390 = vector.shape_cast %add3A_2384 : vector<16xi32> to vector<1x16xi32>
    tpu.vector_store %arg9[%swap3A_2386, %swap3A_2387], %swap3A_2390 {strides = array<i32>} : memref<20x128xi32, #tpu.memory_space<vmem>>, vector<1x16xi32>,
    %get3A_2391 = arith.constant 1 : i32
    %get3A_2392 = arith.index_cast %get3A_2391 : i32 to index
    %get3A_2393 = arith.constant 0 : index
    %get3A_2394 = tpu.vector_load %arg7[%get3A_2392, %get3A_2393] {strides = array<i32>} : memref<5x16xi32, #tpu.memory_space<vmem>>, vector<1x16xi32>,
    %get3A_2395 = vector.shape_cast %get3A_2394 : vector<1x16xi32> to vector<16xi32>
    %get3A_2396 = arith.constant 14 : i32
    %get3A_2397 = arith.index_cast %get3A_2396 : i32 to index
    %get3A_2398 = arith.constant 64 : index
    %get3A_2399 = tpu.vector_load %arg6[%get3A_2397, %get3A_2398] {strides = array<i32>} : memref<20x128xi32, #tpu.memory_space<vmem>>, vector<1x16xi32>,
    %get3A_2400 = vector.shape_cast %get3A_2399 : vector<1x16xi32> to vector<16xi32>
    %add3A_2401 = arith.addi %get3A_2400, %get3A_2395 : vector<16xi32>
    %swap3A_2402 = arith.constant 14 : i32
    %swap3A_2403 = arith.index_cast %swap3A_2402 : i32 to index
    %swap3A_2404 = arith.constant 64 : index
    %swap3A_2405 = tpu.vector_load %arg9[%swap3A_2403, %swap3A_2404] {strides = array<i32>} : memref<20x128xi32, #tpu.memory_space<vmem>>, vector<1x16xi32>,
    %swap3A_2406 = vector.shape_cast %swap3A_2405 : vector<1x16xi32> to vector<16xi32>
    %swap3A_2407 = vector.shape_cast %add3A_2401 : vector<16xi32> to vector<1x16xi32>
    tpu.vector_store %arg9[%swap3A_2403, %swap3A_2404], %swap3A_2407 {strides = array<i32>} : memref<20x128xi32, #tpu.memory_space<vmem>>, vector<1x16xi32>,
    %get3A_2408 = arith.constant 2 : i32
    %get3A_2409 = arith.index_cast %get3A_2408 : i32 to index
    %get3A_2410 = arith.constant 0 : index
    %get3A_2411 = tpu.vector_load %arg7[%get3A_2409, %get3A_2410] {strides = array<i32>} : memref<5x16xi32, #tpu.memory_space<vmem>>, vector<1x16xi32>,
    %get3A_2412 = vector.shape_cast %get3A_2411 : vector<1x16xi32> to vector<16xi32>
    %get3A_2413 = arith.constant 14 : i32
    %get3A_2414 = arith.index_cast %get3A_2413 : i32 to index
    %get3A_2415 = arith.constant 80 : index
    %get3A_2416 = tpu.vector_load %arg6[%get3A_2414, %get3A_2415] {strides = array<i32>} : memref<20x128xi32, #tpu.memory_space<vmem>>, vector<1x16xi32>,
    %get3A_2417 = vector.shape_cast %get3A_2416 : vector<1x16xi32> to vector<16xi32>
    %add3A_2418 = arith.addi %get3A_2417, %get3A_2412 : vector<16xi32>
    %swap3A_2419 = arith.constant 14 : i32
    %swap3A_2420 = arith.index_cast %swap3A_2419 : i32 to index
    %swap3A_2421 = arith.constant 80 : index
    %swap3A_2422 = tpu.vector_load %arg9[%swap3A_2420, %swap3A_2421] {strides = array<i32>} : memref<20x128xi32, #tpu.memory_space<vmem>>, vector<1x16xi32>,
    %swap3A_2423 = vector.shape_cast %swap3A_2422 : vector<1x16xi32> to vector<16xi32>
    %swap3A_2424 = vector.shape_cast %add3A_2418 : vector<16xi32> to vector<1x16xi32>
    tpu.vector_store %arg9[%swap3A_2420, %swap3A_2421], %swap3A_2424 {strides = array<i32>} : memref<20x128xi32, #tpu.memory_space<vmem>>, vector<1x16xi32>,
    %get3A_2425 = arith.constant 3 : i32
    %get3A_2426 = arith.index_cast %get3A_2425 : i32 to index
    %get3A_2427 = arith.constant 0 : index
    %get3A_2428 = tpu.vector_load %arg7[%get3A_2426, %get3A_2427] {strides = array<i32>} : memref<5x16xi32, #tpu.memory_space<vmem>>, vector<1x16xi32>,
    %get3A_2429 = vector.shape_cast %get3A_2428 : vector<1x16xi32> to vector<16xi32>
    %get3A_2430 = arith.constant 14 : i32
    %get3A_2431 = arith.index_cast %get3A_2430 : i32 to index
    %get3A_2432 = arith.constant 96 : index
    %get3A_2433 = tpu.vector_load %arg6[%get3A_2431, %get3A_2432] {strides = array<i32>} : memref<20x128xi32, #tpu.memory_space<vmem>>, vector<1x16xi32>,
    %get3A_2434 = vector.shape_cast %get3A_2433 : vector<1x16xi32> to vector<16xi32>
    %add3A_2435 = arith.addi %get3A_2434, %get3A_2429 : vector<16xi32>
    %swap3A_2436 = arith.constant 14 : i32
    %swap3A_2437 = arith.index_cast %swap3A_2436 : i32 to index
    %swap3A_2438 = arith.constant 96 : index
    %swap3A_2439 = tpu.vector_load %arg9[%swap3A_2437, %swap3A_2438] {strides = array<i32>} : memref<20x128xi32, #tpu.memory_space<vmem>>, vector<1x16xi32>,
    %swap3A_2440 = vector.shape_cast %swap3A_2439 : vector<1x16xi32> to vector<16xi32>
    %swap3A_2441 = vector.shape_cast %add3A_2435 : vector<16xi32> to vector<1x16xi32>
    tpu.vector_store %arg9[%swap3A_2437, %swap3A_2438], %swap3A_2441 {strides = array<i32>} : memref<20x128xi32, #tpu.memory_space<vmem>>, vector<1x16xi32>,
    %get3A_2442 = arith.constant 4 : i32
    %get3A_2443 = arith.index_cast %get3A_2442 : i32 to index
    %get3A_2444 = arith.constant 0 : index
    %get3A_2445 = tpu.vector_load %arg7[%get3A_2443, %get3A_2444] {strides = array<i32>} : memref<5x16xi32, #tpu.memory_space<vmem>>, vector<1x16xi32>,
    %get3A_2446 = vector.shape_cast %get3A_2445 : vector<1x16xi32> to vector<16xi32>
    %get3A_2447 = arith.constant 14 : i32
    %get3A_2448 = arith.index_cast %get3A_2447 : i32 to index
    %get3A_2449 = arith.constant 112 : index
    %get3A_2450 = tpu.vector_load %arg6[%get3A_2448, %get3A_2449] {strides = array<i32>} : memref<20x128xi32, #tpu.memory_space<vmem>>, vector<1x16xi32>,
    %get3A_2451 = vector.shape_cast %get3A_2450 : vector<1x16xi32> to vector<16xi32>
    %add3A_2452 = arith.addi %get3A_2451, %get3A_2446 : vector<16xi32>
    %swap3A_2453 = arith.constant 14 : i32
    %swap3A_2454 = arith.index_cast %swap3A_2453 : i32 to index
    %swap3A_2455 = arith.constant 112 : index
    %swap3A_2456 = tpu.vector_load %arg9[%swap3A_2454, %swap3A_2455] {strides = array<i32>} : memref<20x128xi32, #tpu.memory_space<vmem>>, vector<1x16xi32>,
    %swap3A_2457 = vector.shape_cast %swap3A_2456 : vector<1x16xi32> to vector<16xi32>
    %swap3A_2458 = vector.shape_cast %add3A_2452 : vector<16xi32> to vector<1x16xi32>
    tpu.vector_store %arg9[%swap3A_2454, %swap3A_2455], %swap3A_2458 {strides = array<i32>} : memref<20x128xi32, #tpu.memory_space<vmem>>, vector<1x16xi32>,
    %dma_wait3A_2459 = arith.constant 10 : i32
    %dma_wait3A_2460 = arith.constant 1280 : i32
    %dma_wait3A_2461 = arith.constant 0 : i32
    %dma_wait3A_2462 = tpu.memref_slice %arg10[%dma_wait3A_2460, %dma_wait3A_2461] : memref<2560x32xf32, #tpu.memory_space<vmem>> -> memref<128x32xf32, #tpu.memory_space<vmem>>
    %dma_wait3A_2463 = arith.constant 0 : i32
    %dma_wait3A_2464 = tpu.memref_slice %arg9[%dma_wait3A_2459, %dma_wait3A_2463] : memref<20x128xi32, #tpu.memory_space<vmem>> -> memref<1x128xi32, #tpu.memory_space<vmem>>
    %dma_wait3A_2465 = tpu.memref_squeeze %dma_wait3A_2464 : memref<1x128xi32, #tpu.memory_space<vmem>> -> memref<128xi32, #tpu.memory_space<vmem>>
    %dma_wait3A_2466 = arith.constant 0 : i32
    %dma_wait3A_2467 = arith.constant 0 : i32
    %dma_wait3A_2468 = tpu.memref_slice %arg8[%dma_wait3A_2466, %dma_wait3A_2467] : memref<84x32xf32, #tpu.memory_space<vmem_shared>> -> memref<84x32xf32, #tpu.memory_space<vmem_shared>>
    tpu.wait_indirect_dma semaphore(%arg13 : memref<!tpu.dma_semaphore, #tpu.memory_space<semaphore_mem>>) src(%dma_wait3A_2468 : memref<84x32xf32, #tpu.memory_space<vmem_shared>>) dst(%dma_wait3A_2462 : memref<128x32xf32, #tpu.memory_space<vmem>>)
    %dma_start3A_2469 = arith.constant 1280 : i32
    %dma_start3A_2470 = arith.constant 0 : i32
    %dma_start3A_2471 = tpu.memref_slice %arg10[%dma_start3A_2469, %dma_start3A_2470] : memref<2560x32xf32, #tpu.memory_space<vmem>> -> memref<128x32xf32, #tpu.memory_space<vmem>>
    %dma_start3A_2472 = arith.constant 0 : i32
    %dma_start3A_2473 = tpu.memref_slice %arg5[%add3A_46, %dma_start3A_2472] : memref<81920x32xf32, #tpu.memory_space<hbm>> -> memref<128x32xf32, #tpu.memory_space<hbm>>
    %dma_start3A_2474 = arith.constant 0 : i32
    %dma_start3A_2475 = tpu.memref_slice %arg5[%add3A_46, %dma_start3A_2474] : memref<81920x32xf32, #tpu.memory_space<hbm>> -> memref<128x32xf32, #tpu.memory_space<hbm>>
    %dma_start3A_2476 = arith.constant 1280 : i32
    %dma_start3A_2477 = arith.constant 0 : i32
    %dma_start3A_2478 = tpu.memref_slice %arg10[%dma_start3A_2476, %dma_start3A_2477] : memref<2560x32xf32, #tpu.memory_space<vmem>> -> memref<128x32xf32, #tpu.memory_space<vmem>>
    tpu.enqueue_dma source(%dma_start3A_2478 : memref<128x32xf32, #tpu.memory_space<vmem>>) target(%dma_start3A_2475 : memref<128x32xf32, #tpu.memory_space<hbm>>) target_semaphore(%arg15 : memref<!tpu.dma_semaphore, #tpu.memory_space<semaphore_mem>>)
    %dma_start3A_2479 = arith.constant 14 : i32
    %dma_start3A_2480 = arith.constant 1792 : i32
    %dma_start3A_2481 = arith.constant 0 : i32
    %dma_start3A_2482 = tpu.memref_slice %arg10[%dma_start3A_2480, %dma_start3A_2481] : memref<2560x32xf32, #tpu.memory_space<vmem>> -> memref<128x32xf32, #tpu.memory_space<vmem>>
    %dma_start3A_2483 = arith.constant 0 : i32
    %dma_start3A_2484 = tpu.memref_slice %arg9[%dma_start3A_2479, %dma_start3A_2483] : memref<20x128xi32, #tpu.memory_space<vmem>> -> memref<1x128xi32, #tpu.memory_space<vmem>>
    %dma_start3A_2485 = tpu.memref_squeeze %dma_start3A_2484 : memref<1x128xi32, #tpu.memory_space<vmem>> -> memref<128xi32, #tpu.memory_space<vmem>>
    %dma_start3A_2486 = arith.constant 0 : i32
    %dma_start3A_2487 = arith.constant 0 : i32
    %dma_start3A_2488 = tpu.memref_slice %arg8[%dma_start3A_2486, %dma_start3A_2487] : memref<84x32xf32, #tpu.memory_space<vmem_shared>> -> memref<84x32xf32, #tpu.memory_space<vmem_shared>>
    tpu.enqueue_indirect_dma source(%dma_start3A_2488 : memref<84x32xf32, #tpu.memory_space<vmem_shared>>) target(%dma_start3A_2482 : memref<128x32xf32, #tpu.memory_space<vmem>>) offsets(%dma_start3A_2485 : memref<128xi32, #tpu.memory_space<vmem>>) semaphore(%arg13 : memref<!tpu.dma_semaphore, #tpu.memory_space<semaphore_mem>>)
    %get3A_2489 = arith.constant 0 : i32
    %get3A_2490 = arith.index_cast %get3A_2489 : i32 to index
    %get3A_2491 = arith.constant 0 : index
    %get3A_2492 = tpu.vector_load %arg7[%get3A_2490, %get3A_2491] {strides = array<i32>} : memref<5x16xi32, #tpu.memory_space<vmem>>, vector<1x16xi32>,
    %get3A_2493 = vector.shape_cast %get3A_2492 : vector<1x16xi32> to vector<16xi32>
    %get3A_2494 = arith.constant 15 : i32
    %get3A_2495 = arith.index_cast %get3A_2494 : i32 to index
    %get3A_2496 = arith.constant 0 : index
    %get3A_2497 = tpu.vector_load %arg6[%get3A_2495, %get3A_2496] {strides = array<i32>} : memref<20x128xi32, #tpu.memory_space<vmem>>, vector<1x16xi32>,
    %get3A_2498 = vector.shape_cast %get3A_2497 : vector<1x16xi32> to vector<16xi32>
    %add3A_2499 = arith.addi %get3A_2498, %get3A_2493 : vector<16xi32>
    %swap3A_2500 = arith.constant 15 : i32
    %swap3A_2501 = arith.index_cast %swap3A_2500 : i32 to index
    %swap3A_2502 = arith.constant 0 : index
    %swap3A_2503 = tpu.vector_load %arg9[%swap3A_2501, %swap3A_2502] {strides = array<i32>} : memref<20x128xi32, #tpu.memory_space<vmem>>, vector<1x16xi32>,
    %swap3A_2504 = vector.shape_cast %swap3A_2503 : vector<1x16xi32> to vector<16xi32>
    %swap3A_2505 = vector.shape_cast %add3A_2499 : vector<16xi32> to vector<1x16xi32>
    tpu.vector_store %arg9[%swap3A_2501, %swap3A_2502], %swap3A_2505 {strides = array<i32>} : memref<20x128xi32, #tpu.memory_space<vmem>>, vector<1x16xi32>,
    %get3A_2506 = arith.constant 1 : i32
    %get3A_2507 = arith.index_cast %get3A_2506 : i32 to index
    %get3A_2508 = arith.constant 0 : index
    %get3A_2509 = tpu.vector_load %arg7[%get3A_2507, %get3A_2508] {strides = array<i32>} : memref<5x16xi32, #tpu.memory_space<vmem>>, vector<1x16xi32>,
    %get3A_2510 = vector.shape_cast %get3A_2509 : vector<1x16xi32> to vector<16xi32>
    %get3A_2511 = arith.constant 15 : i32
    %get3A_2512 = arith.index_cast %get3A_2511 : i32 to index
    %get3A_2513 = arith.constant 16 : index
    %get3A_2514 = tpu.vector_load %arg6[%get3A_2512, %get3A_2513] {strides = array<i32>} : memref<20x128xi32, #tpu.memory_space<vmem>>, vector<1x16xi32>,
    %get3A_2515 = vector.shape_cast %get3A_2514 : vector<1x16xi32> to vector<16xi32>
    %add3A_2516 = arith.addi %get3A_2515, %get3A_2510 : vector<16xi32>
    %swap3A_2517 = arith.constant 15 : i32
    %swap3A_2518 = arith.index_cast %swap3A_2517 : i32 to index
    %swap3A_2519 = arith.constant 16 : index
    %swap3A_2520 = tpu.vector_load %arg9[%swap3A_2518, %swap3A_2519] {strides = array<i32>} : memref<20x128xi32, #tpu.memory_space<vmem>>, vector<1x16xi32>,
    %swap3A_2521 = vector.shape_cast %swap3A_2520 : vector<1x16xi32> to vector<16xi32>
    %swap3A_2522 = vector.shape_cast %add3A_2516 : vector<16xi32> to vector<1x16xi32>
    tpu.vector_store %arg9[%swap3A_2518, %swap3A_2519], %swap3A_2522 {strides = array<i32>} : memref<20x128xi32, #tpu.memory_space<vmem>>, vector<1x16xi32>,
    %get3A_2523 = arith.constant 2 : i32
    %get3A_2524 = arith.index_cast %get3A_2523 : i32 to index
    %get3A_2525 = arith.constant 0 : index
    %get3A_2526 = tpu.vector_load %arg7[%get3A_2524, %get3A_2525] {strides = array<i32>} : memref<5x16xi32, #tpu.memory_space<vmem>>, vector<1x16xi32>,
    %get3A_2527 = vector.shape_cast %get3A_2526 : vector<1x16xi32> to vector<16xi32>
    %get3A_2528 = arith.constant 15 : i32
    %get3A_2529 = arith.index_cast %get3A_2528 : i32 to index
    %get3A_2530 = arith.constant 32 : index
    %get3A_2531 = tpu.vector_load %arg6[%get3A_2529, %get3A_2530] {strides = array<i32>} : memref<20x128xi32, #tpu.memory_space<vmem>>, vector<1x16xi32>,
    %get3A_2532 = vector.shape_cast %get3A_2531 : vector<1x16xi32> to vector<16xi32>
    %add3A_2533 = arith.addi %get3A_2532, %get3A_2527 : vector<16xi32>
    %swap3A_2534 = arith.constant 15 : i32
    %swap3A_2535 = arith.index_cast %swap3A_2534 : i32 to index
    %swap3A_2536 = arith.constant 32 : index
    %swap3A_2537 = tpu.vector_load %arg9[%swap3A_2535, %swap3A_2536] {strides = array<i32>} : memref<20x128xi32, #tpu.memory_space<vmem>>, vector<1x16xi32>,
    %swap3A_2538 = vector.shape_cast %swap3A_2537 : vector<1x16xi32> to vector<16xi32>
    %swap3A_2539 = vector.shape_cast %add3A_2533 : vector<16xi32> to vector<1x16xi32>
    tpu.vector_store %arg9[%swap3A_2535, %swap3A_2536], %swap3A_2539 {strides = array<i32>} : memref<20x128xi32, #tpu.memory_space<vmem>>, vector<1x16xi32>,
    %get3A_2540 = arith.constant 3 : i32
    %get3A_2541 = arith.index_cast %get3A_2540 : i32 to index
    %get3A_2542 = arith.constant 0 : index
    %get3A_2543 = tpu.vector_load %arg7[%get3A_2541, %get3A_2542] {strides = array<i32>} : memref<5x16xi32, #tpu.memory_space<vmem>>, vector<1x16xi32>,
    %get3A_2544 = vector.shape_cast %get3A_2543 : vector<1x16xi32> to vector<16xi32>
    %get3A_2545 = arith.constant 15 : i32
    %get3A_2546 = arith.index_cast %get3A_2545 : i32 to index
    %get3A_2547 = arith.constant 48 : index
    %get3A_2548 = tpu.vector_load %arg6[%get3A_2546, %get3A_2547] {strides = array<i32>} : memref<20x128xi32, #tpu.memory_space<vmem>>, vector<1x16xi32>,
    %get3A_2549 = vector.shape_cast %get3A_2548 : vector<1x16xi32> to vector<16xi32>
    %add3A_2550 = arith.addi %get3A_2549, %get3A_2544 : vector<16xi32>
    %swap3A_2551 = arith.constant 15 : i32
    %swap3A_2552 = arith.index_cast %swap3A_2551 : i32 to index
    %swap3A_2553 = arith.constant 48 : index
    %swap3A_2554 = tpu.vector_load %arg9[%swap3A_2552, %swap3A_2553] {strides = array<i32>} : memref<20x128xi32, #tpu.memory_space<vmem>>, vector<1x16xi32>,
    %swap3A_2555 = vector.shape_cast %swap3A_2554 : vector<1x16xi32> to vector<16xi32>
    %swap3A_2556 = vector.shape_cast %add3A_2550 : vector<16xi32> to vector<1x16xi32>
    tpu.vector_store %arg9[%swap3A_2552, %swap3A_2553], %swap3A_2556 {strides = array<i32>} : memref<20x128xi32, #tpu.memory_space<vmem>>, vector<1x16xi32>,
    %get3A_2557 = arith.constant 4 : i32
    %get3A_2558 = arith.index_cast %get3A_2557 : i32 to index
    %get3A_2559 = arith.constant 0 : index
    %get3A_2560 = tpu.vector_load %arg7[%get3A_2558, %get3A_2559] {strides = array<i32>} : memref<5x16xi32, #tpu.memory_space<vmem>>, vector<1x16xi32>,
    %get3A_2561 = vector.shape_cast %get3A_2560 : vector<1x16xi32> to vector<16xi32>
    %get3A_2562 = arith.constant 15 : i32
    %get3A_2563 = arith.index_cast %get3A_2562 : i32 to index
    %get3A_2564 = arith.constant 64 : index
    %get3A_2565 = tpu.vector_load %arg6[%get3A_2563, %get3A_2564] {strides = array<i32>} : memref<20x128xi32, #tpu.memory_space<vmem>>, vector<1x16xi32>,
    %get3A_2566 = vector.shape_cast %get3A_2565 : vector<1x16xi32> to vector<16xi32>
    %add3A_2567 = arith.addi %get3A_2566, %get3A_2561 : vector<16xi32>
    %swap3A_2568 = arith.constant 15 : i32
    %swap3A_2569 = arith.index_cast %swap3A_2568 : i32 to index
    %swap3A_2570 = arith.constant 64 : index
    %swap3A_2571 = tpu.vector_load %arg9[%swap3A_2569, %swap3A_2570] {strides = array<i32>} : memref<20x128xi32, #tpu.memory_space<vmem>>, vector<1x16xi32>,
    %swap3A_2572 = vector.shape_cast %swap3A_2571 : vector<1x16xi32> to vector<16xi32>
    %swap3A_2573 = vector.shape_cast %add3A_2567 : vector<16xi32> to vector<1x16xi32>
    tpu.vector_store %arg9[%swap3A_2569, %swap3A_2570], %swap3A_2573 {strides = array<i32>} : memref<20x128xi32, #tpu.memory_space<vmem>>, vector<1x16xi32>,
    %get3A_2574 = arith.constant 0 : i32
    %get3A_2575 = arith.index_cast %get3A_2574 : i32 to index
    %get3A_2576 = arith.constant 0 : index
    %get3A_2577 = tpu.vector_load %arg7[%get3A_2575, %get3A_2576] {strides = array<i32>} : memref<5x16xi32, #tpu.memory_space<vmem>>, vector<1x16xi32>,
    %get3A_2578 = vector.shape_cast %get3A_2577 : vector<1x16xi32> to vector<16xi32>
    %get3A_2579 = arith.constant 15 : i32
    %get3A_2580 = arith.index_cast %get3A_2579 : i32 to index
    %get3A_2581 = arith.constant 80 : index
    %get3A_2582 = tpu.vector_load %arg6[%get3A_2580, %get3A_2581] {strides = array<i32>} : memref<20x128xi32, #tpu.memory_space<vmem>>, vector<1x16xi32>,
    %get3A_2583 = vector.shape_cast %get3A_2582 : vector<1x16xi32> to vector<16xi32>
    %add3A_2584 = arith.addi %get3A_2583, %get3A_2578 : vector<16xi32>
    %swap3A_2585 = arith.constant 15 : i32
    %swap3A_2586 = arith.index_cast %swap3A_2585 : i32 to index
    %swap3A_2587 = arith.constant 80 : index
    %swap3A_2588 = tpu.vector_load %arg9[%swap3A_2586, %swap3A_2587] {strides = array<i32>} : memref<20x128xi32, #tpu.memory_space<vmem>>, vector<1x16xi32>,
    %swap3A_2589 = vector.shape_cast %swap3A_2588 : vector<1x16xi32> to vector<16xi32>
    %swap3A_2590 = vector.shape_cast %add3A_2584 : vector<16xi32> to vector<1x16xi32>
    tpu.vector_store %arg9[%swap3A_2586, %swap3A_2587], %swap3A_2590 {strides = array<i32>} : memref<20x128xi32, #tpu.memory_space<vmem>>, vector<1x16xi32>,
    %get3A_2591 = arith.constant 1 : i32
    %get3A_2592 = arith.index_cast %get3A_2591 : i32 to index
    %get3A_2593 = arith.constant 0 : index
    %get3A_2594 = tpu.vector_load %arg7[%get3A_2592, %get3A_2593] {strides = array<i32>} : memref<5x16xi32, #tpu.memory_space<vmem>>, vector<1x16xi32>,
    %get3A_2595 = vector.shape_cast %get3A_2594 : vector<1x16xi32> to vector<16xi32>
    %get3A_2596 = arith.constant 15 : i32
    %get3A_2597 = arith.index_cast %get3A_2596 : i32 to index
    %get3A_2598 = arith.constant 96 : index
    %get3A_2599 = tpu.vector_load %arg6[%get3A_2597, %get3A_2598] {strides = array<i32>} : memref<20x128xi32, #tpu.memory_space<vmem>>, vector<1x16xi32>,
    %get3A_2600 = vector.shape_cast %get3A_2599 : vector<1x16xi32> to vector<16xi32>
    %add3A_2601 = arith.addi %get3A_2600, %get3A_2595 : vector<16xi32>
    %swap3A_2602 = arith.constant 15 : i32
    %swap3A_2603 = arith.index_cast %swap3A_2602 : i32 to index
    %swap3A_2604 = arith.constant 96 : index
    %swap3A_2605 = tpu.vector_load %arg9[%swap3A_2603, %swap3A_2604] {strides = array<i32>} : memref<20x128xi32, #tpu.memory_space<vmem>>, vector<1x16xi32>,
    %swap3A_2606 = vector.shape_cast %swap3A_2605 : vector<1x16xi32> to vector<16xi32>
    %swap3A_2607 = vector.shape_cast %add3A_2601 : vector<16xi32> to vector<1x16xi32>
    tpu.vector_store %arg9[%swap3A_2603, %swap3A_2604], %swap3A_2607 {strides = array<i32>} : memref<20x128xi32, #tpu.memory_space<vmem>>, vector<1x16xi32>,
    %get3A_2608 = arith.constant 2 : i32
    %get3A_2609 = arith.index_cast %get3A_2608 : i32 to index
    %get3A_2610 = arith.constant 0 : index
    %get3A_2611 = tpu.vector_load %arg7[%get3A_2609, %get3A_2610] {strides = array<i32>} : memref<5x16xi32, #tpu.memory_space<vmem>>, vector<1x16xi32>,
    %get3A_2612 = vector.shape_cast %get3A_2611 : vector<1x16xi32> to vector<16xi32>
    %get3A_2613 = arith.constant 15 : i32
    %get3A_2614 = arith.index_cast %get3A_2613 : i32 to index
    %get3A_2615 = arith.constant 112 : index
    %get3A_2616 = tpu.vector_load %arg6[%get3A_2614, %get3A_2615] {strides = array<i32>} : memref<20x128xi32, #tpu.memory_space<vmem>>, vector<1x16xi32>,
    %get3A_2617 = vector.shape_cast %get3A_2616 : vector<1x16xi32> to vector<16xi32>
    %add3A_2618 = arith.addi %get3A_2617, %get3A_2612 : vector<16xi32>
    %swap3A_2619 = arith.constant 15 : i32
    %swap3A_2620 = arith.index_cast %swap3A_2619 : i32 to index
    %swap3A_2621 = arith.constant 112 : index
    %swap3A_2622 = tpu.vector_load %arg9[%swap3A_2620, %swap3A_2621] {strides = array<i32>} : memref<20x128xi32, #tpu.memory_space<vmem>>, vector<1x16xi32>,
    %swap3A_2623 = vector.shape_cast %swap3A_2622 : vector<1x16xi32> to vector<16xi32>
    %swap3A_2624 = vector.shape_cast %add3A_2618 : vector<16xi32> to vector<1x16xi32>
    tpu.vector_store %arg9[%swap3A_2620, %swap3A_2621], %swap3A_2624 {strides = array<i32>} : memref<20x128xi32, #tpu.memory_space<vmem>>, vector<1x16xi32>,
    %dma_wait3A_2625 = arith.constant 11 : i32
    %dma_wait3A_2626 = arith.constant 1408 : i32
    %dma_wait3A_2627 = arith.constant 0 : i32
    %dma_wait3A_2628 = tpu.memref_slice %arg10[%dma_wait3A_2626, %dma_wait3A_2627] : memref<2560x32xf32, #tpu.memory_space<vmem>> -> memref<128x32xf32, #tpu.memory_space<vmem>>
    %dma_wait3A_2629 = arith.constant 0 : i32
    %dma_wait3A_2630 = tpu.memref_slice %arg9[%dma_wait3A_2625, %dma_wait3A_2629] : memref<20x128xi32, #tpu.memory_space<vmem>> -> memref<1x128xi32, #tpu.memory_space<vmem>>
    %dma_wait3A_2631 = tpu.memref_squeeze %dma_wait3A_2630 : memref<1x128xi32, #tpu.memory_space<vmem>> -> memref<128xi32, #tpu.memory_space<vmem>>
    %dma_wait3A_2632 = arith.constant 0 : i32
    %dma_wait3A_2633 = arith.constant 0 : i32
    %dma_wait3A_2634 = tpu.memref_slice %arg8[%dma_wait3A_2632, %dma_wait3A_2633] : memref<84x32xf32, #tpu.memory_space<vmem_shared>> -> memref<84x32xf32, #tpu.memory_space<vmem_shared>>
    tpu.wait_indirect_dma semaphore(%arg14 : memref<!tpu.dma_semaphore, #tpu.memory_space<semaphore_mem>>) src(%dma_wait3A_2634 : memref<84x32xf32, #tpu.memory_space<vmem_shared>>) dst(%dma_wait3A_2628 : memref<128x32xf32, #tpu.memory_space<vmem>>)
    %dma_start3A_2635 = arith.constant 1408 : i32
    %dma_start3A_2636 = arith.constant 0 : i32
    %dma_start3A_2637 = tpu.memref_slice %arg10[%dma_start3A_2635, %dma_start3A_2636] : memref<2560x32xf32, #tpu.memory_space<vmem>> -> memref<128x32xf32, #tpu.memory_space<vmem>>
    %dma_start3A_2638 = arith.constant 0 : i32
    %dma_start3A_2639 = tpu.memref_slice %arg5[%add3A_50, %dma_start3A_2638] : memref<81920x32xf32, #tpu.memory_space<hbm>> -> memref<128x32xf32, #tpu.memory_space<hbm>>
    %dma_start3A_2640 = arith.constant 0 : i32
    %dma_start3A_2641 = tpu.memref_slice %arg5[%add3A_50, %dma_start3A_2640] : memref<81920x32xf32, #tpu.memory_space<hbm>> -> memref<128x32xf32, #tpu.memory_space<hbm>>
    %dma_start3A_2642 = arith.constant 1408 : i32
    %dma_start3A_2643 = arith.constant 0 : i32
    %dma_start3A_2644 = tpu.memref_slice %arg10[%dma_start3A_2642, %dma_start3A_2643] : memref<2560x32xf32, #tpu.memory_space<vmem>> -> memref<128x32xf32, #tpu.memory_space<vmem>>
    tpu.enqueue_dma source(%dma_start3A_2644 : memref<128x32xf32, #tpu.memory_space<vmem>>) target(%dma_start3A_2641 : memref<128x32xf32, #tpu.memory_space<hbm>>) target_semaphore(%arg15 : memref<!tpu.dma_semaphore, #tpu.memory_space<semaphore_mem>>)
    %dma_start3A_2645 = arith.constant 15 : i32
    %dma_start3A_2646 = arith.constant 1920 : i32
    %dma_start3A_2647 = arith.constant 0 : i32
    %dma_start3A_2648 = tpu.memref_slice %arg10[%dma_start3A_2646, %dma_start3A_2647] : memref<2560x32xf32, #tpu.memory_space<vmem>> -> memref<128x32xf32, #tpu.memory_space<vmem>>
    %dma_start3A_2649 = arith.constant 0 : i32
    %dma_start3A_2650 = tpu.memref_slice %arg9[%dma_start3A_2645, %dma_start3A_2649] : memref<20x128xi32, #tpu.memory_space<vmem>> -> memref<1x128xi32, #tpu.memory_space<vmem>>
    %dma_start3A_2651 = tpu.memref_squeeze %dma_start3A_2650 : memref<1x128xi32, #tpu.memory_space<vmem>> -> memref<128xi32, #tpu.memory_space<vmem>>
    %dma_start3A_2652 = arith.constant 0 : i32
    %dma_start3A_2653 = arith.constant 0 : i32
    %dma_start3A_2654 = tpu.memref_slice %arg8[%dma_start3A_2652, %dma_start3A_2653] : memref<84x32xf32, #tpu.memory_space<vmem_shared>> -> memref<84x32xf32, #tpu.memory_space<vmem_shared>>
    tpu.enqueue_indirect_dma source(%dma_start3A_2654 : memref<84x32xf32, #tpu.memory_space<vmem_shared>>) target(%dma_start3A_2648 : memref<128x32xf32, #tpu.memory_space<vmem>>) offsets(%dma_start3A_2651 : memref<128xi32, #tpu.memory_space<vmem>>) semaphore(%arg14 : memref<!tpu.dma_semaphore, #tpu.memory_space<semaphore_mem>>)
    %get3A_2655 = arith.constant 3 : i32
    %get3A_2656 = arith.index_cast %get3A_2655 : i32 to index
    %get3A_2657 = arith.constant 0 : index
    %get3A_2658 = tpu.vector_load %arg7[%get3A_2656, %get3A_2657] {strides = array<i32>} : memref<5x16xi32, #tpu.memory_space<vmem>>, vector<1x16xi32>,
    %get3A_2659 = vector.shape_cast %get3A_2658 : vector<1x16xi32> to vector<16xi32>
    %get3A_2660 = arith.constant 16 : i32
    %get3A_2661 = arith.index_cast %get3A_2660 : i32 to index
    %get3A_2662 = arith.constant 0 : index
    %get3A_2663 = tpu.vector_load %arg6[%get3A_2661, %get3A_2662] {strides = array<i32>} : memref<20x128xi32, #tpu.memory_space<vmem>>, vector<1x16xi32>,
    %get3A_2664 = vector.shape_cast %get3A_2663 : vector<1x16xi32> to vector<16xi32>
    %add3A_2665 = arith.addi %get3A_2664, %get3A_2659 : vector<16xi32>
    %swap3A_2666 = arith.constant 16 : i32
    %swap3A_2667 = arith.index_cast %swap3A_2666 : i32 to index
    %swap3A_2668 = arith.constant 0 : index
    %swap3A_2669 = tpu.vector_load %arg9[%swap3A_2667, %swap3A_2668] {strides = array<i32>} : memref<20x128xi32, #tpu.memory_space<vmem>>, vector<1x16xi32>,
    %swap3A_2670 = vector.shape_cast %swap3A_2669 : vector<1x16xi32> to vector<16xi32>
    %swap3A_2671 = vector.shape_cast %add3A_2665 : vector<16xi32> to vector<1x16xi32>
    tpu.vector_store %arg9[%swap3A_2667, %swap3A_2668], %swap3A_2671 {strides = array<i32>} : memref<20x128xi32, #tpu.memory_space<vmem>>, vector<1x16xi32>,
    %get3A_2672 = arith.constant 4 : i32
    %get3A_2673 = arith.index_cast %get3A_2672 : i32 to index
    %get3A_2674 = arith.constant 0 : index
    %get3A_2675 = tpu.vector_load %arg7[%get3A_2673, %get3A_2674] {strides = array<i32>} : memref<5x16xi32, #tpu.memory_space<vmem>>, vector<1x16xi32>,
    %get3A_2676 = vector.shape_cast %get3A_2675 : vector<1x16xi32> to vector<16xi32>
    %get3A_2677 = arith.constant 16 : i32
    %get3A_2678 = arith.index_cast %get3A_2677 : i32 to index
    %get3A_2679 = arith.constant 16 : index
    %get3A_2680 = tpu.vector_load %arg6[%get3A_2678, %get3A_2679] {strides = array<i32>} : memref<20x128xi32, #tpu.memory_space<vmem>>, vector<1x16xi32>,
    %get3A_2681 = vector.shape_cast %get3A_2680 : vector<1x16xi32> to vector<16xi32>
    %add3A_2682 = arith.addi %get3A_2681, %get3A_2676 : vector<16xi32>
    %swap3A_2683 = arith.constant 16 : i32
    %swap3A_2684 = arith.index_cast %swap3A_2683 : i32 to index
    %swap3A_2685 = arith.constant 16 : index
    %swap3A_2686 = tpu.vector_load %arg9[%swap3A_2684, %swap3A_2685] {strides = array<i32>} : memref<20x128xi32, #tpu.memory_space<vmem>>, vector<1x16xi32>,
    %swap3A_2687 = vector.shape_cast %swap3A_2686 : vector<1x16xi32> to vector<16xi32>
    %swap3A_2688 = vector.shape_cast %add3A_2682 : vector<16xi32> to vector<1x16xi32>
    tpu.vector_store %arg9[%swap3A_2684, %swap3A_2685], %swap3A_2688 {strides = array<i32>} : memref<20x128xi32, #tpu.memory_space<vmem>>, vector<1x16xi32>,
    %get3A_2689 = arith.constant 0 : i32
    %get3A_2690 = arith.index_cast %get3A_2689 : i32 to index
    %get3A_2691 = arith.constant 0 : index
    %get3A_2692 = tpu.vector_load %arg7[%get3A_2690, %get3A_2691] {strides = array<i32>} : memref<5x16xi32, #tpu.memory_space<vmem>>, vector<1x16xi32>,
    %get3A_2693 = vector.shape_cast %get3A_2692 : vector<1x16xi32> to vector<16xi32>
    %get3A_2694 = arith.constant 16 : i32
    %get3A_2695 = arith.index_cast %get3A_2694 : i32 to index
    %get3A_2696 = arith.constant 32 : index
    %get3A_2697 = tpu.vector_load %arg6[%get3A_2695, %get3A_2696] {strides = array<i32>} : memref<20x128xi32, #tpu.memory_space<vmem>>, vector<1x16xi32>,
    %get3A_2698 = vector.shape_cast %get3A_2697 : vector<1x16xi32> to vector<16xi32>
    %add3A_2699 = arith.addi %get3A_2698, %get3A_2693 : vector<16xi32>
    %swap3A_2700 = arith.constant 16 : i32
    %swap3A_2701 = arith.index_cast %swap3A_2700 : i32 to index
    %swap3A_2702 = arith.constant 32 : index
    %swap3A_2703 = tpu.vector_load %arg9[%swap3A_2701, %swap3A_2702] {strides = array<i32>} : memref<20x128xi32, #tpu.memory_space<vmem>>, vector<1x16xi32>,
    %swap3A_2704 = vector.shape_cast %swap3A_2703 : vector<1x16xi32> to vector<16xi32>
    %swap3A_2705 = vector.shape_cast %add3A_2699 : vector<16xi32> to vector<1x16xi32>
    tpu.vector_store %arg9[%swap3A_2701, %swap3A_2702], %swap3A_2705 {strides = array<i32>} : memref<20x128xi32, #tpu.memory_space<vmem>>, vector<1x16xi32>,
    %get3A_2706 = arith.constant 1 : i32
    %get3A_2707 = arith.index_cast %get3A_2706 : i32 to index
    %get3A_2708 = arith.constant 0 : index
    %get3A_2709 = tpu.vector_load %arg7[%get3A_2707, %get3A_2708] {strides = array<i32>} : memref<5x16xi32, #tpu.memory_space<vmem>>, vector<1x16xi32>,
    %get3A_2710 = vector.shape_cast %get3A_2709 : vector<1x16xi32> to vector<16xi32>
    %get3A_2711 = arith.constant 16 : i32
    %get3A_2712 = arith.index_cast %get3A_2711 : i32 to index
    %get3A_2713 = arith.constant 48 : index
    %get3A_2714 = tpu.vector_load %arg6[%get3A_2712, %get3A_2713] {strides = array<i32>} : memref<20x128xi32, #tpu.memory_space<vmem>>, vector<1x16xi32>,
    %get3A_2715 = vector.shape_cast %get3A_2714 : vector<1x16xi32> to vector<16xi32>
    %add3A_2716 = arith.addi %get3A_2715, %get3A_2710 : vector<16xi32>
    %swap3A_2717 = arith.constant 16 : i32
    %swap3A_2718 = arith.index_cast %swap3A_2717 : i32 to index
    %swap3A_2719 = arith.constant 48 : index
    %swap3A_2720 = tpu.vector_load %arg9[%swap3A_2718, %swap3A_2719] {strides = array<i32>} : memref<20x128xi32, #tpu.memory_space<vmem>>, vector<1x16xi32>,
    %swap3A_2721 = vector.shape_cast %swap3A_2720 : vector<1x16xi32> to vector<16xi32>
    %swap3A_2722 = vector.shape_cast %add3A_2716 : vector<16xi32> to vector<1x16xi32>
    tpu.vector_store %arg9[%swap3A_2718, %swap3A_2719], %swap3A_2722 {strides = array<i32>} : memref<20x128xi32, #tpu.memory_space<vmem>>, vector<1x16xi32>,
    %get3A_2723 = arith.constant 2 : i32
    %get3A_2724 = arith.index_cast %get3A_2723 : i32 to index
    %get3A_2725 = arith.constant 0 : index
    %get3A_2726 = tpu.vector_load %arg7[%get3A_2724, %get3A_2725] {strides = array<i32>} : memref<5x16xi32, #tpu.memory_space<vmem>>, vector<1x16xi32>,
    %get3A_2727 = vector.shape_cast %get3A_2726 : vector<1x16xi32> to vector<16xi32>
    %get3A_2728 = arith.constant 16 : i32
    %get3A_2729 = arith.index_cast %get3A_2728 : i32 to index
    %get3A_2730 = arith.constant 64 : index
    %get3A_2731 = tpu.vector_load %arg6[%get3A_2729, %get3A_2730] {strides = array<i32>} : memref<20x128xi32, #tpu.memory_space<vmem>>, vector<1x16xi32>,
    %get3A_2732 = vector.shape_cast %get3A_2731 : vector<1x16xi32> to vector<16xi32>
    %add3A_2733 = arith.addi %get3A_2732, %get3A_2727 : vector<16xi32>
    %swap3A_2734 = arith.constant 16 : i32
    %swap3A_2735 = arith.index_cast %swap3A_2734 : i32 to index
    %swap3A_2736 = arith.constant 64 : index
    %swap3A_2737 = tpu.vector_load %arg9[%swap3A_2735, %swap3A_2736] {strides = array<i32>} : memref<20x128xi32, #tpu.memory_space<vmem>>, vector<1x16xi32>,
    %swap3A_2738 = vector.shape_cast %swap3A_2737 : vector<1x16xi32> to vector<16xi32>
    %swap3A_2739 = vector.shape_cast %add3A_2733 : vector<16xi32> to vector<1x16xi32>
    tpu.vector_store %arg9[%swap3A_2735, %swap3A_2736], %swap3A_2739 {strides = array<i32>} : memref<20x128xi32, #tpu.memory_space<vmem>>, vector<1x16xi32>,
    %get3A_2740 = arith.constant 3 : i32
    %get3A_2741 = arith.index_cast %get3A_2740 : i32 to index
    %get3A_2742 = arith.constant 0 : index
    %get3A_2743 = tpu.vector_load %arg7[%get3A_2741, %get3A_2742] {strides = array<i32>} : memref<5x16xi32, #tpu.memory_space<vmem>>, vector<1x16xi32>,
    %get3A_2744 = vector.shape_cast %get3A_2743 : vector<1x16xi32> to vector<16xi32>
    %get3A_2745 = arith.constant 16 : i32
    %get3A_2746 = arith.index_cast %get3A_2745 : i32 to index
    %get3A_2747 = arith.constant 80 : index
    %get3A_2748 = tpu.vector_load %arg6[%get3A_2746, %get3A_2747] {strides = array<i32>} : memref<20x128xi32, #tpu.memory_space<vmem>>, vector<1x16xi32>,
    %get3A_2749 = vector.shape_cast %get3A_2748 : vector<1x16xi32> to vector<16xi32>
    %add3A_2750 = arith.addi %get3A_2749, %get3A_2744 : vector<16xi32>
    %swap3A_2751 = arith.constant 16 : i32
    %swap3A_2752 = arith.index_cast %swap3A_2751 : i32 to index
    %swap3A_2753 = arith.constant 80 : index
    %swap3A_2754 = tpu.vector_load %arg9[%swap3A_2752, %swap3A_2753] {strides = array<i32>} : memref<20x128xi32, #tpu.memory_space<vmem>>, vector<1x16xi32>,
    %swap3A_2755 = vector.shape_cast %swap3A_2754 : vector<1x16xi32> to vector<16xi32>
    %swap3A_2756 = vector.shape_cast %add3A_2750 : vector<16xi32> to vector<1x16xi32>
    tpu.vector_store %arg9[%swap3A_2752, %swap3A_2753], %swap3A_2756 {strides = array<i32>} : memref<20x128xi32, #tpu.memory_space<vmem>>, vector<1x16xi32>,
    %get3A_2757 = arith.constant 4 : i32
    %get3A_2758 = arith.index_cast %get3A_2757 : i32 to index
    %get3A_2759 = arith.constant 0 : index
    %get3A_2760 = tpu.vector_load %arg7[%get3A_2758, %get3A_2759] {strides = array<i32>} : memref<5x16xi32, #tpu.memory_space<vmem>>, vector<1x16xi32>,
    %get3A_2761 = vector.shape_cast %get3A_2760 : vector<1x16xi32> to vector<16xi32>
    %get3A_2762 = arith.constant 16 : i32
    %get3A_2763 = arith.index_cast %get3A_2762 : i32 to index
    %get3A_2764 = arith.constant 96 : index
    %get3A_2765 = tpu.vector_load %arg6[%get3A_2763, %get3A_2764] {strides = array<i32>} : memref<20x128xi32, #tpu.memory_space<vmem>>, vector<1x16xi32>,
    %get3A_2766 = vector.shape_cast %get3A_2765 : vector<1x16xi32> to vector<16xi32>
    %add3A_2767 = arith.addi %get3A_2766, %get3A_2761 : vector<16xi32>
    %swap3A_2768 = arith.constant 16 : i32
    %swap3A_2769 = arith.index_cast %swap3A_2768 : i32 to index
    %swap3A_2770 = arith.constant 96 : index
    %swap3A_2771 = tpu.vector_load %arg9[%swap3A_2769, %swap3A_2770] {strides = array<i32>} : memref<20x128xi32, #tpu.memory_space<vmem>>, vector<1x16xi32>,
    %swap3A_2772 = vector.shape_cast %swap3A_2771 : vector<1x16xi32> to vector<16xi32>
    %swap3A_2773 = vector.shape_cast %add3A_2767 : vector<16xi32> to vector<1x16xi32>
    tpu.vector_store %arg9[%swap3A_2769, %swap3A_2770], %swap3A_2773 {strides = array<i32>} : memref<20x128xi32, #tpu.memory_space<vmem>>, vector<1x16xi32>,
    %get3A_2774 = arith.constant 0 : i32
    %get3A_2775 = arith.index_cast %get3A_2774 : i32 to index
    %get3A_2776 = arith.constant 0 : index
    %get3A_2777 = tpu.vector_load %arg7[%get3A_2775, %get3A_2776] {strides = array<i32>} : memref<5x16xi32, #tpu.memory_space<vmem>>, vector<1x16xi32>,
    %get3A_2778 = vector.shape_cast %get3A_2777 : vector<1x16xi32> to vector<16xi32>
    %get3A_2779 = arith.constant 16 : i32
    %get3A_2780 = arith.index_cast %get3A_2779 : i32 to index
    %get3A_2781 = arith.constant 112 : index
    %get3A_2782 = tpu.vector_load %arg6[%get3A_2780, %get3A_2781] {strides = array<i32>} : memref<20x128xi32, #tpu.memory_space<vmem>>, vector<1x16xi32>,
    %get3A_2783 = vector.shape_cast %get3A_2782 : vector<1x16xi32> to vector<16xi32>
    %add3A_2784 = arith.addi %get3A_2783, %get3A_2778 : vector<16xi32>
    %swap3A_2785 = arith.constant 16 : i32
    %swap3A_2786 = arith.index_cast %swap3A_2785 : i32 to index
    %swap3A_2787 = arith.constant 112 : index
    %swap3A_2788 = tpu.vector_load %arg9[%swap3A_2786, %swap3A_2787] {strides = array<i32>} : memref<20x128xi32, #tpu.memory_space<vmem>>, vector<1x16xi32>,
    %swap3A_2789 = vector.shape_cast %swap3A_2788 : vector<1x16xi32> to vector<16xi32>
    %swap3A_2790 = vector.shape_cast %add3A_2784 : vector<16xi32> to vector<1x16xi32>
    tpu.vector_store %arg9[%swap3A_2786, %swap3A_2787], %swap3A_2790 {strides = array<i32>} : memref<20x128xi32, #tpu.memory_space<vmem>>, vector<1x16xi32>,
    %dma_wait3A_2791 = arith.constant 12 : i32
    %dma_wait3A_2792 = arith.constant 1536 : i32
    %dma_wait3A_2793 = arith.constant 0 : i32
    %dma_wait3A_2794 = tpu.memref_slice %arg10[%dma_wait3A_2792, %dma_wait3A_2793] : memref<2560x32xf32, #tpu.memory_space<vmem>> -> memref<128x32xf32, #tpu.memory_space<vmem>>
    %dma_wait3A_2795 = arith.constant 0 : i32
    %dma_wait3A_2796 = tpu.memref_slice %arg9[%dma_wait3A_2791, %dma_wait3A_2795] : memref<20x128xi32, #tpu.memory_space<vmem>> -> memref<1x128xi32, #tpu.memory_space<vmem>>
    %dma_wait3A_2797 = tpu.memref_squeeze %dma_wait3A_2796 : memref<1x128xi32, #tpu.memory_space<vmem>> -> memref<128xi32, #tpu.memory_space<vmem>>
    %dma_wait3A_2798 = arith.constant 0 : i32
    %dma_wait3A_2799 = arith.constant 0 : i32
    %dma_wait3A_2800 = tpu.memref_slice %arg8[%dma_wait3A_2798, %dma_wait3A_2799] : memref<84x32xf32, #tpu.memory_space<vmem_shared>> -> memref<84x32xf32, #tpu.memory_space<vmem_shared>>
    tpu.wait_indirect_dma semaphore(%arg11 : memref<!tpu.dma_semaphore, #tpu.memory_space<semaphore_mem>>) src(%dma_wait3A_2800 : memref<84x32xf32, #tpu.memory_space<vmem_shared>>) dst(%dma_wait3A_2794 : memref<128x32xf32, #tpu.memory_space<vmem>>)
    %dma_start3A_2801 = arith.constant 1536 : i32
    %dma_start3A_2802 = arith.constant 0 : i32
    %dma_start3A_2803 = tpu.memref_slice %arg10[%dma_start3A_2801, %dma_start3A_2802] : memref<2560x32xf32, #tpu.memory_space<vmem>> -> memref<128x32xf32, #tpu.memory_space<vmem>>
    %dma_start3A_2804 = arith.constant 0 : i32
    %dma_start3A_2805 = tpu.memref_slice %arg5[%add3A_54, %dma_start3A_2804] : memref<81920x32xf32, #tpu.memory_space<hbm>> -> memref<128x32xf32, #tpu.memory_space<hbm>>
    %dma_start3A_2806 = arith.constant 0 : i32
    %dma_start3A_2807 = tpu.memref_slice %arg5[%add3A_54, %dma_start3A_2806] : memref<81920x32xf32, #tpu.memory_space<hbm>> -> memref<128x32xf32, #tpu.memory_space<hbm>>
    %dma_start3A_2808 = arith.constant 1536 : i32
    %dma_start3A_2809 = arith.constant 0 : i32
    %dma_start3A_2810 = tpu.memref_slice %arg10[%dma_start3A_2808, %dma_start3A_2809] : memref<2560x32xf32, #tpu.memory_space<vmem>> -> memref<128x32xf32, #tpu.memory_space<vmem>>
    tpu.enqueue_dma source(%dma_start3A_2810 : memref<128x32xf32, #tpu.memory_space<vmem>>) target(%dma_start3A_2807 : memref<128x32xf32, #tpu.memory_space<hbm>>) target_semaphore(%arg15 : memref<!tpu.dma_semaphore, #tpu.memory_space<semaphore_mem>>)
    %dma_start3A_2811 = arith.constant 16 : i32
    %dma_start3A_2812 = arith.constant 2048 : i32
    %dma_start3A_2813 = arith.constant 0 : i32
    %dma_start3A_2814 = tpu.memref_slice %arg10[%dma_start3A_2812, %dma_start3A_2813] : memref<2560x32xf32, #tpu.memory_space<vmem>> -> memref<128x32xf32, #tpu.memory_space<vmem>>
    %dma_start3A_2815 = arith.constant 0 : i32
    %dma_start3A_2816 = tpu.memref_slice %arg9[%dma_start3A_2811, %dma_start3A_2815] : memref<20x128xi32, #tpu.memory_space<vmem>> -> memref<1x128xi32, #tpu.memory_space<vmem>>
    %dma_start3A_2817 = tpu.memref_squeeze %dma_start3A_2816 : memref<1x128xi32, #tpu.memory_space<vmem>> -> memref<128xi32, #tpu.memory_space<vmem>>
    %dma_start3A_2818 = arith.constant 0 : i32
    %dma_start3A_2819 = arith.constant 0 : i32
    %dma_start3A_2820 = tpu.memref_slice %arg8[%dma_start3A_2818, %dma_start3A_2819] : memref<84x32xf32, #tpu.memory_space<vmem_shared>> -> memref<84x32xf32, #tpu.memory_space<vmem_shared>>
    tpu.enqueue_indirect_dma source(%dma_start3A_2820 : memref<84x32xf32, #tpu.memory_space<vmem_shared>>) target(%dma_start3A_2814 : memref<128x32xf32, #tpu.memory_space<vmem>>) offsets(%dma_start3A_2817 : memref<128xi32, #tpu.memory_space<vmem>>) semaphore(%arg11 : memref<!tpu.dma_semaphore, #tpu.memory_space<semaphore_mem>>)
    %get3A_2821 = arith.constant 1 : i32
    %get3A_2822 = arith.index_cast %get3A_2821 : i32 to index
    %get3A_2823 = arith.constant 0 : index
    %get3A_2824 = tpu.vector_load %arg7[%get3A_2822, %get3A_2823] {strides = array<i32>} : memref<5x16xi32, #tpu.memory_space<vmem>>, vector<1x16xi32>,
    %get3A_2825 = vector.shape_cast %get3A_2824 : vector<1x16xi32> to vector<16xi32>
    %get3A_2826 = arith.constant 17 : i32
    %get3A_2827 = arith.index_cast %get3A_2826 : i32 to index
    %get3A_2828 = arith.constant 0 : index
    %get3A_2829 = tpu.vector_load %arg6[%get3A_2827, %get3A_2828] {strides = array<i32>} : memref<20x128xi32, #tpu.memory_space<vmem>>, vector<1x16xi32>,
    %get3A_2830 = vector.shape_cast %get3A_2829 : vector<1x16xi32> to vector<16xi32>
    %add3A_2831 = arith.addi %get3A_2830, %get3A_2825 : vector<16xi32>
    %swap3A_2832 = arith.constant 17 : i32
    %swap3A_2833 = arith.index_cast %swap3A_2832 : i32 to index
    %swap3A_2834 = arith.constant 0 : index
    %swap3A_2835 = tpu.vector_load %arg9[%swap3A_2833, %swap3A_2834] {strides = array<i32>} : memref<20x128xi32, #tpu.memory_space<vmem>>, vector<1x16xi32>,
    %swap3A_2836 = vector.shape_cast %swap3A_2835 : vector<1x16xi32> to vector<16xi32>
    %swap3A_2837 = vector.shape_cast %add3A_2831 : vector<16xi32> to vector<1x16xi32>
    tpu.vector_store %arg9[%swap3A_2833, %swap3A_2834], %swap3A_2837 {strides = array<i32>} : memref<20x128xi32, #tpu.memory_space<vmem>>, vector<1x16xi32>,
    %get3A_2838 = arith.constant 2 : i32
    %get3A_2839 = arith.index_cast %get3A_2838 : i32 to index
    %get3A_2840 = arith.constant 0 : index
    %get3A_2841 = tpu.vector_load %arg7[%get3A_2839, %get3A_2840] {strides = array<i32>} : memref<5x16xi32, #tpu.memory_space<vmem>>, vector<1x16xi32>,
    %get3A_2842 = vector.shape_cast %get3A_2841 : vector<1x16xi32> to vector<16xi32>
    %get3A_2843 = arith.constant 17 : i32
    %get3A_2844 = arith.index_cast %get3A_2843 : i32 to index
    %get3A_2845 = arith.constant 16 : index
    %get3A_2846 = tpu.vector_load %arg6[%get3A_2844, %get3A_2845] {strides = array<i32>} : memref<20x128xi32, #tpu.memory_space<vmem>>, vector<1x16xi32>,
    %get3A_2847 = vector.shape_cast %get3A_2846 : vector<1x16xi32> to vector<16xi32>
    %add3A_2848 = arith.addi %get3A_2847, %get3A_2842 : vector<16xi32>
    %swap3A_2849 = arith.constant 17 : i32
    %swap3A_2850 = arith.index_cast %swap3A_2849 : i32 to index
    %swap3A_2851 = arith.constant 16 : index
    %swap3A_2852 = tpu.vector_load %arg9[%swap3A_2850, %swap3A_2851] {strides = array<i32>} : memref<20x128xi32, #tpu.memory_space<vmem>>, vector<1x16xi32>,
    %swap3A_2853 = vector.shape_cast %swap3A_2852 : vector<1x16xi32> to vector<16xi32>
    %swap3A_2854 = vector.shape_cast %add3A_2848 : vector<16xi32> to vector<1x16xi32>
    tpu.vector_store %arg9[%swap3A_2850, %swap3A_2851], %swap3A_2854 {strides = array<i32>} : memref<20x128xi32, #tpu.memory_space<vmem>>, vector<1x16xi32>,
    %get3A_2855 = arith.constant 3 : i32
    %get3A_2856 = arith.index_cast %get3A_2855 : i32 to index
    %get3A_2857 = arith.constant 0 : index
    %get3A_2858 = tpu.vector_load %arg7[%get3A_2856, %get3A_2857] {strides = array<i32>} : memref<5x16xi32, #tpu.memory_space<vmem>>, vector<1x16xi32>,
    %get3A_2859 = vector.shape_cast %get3A_2858 : vector<1x16xi32> to vector<16xi32>
    %get3A_2860 = arith.constant 17 : i32
    %get3A_2861 = arith.index_cast %get3A_2860 : i32 to index
    %get3A_2862 = arith.constant 32 : index
    %get3A_2863 = tpu.vector_load %arg6[%get3A_2861, %get3A_2862] {strides = array<i32>} : memref<20x128xi32, #tpu.memory_space<vmem>>, vector<1x16xi32>,
    %get3A_2864 = vector.shape_cast %get3A_2863 : vector<1x16xi32> to vector<16xi32>
    %add3A_2865 = arith.addi %get3A_2864, %get3A_2859 : vector<16xi32>
    %swap3A_2866 = arith.constant 17 : i32
    %swap3A_2867 = arith.index_cast %swap3A_2866 : i32 to index
    %swap3A_2868 = arith.constant 32 : index
    %swap3A_2869 = tpu.vector_load %arg9[%swap3A_2867, %swap3A_2868] {strides = array<i32>} : memref<20x128xi32, #tpu.memory_space<vmem>>, vector<1x16xi32>,
    %swap3A_2870 = vector.shape_cast %swap3A_2869 : vector<1x16xi32> to vector<16xi32>
    %swap3A_2871 = vector.shape_cast %add3A_2865 : vector<16xi32> to vector<1x16xi32>
    tpu.vector_store %arg9[%swap3A_2867, %swap3A_2868], %swap3A_2871 {strides = array<i32>} : memref<20x128xi32, #tpu.memory_space<vmem>>, vector<1x16xi32>,
    %get3A_2872 = arith.constant 4 : i32
    %get3A_2873 = arith.index_cast %get3A_2872 : i32 to index
    %get3A_2874 = arith.constant 0 : index
    %get3A_2875 = tpu.vector_load %arg7[%get3A_2873, %get3A_2874] {strides = array<i32>} : memref<5x16xi32, #tpu.memory_space<vmem>>, vector<1x16xi32>,
    %get3A_2876 = vector.shape_cast %get3A_2875 : vector<1x16xi32> to vector<16xi32>
    %get3A_2877 = arith.constant 17 : i32
    %get3A_2878 = arith.index_cast %get3A_2877 : i32 to index
    %get3A_2879 = arith.constant 48 : index
    %get3A_2880 = tpu.vector_load %arg6[%get3A_2878, %get3A_2879] {strides = array<i32>} : memref<20x128xi32, #tpu.memory_space<vmem>>, vector<1x16xi32>,
    %get3A_2881 = vector.shape_cast %get3A_2880 : vector<1x16xi32> to vector<16xi32>
    %add3A_2882 = arith.addi %get3A_2881, %get3A_2876 : vector<16xi32>
    %swap3A_2883 = arith.constant 17 : i32
    %swap3A_2884 = arith.index_cast %swap3A_2883 : i32 to index
    %swap3A_2885 = arith.constant 48 : index
    %swap3A_2886 = tpu.vector_load %arg9[%swap3A_2884, %swap3A_2885] {strides = array<i32>} : memref<20x128xi32, #tpu.memory_space<vmem>>, vector<1x16xi32>,
    %swap3A_2887 = vector.shape_cast %swap3A_2886 : vector<1x16xi32> to vector<16xi32>
    %swap3A_2888 = vector.shape_cast %add3A_2882 : vector<16xi32> to vector<1x16xi32>
    tpu.vector_store %arg9[%swap3A_2884, %swap3A_2885], %swap3A_2888 {strides = array<i32>} : memref<20x128xi32, #tpu.memory_space<vmem>>, vector<1x16xi32>,
    %get3A_2889 = arith.constant 0 : i32
    %get3A_2890 = arith.index_cast %get3A_2889 : i32 to index
    %get3A_2891 = arith.constant 0 : index
    %get3A_2892 = tpu.vector_load %arg7[%get3A_2890, %get3A_2891] {strides = array<i32>} : memref<5x16xi32, #tpu.memory_space<vmem>>, vector<1x16xi32>,
    %get3A_2893 = vector.shape_cast %get3A_2892 : vector<1x16xi32> to vector<16xi32>
    %get3A_2894 = arith.constant 17 : i32
    %get3A_2895 = arith.index_cast %get3A_2894 : i32 to index
    %get3A_2896 = arith.constant 64 : index
    %get3A_2897 = tpu.vector_load %arg6[%get3A_2895, %get3A_2896] {strides = array<i32>} : memref<20x128xi32, #tpu.memory_space<vmem>>, vector<1x16xi32>,
    %get3A_2898 = vector.shape_cast %get3A_2897 : vector<1x16xi32> to vector<16xi32>
    %add3A_2899 = arith.addi %get3A_2898, %get3A_2893 : vector<16xi32>
    %swap3A_2900 = arith.constant 17 : i32
    %swap3A_2901 = arith.index_cast %swap3A_2900 : i32 to index
    %swap3A_2902 = arith.constant 64 : index
    %swap3A_2903 = tpu.vector_load %arg9[%swap3A_2901, %swap3A_2902] {strides = array<i32>} : memref<20x128xi32, #tpu.memory_space<vmem>>, vector<1x16xi32>,
    %swap3A_2904 = vector.shape_cast %swap3A_2903 : vector<1x16xi32> to vector<16xi32>
    %swap3A_2905 = vector.shape_cast %add3A_2899 : vector<16xi32> to vector<1x16xi32>
    tpu.vector_store %arg9[%swap3A_2901, %swap3A_2902], %swap3A_2905 {strides = array<i32>} : memref<20x128xi32, #tpu.memory_space<vmem>>, vector<1x16xi32>,
    %get3A_2906 = arith.constant 1 : i32
    %get3A_2907 = arith.index_cast %get3A_2906 : i32 to index
    %get3A_2908 = arith.constant 0 : index
    %get3A_2909 = tpu.vector_load %arg7[%get3A_2907, %get3A_2908] {strides = array<i32>} : memref<5x16xi32, #tpu.memory_space<vmem>>, vector<1x16xi32>,
    %get3A_2910 = vector.shape_cast %get3A_2909 : vector<1x16xi32> to vector<16xi32>
    %get3A_2911 = arith.constant 17 : i32
    %get3A_2912 = arith.index_cast %get3A_2911 : i32 to index
    %get3A_2913 = arith.constant 80 : index
    %get3A_2914 = tpu.vector_load %arg6[%get3A_2912, %get3A_2913] {strides = array<i32>} : memref<20x128xi32, #tpu.memory_space<vmem>>, vector<1x16xi32>,
    %get3A_2915 = vector.shape_cast %get3A_2914 : vector<1x16xi32> to vector<16xi32>
    %add3A_2916 = arith.addi %get3A_2915, %get3A_2910 : vector<16xi32>
    %swap3A_2917 = arith.constant 17 : i32
    %swap3A_2918 = arith.index_cast %swap3A_2917 : i32 to index
    %swap3A_2919 = arith.constant 80 : index
    %swap3A_2920 = tpu.vector_load %arg9[%swap3A_2918, %swap3A_2919] {strides = array<i32>} : memref<20x128xi32, #tpu.memory_space<vmem>>, vector<1x16xi32>,
    %swap3A_2921 = vector.shape_cast %swap3A_2920 : vector<1x16xi32> to vector<16xi32>
    %swap3A_2922 = vector.shape_cast %add3A_2916 : vector<16xi32> to vector<1x16xi32>
    tpu.vector_store %arg9[%swap3A_2918, %swap3A_2919], %swap3A_2922 {strides = array<i32>} : memref<20x128xi32, #tpu.memory_space<vmem>>, vector<1x16xi32>,
    %get3A_2923 = arith.constant 2 : i32
    %get3A_2924 = arith.index_cast %get3A_2923 : i32 to index
    %get3A_2925 = arith.constant 0 : index
    %get3A_2926 = tpu.vector_load %arg7[%get3A_2924, %get3A_2925] {strides = array<i32>} : memref<5x16xi32, #tpu.memory_space<vmem>>, vector<1x16xi32>,
    %get3A_2927 = vector.shape_cast %get3A_2926 : vector<1x16xi32> to vector<16xi32>
    %get3A_2928 = arith.constant 17 : i32
    %get3A_2929 = arith.index_cast %get3A_2928 : i32 to index
    %get3A_2930 = arith.constant 96 : index
    %get3A_2931 = tpu.vector_load %arg6[%get3A_2929, %get3A_2930] {strides = array<i32>} : memref<20x128xi32, #tpu.memory_space<vmem>>, vector<1x16xi32>,
    %get3A_2932 = vector.shape_cast %get3A_2931 : vector<1x16xi32> to vector<16xi32>
    %add3A_2933 = arith.addi %get3A_2932, %get3A_2927 : vector<16xi32>
    %swap3A_2934 = arith.constant 17 : i32
    %swap3A_2935 = arith.index_cast %swap3A_2934 : i32 to index
    %swap3A_2936 = arith.constant 96 : index
    %swap3A_2937 = tpu.vector_load %arg9[%swap3A_2935, %swap3A_2936] {strides = array<i32>} : memref<20x128xi32, #tpu.memory_space<vmem>>, vector<1x16xi32>,
    %swap3A_2938 = vector.shape_cast %swap3A_2937 : vector<1x16xi32> to vector<16xi32>
    %swap3A_2939 = vector.shape_cast %add3A_2933 : vector<16xi32> to vector<1x16xi32>
    tpu.vector_store %arg9[%swap3A_2935, %swap3A_2936], %swap3A_2939 {strides = array<i32>} : memref<20x128xi32, #tpu.memory_space<vmem>>, vector<1x16xi32>,
    %get3A_2940 = arith.constant 3 : i32
    %get3A_2941 = arith.index_cast %get3A_2940 : i32 to index
    %get3A_2942 = arith.constant 0 : index
    %get3A_2943 = tpu.vector_load %arg7[%get3A_2941, %get3A_2942] {strides = array<i32>} : memref<5x16xi32, #tpu.memory_space<vmem>>, vector<1x16xi32>,
    %get3A_2944 = vector.shape_cast %get3A_2943 : vector<1x16xi32> to vector<16xi32>
    %get3A_2945 = arith.constant 17 : i32
    %get3A_2946 = arith.index_cast %get3A_2945 : i32 to index
    %get3A_2947 = arith.constant 112 : index
    %get3A_2948 = tpu.vector_load %arg6[%get3A_2946, %get3A_2947] {strides = array<i32>} : memref<20x128xi32, #tpu.memory_space<vmem>>, vector<1x16xi32>,
    %get3A_2949 = vector.shape_cast %get3A_2948 : vector<1x16xi32> to vector<16xi32>
    %add3A_2950 = arith.addi %get3A_2949, %get3A_2944 : vector<16xi32>
    %swap3A_2951 = arith.constant 17 : i32
    %swap3A_2952 = arith.index_cast %swap3A_2951 : i32 to index
    %swap3A_2953 = arith.constant 112 : index
    %swap3A_2954 = tpu.vector_load %arg9[%swap3A_2952, %swap3A_2953] {strides = array<i32>} : memref<20x128xi32, #tpu.memory_space<vmem>>, vector<1x16xi32>,
    %swap3A_2955 = vector.shape_cast %swap3A_2954 : vector<1x16xi32> to vector<16xi32>
    %swap3A_2956 = vector.shape_cast %add3A_2950 : vector<16xi32> to vector<1x16xi32>
    tpu.vector_store %arg9[%swap3A_2952, %swap3A_2953], %swap3A_2956 {strides = array<i32>} : memref<20x128xi32, #tpu.memory_space<vmem>>, vector<1x16xi32>,
    %dma_wait3A_2957 = arith.constant 13 : i32
    %dma_wait3A_2958 = arith.constant 1664 : i32
    %dma_wait3A_2959 = arith.constant 0 : i32
    %dma_wait3A_2960 = tpu.memref_slice %arg10[%dma_wait3A_2958, %dma_wait3A_2959] : memref<2560x32xf32, #tpu.memory_space<vmem>> -> memref<128x32xf32, #tpu.memory_space<vmem>>
    %dma_wait3A_2961 = arith.constant 0 : i32
    %dma_wait3A_2962 = tpu.memref_slice %arg9[%dma_wait3A_2957, %dma_wait3A_2961] : memref<20x128xi32, #tpu.memory_space<vmem>> -> memref<1x128xi32, #tpu.memory_space<vmem>>
    %dma_wait3A_2963 = tpu.memref_squeeze %dma_wait3A_2962 : memref<1x128xi32, #tpu.memory_space<vmem>> -> memref<128xi32, #tpu.memory_space<vmem>>
    %dma_wait3A_2964 = arith.constant 0 : i32
    %dma_wait3A_2965 = arith.constant 0 : i32
    %dma_wait3A_2966 = tpu.memref_slice %arg8[%dma_wait3A_2964, %dma_wait3A_2965] : memref<84x32xf32, #tpu.memory_space<vmem_shared>> -> memref<84x32xf32, #tpu.memory_space<vmem_shared>>
    tpu.wait_indirect_dma semaphore(%arg12 : memref<!tpu.dma_semaphore, #tpu.memory_space<semaphore_mem>>) src(%dma_wait3A_2966 : memref<84x32xf32, #tpu.memory_space<vmem_shared>>) dst(%dma_wait3A_2960 : memref<128x32xf32, #tpu.memory_space<vmem>>)
    %dma_start3A_2967 = arith.constant 1664 : i32
    %dma_start3A_2968 = arith.constant 0 : i32
    %dma_start3A_2969 = tpu.memref_slice %arg10[%dma_start3A_2967, %dma_start3A_2968] : memref<2560x32xf32, #tpu.memory_space<vmem>> -> memref<128x32xf32, #tpu.memory_space<vmem>>
    %dma_start3A_2970 = arith.constant 0 : i32
    %dma_start3A_2971 = tpu.memref_slice %arg5[%add3A_58, %dma_start3A_2970] : memref<81920x32xf32, #tpu.memory_space<hbm>> -> memref<128x32xf32, #tpu.memory_space<hbm>>
    %dma_start3A_2972 = arith.constant 0 : i32
    %dma_start3A_2973 = tpu.memref_slice %arg5[%add3A_58, %dma_start3A_2972] : memref<81920x32xf32, #tpu.memory_space<hbm>> -> memref<128x32xf32, #tpu.memory_space<hbm>>
    %dma_start3A_2974 = arith.constant 1664 : i32
    %dma_start3A_2975 = arith.constant 0 : i32
    %dma_start3A_2976 = tpu.memref_slice %arg10[%dma_start3A_2974, %dma_start3A_2975] : memref<2560x32xf32, #tpu.memory_space<vmem>> -> memref<128x32xf32, #tpu.memory_space<vmem>>
    tpu.enqueue_dma source(%dma_start3A_2976 : memref<128x32xf32, #tpu.memory_space<vmem>>) target(%dma_start3A_2973 : memref<128x32xf32, #tpu.memory_space<hbm>>) target_semaphore(%arg15 : memref<!tpu.dma_semaphore, #tpu.memory_space<semaphore_mem>>)
    %dma_start3A_2977 = arith.constant 17 : i32
    %dma_start3A_2978 = arith.constant 2176 : i32
    %dma_start3A_2979 = arith.constant 0 : i32
    %dma_start3A_2980 = tpu.memref_slice %arg10[%dma_start3A_2978, %dma_start3A_2979] : memref<2560x32xf32, #tpu.memory_space<vmem>> -> memref<128x32xf32, #tpu.memory_space<vmem>>
    %dma_start3A_2981 = arith.constant 0 : i32
    %dma_start3A_2982 = tpu.memref_slice %arg9[%dma_start3A_2977, %dma_start3A_2981] : memref<20x128xi32, #tpu.memory_space<vmem>> -> memref<1x128xi32, #tpu.memory_space<vmem>>
    %dma_start3A_2983 = tpu.memref_squeeze %dma_start3A_2982 : memref<1x128xi32, #tpu.memory_space<vmem>> -> memref<128xi32, #tpu.memory_space<vmem>>
    %dma_start3A_2984 = arith.constant 0 : i32
    %dma_start3A_2985 = arith.constant 0 : i32
    %dma_start3A_2986 = tpu.memref_slice %arg8[%dma_start3A_2984, %dma_start3A_2985] : memref<84x32xf32, #tpu.memory_space<vmem_shared>> -> memref<84x32xf32, #tpu.memory_space<vmem_shared>>
    tpu.enqueue_indirect_dma source(%dma_start3A_2986 : memref<84x32xf32, #tpu.memory_space<vmem_shared>>) target(%dma_start3A_2980 : memref<128x32xf32, #tpu.memory_space<vmem>>) offsets(%dma_start3A_2983 : memref<128xi32, #tpu.memory_space<vmem>>) semaphore(%arg12 : memref<!tpu.dma_semaphore, #tpu.memory_space<semaphore_mem>>)
    %get3A_2987 = arith.constant 4 : i32
    %get3A_2988 = arith.index_cast %get3A_2987 : i32 to index
    %get3A_2989 = arith.constant 0 : index
    %get3A_2990 = tpu.vector_load %arg7[%get3A_2988, %get3A_2989] {strides = array<i32>} : memref<5x16xi32, #tpu.memory_space<vmem>>, vector<1x16xi32>,
    %get3A_2991 = vector.shape_cast %get3A_2990 : vector<1x16xi32> to vector<16xi32>
    %get3A_2992 = arith.constant 18 : i32
    %get3A_2993 = arith.index_cast %get3A_2992 : i32 to index
    %get3A_2994 = arith.constant 0 : index
    %get3A_2995 = tpu.vector_load %arg6[%get3A_2993, %get3A_2994] {strides = array<i32>} : memref<20x128xi32, #tpu.memory_space<vmem>>, vector<1x16xi32>,
    %get3A_2996 = vector.shape_cast %get3A_2995 : vector<1x16xi32> to vector<16xi32>
    %add3A_2997 = arith.addi %get3A_2996, %get3A_2991 : vector<16xi32>
    %swap3A_2998 = arith.constant 18 : i32
    %swap3A_2999 = arith.index_cast %swap3A_2998 : i32 to index
    %swap3A_3000 = arith.constant 0 : index
    %swap3A_3001 = tpu.vector_load %arg9[%swap3A_2999, %swap3A_3000] {strides = array<i32>} : memref<20x128xi32, #tpu.memory_space<vmem>>, vector<1x16xi32>,
    %swap3A_3002 = vector.shape_cast %swap3A_3001 : vector<1x16xi32> to vector<16xi32>
    %swap3A_3003 = vector.shape_cast %add3A_2997 : vector<16xi32> to vector<1x16xi32>
    tpu.vector_store %arg9[%swap3A_2999, %swap3A_3000], %swap3A_3003 {strides = array<i32>} : memref<20x128xi32, #tpu.memory_space<vmem>>, vector<1x16xi32>,
    %get3A_3004 = arith.constant 0 : i32
    %get3A_3005 = arith.index_cast %get3A_3004 : i32 to index
    %get3A_3006 = arith.constant 0 : index
    %get3A_3007 = tpu.vector_load %arg7[%get3A_3005, %get3A_3006] {strides = array<i32>} : memref<5x16xi32, #tpu.memory_space<vmem>>, vector<1x16xi32>,
    %get3A_3008 = vector.shape_cast %get3A_3007 : vector<1x16xi32> to vector<16xi32>
    %get3A_3009 = arith.constant 18 : i32
    %get3A_3010 = arith.index_cast %get3A_3009 : i32 to index
    %get3A_3011 = arith.constant 16 : index
    %get3A_3012 = tpu.vector_load %arg6[%get3A_3010, %get3A_3011] {strides = array<i32>} : memref<20x128xi32, #tpu.memory_space<vmem>>, vector<1x16xi32>,
    %get3A_3013 = vector.shape_cast %get3A_3012 : vector<1x16xi32> to vector<16xi32>
    %add3A_3014 = arith.addi %get3A_3013, %get3A_3008 : vector<16xi32>
    %swap3A_3015 = arith.constant 18 : i32
    %swap3A_3016 = arith.index_cast %swap3A_3015 : i32 to index
    %swap3A_3017 = arith.constant 16 : index
    %swap3A_3018 = tpu.vector_load %arg9[%swap3A_3016, %swap3A_3017] {strides = array<i32>} : memref<20x128xi32, #tpu.memory_space<vmem>>, vector<1x16xi32>,
    %swap3A_3019 = vector.shape_cast %swap3A_3018 : vector<1x16xi32> to vector<16xi32>
    %swap3A_3020 = vector.shape_cast %add3A_3014 : vector<16xi32> to vector<1x16xi32>
    tpu.vector_store %arg9[%swap3A_3016, %swap3A_3017], %swap3A_3020 {strides = array<i32>} : memref<20x128xi32, #tpu.memory_space<vmem>>, vector<1x16xi32>,
    %get3A_3021 = arith.constant 1 : i32
    %get3A_3022 = arith.index_cast %get3A_3021 : i32 to index
    %get3A_3023 = arith.constant 0 : index
    %get3A_3024 = tpu.vector_load %arg7[%get3A_3022, %get3A_3023] {strides = array<i32>} : memref<5x16xi32, #tpu.memory_space<vmem>>, vector<1x16xi32>,
    %get3A_3025 = vector.shape_cast %get3A_3024 : vector<1x16xi32> to vector<16xi32>
    %get3A_3026 = arith.constant 18 : i32
    %get3A_3027 = arith.index_cast %get3A_3026 : i32 to index
    %get3A_3028 = arith.constant 32 : index
    %get3A_3029 = tpu.vector_load %arg6[%get3A_3027, %get3A_3028] {strides = array<i32>} : memref<20x128xi32, #tpu.memory_space<vmem>>, vector<1x16xi32>,
    %get3A_3030 = vector.shape_cast %get3A_3029 : vector<1x16xi32> to vector<16xi32>
    %add3A_3031 = arith.addi %get3A_3030, %get3A_3025 : vector<16xi32>
    %swap3A_3032 = arith.constant 18 : i32
    %swap3A_3033 = arith.index_cast %swap3A_3032 : i32 to index
    %swap3A_3034 = arith.constant 32 : index
    %swap3A_3035 = tpu.vector_load %arg9[%swap3A_3033, %swap3A_3034] {strides = array<i32>} : memref<20x128xi32, #tpu.memory_space<vmem>>, vector<1x16xi32>,
    %swap3A_3036 = vector.shape_cast %swap3A_3035 : vector<1x16xi32> to vector<16xi32>
    %swap3A_3037 = vector.shape_cast %add3A_3031 : vector<16xi32> to vector<1x16xi32>
    tpu.vector_store %arg9[%swap3A_3033, %swap3A_3034], %swap3A_3037 {strides = array<i32>} : memref<20x128xi32, #tpu.memory_space<vmem>>, vector<1x16xi32>,
    %get3A_3038 = arith.constant 2 : i32
    %get3A_3039 = arith.index_cast %get3A_3038 : i32 to index
    %get3A_3040 = arith.constant 0 : index
    %get3A_3041 = tpu.vector_load %arg7[%get3A_3039, %get3A_3040] {strides = array<i32>} : memref<5x16xi32, #tpu.memory_space<vmem>>, vector<1x16xi32>,
    %get3A_3042 = vector.shape_cast %get3A_3041 : vector<1x16xi32> to vector<16xi32>
    %get3A_3043 = arith.constant 18 : i32
    %get3A_3044 = arith.index_cast %get3A_3043 : i32 to index
    %get3A_3045 = arith.constant 48 : index
    %get3A_3046 = tpu.vector_load %arg6[%get3A_3044, %get3A_3045] {strides = array<i32>} : memref<20x128xi32, #tpu.memory_space<vmem>>, vector<1x16xi32>,
    %get3A_3047 = vector.shape_cast %get3A_3046 : vector<1x16xi32> to vector<16xi32>
    %add3A_3048 = arith.addi %get3A_3047, %get3A_3042 : vector<16xi32>
    %swap3A_3049 = arith.constant 18 : i32
    %swap3A_3050 = arith.index_cast %swap3A_3049 : i32 to index
    %swap3A_3051 = arith.constant 48 : index
    %swap3A_3052 = tpu.vector_load %arg9[%swap3A_3050, %swap3A_3051] {strides = array<i32>} : memref<20x128xi32, #tpu.memory_space<vmem>>, vector<1x16xi32>,
    %swap3A_3053 = vector.shape_cast %swap3A_3052 : vector<1x16xi32> to vector<16xi32>
    %swap3A_3054 = vector.shape_cast %add3A_3048 : vector<16xi32> to vector<1x16xi32>
    tpu.vector_store %arg9[%swap3A_3050, %swap3A_3051], %swap3A_3054 {strides = array<i32>} : memref<20x128xi32, #tpu.memory_space<vmem>>, vector<1x16xi32>,
    %get3A_3055 = arith.constant 3 : i32
    %get3A_3056 = arith.index_cast %get3A_3055 : i32 to index
    %get3A_3057 = arith.constant 0 : index
    %get3A_3058 = tpu.vector_load %arg7[%get3A_3056, %get3A_3057] {strides = array<i32>} : memref<5x16xi32, #tpu.memory_space<vmem>>, vector<1x16xi32>,
    %get3A_3059 = vector.shape_cast %get3A_3058 : vector<1x16xi32> to vector<16xi32>
    %get3A_3060 = arith.constant 18 : i32
    %get3A_3061 = arith.index_cast %get3A_3060 : i32 to index
    %get3A_3062 = arith.constant 64 : index
    %get3A_3063 = tpu.vector_load %arg6[%get3A_3061, %get3A_3062] {strides = array<i32>} : memref<20x128xi32, #tpu.memory_space<vmem>>, vector<1x16xi32>,
    %get3A_3064 = vector.shape_cast %get3A_3063 : vector<1x16xi32> to vector<16xi32>
    %add3A_3065 = arith.addi %get3A_3064, %get3A_3059 : vector<16xi32>
    %swap3A_3066 = arith.constant 18 : i32
    %swap3A_3067 = arith.index_cast %swap3A_3066 : i32 to index
    %swap3A_3068 = arith.constant 64 : index
    %swap3A_3069 = tpu.vector_load %arg9[%swap3A_3067, %swap3A_3068] {strides = array<i32>} : memref<20x128xi32, #tpu.memory_space<vmem>>, vector<1x16xi32>,
    %swap3A_3070 = vector.shape_cast %swap3A_3069 : vector<1x16xi32> to vector<16xi32>
    %swap3A_3071 = vector.shape_cast %add3A_3065 : vector<16xi32> to vector<1x16xi32>
    tpu.vector_store %arg9[%swap3A_3067, %swap3A_3068], %swap3A_3071 {strides = array<i32>} : memref<20x128xi32, #tpu.memory_space<vmem>>, vector<1x16xi32>,
    %get3A_3072 = arith.constant 4 : i32
    %get3A_3073 = arith.index_cast %get3A_3072 : i32 to index
    %get3A_3074 = arith.constant 0 : index
    %get3A_3075 = tpu.vector_load %arg7[%get3A_3073, %get3A_3074] {strides = array<i32>} : memref<5x16xi32, #tpu.memory_space<vmem>>, vector<1x16xi32>,
    %get3A_3076 = vector.shape_cast %get3A_3075 : vector<1x16xi32> to vector<16xi32>
    %get3A_3077 = arith.constant 18 : i32
    %get3A_3078 = arith.index_cast %get3A_3077 : i32 to index
    %get3A_3079 = arith.constant 80 : index
    %get3A_3080 = tpu.vector_load %arg6[%get3A_3078, %get3A_3079] {strides = array<i32>} : memref<20x128xi32, #tpu.memory_space<vmem>>, vector<1x16xi32>,
    %get3A_3081 = vector.shape_cast %get3A_3080 : vector<1x16xi32> to vector<16xi32>
    %add3A_3082 = arith.addi %get3A_3081, %get3A_3076 : vector<16xi32>
    %swap3A_3083 = arith.constant 18 : i32
    %swap3A_3084 = arith.index_cast %swap3A_3083 : i32 to index
    %swap3A_3085 = arith.constant 80 : index
    %swap3A_3086 = tpu.vector_load %arg9[%swap3A_3084, %swap3A_3085] {strides = array<i32>} : memref<20x128xi32, #tpu.memory_space<vmem>>, vector<1x16xi32>,
    %swap3A_3087 = vector.shape_cast %swap3A_3086 : vector<1x16xi32> to vector<16xi32>
    %swap3A_3088 = vector.shape_cast %add3A_3082 : vector<16xi32> to vector<1x16xi32>
    tpu.vector_store %arg9[%swap3A_3084, %swap3A_3085], %swap3A_3088 {strides = array<i32>} : memref<20x128xi32, #tpu.memory_space<vmem>>, vector<1x16xi32>,
    %get3A_3089 = arith.constant 0 : i32
    %get3A_3090 = arith.index_cast %get3A_3089 : i32 to index
    %get3A_3091 = arith.constant 0 : index
    %get3A_3092 = tpu.vector_load %arg7[%get3A_3090, %get3A_3091] {strides = array<i32>} : memref<5x16xi32, #tpu.memory_space<vmem>>, vector<1x16xi32>,
    %get3A_3093 = vector.shape_cast %get3A_3092 : vector<1x16xi32> to vector<16xi32>
    %get3A_3094 = arith.constant 18 : i32
    %get3A_3095 = arith.index_cast %get3A_3094 : i32 to index
    %get3A_3096 = arith.constant 96 : index
    %get3A_3097 = tpu.vector_load %arg6[%get3A_3095, %get3A_3096] {strides = array<i32>} : memref<20x128xi32, #tpu.memory_space<vmem>>, vector<1x16xi32>,
    %get3A_3098 = vector.shape_cast %get3A_3097 : vector<1x16xi32> to vector<16xi32>
    %add3A_3099 = arith.addi %get3A_3098, %get3A_3093 : vector<16xi32>
    %swap3A_3100 = arith.constant 18 : i32
    %swap3A_3101 = arith.index_cast %swap3A_3100 : i32 to index
    %swap3A_3102 = arith.constant 96 : index
    %swap3A_3103 = tpu.vector_load %arg9[%swap3A_3101, %swap3A_3102] {strides = array<i32>} : memref<20x128xi32, #tpu.memory_space<vmem>>, vector<1x16xi32>,
    %swap3A_3104 = vector.shape_cast %swap3A_3103 : vector<1x16xi32> to vector<16xi32>
    %swap3A_3105 = vector.shape_cast %add3A_3099 : vector<16xi32> to vector<1x16xi32>
    tpu.vector_store %arg9[%swap3A_3101, %swap3A_3102], %swap3A_3105 {strides = array<i32>} : memref<20x128xi32, #tpu.memory_space<vmem>>, vector<1x16xi32>,
    %get3A_3106 = arith.constant 1 : i32
    %get3A_3107 = arith.index_cast %get3A_3106 : i32 to index
    %get3A_3108 = arith.constant 0 : index
    %get3A_3109 = tpu.vector_load %arg7[%get3A_3107, %get3A_3108] {strides = array<i32>} : memref<5x16xi32, #tpu.memory_space<vmem>>, vector<1x16xi32>,
    %get3A_3110 = vector.shape_cast %get3A_3109 : vector<1x16xi32> to vector<16xi32>
    %get3A_3111 = arith.constant 18 : i32
    %get3A_3112 = arith.index_cast %get3A_3111 : i32 to index
    %get3A_3113 = arith.constant 112 : index
    %get3A_3114 = tpu.vector_load %arg6[%get3A_3112, %get3A_3113] {strides = array<i32>} : memref<20x128xi32, #tpu.memory_space<vmem>>, vector<1x16xi32>,
    %get3A_3115 = vector.shape_cast %get3A_3114 : vector<1x16xi32> to vector<16xi32>
    %add3A_3116 = arith.addi %get3A_3115, %get3A_3110 : vector<16xi32>
    %swap3A_3117 = arith.constant 18 : i32
    %swap3A_3118 = arith.index_cast %swap3A_3117 : i32 to index
    %swap3A_3119 = arith.constant 112 : index
    %swap3A_3120 = tpu.vector_load %arg9[%swap3A_3118, %swap3A_3119] {strides = array<i32>} : memref<20x128xi32, #tpu.memory_space<vmem>>, vector<1x16xi32>,
    %swap3A_3121 = vector.shape_cast %swap3A_3120 : vector<1x16xi32> to vector<16xi32>
    %swap3A_3122 = vector.shape_cast %add3A_3116 : vector<16xi32> to vector<1x16xi32>
    tpu.vector_store %arg9[%swap3A_3118, %swap3A_3119], %swap3A_3122 {strides = array<i32>} : memref<20x128xi32, #tpu.memory_space<vmem>>, vector<1x16xi32>,
    %dma_wait3A_3123 = arith.constant 14 : i32
    %dma_wait3A_3124 = arith.constant 1792 : i32
    %dma_wait3A_3125 = arith.constant 0 : i32
    %dma_wait3A_3126 = tpu.memref_slice %arg10[%dma_wait3A_3124, %dma_wait3A_3125] : memref<2560x32xf32, #tpu.memory_space<vmem>> -> memref<128x32xf32, #tpu.memory_space<vmem>>
    %dma_wait3A_3127 = arith.constant 0 : i32
    %dma_wait3A_3128 = tpu.memref_slice %arg9[%dma_wait3A_3123, %dma_wait3A_3127] : memref<20x128xi32, #tpu.memory_space<vmem>> -> memref<1x128xi32, #tpu.memory_space<vmem>>
    %dma_wait3A_3129 = tpu.memref_squeeze %dma_wait3A_3128 : memref<1x128xi32, #tpu.memory_space<vmem>> -> memref<128xi32, #tpu.memory_space<vmem>>
    %dma_wait3A_3130 = arith.constant 0 : i32
    %dma_wait3A_3131 = arith.constant 0 : i32
    %dma_wait3A_3132 = tpu.memref_slice %arg8[%dma_wait3A_3130, %dma_wait3A_3131] : memref<84x32xf32, #tpu.memory_space<vmem_shared>> -> memref<84x32xf32, #tpu.memory_space<vmem_shared>>
    tpu.wait_indirect_dma semaphore(%arg13 : memref<!tpu.dma_semaphore, #tpu.memory_space<semaphore_mem>>) src(%dma_wait3A_3132 : memref<84x32xf32, #tpu.memory_space<vmem_shared>>) dst(%dma_wait3A_3126 : memref<128x32xf32, #tpu.memory_space<vmem>>)
    %dma_start3A_3133 = arith.constant 1792 : i32
    %dma_start3A_3134 = arith.constant 0 : i32
    %dma_start3A_3135 = tpu.memref_slice %arg10[%dma_start3A_3133, %dma_start3A_3134] : memref<2560x32xf32, #tpu.memory_space<vmem>> -> memref<128x32xf32, #tpu.memory_space<vmem>>
    %dma_start3A_3136 = arith.constant 0 : i32
    %dma_start3A_3137 = tpu.memref_slice %arg5[%add3A_62, %dma_start3A_3136] : memref<81920x32xf32, #tpu.memory_space<hbm>> -> memref<128x32xf32, #tpu.memory_space<hbm>>
    %dma_start3A_3138 = arith.constant 0 : i32
    %dma_start3A_3139 = tpu.memref_slice %arg5[%add3A_62, %dma_start3A_3138] : memref<81920x32xf32, #tpu.memory_space<hbm>> -> memref<128x32xf32, #tpu.memory_space<hbm>>
    %dma_start3A_3140 = arith.constant 1792 : i32
    %dma_start3A_3141 = arith.constant 0 : i32
    %dma_start3A_3142 = tpu.memref_slice %arg10[%dma_start3A_3140, %dma_start3A_3141] : memref<2560x32xf32, #tpu.memory_space<vmem>> -> memref<128x32xf32, #tpu.memory_space<vmem>>
    tpu.enqueue_dma source(%dma_start3A_3142 : memref<128x32xf32, #tpu.memory_space<vmem>>) target(%dma_start3A_3139 : memref<128x32xf32, #tpu.memory_space<hbm>>) target_semaphore(%arg15 : memref<!tpu.dma_semaphore, #tpu.memory_space<semaphore_mem>>)
    %dma_start3A_3143 = arith.constant 18 : i32
    %dma_start3A_3144 = arith.constant 2304 : i32
    %dma_start3A_3145 = arith.constant 0 : i32
    %dma_start3A_3146 = tpu.memref_slice %arg10[%dma_start3A_3144, %dma_start3A_3145] : memref<2560x32xf32, #tpu.memory_space<vmem>> -> memref<128x32xf32, #tpu.memory_space<vmem>>
    %dma_start3A_3147 = arith.constant 0 : i32
    %dma_start3A_3148 = tpu.memref_slice %arg9[%dma_start3A_3143, %dma_start3A_3147] : memref<20x128xi32, #tpu.memory_space<vmem>> -> memref<1x128xi32, #tpu.memory_space<vmem>>
    %dma_start3A_3149 = tpu.memref_squeeze %dma_start3A_3148 : memref<1x128xi32, #tpu.memory_space<vmem>> -> memref<128xi32, #tpu.memory_space<vmem>>
    %dma_start3A_3150 = arith.constant 0 : i32
    %dma_start3A_3151 = arith.constant 0 : i32
    %dma_start3A_3152 = tpu.memref_slice %arg8[%dma_start3A_3150, %dma_start3A_3151] : memref<84x32xf32, #tpu.memory_space<vmem_shared>> -> memref<84x32xf32, #tpu.memory_space<vmem_shared>>
    tpu.enqueue_indirect_dma source(%dma_start3A_3152 : memref<84x32xf32, #tpu.memory_space<vmem_shared>>) target(%dma_start3A_3146 : memref<128x32xf32, #tpu.memory_space<vmem>>) offsets(%dma_start3A_3149 : memref<128xi32, #tpu.memory_space<vmem>>) semaphore(%arg13 : memref<!tpu.dma_semaphore, #tpu.memory_space<semaphore_mem>>)
    %get3A_3153 = arith.constant 2 : i32
    %get3A_3154 = arith.index_cast %get3A_3153 : i32 to index
    %get3A_3155 = arith.constant 0 : index
    %get3A_3156 = tpu.vector_load %arg7[%get3A_3154, %get3A_3155] {strides = array<i32>} : memref<5x16xi32, #tpu.memory_space<vmem>>, vector<1x16xi32>,
    %get3A_3157 = vector.shape_cast %get3A_3156 : vector<1x16xi32> to vector<16xi32>
    %get3A_3158 = arith.constant 19 : i32
    %get3A_3159 = arith.index_cast %get3A_3158 : i32 to index
    %get3A_3160 = arith.constant 0 : index
    %get3A_3161 = tpu.vector_load %arg6[%get3A_3159, %get3A_3160] {strides = array<i32>} : memref<20x128xi32, #tpu.memory_space<vmem>>, vector<1x16xi32>,
    %get3A_3162 = vector.shape_cast %get3A_3161 : vector<1x16xi32> to vector<16xi32>
    %add3A_3163 = arith.addi %get3A_3162, %get3A_3157 : vector<16xi32>
    %swap3A_3164 = arith.constant 19 : i32
    %swap3A_3165 = arith.index_cast %swap3A_3164 : i32 to index
    %swap3A_3166 = arith.constant 0 : index
    %swap3A_3167 = tpu.vector_load %arg9[%swap3A_3165, %swap3A_3166] {strides = array<i32>} : memref<20x128xi32, #tpu.memory_space<vmem>>, vector<1x16xi32>,
    %swap3A_3168 = vector.shape_cast %swap3A_3167 : vector<1x16xi32> to vector<16xi32>
    %swap3A_3169 = vector.shape_cast %add3A_3163 : vector<16xi32> to vector<1x16xi32>
    tpu.vector_store %arg9[%swap3A_3165, %swap3A_3166], %swap3A_3169 {strides = array<i32>} : memref<20x128xi32, #tpu.memory_space<vmem>>, vector<1x16xi32>,
    %get3A_3170 = arith.constant 3 : i32
    %get3A_3171 = arith.index_cast %get3A_3170 : i32 to index
    %get3A_3172 = arith.constant 0 : index
    %get3A_3173 = tpu.vector_load %arg7[%get3A_3171, %get3A_3172] {strides = array<i32>} : memref<5x16xi32, #tpu.memory_space<vmem>>, vector<1x16xi32>,
    %get3A_3174 = vector.shape_cast %get3A_3173 : vector<1x16xi32> to vector<16xi32>
    %get3A_3175 = arith.constant 19 : i32
    %get3A_3176 = arith.index_cast %get3A_3175 : i32 to index
    %get3A_3177 = arith.constant 16 : index
    %get3A_3178 = tpu.vector_load %arg6[%get3A_3176, %get3A_3177] {strides = array<i32>} : memref<20x128xi32, #tpu.memory_space<vmem>>, vector<1x16xi32>,
    %get3A_3179 = vector.shape_cast %get3A_3178 : vector<1x16xi32> to vector<16xi32>
    %add3A_3180 = arith.addi %get3A_3179, %get3A_3174 : vector<16xi32>
    %swap3A_3181 = arith.constant 19 : i32
    %swap3A_3182 = arith.index_cast %swap3A_3181 : i32 to index
    %swap3A_3183 = arith.constant 16 : index
    %swap3A_3184 = tpu.vector_load %arg9[%swap3A_3182, %swap3A_3183] {strides = array<i32>} : memref<20x128xi32, #tpu.memory_space<vmem>>, vector<1x16xi32>,
    %swap3A_3185 = vector.shape_cast %swap3A_3184 : vector<1x16xi32> to vector<16xi32>
    %swap3A_3186 = vector.shape_cast %add3A_3180 : vector<16xi32> to vector<1x16xi32>
    tpu.vector_store %arg9[%swap3A_3182, %swap3A_3183], %swap3A_3186 {strides = array<i32>} : memref<20x128xi32, #tpu.memory_space<vmem>>, vector<1x16xi32>,
    %get3A_3187 = arith.constant 4 : i32
    %get3A_3188 = arith.index_cast %get3A_3187 : i32 to index
    %get3A_3189 = arith.constant 0 : index
    %get3A_3190 = tpu.vector_load %arg7[%get3A_3188, %get3A_3189] {strides = array<i32>} : memref<5x16xi32, #tpu.memory_space<vmem>>, vector<1x16xi32>,
    %get3A_3191 = vector.shape_cast %get3A_3190 : vector<1x16xi32> to vector<16xi32>
    %get3A_3192 = arith.constant 19 : i32
    %get3A_3193 = arith.index_cast %get3A_3192 : i32 to index
    %get3A_3194 = arith.constant 32 : index
    %get3A_3195 = tpu.vector_load %arg6[%get3A_3193, %get3A_3194] {strides = array<i32>} : memref<20x128xi32, #tpu.memory_space<vmem>>, vector<1x16xi32>,
    %get3A_3196 = vector.shape_cast %get3A_3195 : vector<1x16xi32> to vector<16xi32>
    %add3A_3197 = arith.addi %get3A_3196, %get3A_3191 : vector<16xi32>
    %swap3A_3198 = arith.constant 19 : i32
    %swap3A_3199 = arith.index_cast %swap3A_3198 : i32 to index
    %swap3A_3200 = arith.constant 32 : index
    %swap3A_3201 = tpu.vector_load %arg9[%swap3A_3199, %swap3A_3200] {strides = array<i32>} : memref<20x128xi32, #tpu.memory_space<vmem>>, vector<1x16xi32>,
    %swap3A_3202 = vector.shape_cast %swap3A_3201 : vector<1x16xi32> to vector<16xi32>
    %swap3A_3203 = vector.shape_cast %add3A_3197 : vector<16xi32> to vector<1x16xi32>
    tpu.vector_store %arg9[%swap3A_3199, %swap3A_3200], %swap3A_3203 {strides = array<i32>} : memref<20x128xi32, #tpu.memory_space<vmem>>, vector<1x16xi32>,
    %get3A_3204 = arith.constant 0 : i32
    %get3A_3205 = arith.index_cast %get3A_3204 : i32 to index
    %get3A_3206 = arith.constant 0 : index
    %get3A_3207 = tpu.vector_load %arg7[%get3A_3205, %get3A_3206] {strides = array<i32>} : memref<5x16xi32, #tpu.memory_space<vmem>>, vector<1x16xi32>,
    %get3A_3208 = vector.shape_cast %get3A_3207 : vector<1x16xi32> to vector<16xi32>
    %get3A_3209 = arith.constant 19 : i32
    %get3A_3210 = arith.index_cast %get3A_3209 : i32 to index
    %get3A_3211 = arith.constant 48 : index
    %get3A_3212 = tpu.vector_load %arg6[%get3A_3210, %get3A_3211] {strides = array<i32>} : memref<20x128xi32, #tpu.memory_space<vmem>>, vector<1x16xi32>,
    %get3A_3213 = vector.shape_cast %get3A_3212 : vector<1x16xi32> to vector<16xi32>
    %add3A_3214 = arith.addi %get3A_3213, %get3A_3208 : vector<16xi32>
    %swap3A_3215 = arith.constant 19 : i32
    %swap3A_3216 = arith.index_cast %swap3A_3215 : i32 to index
    %swap3A_3217 = arith.constant 48 : index
    %swap3A_3218 = tpu.vector_load %arg9[%swap3A_3216, %swap3A_3217] {strides = array<i32>} : memref<20x128xi32, #tpu.memory_space<vmem>>, vector<1x16xi32>,
    %swap3A_3219 = vector.shape_cast %swap3A_3218 : vector<1x16xi32> to vector<16xi32>
    %swap3A_3220 = vector.shape_cast %add3A_3214 : vector<16xi32> to vector<1x16xi32>
    tpu.vector_store %arg9[%swap3A_3216, %swap3A_3217], %swap3A_3220 {strides = array<i32>} : memref<20x128xi32, #tpu.memory_space<vmem>>, vector<1x16xi32>,
    %get3A_3221 = arith.constant 1 : i32
    %get3A_3222 = arith.index_cast %get3A_3221 : i32 to index
    %get3A_3223 = arith.constant 0 : index
    %get3A_3224 = tpu.vector_load %arg7[%get3A_3222, %get3A_3223] {strides = array<i32>} : memref<5x16xi32, #tpu.memory_space<vmem>>, vector<1x16xi32>,
    %get3A_3225 = vector.shape_cast %get3A_3224 : vector<1x16xi32> to vector<16xi32>
    %get3A_3226 = arith.constant 19 : i32
    %get3A_3227 = arith.index_cast %get3A_3226 : i32 to index
    %get3A_3228 = arith.constant 64 : index
    %get3A_3229 = tpu.vector_load %arg6[%get3A_3227, %get3A_3228] {strides = array<i32>} : memref<20x128xi32, #tpu.memory_space<vmem>>, vector<1x16xi32>,
    %get3A_3230 = vector.shape_cast %get3A_3229 : vector<1x16xi32> to vector<16xi32>
    %add3A_3231 = arith.addi %get3A_3230, %get3A_3225 : vector<16xi32>
    %swap3A_3232 = arith.constant 19 : i32
    %swap3A_3233 = arith.index_cast %swap3A_3232 : i32 to index
    %swap3A_3234 = arith.constant 64 : index
    %swap3A_3235 = tpu.vector_load %arg9[%swap3A_3233, %swap3A_3234] {strides = array<i32>} : memref<20x128xi32, #tpu.memory_space<vmem>>, vector<1x16xi32>,
    %swap3A_3236 = vector.shape_cast %swap3A_3235 : vector<1x16xi32> to vector<16xi32>
    %swap3A_3237 = vector.shape_cast %add3A_3231 : vector<16xi32> to vector<1x16xi32>
    tpu.vector_store %arg9[%swap3A_3233, %swap3A_3234], %swap3A_3237 {strides = array<i32>} : memref<20x128xi32, #tpu.memory_space<vmem>>, vector<1x16xi32>,
    %get3A_3238 = arith.constant 2 : i32
    %get3A_3239 = arith.index_cast %get3A_3238 : i32 to index
    %get3A_3240 = arith.constant 0 : index
    %get3A_3241 = tpu.vector_load %arg7[%get3A_3239, %get3A_3240] {strides = array<i32>} : memref<5x16xi32, #tpu.memory_space<vmem>>, vector<1x16xi32>,
    %get3A_3242 = vector.shape_cast %get3A_3241 : vector<1x16xi32> to vector<16xi32>
    %get3A_3243 = arith.constant 19 : i32
    %get3A_3244 = arith.index_cast %get3A_3243 : i32 to index
    %get3A_3245 = arith.constant 80 : index
    %get3A_3246 = tpu.vector_load %arg6[%get3A_3244, %get3A_3245] {strides = array<i32>} : memref<20x128xi32, #tpu.memory_space<vmem>>, vector<1x16xi32>,
    %get3A_3247 = vector.shape_cast %get3A_3246 : vector<1x16xi32> to vector<16xi32>
    %add3A_3248 = arith.addi %get3A_3247, %get3A_3242 : vector<16xi32>
    %swap3A_3249 = arith.constant 19 : i32
    %swap3A_3250 = arith.index_cast %swap3A_3249 : i32 to index
    %swap3A_3251 = arith.constant 80 : index
    %swap3A_3252 = tpu.vector_load %arg9[%swap3A_3250, %swap3A_3251] {strides = array<i32>} : memref<20x128xi32, #tpu.memory_space<vmem>>, vector<1x16xi32>,
    %swap3A_3253 = vector.shape_cast %swap3A_3252 : vector<1x16xi32> to vector<16xi32>
    %swap3A_3254 = vector.shape_cast %add3A_3248 : vector<16xi32> to vector<1x16xi32>
    tpu.vector_store %arg9[%swap3A_3250, %swap3A_3251], %swap3A_3254 {strides = array<i32>} : memref<20x128xi32, #tpu.memory_space<vmem>>, vector<1x16xi32>,
    %get3A_3255 = arith.constant 3 : i32
    %get3A_3256 = arith.index_cast %get3A_3255 : i32 to index
    %get3A_3257 = arith.constant 0 : index
    %get3A_3258 = tpu.vector_load %arg7[%get3A_3256, %get3A_3257] {strides = array<i32>} : memref<5x16xi32, #tpu.memory_space<vmem>>, vector<1x16xi32>,
    %get3A_3259 = vector.shape_cast %get3A_3258 : vector<1x16xi32> to vector<16xi32>
    %get3A_3260 = arith.constant 19 : i32
    %get3A_3261 = arith.index_cast %get3A_3260 : i32 to index
    %get3A_3262 = arith.constant 96 : index
    %get3A_3263 = tpu.vector_load %arg6[%get3A_3261, %get3A_3262] {strides = array<i32>} : memref<20x128xi32, #tpu.memory_space<vmem>>, vector<1x16xi32>,
    %get3A_3264 = vector.shape_cast %get3A_3263 : vector<1x16xi32> to vector<16xi32>
    %add3A_3265 = arith.addi %get3A_3264, %get3A_3259 : vector<16xi32>
    %swap3A_3266 = arith.constant 19 : i32
    %swap3A_3267 = arith.index_cast %swap3A_3266 : i32 to index
    %swap3A_3268 = arith.constant 96 : index
    %swap3A_3269 = tpu.vector_load %arg9[%swap3A_3267, %swap3A_3268] {strides = array<i32>} : memref<20x128xi32, #tpu.memory_space<vmem>>, vector<1x16xi32>,
    %swap3A_3270 = vector.shape_cast %swap3A_3269 : vector<1x16xi32> to vector<16xi32>
    %swap3A_3271 = vector.shape_cast %add3A_3265 : vector<16xi32> to vector<1x16xi32>
    tpu.vector_store %arg9[%swap3A_3267, %swap3A_3268], %swap3A_3271 {strides = array<i32>} : memref<20x128xi32, #tpu.memory_space<vmem>>, vector<1x16xi32>,
    %get3A_3272 = arith.constant 4 : i32
    %get3A_3273 = arith.index_cast %get3A_3272 : i32 to index
    %get3A_3274 = arith.constant 0 : index
    %get3A_3275 = tpu.vector_load %arg7[%get3A_3273, %get3A_3274] {strides = array<i32>} : memref<5x16xi32, #tpu.memory_space<vmem>>, vector<1x16xi32>,
    %get3A_3276 = vector.shape_cast %get3A_3275 : vector<1x16xi32> to vector<16xi32>
    %get3A_3277 = arith.constant 19 : i32
    %get3A_3278 = arith.index_cast %get3A_3277 : i32 to index
    %get3A_3279 = arith.constant 112 : index
    %get3A_3280 = tpu.vector_load %arg6[%get3A_3278, %get3A_3279] {strides = array<i32>} : memref<20x128xi32, #tpu.memory_space<vmem>>, vector<1x16xi32>,
    %get3A_3281 = vector.shape_cast %get3A_3280 : vector<1x16xi32> to vector<16xi32>
    %add3A_3282 = arith.addi %get3A_3281, %get3A_3276 : vector<16xi32>
    %swap3A_3283 = arith.constant 19 : i32
    %swap3A_3284 = arith.index_cast %swap3A_3283 : i32 to index
    %swap3A_3285 = arith.constant 112 : index
    %swap3A_3286 = tpu.vector_load %arg9[%swap3A_3284, %swap3A_3285] {strides = array<i32>} : memref<20x128xi32, #tpu.memory_space<vmem>>, vector<1x16xi32>,
    %swap3A_3287 = vector.shape_cast %swap3A_3286 : vector<1x16xi32> to vector<16xi32>
    %swap3A_3288 = vector.shape_cast %add3A_3282 : vector<16xi32> to vector<1x16xi32>
    tpu.vector_store %arg9[%swap3A_3284, %swap3A_3285], %swap3A_3288 {strides = array<i32>} : memref<20x128xi32, #tpu.memory_space<vmem>>, vector<1x16xi32>,
    %dma_wait3A_3289 = arith.constant 15 : i32
    %dma_wait3A_3290 = arith.constant 1920 : i32
    %dma_wait3A_3291 = arith.constant 0 : i32
    %dma_wait3A_3292 = tpu.memref_slice %arg10[%dma_wait3A_3290, %dma_wait3A_3291] : memref<2560x32xf32, #tpu.memory_space<vmem>> -> memref<128x32xf32, #tpu.memory_space<vmem>>
    %dma_wait3A_3293 = arith.constant 0 : i32
    %dma_wait3A_3294 = tpu.memref_slice %arg9[%dma_wait3A_3289, %dma_wait3A_3293] : memref<20x128xi32, #tpu.memory_space<vmem>> -> memref<1x128xi32, #tpu.memory_space<vmem>>
    %dma_wait3A_3295 = tpu.memref_squeeze %dma_wait3A_3294 : memref<1x128xi32, #tpu.memory_space<vmem>> -> memref<128xi32, #tpu.memory_space<vmem>>
    %dma_wait3A_3296 = arith.constant 0 : i32
    %dma_wait3A_3297 = arith.constant 0 : i32
    %dma_wait3A_3298 = tpu.memref_slice %arg8[%dma_wait3A_3296, %dma_wait3A_3297] : memref<84x32xf32, #tpu.memory_space<vmem_shared>> -> memref<84x32xf32, #tpu.memory_space<vmem_shared>>
    tpu.wait_indirect_dma semaphore(%arg14 : memref<!tpu.dma_semaphore, #tpu.memory_space<semaphore_mem>>) src(%dma_wait3A_3298 : memref<84x32xf32, #tpu.memory_space<vmem_shared>>) dst(%dma_wait3A_3292 : memref<128x32xf32, #tpu.memory_space<vmem>>)
    %dma_start3A_3299 = arith.constant 1920 : i32
    %dma_start3A_3300 = arith.constant 0 : i32
    %dma_start3A_3301 = tpu.memref_slice %arg10[%dma_start3A_3299, %dma_start3A_3300] : memref<2560x32xf32, #tpu.memory_space<vmem>> -> memref<128x32xf32, #tpu.memory_space<vmem>>
    %dma_start3A_3302 = arith.constant 0 : i32
    %dma_start3A_3303 = tpu.memref_slice %arg5[%add3A_66, %dma_start3A_3302] : memref<81920x32xf32, #tpu.memory_space<hbm>> -> memref<128x32xf32, #tpu.memory_space<hbm>>
    %dma_start3A_3304 = arith.constant 0 : i32
    %dma_start3A_3305 = tpu.memref_slice %arg5[%add3A_66, %dma_start3A_3304] : memref<81920x32xf32, #tpu.memory_space<hbm>> -> memref<128x32xf32, #tpu.memory_space<hbm>>
    %dma_start3A_3306 = arith.constant 1920 : i32
    %dma_start3A_3307 = arith.constant 0 : i32
    %dma_start3A_3308 = tpu.memref_slice %arg10[%dma_start3A_3306, %dma_start3A_3307] : memref<2560x32xf32, #tpu.memory_space<vmem>> -> memref<128x32xf32, #tpu.memory_space<vmem>>
    tpu.enqueue_dma source(%dma_start3A_3308 : memref<128x32xf32, #tpu.memory_space<vmem>>) target(%dma_start3A_3305 : memref<128x32xf32, #tpu.memory_space<hbm>>) target_semaphore(%arg15 : memref<!tpu.dma_semaphore, #tpu.memory_space<semaphore_mem>>)
    %dma_start3A_3309 = arith.constant 19 : i32
    %dma_start3A_3310 = arith.constant 2432 : i32
    %dma_start3A_3311 = arith.constant 0 : i32
    %dma_start3A_3312 = tpu.memref_slice %arg10[%dma_start3A_3310, %dma_start3A_3311] : memref<2560x32xf32, #tpu.memory_space<vmem>> -> memref<128x32xf32, #tpu.memory_space<vmem>>
    %dma_start3A_3313 = arith.constant 0 : i32
    %dma_start3A_3314 = tpu.memref_slice %arg9[%dma_start3A_3309, %dma_start3A_3313] : memref<20x128xi32, #tpu.memory_space<vmem>> -> memref<1x128xi32, #tpu.memory_space<vmem>>
    %dma_start3A_3315 = tpu.memref_squeeze %dma_start3A_3314 : memref<1x128xi32, #tpu.memory_space<vmem>> -> memref<128xi32, #tpu.memory_space<vmem>>
    %dma_start3A_3316 = arith.constant 0 : i32
    %dma_start3A_3317 = arith.constant 0 : i32
    %dma_start3A_3318 = tpu.memref_slice %arg8[%dma_start3A_3316, %dma_start3A_3317] : memref<84x32xf32, #tpu.memory_space<vmem_shared>> -> memref<84x32xf32, #tpu.memory_space<vmem_shared>>
    tpu.enqueue_indirect_dma source(%dma_start3A_3318 : memref<84x32xf32, #tpu.memory_space<vmem_shared>>) target(%dma_start3A_3312 : memref<128x32xf32, #tpu.memory_space<vmem>>) offsets(%dma_start3A_3315 : memref<128xi32, #tpu.memory_space<vmem>>) semaphore(%arg14 : memref<!tpu.dma_semaphore, #tpu.memory_space<semaphore_mem>>)
    %dma_wait3A_3319 = arith.constant 16 : i32
    %dma_wait3A_3320 = arith.constant 2048 : i32
    %dma_wait3A_3321 = arith.constant 0 : i32
    %dma_wait3A_3322 = tpu.memref_slice %arg10[%dma_wait3A_3320, %dma_wait3A_3321] : memref<2560x32xf32, #tpu.memory_space<vmem>> -> memref<128x32xf32, #tpu.memory_space<vmem>>
    %dma_wait3A_3323 = arith.constant 0 : i32
    %dma_wait3A_3324 = tpu.memref_slice %arg9[%dma_wait3A_3319, %dma_wait3A_3323] : memref<20x128xi32, #tpu.memory_space<vmem>> -> memref<1x128xi32, #tpu.memory_space<vmem>>
    %dma_wait3A_3325 = tpu.memref_squeeze %dma_wait3A_3324 : memref<1x128xi32, #tpu.memory_space<vmem>> -> memref<128xi32, #tpu.memory_space<vmem>>
    %dma_wait3A_3326 = arith.constant 0 : i32
    %dma_wait3A_3327 = arith.constant 0 : i32
    %dma_wait3A_3328 = tpu.memref_slice %arg8[%dma_wait3A_3326, %dma_wait3A_3327] : memref<84x32xf32, #tpu.memory_space<vmem_shared>> -> memref<84x32xf32, #tpu.memory_space<vmem_shared>>
    tpu.wait_indirect_dma semaphore(%arg11 : memref<!tpu.dma_semaphore, #tpu.memory_space<semaphore_mem>>) src(%dma_wait3A_3328 : memref<84x32xf32, #tpu.memory_space<vmem_shared>>) dst(%dma_wait3A_3322 : memref<128x32xf32, #tpu.memory_space<vmem>>)
    %dma_start3A_3329 = arith.constant 2048 : i32
    %dma_start3A_3330 = arith.constant 0 : i32
    %dma_start3A_3331 = tpu.memref_slice %arg10[%dma_start3A_3329, %dma_start3A_3330] : memref<2560x32xf32, #tpu.memory_space<vmem>> -> memref<128x32xf32, #tpu.memory_space<vmem>>
    %dma_start3A_3332 = arith.constant 0 : i32
    %dma_start3A_3333 = tpu.memref_slice %arg5[%add3A_70, %dma_start3A_3332] : memref<81920x32xf32, #tpu.memory_space<hbm>> -> memref<128x32xf32, #tpu.memory_space<hbm>>
    %dma_start3A_3334 = arith.constant 0 : i32
    %dma_start3A_3335 = tpu.memref_slice %arg5[%add3A_70, %dma_start3A_3334] : memref<81920x32xf32, #tpu.memory_space<hbm>> -> memref<128x32xf32, #tpu.memory_space<hbm>>
    %dma_start3A_3336 = arith.constant 2048 : i32
    %dma_start3A_3337 = arith.constant 0 : i32
    %dma_start3A_3338 = tpu.memref_slice %arg10[%dma_start3A_3336, %dma_start3A_3337] : memref<2560x32xf32, #tpu.memory_space<vmem>> -> memref<128x32xf32, #tpu.memory_space<vmem>>
    tpu.enqueue_dma source(%dma_start3A_3338 : memref<128x32xf32, #tpu.memory_space<vmem>>) target(%dma_start3A_3335 : memref<128x32xf32, #tpu.memory_space<hbm>>) target_semaphore(%arg15 : memref<!tpu.dma_semaphore, #tpu.memory_space<semaphore_mem>>)
    %dma_wait3A_3339 = arith.constant 17 : i32
    %dma_wait3A_3340 = arith.constant 2176 : i32
    %dma_wait3A_3341 = arith.constant 0 : i32
    %dma_wait3A_3342 = tpu.memref_slice %arg10[%dma_wait3A_3340, %dma_wait3A_3341] : memref<2560x32xf32, #tpu.memory_space<vmem>> -> memref<128x32xf32, #tpu.memory_space<vmem>>
    %dma_wait3A_3343 = arith.constant 0 : i32
    %dma_wait3A_3344 = tpu.memref_slice %arg9[%dma_wait3A_3339, %dma_wait3A_3343] : memref<20x128xi32, #tpu.memory_space<vmem>> -> memref<1x128xi32, #tpu.memory_space<vmem>>
    %dma_wait3A_3345 = tpu.memref_squeeze %dma_wait3A_3344 : memref<1x128xi32, #tpu.memory_space<vmem>> -> memref<128xi32, #tpu.memory_space<vmem>>
    %dma_wait3A_3346 = arith.constant 0 : i32
    %dma_wait3A_3347 = arith.constant 0 : i32
    %dma_wait3A_3348 = tpu.memref_slice %arg8[%dma_wait3A_3346, %dma_wait3A_3347] : memref<84x32xf32, #tpu.memory_space<vmem_shared>> -> memref<84x32xf32, #tpu.memory_space<vmem_shared>>
    tpu.wait_indirect_dma semaphore(%arg12 : memref<!tpu.dma_semaphore, #tpu.memory_space<semaphore_mem>>) src(%dma_wait3A_3348 : memref<84x32xf32, #tpu.memory_space<vmem_shared>>) dst(%dma_wait3A_3342 : memref<128x32xf32, #tpu.memory_space<vmem>>)
    %dma_start3A_3349 = arith.constant 2176 : i32
    %dma_start3A_3350 = arith.constant 0 : i32
    %dma_start3A_3351 = tpu.memref_slice %arg10[%dma_start3A_3349, %dma_start3A_3350] : memref<2560x32xf32, #tpu.memory_space<vmem>> -> memref<128x32xf32, #tpu.memory_space<vmem>>
    %dma_start3A_3352 = arith.constant 0 : i32
    %dma_start3A_3353 = tpu.memref_slice %arg5[%add3A_74, %dma_start3A_3352] : memref<81920x32xf32, #tpu.memory_space<hbm>> -> memref<128x32xf32, #tpu.memory_space<hbm>>
    %dma_start3A_3354 = arith.constant 0 : i32
    %dma_start3A_3355 = tpu.memref_slice %arg5[%add3A_74, %dma_start3A_3354] : memref<81920x32xf32, #tpu.memory_space<hbm>> -> memref<128x32xf32, #tpu.memory_space<hbm>>
    %dma_start3A_3356 = arith.constant 2176 : i32
    %dma_start3A_3357 = arith.constant 0 : i32
    %dma_start3A_3358 = tpu.memref_slice %arg10[%dma_start3A_3356, %dma_start3A_3357] : memref<2560x32xf32, #tpu.memory_space<vmem>> -> memref<128x32xf32, #tpu.memory_space<vmem>>
    tpu.enqueue_dma source(%dma_start3A_3358 : memref<128x32xf32, #tpu.memory_space<vmem>>) target(%dma_start3A_3355 : memref<128x32xf32, #tpu.memory_space<hbm>>) target_semaphore(%arg15 : memref<!tpu.dma_semaphore, #tpu.memory_space<semaphore_mem>>)
    %dma_wait3A_3359 = arith.constant 18 : i32
    %dma_wait3A_3360 = arith.constant 2304 : i32
    %dma_wait3A_3361 = arith.constant 0 : i32
    %dma_wait3A_3362 = tpu.memref_slice %arg10[%dma_wait3A_3360, %dma_wait3A_3361] : memref<2560x32xf32, #tpu.memory_space<vmem>> -> memref<128x32xf32, #tpu.memory_space<vmem>>
    %dma_wait3A_3363 = arith.constant 0 : i32
    %dma_wait3A_3364 = tpu.memref_slice %arg9[%dma_wait3A_3359, %dma_wait3A_3363] : memref<20x128xi32, #tpu.memory_space<vmem>> -> memref<1x128xi32, #tpu.memory_space<vmem>>
    %dma_wait3A_3365 = tpu.memref_squeeze %dma_wait3A_3364 : memref<1x128xi32, #tpu.memory_space<vmem>> -> memref<128xi32, #tpu.memory_space<vmem>>
    %dma_wait3A_3366 = arith.constant 0 : i32
    %dma_wait3A_3367 = arith.constant 0 : i32
    %dma_wait3A_3368 = tpu.memref_slice %arg8[%dma_wait3A_3366, %dma_wait3A_3367] : memref<84x32xf32, #tpu.memory_space<vmem_shared>> -> memref<84x32xf32, #tpu.memory_space<vmem_shared>>
    tpu.wait_indirect_dma semaphore(%arg13 : memref<!tpu.dma_semaphore, #tpu.memory_space<semaphore_mem>>) src(%dma_wait3A_3368 : memref<84x32xf32, #tpu.memory_space<vmem_shared>>) dst(%dma_wait3A_3362 : memref<128x32xf32, #tpu.memory_space<vmem>>)
    %dma_start3A_3369 = arith.constant 2304 : i32
    %dma_start3A_3370 = arith.constant 0 : i32
    %dma_start3A_3371 = tpu.memref_slice %arg10[%dma_start3A_3369, %dma_start3A_3370] : memref<2560x32xf32, #tpu.memory_space<vmem>> -> memref<128x32xf32, #tpu.memory_space<vmem>>
    %dma_start3A_3372 = arith.constant 0 : i32
    %dma_start3A_3373 = tpu.memref_slice %arg5[%add3A_78, %dma_start3A_3372] : memref<81920x32xf32, #tpu.memory_space<hbm>> -> memref<128x32xf32, #tpu.memory_space<hbm>>
    %dma_start3A_3374 = arith.constant 0 : i32
    %dma_start3A_3375 = tpu.memref_slice %arg5[%add3A_78, %dma_start3A_3374] : memref<81920x32xf32, #tpu.memory_space<hbm>> -> memref<128x32xf32, #tpu.memory_space<hbm>>
    %dma_start3A_3376 = arith.constant 2304 : i32
    %dma_start3A_3377 = arith.constant 0 : i32
    %dma_start3A_3378 = tpu.memref_slice %arg10[%dma_start3A_3376, %dma_start3A_3377] : memref<2560x32xf32, #tpu.memory_space<vmem>> -> memref<128x32xf32, #tpu.memory_space<vmem>>
    tpu.enqueue_dma source(%dma_start3A_3378 : memref<128x32xf32, #tpu.memory_space<vmem>>) target(%dma_start3A_3375 : memref<128x32xf32, #tpu.memory_space<hbm>>) target_semaphore(%arg15 : memref<!tpu.dma_semaphore, #tpu.memory_space<semaphore_mem>>)
    %dma_wait3A_3379 = arith.constant 19 : i32
    %dma_wait3A_3380 = arith.constant 2432 : i32
    %dma_wait3A_3381 = arith.constant 0 : i32
    %dma_wait3A_3382 = tpu.memref_slice %arg10[%dma_wait3A_3380, %dma_wait3A_3381] : memref<2560x32xf32, #tpu.memory_space<vmem>> -> memref<128x32xf32, #tpu.memory_space<vmem>>
    %dma_wait3A_3383 = arith.constant 0 : i32
    %dma_wait3A_3384 = tpu.memref_slice %arg9[%dma_wait3A_3379, %dma_wait3A_3383] : memref<20x128xi32, #tpu.memory_space<vmem>> -> memref<1x128xi32, #tpu.memory_space<vmem>>
    %dma_wait3A_3385 = tpu.memref_squeeze %dma_wait3A_3384 : memref<1x128xi32, #tpu.memory_space<vmem>> -> memref<128xi32, #tpu.memory_space<vmem>>
    %dma_wait3A_3386 = arith.constant 0 : i32
    %dma_wait3A_3387 = arith.constant 0 : i32
    %dma_wait3A_3388 = tpu.memref_slice %arg8[%dma_wait3A_3386, %dma_wait3A_3387] : memref<84x32xf32, #tpu.memory_space<vmem_shared>> -> memref<84x32xf32, #tpu.memory_space<vmem_shared>>
    tpu.wait_indirect_dma semaphore(%arg14 : memref<!tpu.dma_semaphore, #tpu.memory_space<semaphore_mem>>) src(%dma_wait3A_3388 : memref<84x32xf32, #tpu.memory_space<vmem_shared>>) dst(%dma_wait3A_3382 : memref<128x32xf32, #tpu.memory_space<vmem>>)
    %dma_start3A_3389 = arith.constant 2432 : i32
    %dma_start3A_3390 = arith.constant 0 : i32
    %dma_start3A_3391 = tpu.memref_slice %arg10[%dma_start3A_3389, %dma_start3A_3390] : memref<2560x32xf32, #tpu.memory_space<vmem>> -> memref<128x32xf32, #tpu.memory_space<vmem>>
    %dma_start3A_3392 = arith.constant 0 : i32
    %dma_start3A_3393 = tpu.memref_slice %arg5[%add3A_82, %dma_start3A_3392] : memref<81920x32xf32, #tpu.memory_space<hbm>> -> memref<128x32xf32, #tpu.memory_space<hbm>>
    %dma_start3A_3394 = arith.constant 0 : i32
    %dma_start3A_3395 = tpu.memref_slice %arg5[%add3A_82, %dma_start3A_3394] : memref<81920x32xf32, #tpu.memory_space<hbm>> -> memref<128x32xf32, #tpu.memory_space<hbm>>
    %dma_start3A_3396 = arith.constant 2432 : i32
    %dma_start3A_3397 = arith.constant 0 : i32
    %dma_start3A_3398 = tpu.memref_slice %arg10[%dma_start3A_3396, %dma_start3A_3397] : memref<2560x32xf32, #tpu.memory_space<vmem>> -> memref<128x32xf32, #tpu.memory_space<vmem>>
    tpu.enqueue_dma source(%dma_start3A_3398 : memref<128x32xf32, #tpu.memory_space<vmem>>) target(%dma_start3A_3395 : memref<128x32xf32, #tpu.memory_space<hbm>>) target_semaphore(%arg15 : memref<!tpu.dma_semaphore, #tpu.memory_space<semaphore_mem>>)
    %dma_wait3A_3399 = arith.constant 0 : i32
    %dma_wait3A_3400 = arith.constant 0 : i32
    %dma_wait3A_3401 = tpu.memref_slice %arg10[%dma_wait3A_3399, %dma_wait3A_3400] : memref<2560x32xf32, #tpu.memory_space<vmem>> -> memref<128x32xf32, #tpu.memory_space<vmem>>
    %dma_wait3A_3402 = arith.constant 0 : i32
    %dma_wait3A_3403 = tpu.memref_slice %arg5[%add3A_6, %dma_wait3A_3402] : memref<81920x32xf32, #tpu.memory_space<hbm>> -> memref<128x32xf32, #tpu.memory_space<hbm>>
    %dma_wait3A_3404 = arith.constant 0 : i32
    %dma_wait3A_3405 = tpu.memref_slice %arg5[%add3A_6, %dma_wait3A_3404] : memref<81920x32xf32, #tpu.memory_space<hbm>> -> memref<128x32xf32, #tpu.memory_space<hbm>>
    %dma_wait3A_3406 = arith.constant 0 : i32
    %dma_wait3A_3407 = arith.constant 0 : i32
    %dma_wait3A_3408 = tpu.memref_slice %arg10[%dma_wait3A_3406, %dma_wait3A_3407] : memref<2560x32xf32, #tpu.memory_space<vmem>> -> memref<128x32xf32, #tpu.memory_space<vmem>>
    tpu.wait_dma2 semaphore(%arg15 : memref<!tpu.dma_semaphore, #tpu.memory_space<semaphore_mem>>) src(%dma_wait3A_3408 : memref<128x32xf32, #tpu.memory_space<vmem>>) dst(%dma_wait3A_3405 : memref<128x32xf32, #tpu.memory_space<hbm>>)
    %dma_wait3A_3409 = arith.constant 128 : i32
    %dma_wait3A_3410 = arith.constant 0 : i32
    %dma_wait3A_3411 = tpu.memref_slice %arg10[%dma_wait3A_3409, %dma_wait3A_3410] : memref<2560x32xf32, #tpu.memory_space<vmem>> -> memref<128x32xf32, #tpu.memory_space<vmem>>
    %dma_wait3A_3412 = arith.constant 0 : i32
    %dma_wait3A_3413 = tpu.memref_slice %arg5[%add3A_10, %dma_wait3A_3412] : memref<81920x32xf32, #tpu.memory_space<hbm>> -> memref<128x32xf32, #tpu.memory_space<hbm>>
    %dma_wait3A_3414 = arith.constant 0 : i32
    %dma_wait3A_3415 = tpu.memref_slice %arg5[%add3A_10, %dma_wait3A_3414] : memref<81920x32xf32, #tpu.memory_space<hbm>> -> memref<128x32xf32, #tpu.memory_space<hbm>>
    %dma_wait3A_3416 = arith.constant 128 : i32
    %dma_wait3A_3417 = arith.constant 0 : i32
    %dma_wait3A_3418 = tpu.memref_slice %arg10[%dma_wait3A_3416, %dma_wait3A_3417] : memref<2560x32xf32, #tpu.memory_space<vmem>> -> memref<128x32xf32, #tpu.memory_space<vmem>>
    tpu.wait_dma2 semaphore(%arg15 : memref<!tpu.dma_semaphore, #tpu.memory_space<semaphore_mem>>) src(%dma_wait3A_3418 : memref<128x32xf32, #tpu.memory_space<vmem>>) dst(%dma_wait3A_3415 : memref<128x32xf32, #tpu.memory_space<hbm>>)
    %dma_wait3A_3419 = arith.constant 256 : i32
    %dma_wait3A_3420 = arith.constant 0 : i32
    %dma_wait3A_3421 = tpu.memref_slice %arg10[%dma_wait3A_3419, %dma_wait3A_3420] : memref<2560x32xf32, #tpu.memory_space<vmem>> -> memref<128x32xf32, #tpu.memory_space<vmem>>
    %dma_wait3A_3422 = arith.constant 0 : i32
    %dma_wait3A_3423 = tpu.memref_slice %arg5[%add3A_14, %dma_wait3A_3422] : memref<81920x32xf32, #tpu.memory_space<hbm>> -> memref<128x32xf32, #tpu.memory_space<hbm>>
    %dma_wait3A_3424 = arith.constant 0 : i32
    %dma_wait3A_3425 = tpu.memref_slice %arg5[%add3A_14, %dma_wait3A_3424] : memref<81920x32xf32, #tpu.memory_space<hbm>> -> memref<128x32xf32, #tpu.memory_space<hbm>>
    %dma_wait3A_3426 = arith.constant 256 : i32
    %dma_wait3A_3427 = arith.constant 0 : i32
    %dma_wait3A_3428 = tpu.memref_slice %arg10[%dma_wait3A_3426, %dma_wait3A_3427] : memref<2560x32xf32, #tpu.memory_space<vmem>> -> memref<128x32xf32, #tpu.memory_space<vmem>>
    tpu.wait_dma2 semaphore(%arg15 : memref<!tpu.dma_semaphore, #tpu.memory_space<semaphore_mem>>) src(%dma_wait3A_3428 : memref<128x32xf32, #tpu.memory_space<vmem>>) dst(%dma_wait3A_3425 : memref<128x32xf32, #tpu.memory_space<hbm>>)
    %dma_wait3A_3429 = arith.constant 384 : i32
    %dma_wait3A_3430 = arith.constant 0 : i32
    %dma_wait3A_3431 = tpu.memref_slice %arg10[%dma_wait3A_3429, %dma_wait3A_3430] : memref<2560x32xf32, #tpu.memory_space<vmem>> -> memref<128x32xf32, #tpu.memory_space<vmem>>
    %dma_wait3A_3432 = arith.constant 0 : i32
    %dma_wait3A_3433 = tpu.memref_slice %arg5[%add3A_18, %dma_wait3A_3432] : memref<81920x32xf32, #tpu.memory_space<hbm>> -> memref<128x32xf32, #tpu.memory_space<hbm>>
    %dma_wait3A_3434 = arith.constant 0 : i32
    %dma_wait3A_3435 = tpu.memref_slice %arg5[%add3A_18, %dma_wait3A_3434] : memref<81920x32xf32, #tpu.memory_space<hbm>> -> memref<128x32xf32, #tpu.memory_space<hbm>>
    %dma_wait3A_3436 = arith.constant 384 : i32
    %dma_wait3A_3437 = arith.constant 0 : i32
    %dma_wait3A_3438 = tpu.memref_slice %arg10[%dma_wait3A_3436, %dma_wait3A_3437] : memref<2560x32xf32, #tpu.memory_space<vmem>> -> memref<128x32xf32, #tpu.memory_space<vmem>>
    tpu.wait_dma2 semaphore(%arg15 : memref<!tpu.dma_semaphore, #tpu.memory_space<semaphore_mem>>) src(%dma_wait3A_3438 : memref<128x32xf32, #tpu.memory_space<vmem>>) dst(%dma_wait3A_3435 : memref<128x32xf32, #tpu.memory_space<hbm>>)
    %dma_wait3A_3439 = arith.constant 512 : i32
    %dma_wait3A_3440 = arith.constant 0 : i32
    %dma_wait3A_3441 = tpu.memref_slice %arg10[%dma_wait3A_3439, %dma_wait3A_3440] : memref<2560x32xf32, #tpu.memory_space<vmem>> -> memref<128x32xf32, #tpu.memory_space<vmem>>
    %dma_wait3A_3442 = arith.constant 0 : i32
    %dma_wait3A_3443 = tpu.memref_slice %arg5[%add3A_22, %dma_wait3A_3442] : memref<81920x32xf32, #tpu.memory_space<hbm>> -> memref<128x32xf32, #tpu.memory_space<hbm>>
    %dma_wait3A_3444 = arith.constant 0 : i32
    %dma_wait3A_3445 = tpu.memref_slice %arg5[%add3A_22, %dma_wait3A_3444] : memref<81920x32xf32, #tpu.memory_space<hbm>> -> memref<128x32xf32, #tpu.memory_space<hbm>>
    %dma_wait3A_3446 = arith.constant 512 : i32
    %dma_wait3A_3447 = arith.constant 0 : i32
    %dma_wait3A_3448 = tpu.memref_slice %arg10[%dma_wait3A_3446, %dma_wait3A_3447] : memref<2560x32xf32, #tpu.memory_space<vmem>> -> memref<128x32xf32, #tpu.memory_space<vmem>>
    tpu.wait_dma2 semaphore(%arg15 : memref<!tpu.dma_semaphore, #tpu.memory_space<semaphore_mem>>) src(%dma_wait3A_3448 : memref<128x32xf32, #tpu.memory_space<vmem>>) dst(%dma_wait3A_3445 : memref<128x32xf32, #tpu.memory_space<hbm>>)
    %dma_wait3A_3449 = arith.constant 640 : i32
    %dma_wait3A_3450 = arith.constant 0 : i32
    %dma_wait3A_3451 = tpu.memref_slice %arg10[%dma_wait3A_3449, %dma_wait3A_3450] : memref<2560x32xf32, #tpu.memory_space<vmem>> -> memref<128x32xf32, #tpu.memory_space<vmem>>
    %dma_wait3A_3452 = arith.constant 0 : i32
    %dma_wait3A_3453 = tpu.memref_slice %arg5[%add3A_26, %dma_wait3A_3452] : memref<81920x32xf32, #tpu.memory_space<hbm>> -> memref<128x32xf32, #tpu.memory_space<hbm>>
    %dma_wait3A_3454 = arith.constant 0 : i32
    %dma_wait3A_3455 = tpu.memref_slice %arg5[%add3A_26, %dma_wait3A_3454] : memref<81920x32xf32, #tpu.memory_space<hbm>> -> memref<128x32xf32, #tpu.memory_space<hbm>>
    %dma_wait3A_3456 = arith.constant 640 : i32
    %dma_wait3A_3457 = arith.constant 0 : i32
    %dma_wait3A_3458 = tpu.memref_slice %arg10[%dma_wait3A_3456, %dma_wait3A_3457] : memref<2560x32xf32, #tpu.memory_space<vmem>> -> memref<128x32xf32, #tpu.memory_space<vmem>>
    tpu.wait_dma2 semaphore(%arg15 : memref<!tpu.dma_semaphore, #tpu.memory_space<semaphore_mem>>) src(%dma_wait3A_3458 : memref<128x32xf32, #tpu.memory_space<vmem>>) dst(%dma_wait3A_3455 : memref<128x32xf32, #tpu.memory_space<hbm>>)
    %dma_wait3A_3459 = arith.constant 768 : i32
    %dma_wait3A_3460 = arith.constant 0 : i32
    %dma_wait3A_3461 = tpu.memref_slice %arg10[%dma_wait3A_3459, %dma_wait3A_3460] : memref<2560x32xf32, #tpu.memory_space<vmem>> -> memref<128x32xf32, #tpu.memory_space<vmem>>
    %dma_wait3A_3462 = arith.constant 0 : i32
    %dma_wait3A_3463 = tpu.memref_slice %arg5[%add3A_30, %dma_wait3A_3462] : memref<81920x32xf32, #tpu.memory_space<hbm>> -> memref<128x32xf32, #tpu.memory_space<hbm>>
    %dma_wait3A_3464 = arith.constant 0 : i32
    %dma_wait3A_3465 = tpu.memref_slice %arg5[%add3A_30, %dma_wait3A_3464] : memref<81920x32xf32, #tpu.memory_space<hbm>> -> memref<128x32xf32, #tpu.memory_space<hbm>>
    %dma_wait3A_3466 = arith.constant 768 : i32
    %dma_wait3A_3467 = arith.constant 0 : i32
    %dma_wait3A_3468 = tpu.memref_slice %arg10[%dma_wait3A_3466, %dma_wait3A_3467] : memref<2560x32xf32, #tpu.memory_space<vmem>> -> memref<128x32xf32, #tpu.memory_space<vmem>>
    tpu.wait_dma2 semaphore(%arg15 : memref<!tpu.dma_semaphore, #tpu.memory_space<semaphore_mem>>) src(%dma_wait3A_3468 : memref<128x32xf32, #tpu.memory_space<vmem>>) dst(%dma_wait3A_3465 : memref<128x32xf32, #tpu.memory_space<hbm>>)
    %dma_wait3A_3469 = arith.constant 896 : i32
    %dma_wait3A_3470 = arith.constant 0 : i32
    %dma_wait3A_3471 = tpu.memref_slice %arg10[%dma_wait3A_3469, %dma_wait3A_3470] : memref<2560x32xf32, #tpu.memory_space<vmem>> -> memref<128x32xf32, #tpu.memory_space<vmem>>
    %dma_wait3A_3472 = arith.constant 0 : i32
    %dma_wait3A_3473 = tpu.memref_slice %arg5[%add3A_34, %dma_wait3A_3472] : memref<81920x32xf32, #tpu.memory_space<hbm>> -> memref<128x32xf32, #tpu.memory_space<hbm>>
    %dma_wait3A_3474 = arith.constant 0 : i32
    %dma_wait3A_3475 = tpu.memref_slice %arg5[%add3A_34, %dma_wait3A_3474] : memref<81920x32xf32, #tpu.memory_space<hbm>> -> memref<128x32xf32, #tpu.memory_space<hbm>>
    %dma_wait3A_3476 = arith.constant 896 : i32
    %dma_wait3A_3477 = arith.constant 0 : i32
    %dma_wait3A_3478 = tpu.memref_slice %arg10[%dma_wait3A_3476, %dma_wait3A_3477] : memref<2560x32xf32, #tpu.memory_space<vmem>> -> memref<128x32xf32, #tpu.memory_space<vmem>>
    tpu.wait_dma2 semaphore(%arg15 : memref<!tpu.dma_semaphore, #tpu.memory_space<semaphore_mem>>) src(%dma_wait3A_3478 : memref<128x32xf32, #tpu.memory_space<vmem>>) dst(%dma_wait3A_3475 : memref<128x32xf32, #tpu.memory_space<hbm>>)
    %dma_wait3A_3479 = arith.constant 1024 : i32
    %dma_wait3A_3480 = arith.constant 0 : i32
    %dma_wait3A_3481 = tpu.memref_slice %arg10[%dma_wait3A_3479, %dma_wait3A_3480] : memref<2560x32xf32, #tpu.memory_space<vmem>> -> memref<128x32xf32, #tpu.memory_space<vmem>>
    %dma_wait3A_3482 = arith.constant 0 : i32
    %dma_wait3A_3483 = tpu.memref_slice %arg5[%add3A_38, %dma_wait3A_3482] : memref<81920x32xf32, #tpu.memory_space<hbm>> -> memref<128x32xf32, #tpu.memory_space<hbm>>
    %dma_wait3A_3484 = arith.constant 0 : i32
    %dma_wait3A_3485 = tpu.memref_slice %arg5[%add3A_38, %dma_wait3A_3484] : memref<81920x32xf32, #tpu.memory_space<hbm>> -> memref<128x32xf32, #tpu.memory_space<hbm>>
    %dma_wait3A_3486 = arith.constant 1024 : i32
    %dma_wait3A_3487 = arith.constant 0 : i32
    %dma_wait3A_3488 = tpu.memref_slice %arg10[%dma_wait3A_3486, %dma_wait3A_3487] : memref<2560x32xf32, #tpu.memory_space<vmem>> -> memref<128x32xf32, #tpu.memory_space<vmem>>
    tpu.wait_dma2 semaphore(%arg15 : memref<!tpu.dma_semaphore, #tpu.memory_space<semaphore_mem>>) src(%dma_wait3A_3488 : memref<128x32xf32, #tpu.memory_space<vmem>>) dst(%dma_wait3A_3485 : memref<128x32xf32, #tpu.memory_space<hbm>>)
    %dma_wait3A_3489 = arith.constant 1152 : i32
    %dma_wait3A_3490 = arith.constant 0 : i32
    %dma_wait3A_3491 = tpu.memref_slice %arg10[%dma_wait3A_3489, %dma_wait3A_3490] : memref<2560x32xf32, #tpu.memory_space<vmem>> -> memref<128x32xf32, #tpu.memory_space<vmem>>
    %dma_wait3A_3492 = arith.constant 0 : i32
    %dma_wait3A_3493 = tpu.memref_slice %arg5[%add3A_42, %dma_wait3A_3492] : memref<81920x32xf32, #tpu.memory_space<hbm>> -> memref<128x32xf32, #tpu.memory_space<hbm>>
    %dma_wait3A_3494 = arith.constant 0 : i32
    %dma_wait3A_3495 = tpu.memref_slice %arg5[%add3A_42, %dma_wait3A_3494] : memref<81920x32xf32, #tpu.memory_space<hbm>> -> memref<128x32xf32, #tpu.memory_space<hbm>>
    %dma_wait3A_3496 = arith.constant 1152 : i32
    %dma_wait3A_3497 = arith.constant 0 : i32
    %dma_wait3A_3498 = tpu.memref_slice %arg10[%dma_wait3A_3496, %dma_wait3A_3497] : memref<2560x32xf32, #tpu.memory_space<vmem>> -> memref<128x32xf32, #tpu.memory_space<vmem>>
    tpu.wait_dma2 semaphore(%arg15 : memref<!tpu.dma_semaphore, #tpu.memory_space<semaphore_mem>>) src(%dma_wait3A_3498 : memref<128x32xf32, #tpu.memory_space<vmem>>) dst(%dma_wait3A_3495 : memref<128x32xf32, #tpu.memory_space<hbm>>)
    %dma_wait3A_3499 = arith.constant 1280 : i32
    %dma_wait3A_3500 = arith.constant 0 : i32
    %dma_wait3A_3501 = tpu.memref_slice %arg10[%dma_wait3A_3499, %dma_wait3A_3500] : memref<2560x32xf32, #tpu.memory_space<vmem>> -> memref<128x32xf32, #tpu.memory_space<vmem>>
    %dma_wait3A_3502 = arith.constant 0 : i32
    %dma_wait3A_3503 = tpu.memref_slice %arg5[%add3A_46, %dma_wait3A_3502] : memref<81920x32xf32, #tpu.memory_space<hbm>> -> memref<128x32xf32, #tpu.memory_space<hbm>>
    %dma_wait3A_3504 = arith.constant 0 : i32
    %dma_wait3A_3505 = tpu.memref_slice %arg5[%add3A_46, %dma_wait3A_3504] : memref<81920x32xf32, #tpu.memory_space<hbm>> -> memref<128x32xf32, #tpu.memory_space<hbm>>
    %dma_wait3A_3506 = arith.constant 1280 : i32
    %dma_wait3A_3507 = arith.constant 0 : i32
    %dma_wait3A_3508 = tpu.memref_slice %arg10[%dma_wait3A_3506, %dma_wait3A_3507] : memref<2560x32xf32, #tpu.memory_space<vmem>> -> memref<128x32xf32, #tpu.memory_space<vmem>>
    tpu.wait_dma2 semaphore(%arg15 : memref<!tpu.dma_semaphore, #tpu.memory_space<semaphore_mem>>) src(%dma_wait3A_3508 : memref<128x32xf32, #tpu.memory_space<vmem>>) dst(%dma_wait3A_3505 : memref<128x32xf32, #tpu.memory_space<hbm>>)
    %dma_wait3A_3509 = arith.constant 1408 : i32
    %dma_wait3A_3510 = arith.constant 0 : i32
    %dma_wait3A_3511 = tpu.memref_slice %arg10[%dma_wait3A_3509, %dma_wait3A_3510] : memref<2560x32xf32, #tpu.memory_space<vmem>> -> memref<128x32xf32, #tpu.memory_space<vmem>>
    %dma_wait3A_3512 = arith.constant 0 : i32
    %dma_wait3A_3513 = tpu.memref_slice %arg5[%add3A_50, %dma_wait3A_3512] : memref<81920x32xf32, #tpu.memory_space<hbm>> -> memref<128x32xf32, #tpu.memory_space<hbm>>
    %dma_wait3A_3514 = arith.constant 0 : i32
    %dma_wait3A_3515 = tpu.memref_slice %arg5[%add3A_50, %dma_wait3A_3514] : memref<81920x32xf32, #tpu.memory_space<hbm>> -> memref<128x32xf32, #tpu.memory_space<hbm>>
    %dma_wait3A_3516 = arith.constant 1408 : i32
    %dma_wait3A_3517 = arith.constant 0 : i32
    %dma_wait3A_3518 = tpu.memref_slice %arg10[%dma_wait3A_3516, %dma_wait3A_3517] : memref<2560x32xf32, #tpu.memory_space<vmem>> -> memref<128x32xf32, #tpu.memory_space<vmem>>
    tpu.wait_dma2 semaphore(%arg15 : memref<!tpu.dma_semaphore, #tpu.memory_space<semaphore_mem>>) src(%dma_wait3A_3518 : memref<128x32xf32, #tpu.memory_space<vmem>>) dst(%dma_wait3A_3515 : memref<128x32xf32, #tpu.memory_space<hbm>>)
    %dma_wait3A_3519 = arith.constant 1536 : i32
    %dma_wait3A_3520 = arith.constant 0 : i32
    %dma_wait3A_3521 = tpu.memref_slice %arg10[%dma_wait3A_3519, %dma_wait3A_3520] : memref<2560x32xf32, #tpu.memory_space<vmem>> -> memref<128x32xf32, #tpu.memory_space<vmem>>
    %dma_wait3A_3522 = arith.constant 0 : i32
    %dma_wait3A_3523 = tpu.memref_slice %arg5[%add3A_54, %dma_wait3A_3522] : memref<81920x32xf32, #tpu.memory_space<hbm>> -> memref<128x32xf32, #tpu.memory_space<hbm>>
    %dma_wait3A_3524 = arith.constant 0 : i32
    %dma_wait3A_3525 = tpu.memref_slice %arg5[%add3A_54, %dma_wait3A_3524] : memref<81920x32xf32, #tpu.memory_space<hbm>> -> memref<128x32xf32, #tpu.memory_space<hbm>>
    %dma_wait3A_3526 = arith.constant 1536 : i32
    %dma_wait3A_3527 = arith.constant 0 : i32
    %dma_wait3A_3528 = tpu.memref_slice %arg10[%dma_wait3A_3526, %dma_wait3A_3527] : memref<2560x32xf32, #tpu.memory_space<vmem>> -> memref<128x32xf32, #tpu.memory_space<vmem>>
    tpu.wait_dma2 semaphore(%arg15 : memref<!tpu.dma_semaphore, #tpu.memory_space<semaphore_mem>>) src(%dma_wait3A_3528 : memref<128x32xf32, #tpu.memory_space<vmem>>) dst(%dma_wait3A_3525 : memref<128x32xf32, #tpu.memory_space<hbm>>)
    %dma_wait3A_3529 = arith.constant 1664 : i32
    %dma_wait3A_3530 = arith.constant 0 : i32
    %dma_wait3A_3531 = tpu.memref_slice %arg10[%dma_wait3A_3529, %dma_wait3A_3530] : memref<2560x32xf32, #tpu.memory_space<vmem>> -> memref<128x32xf32, #tpu.memory_space<vmem>>
    %dma_wait3A_3532 = arith.constant 0 : i32
    %dma_wait3A_3533 = tpu.memref_slice %arg5[%add3A_58, %dma_wait3A_3532] : memref<81920x32xf32, #tpu.memory_space<hbm>> -> memref<128x32xf32, #tpu.memory_space<hbm>>
    %dma_wait3A_3534 = arith.constant 0 : i32
    %dma_wait3A_3535 = tpu.memref_slice %arg5[%add3A_58, %dma_wait3A_3534] : memref<81920x32xf32, #tpu.memory_space<hbm>> -> memref<128x32xf32, #tpu.memory_space<hbm>>
    %dma_wait3A_3536 = arith.constant 1664 : i32
    %dma_wait3A_3537 = arith.constant 0 : i32
    %dma_wait3A_3538 = tpu.memref_slice %arg10[%dma_wait3A_3536, %dma_wait3A_3537] : memref<2560x32xf32, #tpu.memory_space<vmem>> -> memref<128x32xf32, #tpu.memory_space<vmem>>
    tpu.wait_dma2 semaphore(%arg15 : memref<!tpu.dma_semaphore, #tpu.memory_space<semaphore_mem>>) src(%dma_wait3A_3538 : memref<128x32xf32, #tpu.memory_space<vmem>>) dst(%dma_wait3A_3535 : memref<128x32xf32, #tpu.memory_space<hbm>>)
    %dma_wait3A_3539 = arith.constant 1792 : i32
    %dma_wait3A_3540 = arith.constant 0 : i32
    %dma_wait3A_3541 = tpu.memref_slice %arg10[%dma_wait3A_3539, %dma_wait3A_3540] : memref<2560x32xf32, #tpu.memory_space<vmem>> -> memref<128x32xf32, #tpu.memory_space<vmem>>
    %dma_wait3A_3542 = arith.constant 0 : i32
    %dma_wait3A_3543 = tpu.memref_slice %arg5[%add3A_62, %dma_wait3A_3542] : memref<81920x32xf32, #tpu.memory_space<hbm>> -> memref<128x32xf32, #tpu.memory_space<hbm>>
    %dma_wait3A_3544 = arith.constant 0 : i32
    %dma_wait3A_3545 = tpu.memref_slice %arg5[%add3A_62, %dma_wait3A_3544] : memref<81920x32xf32, #tpu.memory_space<hbm>> -> memref<128x32xf32, #tpu.memory_space<hbm>>
    %dma_wait3A_3546 = arith.constant 1792 : i32
    %dma_wait3A_3547 = arith.constant 0 : i32
    %dma_wait3A_3548 = tpu.memref_slice %arg10[%dma_wait3A_3546, %dma_wait3A_3547] : memref<2560x32xf32, #tpu.memory_space<vmem>> -> memref<128x32xf32, #tpu.memory_space<vmem>>
    tpu.wait_dma2 semaphore(%arg15 : memref<!tpu.dma_semaphore, #tpu.memory_space<semaphore_mem>>) src(%dma_wait3A_3548 : memref<128x32xf32, #tpu.memory_space<vmem>>) dst(%dma_wait3A_3545 : memref<128x32xf32, #tpu.memory_space<hbm>>)
    %dma_wait3A_3549 = arith.constant 1920 : i32
    %dma_wait3A_3550 = arith.constant 0 : i32
    %dma_wait3A_3551 = tpu.memref_slice %arg10[%dma_wait3A_3549, %dma_wait3A_3550] : memref<2560x32xf32, #tpu.memory_space<vmem>> -> memref<128x32xf32, #tpu.memory_space<vmem>>
    %dma_wait3A_3552 = arith.constant 0 : i32
    %dma_wait3A_3553 = tpu.memref_slice %arg5[%add3A_66, %dma_wait3A_3552] : memref<81920x32xf32, #tpu.memory_space<hbm>> -> memref<128x32xf32, #tpu.memory_space<hbm>>
    %dma_wait3A_3554 = arith.constant 0 : i32
    %dma_wait3A_3555 = tpu.memref_slice %arg5[%add3A_66, %dma_wait3A_3554] : memref<81920x32xf32, #tpu.memory_space<hbm>> -> memref<128x32xf32, #tpu.memory_space<hbm>>
    %dma_wait3A_3556 = arith.constant 1920 : i32
    %dma_wait3A_3557 = arith.constant 0 : i32
    %dma_wait3A_3558 = tpu.memref_slice %arg10[%dma_wait3A_3556, %dma_wait3A_3557] : memref<2560x32xf32, #tpu.memory_space<vmem>> -> memref<128x32xf32, #tpu.memory_space<vmem>>
    tpu.wait_dma2 semaphore(%arg15 : memref<!tpu.dma_semaphore, #tpu.memory_space<semaphore_mem>>) src(%dma_wait3A_3558 : memref<128x32xf32, #tpu.memory_space<vmem>>) dst(%dma_wait3A_3555 : memref<128x32xf32, #tpu.memory_space<hbm>>)
    %dma_wait3A_3559 = arith.constant 2048 : i32
    %dma_wait3A_3560 = arith.constant 0 : i32
    %dma_wait3A_3561 = tpu.memref_slice %arg10[%dma_wait3A_3559, %dma_wait3A_3560] : memref<2560x32xf32, #tpu.memory_space<vmem>> -> memref<128x32xf32, #tpu.memory_space<vmem>>
    %dma_wait3A_3562 = arith.constant 0 : i32
    %dma_wait3A_3563 = tpu.memref_slice %arg5[%add3A_70, %dma_wait3A_3562] : memref<81920x32xf32, #tpu.memory_space<hbm>> -> memref<128x32xf32, #tpu.memory_space<hbm>>
    %dma_wait3A_3564 = arith.constant 0 : i32
    %dma_wait3A_3565 = tpu.memref_slice %arg5[%add3A_70, %dma_wait3A_3564] : memref<81920x32xf32, #tpu.memory_space<hbm>> -> memref<128x32xf32, #tpu.memory_space<hbm>>
    %dma_wait3A_3566 = arith.constant 2048 : i32
    %dma_wait3A_3567 = arith.constant 0 : i32
    %dma_wait3A_3568 = tpu.memref_slice %arg10[%dma_wait3A_3566, %dma_wait3A_3567] : memref<2560x32xf32, #tpu.memory_space<vmem>> -> memref<128x32xf32, #tpu.memory_space<vmem>>
    tpu.wait_dma2 semaphore(%arg15 : memref<!tpu.dma_semaphore, #tpu.memory_space<semaphore_mem>>) src(%dma_wait3A_3568 : memref<128x32xf32, #tpu.memory_space<vmem>>) dst(%dma_wait3A_3565 : memref<128x32xf32, #tpu.memory_space<hbm>>)
    %dma_wait3A_3569 = arith.constant 2176 : i32
    %dma_wait3A_3570 = arith.constant 0 : i32
    %dma_wait3A_3571 = tpu.memref_slice %arg10[%dma_wait3A_3569, %dma_wait3A_3570] : memref<2560x32xf32, #tpu.memory_space<vmem>> -> memref<128x32xf32, #tpu.memory_space<vmem>>
    %dma_wait3A_3572 = arith.constant 0 : i32
    %dma_wait3A_3573 = tpu.memref_slice %arg5[%add3A_74, %dma_wait3A_3572] : memref<81920x32xf32, #tpu.memory_space<hbm>> -> memref<128x32xf32, #tpu.memory_space<hbm>>
    %dma_wait3A_3574 = arith.constant 0 : i32
    %dma_wait3A_3575 = tpu.memref_slice %arg5[%add3A_74, %dma_wait3A_3574] : memref<81920x32xf32, #tpu.memory_space<hbm>> -> memref<128x32xf32, #tpu.memory_space<hbm>>
    %dma_wait3A_3576 = arith.constant 2176 : i32
    %dma_wait3A_3577 = arith.constant 0 : i32
    %dma_wait3A_3578 = tpu.memref_slice %arg10[%dma_wait3A_3576, %dma_wait3A_3577] : memref<2560x32xf32, #tpu.memory_space<vmem>> -> memref<128x32xf32, #tpu.memory_space<vmem>>
    tpu.wait_dma2 semaphore(%arg15 : memref<!tpu.dma_semaphore, #tpu.memory_space<semaphore_mem>>) src(%dma_wait3A_3578 : memref<128x32xf32, #tpu.memory_space<vmem>>) dst(%dma_wait3A_3575 : memref<128x32xf32, #tpu.memory_space<hbm>>)
    %dma_wait3A_3579 = arith.constant 2304 : i32
    %dma_wait3A_3580 = arith.constant 0 : i32
    %dma_wait3A_3581 = tpu.memref_slice %arg10[%dma_wait3A_3579, %dma_wait3A_3580] : memref<2560x32xf32, #tpu.memory_space<vmem>> -> memref<128x32xf32, #tpu.memory_space<vmem>>
    %dma_wait3A_3582 = arith.constant 0 : i32
    %dma_wait3A_3583 = tpu.memref_slice %arg5[%add3A_78, %dma_wait3A_3582] : memref<81920x32xf32, #tpu.memory_space<hbm>> -> memref<128x32xf32, #tpu.memory_space<hbm>>
    %dma_wait3A_3584 = arith.constant 0 : i32
    %dma_wait3A_3585 = tpu.memref_slice %arg5[%add3A_78, %dma_wait3A_3584] : memref<81920x32xf32, #tpu.memory_space<hbm>> -> memref<128x32xf32, #tpu.memory_space<hbm>>
    %dma_wait3A_3586 = arith.constant 2304 : i32
    %dma_wait3A_3587 = arith.constant 0 : i32
    %dma_wait3A_3588 = tpu.memref_slice %arg10[%dma_wait3A_3586, %dma_wait3A_3587] : memref<2560x32xf32, #tpu.memory_space<vmem>> -> memref<128x32xf32, #tpu.memory_space<vmem>>
    tpu.wait_dma2 semaphore(%arg15 : memref<!tpu.dma_semaphore, #tpu.memory_space<semaphore_mem>>) src(%dma_wait3A_3588 : memref<128x32xf32, #tpu.memory_space<vmem>>) dst(%dma_wait3A_3585 : memref<128x32xf32, #tpu.memory_space<hbm>>)
    %dma_wait3A_3589 = arith.constant 2432 : i32
    %dma_wait3A_3590 = arith.constant 0 : i32
    %dma_wait3A_3591 = tpu.memref_slice %arg10[%dma_wait3A_3589, %dma_wait3A_3590] : memref<2560x32xf32, #tpu.memory_space<vmem>> -> memref<128x32xf32, #tpu.memory_space<vmem>>
    %dma_wait3A_3592 = arith.constant 0 : i32
    %dma_wait3A_3593 = tpu.memref_slice %arg5[%add3A_82, %dma_wait3A_3592] : memref<81920x32xf32, #tpu.memory_space<hbm>> -> memref<128x32xf32, #tpu.memory_space<hbm>>
    %dma_wait3A_3594 = arith.constant 0 : i32
    %dma_wait3A_3595 = tpu.memref_slice %arg5[%add3A_82, %dma_wait3A_3594] : memref<81920x32xf32, #tpu.memory_space<hbm>> -> memref<128x32xf32, #tpu.memory_space<hbm>>
    %dma_wait3A_3596 = arith.constant 2432 : i32
    %dma_wait3A_3597 = arith.constant 0 : i32
    %dma_wait3A_3598 = tpu.memref_slice %arg10[%dma_wait3A_3596, %dma_wait3A_3597] : memref<2560x32xf32, #tpu.memory_space<vmem>> -> memref<128x32xf32, #tpu.memory_space<vmem>>
    tpu.wait_dma2 semaphore(%arg15 : memref<!tpu.dma_semaphore, #tpu.memory_space<semaphore_mem>>) src(%dma_wait3A_3598 : memref<128x32xf32, #tpu.memory_space<vmem>>) dst(%dma_wait3A_3595 : memref<128x32xf32, #tpu.memory_space<hbm>>)
    return
  }
}

</mosaic_0001>

<sc_bundles>
// kernel: _embed.3.cloned.1.call-start
scs
__scs_entry_jumppad:
0x0: {  	(pc) =	sbr.rel $0x88, $3  }
0x1: {  	(tag) =	ssettag $0x0;
	lr =	simm.s32 $0x1  }
0x2: {  	[smem:$0x3F9E] =	sst lr;
	_ =	strace $0xD0000000  }
0x3: {  	_ = 	snop  }
0x4: {  	_ = 	snop  }
0x5: {  	_ = 	snop  }
0x6: {  	_ = 	snop  }
0x7: {  	_ = 	snop  }
__scs_overlays_trampoline_lowered:
0x8: {  	[smem:$0x3FAD] =	sst s0  }
0x9: {  	[smem:$0x3FAE] =	sst s1  }
0xa: {  	[smem:$0x3FAF] =	sst s2  }
0xb: {  	[smem:$0x3FB0] =	sst s3  }
0xc: {  	[smem:$0x3FB1] =	sst s4  }
0xd: {  	[smem:$0x3FB2] =	sst s5  }
0xe: {  	[smem:$0x3FB3] =	sst s6  }
0xf: {  	[smem:$0x3FB4] =	sst s7  }
0x10: {  	[smem:$0x3FB5] =	sst s8  }
0x11: {  	[smem:$0x3FB6] =	sst s9;
	s0 =	simm.s32 @!p0 $0x0  }
0x12: {  	s1 =	sld [smem:$0x3F9C];
	s0 =	simm.s32 @p0 $0x1  }
0x13: {  	[smem:$0x3FB7] =	sst s0;
	s0 =	simm.s32 @!p1 $0x0  }
0x14: {  	s2 =	sld [smem:$0x3F9B];
	s0 =	simm.s32 @p1 $0x1  }
0x15: {  	[smem:$0x3FB8] =	sst s0;
	s0 =	simm.s32 @!p2 $0x0  }
0x16: {  	s3 =	sld [smem:$0x3FDB];
	s0 =	simm.s32 @p2 $0x1  }
0x17: {  	s4 =	simm.s32 $0x1BF5;
	[smem:$0x3FBA] =	sst s0  }
0x18: {  	s0 =	sld [smem:$0x3F9D];
	_ =	swait.ge [sflag:s4], $0x0  }
0x19: {  	s7 =	sld [smem:$0x3F9E]  }
0x1a: {  	s8 =	sadd.s32 $0xFFFFE003, lr  }
0x1b: {  	s9 =	sadd.s32 $0xFFFFFEF7, lr;
	s5 =	simm.s32 $0xFFFFFFFF;
	p2 =	slt.u32 s8, $0xFFFFF086  }
0x1c: {  	p1 =	slt.u32 s9, $0xF7A;
	s5 =	simm.s32 @!p2 $0x0  }
0x1d: {  	s5 =	simm.s32 @p1 $0x1;
	p0 =	seq.s32 s7, s2  }
0x1e: {  	s7 =	smul.u32 @!p0 $0xF7A, s2;
	p2 =	seq.s32 @!p0 s5, $0x0  }
0x1f: {  	s9 =	smul.u32 $0xF7A, s1;
	s8 =	simm.s32 @!p0 $0x1BF5;
	p2 =	por !p2, p0  }
0x20: {  	[sflag:s8] =	ssyncset.s32 @!p0 $0xFFFFF086;
	s6 =	sadd.s32 @!p0 s3, s7;
	s7 =	simm.s32 @!p0 $0x108  }
0x21: {  	s3 =	sadd.s32 s3, s9;
	s6 =	sadd.s32 @!p0 $0x88, s6;
	s7 =	simm.s32 @p2 $0x1082  }
0x22: {  	[simem:s7], [sflag:s8] =	dma.local @!p0 [hbm:s6], $0xF7A  }
0x23: {  	s9 =	sor.u32 $0xD0000000, s2;
	s6 =	simm.s32 $0x108;
	_ =	swait.ge @!p0 [sflag:s8], $0x0  }
0x24: {  	s3 =	sadd.s32 $0x88, s3;
	s6 =	simm.s32 @!p1 $0x1082;
	[sflag:s4] =	ssyncset.s32 $0xFFFFF086  }
0x25: {  	[simem:s6], [sflag:s4] =	dma.local [hbm:s3], $0xF7A  }
0x26: {  	[smem:$0x3F9E] =	sst s1;
	(tag) =	ssettag s2;
	_ =	strace s9  }
0x27: {  	s1 =	sld [smem:$0x3FAE]  }
0x28: {  	s2 =	sld [smem:$0x3FAF]  }
0x29: {  	s4 =	sld [smem:$0x3FB1]  }
0x2a: {  	p0 =	seq.s32 s5, $0x0;
	s5 =	sld [smem:$0x3FB2]  }
0x2b: {  	s6 =	sld [smem:$0x3FB3]  }
0x2c: {  	s7 =	sld [smem:$0x3FB4]  }
0x2d: {  	s3 =	simm.s32 $0x108;
	s8 =	sld [smem:$0x3FB5]  }
0x2e: {  	s3 =	simm.s32 @!p0 $0x1082;
	s9 =	sld [smem:$0x3FB6]  }
0x2f: {  	lr =	sadd.s32 s0, s3;
	s0 =	sld [smem:$0x3FAD]  }
0x30: {  	s3 =	sld [smem:$0x3FB0]  }
0x31: {  	[smem:$0x3FB9] =	sst s10  }
0x32: {  	s10 =	sld [smem:$0x3FB7];
	_ =	sdelay $0x3  }
0x33: {  	p0 =	seq.s32 s10, $0x1;
	s10 =	sld [smem:$0x3FB9];
	_ =	sdelay $0x3  }
0x34: {  	[smem:$0x3FB9] =	sst s10  }
0x35: {  	s10 =	sld [smem:$0x3FB8];
	_ =	sdelay $0x3  }
0x36: {  	p1 =	seq.s32 s10, $0x1;
	s10 =	sld [smem:$0x3FB9];
	_ =	sdelay $0x3  }
0x37: {  	[smem:$0x3FB9] =	sst s10  }
0x38: {  	s10 =	sld [smem:$0x3FBA]  }
0x39: {  	_ = 	snop;
	(pc) =	sbr.ind lr, $3  }
0x3a: {  	_ = 	snop  }
0x3b: {  	_ = 	snop  }
0x3c: {  	p2 =	seq.s32 s10, $0x1;
	s10 =	sld [smem:$0x3FB9]  }
0x3d: {  	_ =	shalt  }
0x3e: {  	_ =	shalt  }
0x3f: {  	_ =	shalt  }
0x40: {  	_ =	shalt  }
0x41: {  	_ =	shalt  }
0x42: {  	_ =	shalt  }
0x43: {  	_ =	shalt  }
0x44: {  	_ =	shalt  }
0x45: {  	_ =	shalt  }
0x46: {  	_ =	shalt  }
0x47: {  	_ =	shalt  }
0x48: {  	_ =	shalt  }
0x49: {  	_ =	shalt  }
0x4a: {  	_ =	shalt  }
0x4b: {  	_ =	shalt  }
0x4c: {  	_ =	shalt  }
0x4d: {  	_ =	shalt  }
0x4e: {  	_ =	shalt  }
0x4f: {  	_ =	shalt  }
0x50: {  	_ =	shalt  }
0x51: {  	_ =	shalt  }
0x52: {  	_ =	shalt  }
0x53: {  	_ =	shalt  }
0x54: {  	_ =	shalt  }
0x55: {  	_ =	shalt  }
0x56: {  	_ =	shalt  }
0x57: {  	_ =	shalt  }
0x58: {  	_ =	shalt  }
0x59: {  	_ =	shalt  }
0x5a: {  	_ =	shalt  }
0x5b: {  	_ =	shalt  }
0x5c: {  	_ =	shalt  }
0x5d: {  	_ =	shalt  }
0x5e: {  	_ =	shalt  }
0x5f: {  	_ =	shalt  }
0x60: {  	_ =	shalt  }
0x61: {  	_ =	shalt  }
0x62: {  	_ =	shalt  }
0x63: {  	_ =	shalt  }
0x64: {  	_ =	shalt  }
0x65: {  	_ =	shalt  }
0x66: {  	_ =	shalt  }
0x67: {  	_ =	shalt  }
0x68: {  	_ =	shalt  }
0x69: {  	_ =	shalt  }
0x6a: {  	_ =	shalt  }
0x6b: {  	_ =	shalt  }
0x6c: {  	_ =	shalt  }
0x6d: {  	_ =	shalt  }
0x6e: {  	_ =	shalt  }
0x6f: {  	_ =	shalt  }
0x70: {  	_ =	shalt  }
0x71: {  	_ =	shalt  }
0x72: {  	_ =	shalt  }
0x73: {  	_ =	shalt  }
0x74: {  	_ =	shalt  }
0x75: {  	_ =	shalt  }
0x76: {  	_ =	shalt  }
0x77: {  	_ =	shalt  }
0x78: {  	_ =	shalt  }
0x79: {  	_ =	shalt  }
0x7a: {  	_ =	shalt  }
0x7b: {  	_ =	shalt  }
0x7c: {  	_ =	shalt  }
0x7d: {  	_ =	shalt  }
0x7e: {  	_ =	shalt  }
0x7f: {  	_ =	shalt  }
0x80: {  	_ =	shalt  }
0x81: {  	_ =	shalt  }
0x82: {  	_ =	shalt  }
0x83: {  	_ =	shalt  }
0x84: {  	_ =	shalt  }
0x85: {  	_ =	shalt  }
0x86: {  	_ =	shalt  }
0x87: {  	_ =	shalt  }
.Lfunc_end0:
.L_simem_size_0:
called_computation_lowered:
.L_overlay_start_0:
0x88: {  	s2 =	sld [smem:$0x3FD9]  }
0x89: {  	s3 =	sld [smem:$0x3FFE];
	_ =	sdelay $0x1  }
0x8a: {  	s1 =	srdreg.scid  }
0x8b: {  	s0 =	sand.u32 $0x1, s1  }
0x8c: {  	s17 =	sshll.u32 s0, $0xA;
	s2 =	sadd.s32 s3, s2  }
0x8d: {  	s2 =	sadd.s32 s2, s17  }
0x8e: {  	[smem:$0x3FC5] =	sst s2  }
0x8f: {  	_ = 	snop  }
0x90: {  	s2 =	sld [smem:$0x3FD0];
	(tm) =	ssettm $0x1  }
0x91: {  	s18 =	sld [smem:$0x3FFB];
	_ =	sdelay $0x3  }
0x92: {  	_ =	strace s18  }
0x93: {  	s3 =	sld [smem:$0x3FFC];
	_ =	sdelay $0x3  }
0x94: {  	_ =	strace s3  }
0x95: {  	s3 =	sld [smem:$0x3FFD];
	_ =	sdelay $0x3  }
0x96: {  	_ =	strace s3  }
0x97: {  	_ =	strace $0x8FFFFFFF  }
0x98: {  	s19 =	sld [smem:$0x3FDB];
	_ =	sdelay $0x1  }
0x99: {  	s4 =	simm.s32 $_scs_section_size  }
0x9a: {  	s5 =	simm.s32 $_size__tile_overlayer_lowered;
	s6 =	simm.s32 $_tile_overlayer_lowered  }
0x9b: {  	s22 =	simm.s32 $0x1BFF;
	s21 =	sshll.u32 s6, $0x1;
	s3 =	sadd.s32 s4, s19  }
0x9c: {  	s7 =	simm.s32 $0x0;
	s20 =	sshll.u32 s5, $0x1;
	s5 =	sadd.s32 s21, s3  }
0x9d: {  	[timem:s7], [sflag:s22] =	dma.local [hbm:s5], s20  }
0x9e: {  	_ =	swait.ge [sflag:s22], s20  }
0x9f: {  	s4 =	ssub.s32 $0x0, s20;
	[sflag:s22] =	ssyncset.done $0x0  }
0xa0: {  	[sflag:s22] =	ssyncadd.s32 s4;
	_ =	sdelay $0x1  }
0xa1: {  	s23 =	simm.s32 $0x1B8B  }
0xa2: {  	_ =	swait.ge [sflag:s23], $0x1  }
0xa3: {  	[sflag:s23] =	ssyncset.done $0x0  }
0xa4: {  	s25 =	simm.s32 $0x1B8E;
	s24 =	sld [smem:$0x3FFE];
	[sflag:s23] =	ssyncadd.s32 $0xFFFFFFFF  }
0xa5: {  	s26 =	simm.s32 $execute0_lowered;
	[smem:$0x3FD2] =	sst s25  }
0xa6: {  	s5 =	sshll.u32 s26, $0x1;
	_ =	strace $0x80000046;
	[dreg:$0x1] =	wrdreg $0xFFFFFFFF  }
0xa7: {  	s28 =	simm.s32 $_size_execute0_lowered;
	s3 =	sadd.s32 s3, s5;
	[dreg:$0x0] =	wrdreg $0x0  }
0xa8: {  	s5 =	sshll.u32 s28, $0x1;
	[dreg:$0x2] =	wrdreg s3  }
0xa9: {  	[dreg:$0x3] =	wrdreg s5  }
0xaa: {  	[dreg:$0x4] =	wrdreg $0xC0  }
0xab: {  	_ =	task [dreg:s7], $0x5FFFF  }
0xac: {  	[dreg:$0x1] =	wrdreg $0xFFFFFFFF  }
0xad: {  	[dreg:$0x0] =	wrdreg $0x60  }
0xae: {  	[dreg:$0x2] =	wrdreg s24  }
0xaf: {  	[dreg:$0x3] =	wrdreg s2  }
0xb0: {  	[dreg:$0x4] =	wrdreg $0xA500  }
0xb1: {  	[dreg:$0x5] =	wrdreg $0x9  }
0xb2: {  	_ =	task.clear_ibuf [dreg:s7], $0x6FFFF;
	_ =	strace $0x90000046  }
0xb3: {  	s29 =	simm.s32 $0x9;
	_ =	strace $0x80000048  }
0xb4: {  	_ =	swait.ge [sflag:s29], $0x1  }
0xb5: {  	[sflag:s29] =	ssyncadd.s32 $0xFFFFFFFF  }
0xb6: {  	_ =	strace $0x90000048  }
0xb7: {  	_ =	sfence  }
0xb8: {  	s30 =	sld [smem:$0x0];
	_ =	sdelay $0x2  }
0xb9: {  	s31 =	sshll.u32 s1, $0xD;
	s1 =	sshrl.u32 s1, $0x2  }
0xba: {  	s3 =	sand.u32 $0x4000, s31;
	s1 =	sadd.s32 s1, s30  }
0xbb: {  	s0 =	sor.u32 s3, s0;
	s1 =	sshll.u32 s1, $0x11  }
0xbc: {  	s0 =	sor.u32 s1, s0  }
0xbd: {  	s0 =	sadd.s32 $0x8F2B, s0  }
0xbe: {  	[sflag:s0] =	ssyncadd.remote.s32 $0x1  }
0xbf: {  	_ =	sfence.sel $0xFFFF  }
0xc0: {  	[dreg:$0x0] =	wrdreg $0xFFFFFFFF;
	(pc) =	sbr.abs _section_cstart, $3  }
0xc1: {  	[dreg:$0x1] =	wrdreg $0xFFFFFFFF  }
0xc2: {  	_ =	task.clear_ibuf [dreg:s7], $0x2FFFF;
	_ =	strace $0x9FFFFFFF  }
0xc3: {  	(tm) =	ssettm $0x7FFFFFFF  }
tec
execute0_lowered:
.L_overlay_start_1:
0x0: {  	(tag) =	ssettag $0x1  }
0x1: {  	s3 =	rddreg [dreg:$0x0]  }
0x2: {  	s4 =	rddreg [dreg:$0x1]  }
0x3: {  	s1 =	rddreg [dreg:$0x2]  }
0x4: {  	s5 =	srdreg.scid;
	s0 =	stileid.u32  }
0x5: {  	s2 =	simm.s32 $0x0;
	s5 =	sand.u32 $0x1, s5;
	s6 =	sshll.u32 s0, $0x1  }
0x6: {  	[smem:$0x7FF] =	sst s2;
	s8 =	sadd.s32 $0x400, s3;
	s26 =	sadd.s32 $0x600, s3  }
0x7: {  	s6 =	sor.u32 s5, s6;
	_ =	strace $0x80000047;
	[dreg:$0x4] =	wrdreg s8  }
0x8: {  	[dreg:$0x5] =	wrdreg s26;
	s7 =	smul.u32 $0x140, s6  }
0x9: {  	s5 =	ssub.s32 $0x2, s5;
	s8 =	simm.s32 $0xB78;
	s9 =	smul.u32 $0x2800, s6  }
0xa: {  	s6 =	smul.u32 $0x14000, s6;
	s25 =	sshrl.u32 s5, $0x1;
	[dreg:$0x1c] =	wrdreg s8  }
0xb: {  	s5 =	ssub.s32 s5, s25;
	s25 =	simm.s32 $0x13F8;
	s3 =	sadd.s32 s7, s3  }
0xc: {  	[smem:$0x7FC] =	sst s25;
	s7 =	sadd.s32 $0x800, s3;
	s3 =	sadd.s32 s4, s9  }
0xd: {  	[dreg:$0x6] =	wrdreg s7;
	s9 =	sadd.s32 $0x200, s3  }
0xe: {  	s6 =	sshrl.u32 s6, $0x3;
	s10 =	sadd.s32 $0x400, s3;
	[dreg:$0x7] =	wrdreg s9  }
0xf: {  	s4 =	sadd.s32 s4, s6;
	s11 =	sadd.s32 $0x600, s3;
	[dreg:$0x8] =	wrdreg s10  }
0x10: {  	s6 =	sadd.s32 $0x800, s4;
	[dreg:$0x9] =	wrdreg s11  }
0x11: {  	s12 =	sadd.s32 $0xA00, s4;
	[dreg:$0xa] =	wrdreg s6  }
0x12: {  	s13 =	sadd.s32 $0xC00, s4;
	[dreg:$0xb] =	wrdreg s12  }
0x13: {  	s14 =	sadd.s32 $0xE00, s4;
	[dreg:$0xc] =	wrdreg s13  }
0x14: {  	s15 =	sadd.s32 $0x1000, s4;
	[dreg:$0xd] =	wrdreg s14  }
0x15: {  	s16 =	sadd.s32 $0x1200, s4;
	[dreg:$0xe] =	wrdreg s15  }
0x16: {  	s17 =	sadd.s32 $0x1400, s4;
	[dreg:$0xf] =	wrdreg s16  }
0x17: {  	s18 =	sadd.s32 $0x1600, s4;
	[dreg:$0x10] =	wrdreg s17  }
0x18: {  	s19 =	sadd.s32 $0x1800, s4;
	[dreg:$0x11] =	wrdreg s18  }
0x19: {  	s20 =	sadd.s32 $0x1A00, s4;
	[dreg:$0x12] =	wrdreg s19  }
0x1a: {  	s21 =	sadd.s32 $0x1C00, s4;
	[dreg:$0x13] =	wrdreg s20  }
0x1b: {  	s22 =	sadd.s32 $0x1E00, s4;
	[dreg:$0x14] =	wrdreg s21  }
0x1c: {  	s23 =	sadd.s32 $0x2000, s4;
	[dreg:$0x15] =	wrdreg s22  }
0x1d: {  	s24 =	sadd.s32 $0x2200, s4;
	[dreg:$0x16] =	wrdreg s23  }
0x1e: {  	s28 =	simm.s32 $0x114F8;
	s26 =	sadd.s32 $0x2400, s4;
	[dreg:$0x17] =	wrdreg s24  }
0x1f: {  	s29 =	simm.s32 $0x124F8;
	s4 =	sadd.s32 $0x2600, s4;
	[dreg:$0x18] =	wrdreg s26  }
0x20: {  	s30 =	simm.s32 $0x134F8;
	s7 =	simm.s32 $0xAF8;
	[dreg:$0x19] =	wrdreg s4  }
0x21: {  	s31 =	simm.s32 $0x144F8;
	s6 =	simm.s32 $0xA00;
	[dreg:$0x1b] =	wrdreg s7  }
0x22: {  	p0 =	sne.s32 s0, $0x0;
	s9 =	simm.s32 $0xBF8;
	[dreg:$0x1a] =	wrdreg s6  }
0x23: {  	s0 =	simm.s32 $0x5;
	s10 =	simm.s32 $0xC78;
	[dreg:$0x1d] =	wrdreg s9  }
0x24: {  	s25 =	simm.s32 $0xF4F8;
	s11 =	simm.s32 $0xCF8;
	[dreg:$0x1e] =	wrdreg s10  }
0x25: {  	s4 =	smax.u32 s5, $0x1;
	s12 =	simm.s32 $0xD78;
	[dreg:$0x1f] =	wrdreg s11  }
0x26: {  	s5 =	simm.s32 $0x6;
	s13 =	simm.s32 $0xDF8;
	[smem:$0x7EF] =	sst s12  }
0x27: {  	s14 =	simm.s32 $0xE78;
	s15 =	simm.s32 $0xEF8;
	[smem:$0x7F0] =	sst s13  }
0x28: {  	s16 =	simm.s32 $0xF78;
	s17 =	simm.s32 $0xFF8;
	[smem:$0x7F1] =	sst s14  }
0x29: {  	s18 =	simm.s32 $0x1078;
	s19 =	simm.s32 $0x10F8;
	[smem:$0x7F2] =	sst s15  }
0x2a: {  	s20 =	simm.s32 $0x1178;
	s21 =	simm.s32 $0x11F8;
	[smem:$0x7F3] =	sst s16  }
0x2b: {  	s22 =	simm.s32 $0x1278;
	s23 =	simm.s32 $0x12F8;
	[smem:$0x7F4] =	sst s17  }
0x2c: {  	s24 =	simm.s32 $0x1378;
	s26 =	simm.s32 $0x1478;
	[smem:$0x7F5] =	sst s18  }
0x2d: {  	s6 =	simm.s32 $0x80;
	s11 =	simm.s32 $0x1;
	[smem:$0x7F6] =	sst s19  }
0x2e: {  	s13 =	simm.s32 $0x2;
	s15 =	simm.s32 $0x3;
	[smem:$0x7F7] =	sst s20  }
0x2f: {  	s16 =	simm.s32 $0x74F8;
	s17 =	simm.s32 $0x4;
	[smem:$0x7F8] =	sst s21  }
0x30: {  	s18 =	simm.s32 $0x84F8;
	s19 =	simm.s32 $0x94F8;
	[smem:$0x7F9] =	sst s22  }
0x31: {  	s20 =	simm.s32 $0xA4F8;
	s21 =	simm.s32 $0xB4F8;
	[smem:$0x7FA] =	sst s23  }
0x32: {  	s22 =	simm.s32 $0xC4F8;
	[smem:$0x7FB] =	sst s24;
	s23 =	simm.s32 $0xD4F8  }
0x33: {  	s24 =	simm.s32 $0xE4F8;
	[smem:$0x7FD] =	sst s26;
	s26 =	simm.s32 $0x104F8  }
0x34: {  	s10 =	simm.s32 $0x34F8;
	s12 =	simm.s32 $0x44F8;
	s14 =	simm.s32 $0x54F8  }
.LBB2_1:
0x35: {  	s7 =	rddreg [dreg:$0x6]  }
0x36: {  	[tilespmem:s2], [sflag:$0x6] =	stream.linear.gather [hbm4b:s7+s2], $0xA00, $0x38;
	[tilespmem:$0x154F8] =	vst v63  }
0x37: {  	_ =	swait.ge [sflag:s5], $0xA00  }
0x38: {  	s9 =	rddreg [dreg:$0x4];
	[sflag:s5] =	ssyncset.done $0x0  }
0x39: {  	s8 =	rddreg [dreg:$0x1a];
	[sflag:s5] =	ssyncadd.s32 $0xFFFFF600  }
0x3a: {  	[tilespmem:s8], [sflag:$0x6] =	stream.linear.gather [hbm4b:s9+s2], $0x50, $0x38;
	[tilespmem:$0x154F8] =	vst v63  }
0x3b: {  	_ =	swait.ge [sflag:s5], $0x50  }
0x3c: {  	s8 =	sshrl.u32 @!p0 s1, $0x3;
	[sflag:s5] =	ssyncset.done $0x0  }
0x3d: {  	s9 =	simm.s32 @!p0 $0x1C06;
	s7 =	rddreg [dreg:$0x5];
	[sflag:s5] =	ssyncadd.s32 $0xFFFFFFB0  }
0x3e: {  	[spmem:s8], [sflag:s9] =	dma.local @!p0 [hbm:s7], $0x150  }
0x3f: {  	s7 =	simm.s32 @!p0 $0x6  }
0x40: {  	_ =	swait.ge @!p0 [sflag:s7], $0x150  }
0x41: {  	[sflag:s7] =	ssyncset.done @!p0 $0x0  }
0x42: {  	[sflag:s7] =	ssyncadd.s32 @!p0 $0xFFFFFEB0  }
0x43: {  	v0 =	vld [tilespmem:$0xA00]  }
0x44: {  	v1 =	vld [tilespmem:$0x0]  }
0x45: {  	v2 =	vld [tilespmem:$0xA10]  }
0x46: {  	v3 =	vld [tilespmem:$0x10]  }
0x47: {  	v4 =	vld [tilespmem:$0xA20]  }
0x48: {  	v5 =	vld [tilespmem:$0x20]  }
0x49: {  	v6 =	vld [tilespmem:$0xA30]  }
0x4a: {  	v7 =	vld [tilespmem:$0x30]  }
0x4b: {  	v8 =	vld [tilespmem:$0xA40]  }
0x4c: {  	v9 =	vld [tilespmem:$0x40]  }
0x4d: {  	v10 =	vld [tilespmem:$0xA00]  }
0x4e: {  	v11 =	vld [tilespmem:$0x50]  }
0x4f: {  	v12 =	vld [tilespmem:$0xA10]  }
0x50: {  	v18 =	vld [tilespmem:$0x60];
	v0 =	vadd.s32 v0, v1  }
0x51: {  	v20 =	vld [tilespmem:$0xA20];
	v19 =	vadd.s32 v2, v3;
	[tilespmem:$0xAF8] =	vst v0  }
0x52: {  	v22 =	vld [tilespmem:$0x70];
	v21 =	vadd.s32 v4, v5;
	[tilespmem:$0xB08] =	vst v19  }
0x53: {  	v23 =	vadd.s32 v6, v7;
	[tilespmem:$0xB18] =	vst v21  }
0x54: {  	v24 =	vadd.s32 v8, v9;
	[tilespmem:$0xB28] =	vst v23  }
0x55: {  	v25 =	vadd.s32 v10, v11;
	[tilespmem:$0xB38] =	vst v24  }
0x56: {  	v26 =	vadd.s32 v12, v18;
	[tilespmem:$0xB48] =	vst v25  }
0x57: {  	v27 =	vadd.s32 v20, v22;
	[tilespmem:$0xB58] =	vst v26  }
0x58: {  	[tilespmem:$0xB68] =	vst v27  }
0x59: {  	[bflag:$0x0] =	sbarrier.arrive $0xFFFF  }
0x5a: {  	s8 =	simm.s32 $0x14F8;
	s9 =	rddreg [dreg:$0x1b]  }
0x5b: {  	[tilespmem:s8], [sflag:$0x1] =	stream.indirect.gather [spmem:s1], $0x20, s9, s6, $0xb8;
	[tilespmem:$0x154F8] =	vst v63  }
0x5c: {  	v28 =	vld [tilespmem:$0xA30]  }
0x5d: {  	v29 =	vld [tilespmem:$0x80]  }
0x5e: {  	v30 =	vld [tilespmem:$0xA40]  }
0x5f: {  	v31 =	vld [tilespmem:$0x90]  }
0x60: {  	v32 =	vld [tilespmem:$0xA00]  }
0x61: {  	v33 =	vld [tilespmem:$0xA0]  }
0x62: {  	v34 =	vld [tilespmem:$0xA10]  }
0x63: {  	v35 =	vld [tilespmem:$0xB0]  }
0x64: {  	v36 =	vld [tilespmem:$0xA20]  }
0x65: {  	v37 =	vld [tilespmem:$0xC0]  }
0x66: {  	v38 =	vld [tilespmem:$0xA30]  }
0x67: {  	v39 =	vld [tilespmem:$0xD0]  }
0x68: {  	v40 =	vld [tilespmem:$0xA40]  }
0x69: {  	v41 =	vld [tilespmem:$0xE0];
	v0 =	vadd.s32 v28, v29  }
0x6a: {  	v43 =	vld [tilespmem:$0xA00];
	v42 =	vadd.s32 v30, v31;
	[tilespmem:$0xB78] =	vst v0  }
0x6b: {  	v45 =	vld [tilespmem:$0xF0];
	v44 =	vadd.s32 v32, v33;
	[tilespmem:$0xB88] =	vst v42  }
0x6c: {  	v46 =	vadd.s32 v34, v35;
	[tilespmem:$0xB98] =	vst v44  }
0x6d: {  	v47 =	vadd.s32 v36, v37;
	[tilespmem:$0xBA8] =	vst v46  }
0x6e: {  	v48 =	vadd.s32 v38, v39;
	[tilespmem:$0xBB8] =	vst v47  }
0x6f: {  	v49 =	vadd.s32 v40, v41;
	[tilespmem:$0xBC8] =	vst v48  }
0x70: {  	v50 =	vadd.s32 v43, v45;
	[tilespmem:$0xBD8] =	vst v49  }
0x71: {  	s7 =	rddreg [dreg:$0x1c];
	s9 =	simm.s32 $0x24F8;
	[tilespmem:$0xBE8] =	vst v50  }
0x72: {  	[tilespmem:s9], [sflag:$0x2] =	stream.indirect.gather [spmem:s1], $0x20, s7, s6, $0xb8;
	[tilespmem:$0x154F8] =	vst v63  }
0x73: {  	v51 =	vld [tilespmem:$0xA10]  }
0x74: {  	v52 =	vld [tilespmem:$0x100]  }
0x75: {  	v53 =	vld [tilespmem:$0xA20]  }
0x76: {  	v54 =	vld [tilespmem:$0x110]  }
0x77: {  	v55 =	vld [tilespmem:$0xA30]  }
0x78: {  	v56 =	vld [tilespmem:$0x120]  }
0x79: {  	v57 =	vld [tilespmem:$0xA40]  }
0x7a: {  	v58 =	vld [tilespmem:$0x130]  }
0x7b: {  	v59 =	vld [tilespmem:$0xA00]  }
0x7c: {  	v60 =	vld [tilespmem:$0x140]  }
0x7d: {  	v61 =	vld [tilespmem:$0xA10]  }
0x7e: {  	v62 =	vld [tilespmem:$0x150]  }
0x7f: {  	v63 =	vld [tilespmem:$0xA20]  }
0x80: {  	v13 =	vld [tilespmem:$0x160];
	v0 =	vadd.s32 v51, v52  }
0x81: {  	v15 =	vld [tilespmem:$0xA30];
	v14 =	vadd.s32 v53, v54;
	[tilespmem:$0xBF8] =	vst v0  }
0x82: {  	v17 =	vld [tilespmem:$0x170];
	v16 =	vadd.s32 v55, v56;
	[tilespmem:$0xC08] =	vst v14  }
0x83: {  	v18 =	vadd.s32 v57, v58;
	[tilespmem:$0xC18] =	vst v16  }
0x84: {  	v19 =	vadd.s32 v59, v60;
	[tilespmem:$0xC28] =	vst v18  }
0x85: {  	v20 =	vadd.s32 v61, v62;
	[tilespmem:$0xC38] =	vst v19  }
0x86: {  	v21 =	vadd.s32 v63, v13;
	[tilespmem:$0xC48] =	vst v20  }
0x87: {  	v22 =	vadd.s32 v15, v17;
	[tilespmem:$0xC58] =	vst v21  }
0x88: {  	s7 =	rddreg [dreg:$0x1d];
	[tilespmem:$0xC68] =	vst v22  }
0x89: {  	[tilespmem:s10], [sflag:$0x3] =	stream.indirect.gather [spmem:s1], $0x20, s7, s6, $0xb8;
	[tilespmem:$0x154F8] =	vst v63  }
0x8a: {  	v23 =	vld [tilespmem:$0xA40]  }
0x8b: {  	v24 =	vld [tilespmem:$0x180]  }
0x8c: {  	v25 =	vld [tilespmem:$0xA00]  }
0x8d: {  	v26 =	vld [tilespmem:$0x190]  }
0x8e: {  	v27 =	vld [tilespmem:$0xA10]  }
0x8f: {  	v28 =	vld [tilespmem:$0x1A0]  }
0x90: {  	v29 =	vld [tilespmem:$0xA20]  }
0x91: {  	v30 =	vld [tilespmem:$0x1B0]  }
0x92: {  	v31 =	vld [tilespmem:$0xA30]  }
0x93: {  	v32 =	vld [tilespmem:$0x1C0]  }
0x94: {  	v33 =	vld [tilespmem:$0xA40]  }
0x95: {  	v34 =	vld [tilespmem:$0x1D0]  }
0x96: {  	v35 =	vld [tilespmem:$0xA00]  }
0x97: {  	v36 =	vld [tilespmem:$0x1E0];
	v0 =	vadd.s32 v23, v24  }
0x98: {  	v38 =	vld [tilespmem:$0xA10];
	v37 =	vadd.s32 v25, v26;
	[tilespmem:$0xC78] =	vst v0  }
0x99: {  	v40 =	vld [tilespmem:$0x1F0];
	v39 =	vadd.s32 v27, v28;
	[tilespmem:$0xC88] =	vst v37  }
0x9a: {  	v41 =	vadd.s32 v29, v30;
	[tilespmem:$0xC98] =	vst v39  }
0x9b: {  	v42 =	vadd.s32 v31, v32;
	[tilespmem:$0xCA8] =	vst v41  }
0x9c: {  	v43 =	vadd.s32 v33, v34;
	[tilespmem:$0xCB8] =	vst v42  }
0x9d: {  	v44 =	vadd.s32 v35, v36;
	[tilespmem:$0xCC8] =	vst v43  }
0x9e: {  	v45 =	vadd.s32 v38, v40;
	[tilespmem:$0xCD8] =	vst v44  }
0x9f: {  	s7 =	rddreg [dreg:$0x1e];
	[tilespmem:$0xCE8] =	vst v45  }
0xa0: {  	[tilespmem:s12], [sflag:$0x4] =	stream.indirect.gather [spmem:s1], $0x20, s7, s6, $0xb8;
	[tilespmem:$0x154F8] =	vst v63  }
0xa1: {  	v46 =	vld [tilespmem:$0xA20]  }
0xa2: {  	v47 =	vld [tilespmem:$0x200]  }
0xa3: {  	v48 =	vld [tilespmem:$0xA30]  }
0xa4: {  	v49 =	vld [tilespmem:$0x210]  }
0xa5: {  	v50 =	vld [tilespmem:$0xA40]  }
0xa6: {  	v51 =	vld [tilespmem:$0x220]  }
0xa7: {  	v52 =	vld [tilespmem:$0xA00]  }
0xa8: {  	v53 =	vld [tilespmem:$0x230]  }
0xa9: {  	v54 =	vld [tilespmem:$0xA10]  }
0xaa: {  	v55 =	vld [tilespmem:$0x240]  }
0xab: {  	v56 =	vld [tilespmem:$0xA20]  }
0xac: {  	v57 =	vld [tilespmem:$0x250]  }
0xad: {  	v58 =	vld [tilespmem:$0xA30]  }
0xae: {  	v59 =	vld [tilespmem:$0x260];
	v0 =	vadd.s32 v46, v47  }
0xaf: {  	v61 =	vld [tilespmem:$0xA40];
	v60 =	vadd.s32 v48, v49;
	[tilespmem:$0xCF8] =	vst v0  }
0xb0: {  	v63 =	vld [tilespmem:$0x270];
	v62 =	vadd.s32 v50, v51;
	[tilespmem:$0xD08] =	vst v60  }
0xb1: {  	v7 =	vadd.s32 v52, v53;
	[tilespmem:$0xD18] =	vst v62  }
0xb2: {  	v9 =	vadd.s32 v54, v55;
	[tilespmem:$0xD28] =	vst v7  }
0xb3: {  	v11 =	vadd.s32 v56, v57;
	[tilespmem:$0xD38] =	vst v9  }
0xb4: {  	v13 =	vadd.s32 v58, v59;
	[tilespmem:$0xD48] =	vst v11  }
0xb5: {  	v14 =	vadd.s32 v61, v63;
	[tilespmem:$0xD58] =	vst v13  }
0xb6: {  	[tilespmem:$0xD68] =	vst v14  }
0xb7: {  	_ =	swait.ge [sflag:s11], $0x1000  }
0xb8: {  	[sflag:s11] =	ssyncset.done $0x0  }
0xb9: {  	[sflag:s11] =	ssyncadd.s32 $0xFFFFF000  }
0xba: {  	[hbm4b:s3+s2] =	stream.linear.scatter [tilespmem:s8], [sflag:$0x5], $0x1000, $0x38;
	[tilespmem:$0x154F8] =	vst v63  }
0xbb: {  	s7 =	rddreg [dreg:$0x1f]  }
0xbc: {  	[tilespmem:s14], [sflag:$0x1] =	stream.indirect.gather [spmem:s1], $0x20, s7, s6, $0xb8;
	[tilespmem:$0x154F8] =	vst v63  }
0xbd: {  	v15 =	vld [tilespmem:$0xA00]  }
0xbe: {  	v16 =	vld [tilespmem:$0x280]  }
0xbf: {  	v17 =	vld [tilespmem:$0xA10]  }
0xc0: {  	v18 =	vld [tilespmem:$0x290];
	_ =	sdelay $0x3  }
0xc1: {  	v0 =	vadd.s32 v15, v16  }
0xc2: {  	v19 =	vadd.s32 v17, v18;
	[tilespmem:$0xD78] =	vst v0  }
0xc3: {  	[tilespmem:$0xD88] =	vst v19  }
0xc4: {  	v0 =	vld [tilespmem:$0xA20]  }
0xc5: {  	v20 =	vld [tilespmem:$0x2A0]  }
0xc6: {  	v21 =	vld [tilespmem:$0xA30]  }
0xc7: {  	v22 =	vld [tilespmem:$0x2B0]  }
0xc8: {  	v23 =	vld [tilespmem:$0xA40]  }
0xc9: {  	v24 =	vld [tilespmem:$0x2C0]  }
0xca: {  	v25 =	vld [tilespmem:$0xA00]  }
0xcb: {  	v26 =	vld [tilespmem:$0x2D0]  }
0xcc: {  	v27 =	vld [tilespmem:$0xA10]  }
0xcd: {  	v28 =	vld [tilespmem:$0x2E0]  }
0xce: {  	v29 =	vld [tilespmem:$0xA20]  }
0xcf: {  	v30 =	vld [tilespmem:$0x2F0];
	v0 =	vadd.s32 v0, v20  }
0xd0: {  	v31 =	vadd.s32 v21, v22;
	[tilespmem:$0xD98] =	vst v0  }
0xd1: {  	v32 =	vadd.s32 v23, v24;
	[tilespmem:$0xDA8] =	vst v31  }
0xd2: {  	v33 =	vadd.s32 v25, v26;
	[tilespmem:$0xDB8] =	vst v32  }
0xd3: {  	v34 =	vadd.s32 v27, v28;
	[tilespmem:$0xDC8] =	vst v33  }
0xd4: {  	v35 =	vadd.s32 v29, v30;
	[tilespmem:$0xDD8] =	vst v34  }
0xd5: {  	[tilespmem:$0xDE8] =	vst v35  }
0xd6: {  	_ =	swait.ge [sflag:s13], $0x1000  }
0xd7: {  	s7 =	rddreg [dreg:$0x7];
	[sflag:s13] =	ssyncset.done $0x0  }
0xd8: {  	s8 =	sld [smem:$0x7EF];
	[sflag:s13] =	ssyncadd.s32 $0xFFFFF000  }
0xd9: {  	[hbm4b:s7+s2] =	stream.linear.scatter [tilespmem:s9], [sflag:$0x5], $0x1000, $0x38;
	[tilespmem:$0x154F8] =	vst v63  }
0xda: {  	s9 =	simm.s32 $0x64F8  }
0xdb: {  	[tilespmem:s9], [sflag:$0x2] =	stream.indirect.gather [spmem:s1], $0x20, s8, s6, $0xb8;
	[tilespmem:$0x154F8] =	vst v63  }
0xdc: {  	v36 =	vld [tilespmem:$0xA30]  }
0xdd: {  	v37 =	vld [tilespmem:$0x300]  }
0xde: {  	v38 =	vld [tilespmem:$0xA40]  }
0xdf: {  	v39 =	vld [tilespmem:$0x310]  }
0xe0: {  	v40 =	vld [tilespmem:$0xA00]  }
0xe1: {  	v41 =	vld [tilespmem:$0x320]  }
0xe2: {  	v42 =	vld [tilespmem:$0xA10]  }
0xe3: {  	v43 =	vld [tilespmem:$0x330]  }
0xe4: {  	v44 =	vld [tilespmem:$0xA20]  }
0xe5: {  	v45 =	vld [tilespmem:$0x340]  }
0xe6: {  	v46 =	vld [tilespmem:$0xA30]  }
0xe7: {  	v47 =	vld [tilespmem:$0x350]  }
0xe8: {  	v48 =	vld [tilespmem:$0xA40]  }
0xe9: {  	v49 =	vld [tilespmem:$0x360];
	v0 =	vadd.s32 v36, v37  }
0xea: {  	v51 =	vld [tilespmem:$0xA00];
	v50 =	vadd.s32 v38, v39;
	[tilespmem:$0xDF8] =	vst v0  }
0xeb: {  	v53 =	vld [tilespmem:$0x370];
	v52 =	vadd.s32 v40, v41;
	[tilespmem:$0xE08] =	vst v50  }
0xec: {  	v54 =	vadd.s32 v42, v43;
	[tilespmem:$0xE18] =	vst v52  }
0xed: {  	v55 =	vadd.s32 v44, v45;
	[tilespmem:$0xE28] =	vst v54  }
0xee: {  	v56 =	vadd.s32 v46, v47;
	[tilespmem:$0xE38] =	vst v55  }
0xef: {  	v57 =	vadd.s32 v48, v49;
	[tilespmem:$0xE48] =	vst v56  }
0xf0: {  	v58 =	vadd.s32 v51, v53;
	[tilespmem:$0xE58] =	vst v57  }
0xf1: {  	[tilespmem:$0xE68] =	vst v58  }
0xf2: {  	_ =	swait.ge [sflag:s15], $0x1000  }
0xf3: {  	s7 =	rddreg [dreg:$0x8];
	[sflag:s15] =	ssyncset.done $0x0  }
0xf4: {  	s8 =	sld [smem:$0x7F0];
	[sflag:s15] =	ssyncadd.s32 $0xFFFFF000  }
0xf5: {  	[hbm4b:s7+s2] =	stream.linear.scatter [tilespmem:s10], [sflag:$0x5], $0x1000, $0x38;
	[tilespmem:$0x154F8] =	vst v63  }
0xf6: {  	_ = 	snop  }
0xf7: {  	[tilespmem:s16], [sflag:$0x3] =	stream.indirect.gather [spmem:s1], $0x20, s8, s6, $0xb8;
	[tilespmem:$0x154F8] =	vst v63  }
0xf8: {  	v59 =	vld [tilespmem:$0xA10]  }
0xf9: {  	v60 =	vld [tilespmem:$0x380]  }
0xfa: {  	v61 =	vld [tilespmem:$0xA20]  }
0xfb: {  	v62 =	vld [tilespmem:$0x390]  }
0xfc: {  	v63 =	vld [tilespmem:$0xA30]  }
0xfd: {  	v16 =	vld [tilespmem:$0x3A0]  }
0xfe: {  	v17 =	vld [tilespmem:$0xA40]  }
0xff: {  	v18 =	vld [tilespmem:$0x3B0]  }
0x100: {  	v19 =	vld [tilespmem:$0xA00]  }
0x101: {  	v20 =	vld [tilespmem:$0x3C0]  }
0x102: {  	v21 =	vld [tilespmem:$0xA10]  }
0x103: {  	v22 =	vld [tilespmem:$0x3D0]  }
0x104: {  	v23 =	vld [tilespmem:$0xA20]  }
0x105: {  	v24 =	vld [tilespmem:$0x3E0];
	v0 =	vadd.s32 v59, v60  }
0x106: {  	v26 =	vld [tilespmem:$0xA30];
	v25 =	vadd.s32 v61, v62;
	[tilespmem:$0xE78] =	vst v0  }
0x107: {  	v28 =	vld [tilespmem:$0x3F0];
	v27 =	vadd.s32 v63, v16;
	[tilespmem:$0xE88] =	vst v25  }
0x108: {  	v29 =	vadd.s32 v17, v18;
	[tilespmem:$0xE98] =	vst v27  }
0x109: {  	v30 =	vadd.s32 v19, v20;
	[tilespmem:$0xEA8] =	vst v29  }
0x10a: {  	v31 =	vadd.s32 v21, v22;
	[tilespmem:$0xEB8] =	vst v30  }
0x10b: {  	v32 =	vadd.s32 v23, v24;
	[tilespmem:$0xEC8] =	vst v31  }
0x10c: {  	v33 =	vadd.s32 v26, v28;
	[tilespmem:$0xED8] =	vst v32  }
0x10d: {  	[tilespmem:$0xEE8] =	vst v33  }
0x10e: {  	_ =	swait.ge [sflag:s17], $0x1000  }
0x10f: {  	s7 =	rddreg [dreg:$0x9];
	[sflag:s17] =	ssyncset.done $0x0  }
0x110: {  	s8 =	sld [smem:$0x7F1];
	[sflag:s17] =	ssyncadd.s32 $0xFFFFF000  }
0x111: {  	[hbm4b:s7+s2] =	stream.linear.scatter [tilespmem:s12], [sflag:$0x5], $0x1000, $0x38;
	[tilespmem:$0x154F8] =	vst v63  }
0x112: {  	_ = 	snop  }
0x113: {  	[tilespmem:s18], [sflag:$0x4] =	stream.indirect.gather [spmem:s1], $0x20, s8, s6, $0xb8;
	[tilespmem:$0x154F8] =	vst v63  }
0x114: {  	v34 =	vld [tilespmem:$0xA40]  }
0x115: {  	v35 =	vld [tilespmem:$0x400]  }
0x116: {  	v36 =	vld [tilespmem:$0xA00]  }
0x117: {  	v37 =	vld [tilespmem:$0x410]  }
0x118: {  	v38 =	vld [tilespmem:$0xA10]  }
0x119: {  	v39 =	vld [tilespmem:$0x420]  }
0x11a: {  	v40 =	vld [tilespmem:$0xA20]  }
0x11b: {  	v41 =	vld [tilespmem:$0x430]  }
0x11c: {  	v42 =	vld [tilespmem:$0xA30]  }
0x11d: {  	v43 =	vld [tilespmem:$0x440]  }
0x11e: {  	v44 =	vld [tilespmem:$0xA40]  }
0x11f: {  	v45 =	vld [tilespmem:$0x450]  }
0x120: {  	v46 =	vld [tilespmem:$0xA00]  }
0x121: {  	v47 =	vld [tilespmem:$0x460];
	v0 =	vadd.s32 v34, v35  }
0x122: {  	v49 =	vld [tilespmem:$0xA10];
	v48 =	vadd.s32 v36, v37;
	[tilespmem:$0xEF8] =	vst v0  }
0x123: {  	v51 =	vld [tilespmem:$0x470];
	v50 =	vadd.s32 v38, v39;
	[tilespmem:$0xF08] =	vst v48  }
0x124: {  	v52 =	vadd.s32 v40, v41;
	[tilespmem:$0xF18] =	vst v50  }
0x125: {  	v53 =	vadd.s32 v42, v43;
	[tilespmem:$0xF28] =	vst v52  }
0x126: {  	v54 =	vadd.s32 v44, v45;
	[tilespmem:$0xF38] =	vst v53  }
0x127: {  	v55 =	vadd.s32 v46, v47;
	[tilespmem:$0xF48] =	vst v54  }
0x128: {  	v56 =	vadd.s32 v49, v51;
	[tilespmem:$0xF58] =	vst v55  }
0x129: {  	[tilespmem:$0xF68] =	vst v56  }
0x12a: {  	_ =	swait.ge [sflag:s11], $0x1000  }
0x12b: {  	s7 =	rddreg [dreg:$0xa];
	[sflag:s11] =	ssyncset.done $0x0  }
0x12c: {  	s8 =	sld [smem:$0x7F2];
	[sflag:s11] =	ssyncadd.s32 $0xFFFFF000  }
0x12d: {  	[hbm4b:s7+s2] =	stream.linear.scatter [tilespmem:s14], [sflag:$0x5], $0x1000, $0x38;
	[tilespmem:$0x154F8] =	vst v63  }
0x12e: {  	_ = 	snop  }
0x12f: {  	[tilespmem:s19], [sflag:$0x1] =	stream.indirect.gather [spmem:s1], $0x20, s8, s6, $0xb8;
	[tilespmem:$0x154F8] =	vst v63  }
0x130: {  	v57 =	vld [tilespmem:$0xA20]  }
0x131: {  	v58 =	vld [tilespmem:$0x480]  }
0x132: {  	v59 =	vld [tilespmem:$0xA30]  }
0x133: {  	v60 =	vld [tilespmem:$0x490]  }
0x134: {  	v61 =	vld [tilespmem:$0xA40]  }
0x135: {  	v62 =	vld [tilespmem:$0x4A0]  }
0x136: {  	v63 =	vld [tilespmem:$0xA00]  }
0x137: {  	v16 =	vld [tilespmem:$0x4B0]  }
0x138: {  	v17 =	vld [tilespmem:$0xA10]  }
0x139: {  	v18 =	vld [tilespmem:$0x4C0]  }
0x13a: {  	v19 =	vld [tilespmem:$0xA20]  }
0x13b: {  	v20 =	vld [tilespmem:$0x4D0]  }
0x13c: {  	v21 =	vld [tilespmem:$0xA30]  }
0x13d: {  	v22 =	vld [tilespmem:$0x4E0];
	v0 =	vadd.s32 v57, v58  }
0x13e: {  	v24 =	vld [tilespmem:$0xA40];
	v23 =	vadd.s32 v59, v60;
	[tilespmem:$0xF78] =	vst v0  }
0x13f: {  	v26 =	vld [tilespmem:$0x4F0];
	v25 =	vadd.s32 v61, v62;
	[tilespmem:$0xF88] =	vst v23  }
0x140: {  	v27 =	vadd.s32 v63, v16;
	[tilespmem:$0xF98] =	vst v25  }
0x141: {  	v28 =	vadd.s32 v17, v18;
	[tilespmem:$0xFA8] =	vst v27  }
0x142: {  	v29 =	vadd.s32 v19, v20;
	[tilespmem:$0xFB8] =	vst v28  }
0x143: {  	v30 =	vadd.s32 v21, v22;
	[tilespmem:$0xFC8] =	vst v29  }
0x144: {  	v31 =	vadd.s32 v24, v26;
	[tilespmem:$0xFD8] =	vst v30  }
0x145: {  	[tilespmem:$0xFE8] =	vst v31  }
0x146: {  	_ =	swait.ge [sflag:s13], $0x1000  }
0x147: {  	s7 =	rddreg [dreg:$0xb];
	[sflag:s13] =	ssyncset.done $0x0  }
0x148: {  	s8 =	sld [smem:$0x7F3];
	[sflag:s13] =	ssyncadd.s32 $0xFFFFF000  }
0x149: {  	[hbm4b:s7+s2] =	stream.linear.scatter [tilespmem:s9], [sflag:$0x5], $0x1000, $0x38;
	[tilespmem:$0x154F8] =	vst v63  }
0x14a: {  	_ = 	snop  }
0x14b: {  	[tilespmem:s20], [sflag:$0x2] =	stream.indirect.gather [spmem:s1], $0x20, s8, s6, $0xb8;
	[tilespmem:$0x154F8] =	vst v63  }
0x14c: {  	v32 =	vld [tilespmem:$0xA00]  }
0x14d: {  	v33 =	vld [tilespmem:$0x500]  }
0x14e: {  	v34 =	vld [tilespmem:$0xA10]  }
0x14f: {  	v35 =	vld [tilespmem:$0x510]  }
0x150: {  	v36 =	vld [tilespmem:$0xA20]  }
0x151: {  	v37 =	vld [tilespmem:$0x520]  }
0x152: {  	v38 =	vld [tilespmem:$0xA30]  }
0x153: {  	v39 =	vld [tilespmem:$0x530]  }
0x154: {  	v40 =	vld [tilespmem:$0xA40]  }
0x155: {  	v41 =	vld [tilespmem:$0x540]  }
0x156: {  	v42 =	vld [tilespmem:$0xA00]  }
0x157: {  	v43 =	vld [tilespmem:$0x550]  }
0x158: {  	v44 =	vld [tilespmem:$0xA10]  }
0x159: {  	v45 =	vld [tilespmem:$0x560];
	v0 =	vadd.s32 v32, v33  }
0x15a: {  	v47 =	vld [tilespmem:$0xA20];
	v46 =	vadd.s32 v34, v35;
	[tilespmem:$0xFF8] =	vst v0  }
0x15b: {  	v49 =	vld [tilespmem:$0x570];
	v48 =	vadd.s32 v36, v37;
	[tilespmem:$0x1008] =	vst v46  }
0x15c: {  	v50 =	vadd.s32 v38, v39;
	[tilespmem:$0x1018] =	vst v48  }
0x15d: {  	v51 =	vadd.s32 v40, v41;
	[tilespmem:$0x1028] =	vst v50  }
0x15e: {  	v52 =	vadd.s32 v42, v43;
	[tilespmem:$0x1038] =	vst v51  }
0x15f: {  	v53 =	vadd.s32 v44, v45;
	[tilespmem:$0x1048] =	vst v52  }
0x160: {  	v54 =	vadd.s32 v47, v49;
	[tilespmem:$0x1058] =	vst v53  }
0x161: {  	[tilespmem:$0x1068] =	vst v54  }
0x162: {  	_ =	swait.ge [sflag:s15], $0x1000  }
0x163: {  	s8 =	rddreg [dreg:$0xc];
	[sflag:s15] =	ssyncset.done $0x0  }
0x164: {  	s9 =	sld [smem:$0x7F4];
	[sflag:s15] =	ssyncadd.s32 $0xFFFFF000  }
0x165: {  	[hbm4b:s8+s2] =	stream.linear.scatter [tilespmem:s16], [sflag:$0x5], $0x1000, $0x38;
	[tilespmem:$0x154F8] =	vst v63  }
0x166: {  	_ = 	snop  }
0x167: {  	[tilespmem:s21], [sflag:$0x3] =	stream.indirect.gather [spmem:s1], $0x20, s9, s6, $0xb8;
	[tilespmem:$0x154F8] =	vst v63  }
0x168: {  	v55 =	vld [tilespmem:$0xA30]  }
0x169: {  	v56 =	vld [tilespmem:$0x580]  }
0x16a: {  	v57 =	vld [tilespmem:$0xA40]  }
0x16b: {  	v58 =	vld [tilespmem:$0x590]  }
0x16c: {  	v59 =	vld [tilespmem:$0xA00]  }
0x16d: {  	v60 =	vld [tilespmem:$0x5A0]  }
0x16e: {  	v61 =	vld [tilespmem:$0xA10]  }
0x16f: {  	v62 =	vld [tilespmem:$0x5B0]  }
0x170: {  	v63 =	vld [tilespmem:$0xA20]  }
0x171: {  	v16 =	vld [tilespmem:$0x5C0]  }
0x172: {  	v17 =	vld [tilespmem:$0xA30]  }
0x173: {  	v18 =	vld [tilespmem:$0x5D0]  }
0x174: {  	v19 =	vld [tilespmem:$0xA40]  }
0x175: {  	v20 =	vld [tilespmem:$0x5E0];
	v0 =	vadd.s32 v55, v56  }
0x176: {  	v22 =	vld [tilespmem:$0xA00];
	v21 =	vadd.s32 v57, v58;
	[tilespmem:$0x1078] =	vst v0  }
0x177: {  	v24 =	vld [tilespmem:$0x5F0];
	v23 =	vadd.s32 v59, v60;
	[tilespmem:$0x1088] =	vst v21  }
0x178: {  	v25 =	vadd.s32 v61, v62;
	[tilespmem:$0x1098] =	vst v23  }
0x179: {  	v26 =	vadd.s32 v63, v16;
	[tilespmem:$0x10A8] =	vst v25  }
0x17a: {  	v27 =	vadd.s32 v17, v18;
	[tilespmem:$0x10B8] =	vst v26  }
0x17b: {  	v28 =	vadd.s32 v19, v20;
	[tilespmem:$0x10C8] =	vst v27  }
0x17c: {  	v29 =	vadd.s32 v22, v24;
	[tilespmem:$0x10D8] =	vst v28  }
0x17d: {  	[tilespmem:$0x10E8] =	vst v29  }
0x17e: {  	_ =	swait.ge [sflag:s17], $0x1000  }
0x17f: {  	s8 =	rddreg [dreg:$0xd];
	[sflag:s17] =	ssyncset.done $0x0  }
0x180: {  	s9 =	sld [smem:$0x7F5];
	[sflag:s17] =	ssyncadd.s32 $0xFFFFF000  }
0x181: {  	[hbm4b:s8+s2] =	stream.linear.scatter [tilespmem:s18], [sflag:$0x5], $0x1000, $0x38;
	[tilespmem:$0x154F8] =	vst v63  }
0x182: {  	_ = 	snop  }
0x183: {  	[tilespmem:s22], [sflag:$0x4] =	stream.indirect.gather [spmem:s1], $0x20, s9, s6, $0xb8;
	[tilespmem:$0x154F8] =	vst v63  }
0x184: {  	v30 =	vld [tilespmem:$0xA10]  }
0x185: {  	v31 =	vld [tilespmem:$0x600]  }
0x186: {  	v32 =	vld [tilespmem:$0xA20]  }
0x187: {  	v33 =	vld [tilespmem:$0x610]  }
0x188: {  	v34 =	vld [tilespmem:$0xA30]  }
0x189: {  	v35 =	vld [tilespmem:$0x620]  }
0x18a: {  	v36 =	vld [tilespmem:$0xA40]  }
0x18b: {  	v37 =	vld [tilespmem:$0x630]  }
0x18c: {  	v38 =	vld [tilespmem:$0xA00]  }
0x18d: {  	v39 =	vld [tilespmem:$0x640]  }
0x18e: {  	v40 =	vld [tilespmem:$0xA10]  }
0x18f: {  	v41 =	vld [tilespmem:$0x650]  }
0x190: {  	v42 =	vld [tilespmem:$0xA20]  }
0x191: {  	v43 =	vld [tilespmem:$0x660];
	v0 =	vadd.s32 v30, v31  }
0x192: {  	v45 =	vld [tilespmem:$0xA30];
	v44 =	vadd.s32 v32, v33;
	[tilespmem:$0x10F8] =	vst v0  }
0x193: {  	v47 =	vld [tilespmem:$0x670];
	v46 =	vadd.s32 v34, v35;
	[tilespmem:$0x1108] =	vst v44  }
0x194: {  	v48 =	vadd.s32 v36, v37;
	[tilespmem:$0x1118] =	vst v46  }
0x195: {  	v49 =	vadd.s32 v38, v39;
	[tilespmem:$0x1128] =	vst v48  }
0x196: {  	v50 =	vadd.s32 v40, v41;
	[tilespmem:$0x1138] =	vst v49  }
0x197: {  	v51 =	vadd.s32 v42, v43;
	[tilespmem:$0x1148] =	vst v50  }
0x198: {  	v52 =	vadd.s32 v45, v47;
	[tilespmem:$0x1158] =	vst v51  }
0x199: {  	[tilespmem:$0x1168] =	vst v52  }
0x19a: {  	_ =	swait.ge [sflag:s11], $0x1000  }
0x19b: {  	s8 =	rddreg [dreg:$0xe];
	[sflag:s11] =	ssyncset.done $0x0  }
0x19c: {  	s9 =	sld [smem:$0x7F6];
	[sflag:s11] =	ssyncadd.s32 $0xFFFFF000  }
0x19d: {  	[hbm4b:s8+s2] =	stream.linear.scatter [tilespmem:s19], [sflag:$0x5], $0x1000, $0x38;
	[tilespmem:$0x154F8] =	vst v63  }
0x19e: {  	_ = 	snop  }
0x19f: {  	[tilespmem:s23], [sflag:$0x1] =	stream.indirect.gather [spmem:s1], $0x20, s9, s6, $0xb8;
	[tilespmem:$0x154F8] =	vst v63  }
0x1a0: {  	v53 =	vld [tilespmem:$0xA40]  }
0x1a1: {  	v54 =	vld [tilespmem:$0x680]  }
0x1a2: {  	v55 =	vld [tilespmem:$0xA00]  }
0x1a3: {  	v56 =	vld [tilespmem:$0x690]  }
0x1a4: {  	v57 =	vld [tilespmem:$0xA10]  }
0x1a5: {  	v58 =	vld [tilespmem:$0x6A0]  }
0x1a6: {  	v59 =	vld [tilespmem:$0xA20]  }
0x1a7: {  	v60 =	vld [tilespmem:$0x6B0]  }
0x1a8: {  	v61 =	vld [tilespmem:$0xA30]  }
0x1a9: {  	v62 =	vld [tilespmem:$0x6C0]  }
0x1aa: {  	v63 =	vld [tilespmem:$0xA40]  }
0x1ab: {  	v16 =	vld [tilespmem:$0x6D0]  }
0x1ac: {  	v17 =	vld [tilespmem:$0xA00]  }
0x1ad: {  	v18 =	vld [tilespmem:$0x6E0];
	v0 =	vadd.s32 v53, v54  }
0x1ae: {  	v20 =	vld [tilespmem:$0xA10];
	v19 =	vadd.s32 v55, v56;
	[tilespmem:$0x1178] =	vst v0  }
0x1af: {  	v22 =	vld [tilespmem:$0x6F0];
	v21 =	vadd.s32 v57, v58;
	[tilespmem:$0x1188] =	vst v19  }
0x1b0: {  	v23 =	vadd.s32 v59, v60;
	[tilespmem:$0x1198] =	vst v21  }
0x1b1: {  	v24 =	vadd.s32 v61, v62;
	[tilespmem:$0x11A8] =	vst v23  }
0x1b2: {  	v25 =	vadd.s32 v63, v16;
	[tilespmem:$0x11B8] =	vst v24  }
0x1b3: {  	v26 =	vadd.s32 v17, v18;
	[tilespmem:$0x11C8] =	vst v25  }
0x1b4: {  	v27 =	vadd.s32 v20, v22;
	[tilespmem:$0x11D8] =	vst v26  }
0x1b5: {  	[tilespmem:$0x11E8] =	vst v27  }
0x1b6: {  	_ =	swait.ge [sflag:s13], $0x1000  }
0x1b7: {  	s8 =	rddreg [dreg:$0xf];
	[sflag:s13] =	ssyncset.done $0x0  }
0x1b8: {  	s9 =	sld [smem:$0x7F7];
	[sflag:s13] =	ssyncadd.s32 $0xFFFFF000  }
0x1b9: {  	[hbm4b:s8+s2] =	stream.linear.scatter [tilespmem:s20], [sflag:$0x5], $0x1000, $0x38;
	[tilespmem:$0x154F8] =	vst v63  }
0x1ba: {  	_ = 	snop  }
0x1bb: {  	[tilespmem:s24], [sflag:$0x2] =	stream.indirect.gather [spmem:s1], $0x20, s9, s6, $0xb8;
	[tilespmem:$0x154F8] =	vst v63  }
0x1bc: {  	v28 =	vld [tilespmem:$0xA20]  }
0x1bd: {  	v29 =	vld [tilespmem:$0x700]  }
0x1be: {  	v30 =	vld [tilespmem:$0xA30]  }
0x1bf: {  	v31 =	vld [tilespmem:$0x710]  }
0x1c0: {  	v32 =	vld [tilespmem:$0xA40]  }
0x1c1: {  	v33 =	vld [tilespmem:$0x720]  }
0x1c2: {  	v34 =	vld [tilespmem:$0xA00]  }
0x1c3: {  	v35 =	vld [tilespmem:$0x730]  }
0x1c4: {  	v36 =	vld [tilespmem:$0xA10]  }
0x1c5: {  	v37 =	vld [tilespmem:$0x740]  }
0x1c6: {  	v38 =	vld [tilespmem:$0xA20]  }
0x1c7: {  	v39 =	vld [tilespmem:$0x750]  }
0x1c8: {  	v40 =	vld [tilespmem:$0xA30]  }
0x1c9: {  	v41 =	vld [tilespmem:$0x760];
	v0 =	vadd.s32 v28, v29  }
0x1ca: {  	v43 =	vld [tilespmem:$0xA40];
	v42 =	vadd.s32 v30, v31;
	[tilespmem:$0x11F8] =	vst v0  }
0x1cb: {  	v45 =	vld [tilespmem:$0x770];
	v44 =	vadd.s32 v32, v33;
	[tilespmem:$0x1208] =	vst v42  }
0x1cc: {  	v46 =	vadd.s32 v34, v35;
	[tilespmem:$0x1218] =	vst v44  }
0x1cd: {  	v47 =	vadd.s32 v36, v37;
	[tilespmem:$0x1228] =	vst v46  }
0x1ce: {  	v48 =	vadd.s32 v38, v39;
	[tilespmem:$0x1238] =	vst v47  }
0x1cf: {  	v49 =	vadd.s32 v40, v41;
	[tilespmem:$0x1248] =	vst v48  }
0x1d0: {  	v50 =	vadd.s32 v43, v45;
	[tilespmem:$0x1258] =	vst v49  }
0x1d1: {  	[tilespmem:$0x1268] =	vst v50  }
0x1d2: {  	_ =	swait.ge [sflag:s15], $0x1000  }
0x1d3: {  	s8 =	rddreg [dreg:$0x10];
	[sflag:s15] =	ssyncset.done $0x0  }
0x1d4: {  	s9 =	sld [smem:$0x7F8];
	[sflag:s15] =	ssyncadd.s32 $0xFFFFF000  }
0x1d5: {  	[hbm4b:s8+s2] =	stream.linear.scatter [tilespmem:s21], [sflag:$0x5], $0x1000, $0x38;
	[tilespmem:$0x154F8] =	vst v63  }
0x1d6: {  	_ = 	snop  }
0x1d7: {  	[tilespmem:s25], [sflag:$0x3] =	stream.indirect.gather [spmem:s1], $0x20, s9, s6, $0xb8;
	[tilespmem:$0x154F8] =	vst v63  }
0x1d8: {  	v51 =	vld [tilespmem:$0xA00]  }
0x1d9: {  	v52 =	vld [tilespmem:$0x780]  }
0x1da: {  	v53 =	vld [tilespmem:$0xA10]  }
0x1db: {  	v54 =	vld [tilespmem:$0x790]  }
0x1dc: {  	v55 =	vld [tilespmem:$0xA20]  }
0x1dd: {  	v56 =	vld [tilespmem:$0x7A0]  }
0x1de: {  	v57 =	vld [tilespmem:$0xA30]  }
0x1df: {  	v58 =	vld [tilespmem:$0x7B0]  }
0x1e0: {  	v59 =	vld [tilespmem:$0xA40]  }
0x1e1: {  	v60 =	vld [tilespmem:$0x7C0]  }
0x1e2: {  	v61 =	vld [tilespmem:$0xA00]  }
0x1e3: {  	v62 =	vld [tilespmem:$0x7D0]  }
0x1e4: {  	v63 =	vld [tilespmem:$0xA10]  }
0x1e5: {  	v13 =	vld [tilespmem:$0x7E0];
	v0 =	vadd.s32 v51, v52  }
0x1e6: {  	v15 =	vld [tilespmem:$0xA20];
	v14 =	vadd.s32 v53, v54;
	[tilespmem:$0x1278] =	vst v0  }
0x1e7: {  	v17 =	vld [tilespmem:$0x7F0];
	v16 =	vadd.s32 v55, v56;
	[tilespmem:$0x1288] =	vst v14  }
0x1e8: {  	v18 =	vadd.s32 v57, v58;
	[tilespmem:$0x1298] =	vst v16  }
0x1e9: {  	v19 =	vadd.s32 v59, v60;
	[tilespmem:$0x12A8] =	vst v18  }
0x1ea: {  	v20 =	vadd.s32 v61, v62;
	[tilespmem:$0x12B8] =	vst v19  }
0x1eb: {  	v21 =	vadd.s32 v63, v13;
	[tilespmem:$0x12C8] =	vst v20  }
0x1ec: {  	v22 =	vadd.s32 v15, v17;
	[tilespmem:$0x12D8] =	vst v21  }
0x1ed: {  	[tilespmem:$0x12E8] =	vst v22  }
0x1ee: {  	_ =	swait.ge [sflag:s17], $0x1000  }
0x1ef: {  	s8 =	rddreg [dreg:$0x11];
	[sflag:s17] =	ssyncset.done $0x0  }
0x1f0: {  	s9 =	sld [smem:$0x7F9];
	[sflag:s17] =	ssyncadd.s32 $0xFFFFF000  }
0x1f1: {  	[hbm4b:s8+s2] =	stream.linear.scatter [tilespmem:s22], [sflag:$0x5], $0x1000, $0x38;
	[tilespmem:$0x154F8] =	vst v63  }
0x1f2: {  	_ = 	snop  }
0x1f3: {  	[tilespmem:s26], [sflag:$0x4] =	stream.indirect.gather [spmem:s1], $0x20, s9, s6, $0xb8;
	[tilespmem:$0x154F8] =	vst v63  }
0x1f4: {  	v23 =	vld [tilespmem:$0xA30]  }
0x1f5: {  	v24 =	vld [tilespmem:$0x800]  }
0x1f6: {  	v25 =	vld [tilespmem:$0xA40]  }
0x1f7: {  	v26 =	vld [tilespmem:$0x810]  }
0x1f8: {  	v27 =	vld [tilespmem:$0xA00]  }
0x1f9: {  	v28 =	vld [tilespmem:$0x820]  }
0x1fa: {  	v29 =	vld [tilespmem:$0xA10]  }
0x1fb: {  	v30 =	vld [tilespmem:$0x830]  }
0x1fc: {  	v31 =	vld [tilespmem:$0xA20]  }
0x1fd: {  	v32 =	vld [tilespmem:$0x840]  }
0x1fe: {  	v33 =	vld [tilespmem:$0xA30]  }
0x1ff: {  	v34 =	vld [tilespmem:$0x850]  }
0x200: {  	v35 =	vld [tilespmem:$0xA40]  }
0x201: {  	v36 =	vld [tilespmem:$0x860];
	v0 =	vadd.s32 v23, v24  }
0x202: {  	v38 =	vld [tilespmem:$0xA00];
	v37 =	vadd.s32 v25, v26;
	[tilespmem:$0x12F8] =	vst v0  }
0x203: {  	v40 =	vld [tilespmem:$0x870];
	v39 =	vadd.s32 v27, v28;
	[tilespmem:$0x1308] =	vst v37  }
0x204: {  	v41 =	vadd.s32 v29, v30;
	[tilespmem:$0x1318] =	vst v39  }
0x205: {  	v42 =	vadd.s32 v31, v32;
	[tilespmem:$0x1328] =	vst v41  }
0x206: {  	v43 =	vadd.s32 v33, v34;
	[tilespmem:$0x1338] =	vst v42  }
0x207: {  	v44 =	vadd.s32 v35, v36;
	[tilespmem:$0x1348] =	vst v43  }
0x208: {  	v45 =	vadd.s32 v38, v40;
	[tilespmem:$0x1358] =	vst v44  }
0x209: {  	[tilespmem:$0x1368] =	vst v45  }
0x20a: {  	_ =	swait.ge [sflag:s11], $0x1000  }
0x20b: {  	s8 =	rddreg [dreg:$0x12];
	[sflag:s11] =	ssyncset.done $0x0  }
0x20c: {  	s9 =	sld [smem:$0x7FA];
	[sflag:s11] =	ssyncadd.s32 $0xFFFFF000  }
0x20d: {  	[hbm4b:s8+s2] =	stream.linear.scatter [tilespmem:s23], [sflag:$0x5], $0x1000, $0x38;
	[tilespmem:$0x154F8] =	vst v63  }
0x20e: {  	_ = 	snop  }
0x20f: {  	[tilespmem:s28], [sflag:$0x1] =	stream.indirect.gather [spmem:s1], $0x20, s9, s6, $0xb8;
	[tilespmem:$0x154F8] =	vst v63  }
0x210: {  	v46 =	vld [tilespmem:$0xA10]  }
0x211: {  	v47 =	vld [tilespmem:$0x880]  }
0x212: {  	v48 =	vld [tilespmem:$0xA20]  }
0x213: {  	v49 =	vld [tilespmem:$0x890]  }
0x214: {  	v50 =	vld [tilespmem:$0xA30]  }
0x215: {  	v51 =	vld [tilespmem:$0x8A0]  }
0x216: {  	v52 =	vld [tilespmem:$0xA40]  }
0x217: {  	v53 =	vld [tilespmem:$0x8B0]  }
0x218: {  	v54 =	vld [tilespmem:$0xA00]  }
0x219: {  	v55 =	vld [tilespmem:$0x8C0]  }
0x21a: {  	v56 =	vld [tilespmem:$0xA10]  }
0x21b: {  	v57 =	vld [tilespmem:$0x8D0]  }
0x21c: {  	v58 =	vld [tilespmem:$0xA20]  }
0x21d: {  	v59 =	vld [tilespmem:$0x8E0];
	v0 =	vadd.s32 v46, v47  }
0x21e: {  	v61 =	vld [tilespmem:$0xA30];
	v60 =	vadd.s32 v48, v49;
	[tilespmem:$0x1378] =	vst v0  }
0x21f: {  	v63 =	vld [tilespmem:$0x8F0];
	v62 =	vadd.s32 v50, v51;
	[tilespmem:$0x1388] =	vst v60  }
0x220: {  	v13 =	vadd.s32 v52, v53;
	[tilespmem:$0x1398] =	vst v62  }
0x221: {  	v14 =	vadd.s32 v54, v55;
	[tilespmem:$0x13A8] =	vst v13  }
0x222: {  	v15 =	vadd.s32 v56, v57;
	[tilespmem:$0x13B8] =	vst v14  }
0x223: {  	v16 =	vadd.s32 v58, v59;
	[tilespmem:$0x13C8] =	vst v15  }
0x224: {  	v17 =	vadd.s32 v61, v63;
	[tilespmem:$0x13D8] =	vst v16  }
0x225: {  	[tilespmem:$0x13E8] =	vst v17  }
0x226: {  	_ =	swait.ge [sflag:s13], $0x1000  }
0x227: {  	s8 =	rddreg [dreg:$0x13];
	[sflag:s13] =	ssyncset.done $0x0  }
0x228: {  	s9 =	sld [smem:$0x7FB];
	[sflag:s13] =	ssyncadd.s32 $0xFFFFF000  }
0x229: {  	[hbm4b:s8+s2] =	stream.linear.scatter [tilespmem:s24], [sflag:$0x5], $0x1000, $0x38;
	[tilespmem:$0x154F8] =	vst v63  }
0x22a: {  	_ = 	snop  }
0x22b: {  	[tilespmem:s29], [sflag:$0x2] =	stream.indirect.gather [spmem:s1], $0x20, s9, s6, $0xb8;
	[tilespmem:$0x154F8] =	vst v63  }
0x22c: {  	v18 =	vld [tilespmem:$0xA40]  }
0x22d: {  	v19 =	vld [tilespmem:$0x900]  }
0x22e: {  	v20 =	vld [tilespmem:$0xA00]  }
0x22f: {  	v21 =	vld [tilespmem:$0x910]  }
0x230: {  	v22 =	vld [tilespmem:$0xA10]  }
0x231: {  	v23 =	vld [tilespmem:$0x920]  }
0x232: {  	v24 =	vld [tilespmem:$0xA20]  }
0x233: {  	v25 =	vld [tilespmem:$0x930]  }
0x234: {  	v26 =	vld [tilespmem:$0xA30]  }
0x235: {  	v27 =	vld [tilespmem:$0x940]  }
0x236: {  	v28 =	vld [tilespmem:$0xA40]  }
0x237: {  	v29 =	vld [tilespmem:$0x950]  }
0x238: {  	v30 =	vld [tilespmem:$0xA00]  }
0x239: {  	v31 =	vld [tilespmem:$0x960];
	v0 =	vadd.s32 v18, v19  }
0x23a: {  	v33 =	vld [tilespmem:$0xA10];
	v32 =	vadd.s32 v20, v21;
	[tilespmem:$0x13F8] =	vst v0  }
0x23b: {  	v35 =	vld [tilespmem:$0x970];
	v34 =	vadd.s32 v22, v23;
	[tilespmem:$0x1408] =	vst v32  }
0x23c: {  	v36 =	vadd.s32 v24, v25;
	[tilespmem:$0x1418] =	vst v34  }
0x23d: {  	v37 =	vadd.s32 v26, v27;
	[tilespmem:$0x1428] =	vst v36  }
0x23e: {  	v38 =	vadd.s32 v28, v29;
	[tilespmem:$0x1438] =	vst v37  }
0x23f: {  	v39 =	vadd.s32 v30, v31;
	[tilespmem:$0x1448] =	vst v38  }
0x240: {  	v40 =	vadd.s32 v33, v35;
	[tilespmem:$0x1458] =	vst v39  }
0x241: {  	[tilespmem:$0x1468] =	vst v40  }
0x242: {  	_ =	swait.ge [sflag:s15], $0x1000  }
0x243: {  	s8 =	rddreg [dreg:$0x14];
	[sflag:s15] =	ssyncset.done $0x0  }
0x244: {  	s9 =	sld [smem:$0x7FC];
	[sflag:s15] =	ssyncadd.s32 $0xFFFFF000  }
0x245: {  	[hbm4b:s8+s2] =	stream.linear.scatter [tilespmem:s25], [sflag:$0x5], $0x1000, $0x38;
	[tilespmem:$0x154F8] =	vst v63  }
0x246: {  	_ = 	snop  }
0x247: {  	[tilespmem:s30], [sflag:$0x3] =	stream.indirect.gather [spmem:s1], $0x20, s9, s6, $0xb8;
	[tilespmem:$0x154F8] =	vst v63  }
0x248: {  	v41 =	vld [tilespmem:$0xA20]  }
0x249: {  	v42 =	vld [tilespmem:$0x980]  }
0x24a: {  	v43 =	vld [tilespmem:$0xA30]  }
0x24b: {  	v44 =	vld [tilespmem:$0x990]  }
0x24c: {  	v45 =	vld [tilespmem:$0xA40]  }
0x24d: {  	v46 =	vld [tilespmem:$0x9A0]  }
0x24e: {  	v47 =	vld [tilespmem:$0xA00]  }
0x24f: {  	v48 =	vld [tilespmem:$0x9B0]  }
0x250: {  	v49 =	vld [tilespmem:$0xA10]  }
0x251: {  	v50 =	vld [tilespmem:$0x9C0]  }
0x252: {  	v51 =	vld [tilespmem:$0xA20]  }
0x253: {  	v52 =	vld [tilespmem:$0x9D0]  }
0x254: {  	v53 =	vld [tilespmem:$0xA30]  }
0x255: {  	v54 =	vld [tilespmem:$0x9E0];
	v0 =	vadd.s32 v41, v42  }
0x256: {  	v56 =	vld [tilespmem:$0xA40];
	v55 =	vadd.s32 v43, v44;
	[tilespmem:$0x1478] =	vst v0  }
0x257: {  	v58 =	vld [tilespmem:$0x9F0];
	v57 =	vadd.s32 v45, v46;
	[tilespmem:$0x1488] =	vst v55  }
0x258: {  	v59 =	vadd.s32 v47, v48;
	[tilespmem:$0x1498] =	vst v57  }
0x259: {  	v60 =	vadd.s32 v49, v50;
	[tilespmem:$0x14A8] =	vst v59  }
0x25a: {  	v61 =	vadd.s32 v51, v52;
	[tilespmem:$0x14B8] =	vst v60  }
0x25b: {  	v62 =	vadd.s32 v53, v54;
	[tilespmem:$0x14C8] =	vst v61  }
0x25c: {  	v63 =	vadd.s32 v56, v58;
	[tilespmem:$0x14D8] =	vst v62  }
0x25d: {  	[tilespmem:$0x14E8] =	vst v63  }
0x25e: {  	_ =	swait.ge [sflag:s17], $0x1000  }
0x25f: {  	s8 =	rddreg [dreg:$0x15];
	[sflag:s17] =	ssyncset.done $0x0  }
0x260: {  	s9 =	sld [smem:$0x7FD];
	[sflag:s17] =	ssyncadd.s32 $0xFFFFF000  }
0x261: {  	[hbm4b:s8+s2] =	stream.linear.scatter [tilespmem:s26], [sflag:$0x5], $0x1000, $0x38;
	[tilespmem:$0x154F8] =	vst v63  }
0x262: {  	_ = 	snop  }
0x263: {  	[tilespmem:s31], [sflag:$0x4] =	stream.indirect.gather [spmem:s1], $0x20, s9, s6, $0xb8;
	[tilespmem:$0x154F8] =	vst v63  }
0x264: {  	_ =	swait.ge [sflag:s11], $0x1000  }
0x265: {  	[sflag:s11] =	ssyncset.done $0x0  }
0x266: {  	s8 =	rddreg [dreg:$0x16];
	[sflag:s11] =	ssyncadd.s32 $0xFFFFF000  }
0x267: {  	[hbm4b:s8+s2] =	stream.linear.scatter [tilespmem:s28], [sflag:$0x5], $0x1000, $0x38;
	[tilespmem:$0x154F8] =	vst v63  }
0x268: {  	_ =	swait.ge [sflag:s13], $0x1000  }
0x269: {  	[sflag:s13] =	ssyncset.done $0x0  }
0x26a: {  	s9 =	rddreg [dreg:$0x17];
	[sflag:s13] =	ssyncadd.s32 $0xFFFFF000  }
0x26b: {  	[hbm4b:s9+s2] =	stream.linear.scatter [tilespmem:s29], [sflag:$0x5], $0x1000, $0x38;
	[tilespmem:$0x154F8] =	vst v63  }
0x26c: {  	_ =	swait.ge [sflag:s15], $0x1000  }
0x26d: {  	[sflag:s15] =	ssyncset.done $0x0  }
0x26e: {  	s8 =	rddreg [dreg:$0x18];
	[sflag:s15] =	ssyncadd.s32 $0xFFFFF000  }
0x26f: {  	[hbm4b:s8+s2] =	stream.linear.scatter [tilespmem:s30], [sflag:$0x5], $0x1000, $0x38;
	[tilespmem:$0x154F8] =	vst v63  }
0x270: {  	_ =	swait.ge [sflag:s17], $0x1000  }
0x271: {  	[sflag:s17] =	ssyncset.done $0x0  }
0x272: {  	s9 =	rddreg [dreg:$0x19];
	[sflag:s17] =	ssyncadd.s32 $0xFFFFF000  }
0x273: {  	[hbm4b:s9+s2] =	stream.linear.scatter [tilespmem:s31], [sflag:$0x5], $0x1000, $0x38;
	[tilespmem:$0x154F8] =	vst v63  }
0x274: {  	_ =	swait.ge [sflag:s0], $0x1000  }
0x275: {  	[sflag:s0] =	ssyncset.done $0x0  }
0x276: {  	[sflag:s0] =	ssyncadd.s32 $0xFFFFF000  }
0x277: {  	_ =	swait.ge [sflag:s0], $0x1000  }
0x278: {  	[sflag:s0] =	ssyncset.done $0x0  }
0x279: {  	[sflag:s0] =	ssyncadd.s32 $0xFFFFF000  }
0x27a: {  	_ =	swait.ge [sflag:s0], $0x1000  }
0x27b: {  	[sflag:s0] =	ssyncset.done $0x0  }
0x27c: {  	[sflag:s0] =	ssyncadd.s32 $0xFFFFF000  }
0x27d: {  	_ =	swait.ge [sflag:s0], $0x1000  }
0x27e: {  	[sflag:s0] =	ssyncset.done $0x0  }
0x27f: {  	[sflag:s0] =	ssyncadd.s32 $0xFFFFF000  }
0x280: {  	_ =	swait.ge [sflag:s0], $0x1000  }
0x281: {  	[sflag:s0] =	ssyncset.done $0x0  }
0x282: {  	[sflag:s0] =	ssyncadd.s32 $0xFFFFF000  }
0x283: {  	_ =	swait.ge [sflag:s0], $0x1000  }
0x284: {  	[sflag:s0] =	ssyncset.done $0x0  }
0x285: {  	[sflag:s0] =	ssyncadd.s32 $0xFFFFF000  }
0x286: {  	_ =	swait.ge [sflag:s0], $0x1000  }
0x287: {  	[sflag:s0] =	ssyncset.done $0x0  }
0x288: {  	[sflag:s0] =	ssyncadd.s32 $0xFFFFF000  }
0x289: {  	_ =	swait.ge [sflag:s0], $0x1000  }
0x28a: {  	[sflag:s0] =	ssyncset.done $0x0  }
0x28b: {  	[sflag:s0] =	ssyncadd.s32 $0xFFFFF000  }
0x28c: {  	_ =	swait.ge [sflag:s0], $0x1000  }
0x28d: {  	[sflag:s0] =	ssyncset.done $0x0  }
0x28e: {  	[sflag:s0] =	ssyncadd.s32 $0xFFFFF000  }
0x28f: {  	_ =	swait.ge [sflag:s0], $0x1000  }
0x290: {  	[sflag:s0] =	ssyncset.done $0x0  }
0x291: {  	[sflag:s0] =	ssyncadd.s32 $0xFFFFF000  }
0x292: {  	_ =	swait.ge [sflag:s0], $0x1000  }
0x293: {  	[sflag:s0] =	ssyncset.done $0x0  }
0x294: {  	[sflag:s0] =	ssyncadd.s32 $0xFFFFF000  }
0x295: {  	_ =	swait.ge [sflag:s0], $0x1000  }
0x296: {  	[sflag:s0] =	ssyncset.done $0x0  }
0x297: {  	[sflag:s0] =	ssyncadd.s32 $0xFFFFF000  }
0x298: {  	_ =	swait.ge [sflag:s0], $0x1000  }
0x299: {  	[sflag:s0] =	ssyncset.done $0x0  }
0x29a: {  	[sflag:s0] =	ssyncadd.s32 $0xFFFFF000  }
0x29b: {  	_ =	swait.ge [sflag:s0], $0x1000  }
0x29c: {  	[sflag:s0] =	ssyncset.done $0x0  }
0x29d: {  	[sflag:s0] =	ssyncadd.s32 $0xFFFFF000  }
0x29e: {  	_ =	swait.ge [sflag:s0], $0x1000  }
0x29f: {  	[sflag:s0] =	ssyncset.done $0x0  }
0x2a0: {  	[sflag:s0] =	ssyncadd.s32 $0xFFFFF000  }
0x2a1: {  	_ =	swait.ge [sflag:s0], $0x1000  }
0x2a2: {  	[sflag:s0] =	ssyncset.done $0x0  }
0x2a3: {  	[sflag:s0] =	ssyncadd.s32 $0xFFFFF000  }
0x2a4: {  	_ =	swait.ge [sflag:s0], $0x1000  }
0x2a5: {  	[sflag:s0] =	ssyncset.done $0x0  }
0x2a6: {  	[sflag:s0] =	ssyncadd.s32 $0xFFFFF000  }
0x2a7: {  	_ =	swait.ge [sflag:s0], $0x1000  }
0x2a8: {  	[sflag:s0] =	ssyncset.done $0x0  }
0x2a9: {  	s4 =	sadd.s32 $0xFFFFFFFF, s4;
	[sflag:s0] =	ssyncadd.s32 $0xFFFFF000  }
0x2aa: {  	p1 =	sne.s32 s4, $0x0;
	_ =	swait.ge [sflag:s0], $0x1000  }
.Ltmp0:
0x2ab: {  	[sflag:s0] =	ssyncset.done $0x0;
	(pc) =	sbr.rel @p1 .LBB2_1-.Ltmp0, $4  }
0x2ac: {  	[sflag:s0] =	ssyncadd.s32 $0xFFFFF000  }
0x2ad: {  	_ =	swait.ge [sflag:s0], $0x1000  }
0x2ae: {  	[sflag:s0] =	ssyncset.done $0x0  }
0x2af: {  	[sflag:s0] =	ssyncadd.s32 $0xFFFFF000  }
0x2b0: {  	_ =	sfence.sel $0x180000  }
0x2b1: {  	[bflag:$0x0] =	sbarrier.arrive $0xFFFF  }
0x2b2: {  	_ =	strace $0x90000047  }
0x2b3: {  	[bflag:$0x2] =	sbarrier.arrive $0xFFFF  }
0x2b4: {  	s0 =	rddreg [dreg:$0x3]  }
0x2b5: {  	s0 =	sadd.s32 @!p0 $0x100000, s0  }
0x2b6: {  	[sflag:s0] =	ssyncadd.tile.s32 @!p0 $0x1;
	_ =	shalt  }
.Lfunc_end2:
_tile_overlayer_lowered:
.L_overlay_start_2:
0x2b7: {  	(tag) =	ssettag $0x2  }
0x2b8: {  	s0 =	rddreg [dreg:$0x0];
	s2 =	stileid.u32  }
0x2b9: {  	s1 =	rddreg [dreg:$0x1];
	p0 =	sne.s32 s2, $0x0  }
0x2ba: {  	s3 =	rddreg [dreg:$0x2];
	[bflag:$0x3] =	sbarrier.arrive $0xFFFF;
	s2 =	simm.s32 @!p0 $0x1C06  }
0x2bb: {  	[timem:s3], [sflag:s2] =	dma.local @!p0 [hbm:s0], s1  }
0x2bc: {  	s0 =	simm.s32 @!p0 $0x6  }
0x2bd: {  	_ =	swait.ge @!p0 [sflag:s0], s1  }
0x2be: {  	s1 =	ssub.s32 @!p0 $0x0, s1;
	[sflag:s0] =	ssyncset.done @!p0 $0x0  }
0x2bf: {  	[sflag:s0] =	ssyncadd.s32 @!p0 s1  }
0x2c0: {  	[bflag:$0x3] =	sbarrier.arrive $0xFFFF  }
0x2c1: {  	_ =	shalt  }

</sc_bundles>
